<compile_context>
chip_gen: v7x
topology: tpu7x:2x2x1
jax: 0.10.2.dev20260603
libtpu: 0.0.44.dev20260713+nightly
codegen_flags: <defaults>
</compile_context>

<pallas_src>
import functools

import jax
import jax.numpy as jnp
from jax import lax
from jax.experimental import pallas as pl
from jax.experimental.pallas import tpu as pltpu
from jax.experimental.pallas import tpu_sc as plsc

NUM_CORES = 2
NUM_SUBCORES = 16
LANES = 16
NUM_WORKERS = NUM_CORES * NUM_SUBCORES

ROWS = 32768
EXPERTS = 64
PITCH = EXPERTS + 1
ROWS_PER_W = ROWS // NUM_WORKERS
CHUNK_ROWS = 256
NUM_CHUNKS = ROWS_PER_W // CHUNK_ROWS
GROUPS = CHUNK_ROWS // LANES
STREAMS = 4
REPITCH_UNROLL = 8

_mesh = plsc.VectorSubcoreMesh(
    core_axis_name="c",
    subcore_axis_name="s",
    num_cores=NUM_CORES,
    num_subcores=NUM_SUBCORES,
)


@functools.partial(
    pl.kernel,
    out_type=(
        jax.ShapeDtypeStruct((ROWS, 2), jnp.float32),
        jax.ShapeDtypeStruct((ROWS, 2), jnp.int32),
    ),
    mesh=_mesh,
    scratch_types=(
        pltpu.VMEM((CHUNK_ROWS, EXPERTS), jnp.float32),
        pltpu.VMEM((CHUNK_ROWS * PITCH,), jnp.float32),
        pltpu.VMEM((CHUNK_ROWS, 2), jnp.float32),
        pltpu.VMEM((CHUNK_ROWS, 2), jnp.int32),
    ),
    compiler_params=pltpu.CompilerParams(
        needs_layout_passes=False, use_tc_tiling_on_sc=True
    ),
)
def _router(logits_hbm, w_hbm, ids_hbm, raw_v, in_v, w_v, ids_v):
    wid = lax.axis_index("s") * NUM_CORES + lax.axis_index("c")
    base = wid * ROWS_PER_W

    lane = lax.iota(jnp.int32, LANES)
    zero = jnp.zeros((LANES,), jnp.int32)
    one = jnp.ones((LANES,), jnp.int32)

    def chunk_body(ch, carry):
        row0 = base + ch * CHUNK_ROWS
        pltpu.sync_copy(logits_hbm.at[pl.ds(row0, CHUNK_ROWS)], raw_v)

        def repitch_body(rr, carry_in):
            r0 = rr * REPITCH_UNROLL
            vals = []
            for u in range(REPITCH_UNROLL):
                for j in range(EXPERTS // LANES):
                    vals.append(raw_v[r0 + u, pl.ds(j * LANES, LANES)])
            k = 0
            for u in range(REPITCH_UNROLL):
                for j in range(EXPERTS // LANES):
                    in_v[pl.ds((r0 + u) * PITCH + j * LANES, LANES)] = vals[k]
                    k += 1
            return carry_in

        lax.fori_loop(0, CHUNK_ROWS // REPITCH_UNROLL, repitch_body, 0)

        def group_body(gs, carry_in):
            row_idx, flat0 = [], []
            m1, i1, m2, i2 = [], [], [], []
            neg_inf = jnp.full((LANES,), -jnp.inf, jnp.float32)
            for t in range(STREAMS):
                r = (gs * STREAMS + t) * LANES + lane
                row_idx.append(r)
                flat0.append(r * PITCH)
                m1.append(plsc.load_gather(in_v, [flat0[t]]))
                i1.append(zero)
                m2.append(neg_inf)
                i2.append(zero)
            for e in range(1, EXPERTS):
                e_vec = jnp.full((LANES,), e, jnp.int32)
                for t in range(STREAMS):
                    v = plsc.load_gather(in_v, [flat0[t] + e])
                    gt1 = v > m1[t]
                    gt2 = v > m2[t]
                    m2[t] = jnp.where(gt1, m1[t], jnp.where(gt2, v, m2[t]))
                    i2[t] = jnp.where(gt1, i1[t], jnp.where(gt2, e_vec, i2[t]))
                    m1[t] = jnp.where(gt1, v, m1[t])
                    i1[t] = jnp.where(gt1, e_vec, i1[t])
            for t in range(STREAMS):
                ex = jnp.exp(m2[t] - m1[t])
                s = 1.0 + ex
                w1 = 1.0 / s
                w2 = ex / s
                plsc.store_scatter(w_v, [row_idx[t], zero], w1)
                plsc.store_scatter(w_v, [row_idx[t], one], w2)
                plsc.store_scatter(ids_v, [row_idx[t], zero], i1[t])
                plsc.store_scatter(ids_v, [row_idx[t], one], i2[t])
            return carry_in

        lax.fori_loop(0, GROUPS // STREAMS, group_body, 0)
        pltpu.sync_copy(w_v, w_hbm.at[pl.ds(row0, CHUNK_ROWS)])
        pltpu.sync_copy(ids_v, ids_hbm.at[pl.ds(row0, CHUNK_ROWS)])
        return carry

    lax.fori_loop(0, NUM_CHUNKS, chunk_body, 0)


def kernel(router_logits):
    topk_weights, topk_ids = _router(router_logits)
    return (topk_weights, topk_ids, router_logits)

# --- scband reference (transcript-rebuilt; emitter-appended) ---
"""Pipeline reference for scband-top-krouter-58145267253887 (READ-ONLY COPY).

The authoritative reference and input builder live on the scoring server;
editing this copy changes nothing except your own understanding.
"""

import jax, jax.numpy as jnp
import numpy as np

TOP_K = 2
RENORMALIZE = True


def setup_inputs(seed: int = 0) -> dict:
    key = jax.random.key(seed)
    router_logits = jax.random.normal(key, (32768, 64), dtype=jnp.float32)
    return {"router_logits": router_logits}


def reference(router_logits):
    # scoring_func == 'softmax'
    routing_scores = jax.nn.softmax(router_logits.astype(jnp.float32), axis=-1)
    top_k = min(TOP_K, routing_scores.shape[-1])
    topk_weights, topk_ids = jax.lax.top_k(routing_scores, top_k)
    if RENORMALIZE:
        topk_weights = topk_weights / jnp.sum(topk_weights, axis=-1, keepdims=True)
    return (topk_weights, topk_ids, router_logits)

if __name__ == "__main__":
    import jax
    _d = setup_inputs()
    print(jax.jit(kernel)(*tuple(_d.values())))

</pallas_src>

<mosaic_0001>
#map = affine_map<(d0, d1) -> (0, 0)>
module attributes {stable_mosaic.version = 14 : i64} {
  func.func @_router(%arg0: i32, %arg1: i32, %arg2: memref<32768x64xf32, #tpu.memory_space<hbm>>, %arg3: memref<32768x2xf32, #tpu.memory_space<hbm>>, %arg4: memref<32768x2xi32, #tpu.memory_space<hbm>>, %arg5: memref<256x64xf32, #tpu.memory_space<vmem>>, %arg6: memref<16640xf32, #tpu.memory_space<vmem>>, %arg7: memref<256x2xf32, #tpu.memory_space<vmem>>, %arg8: memref<256x2xi32, #tpu.memory_space<vmem>>) attributes {dimension_semantics = [#tpu.dimension_semantics<core_parallel>, #tpu.dimension_semantics<subcore_parallel>], iteration_bounds = array<i64: 2, 16>, scalar_prefetch = 0 : i64, scratch_operands = 4 : i64, tpu.core_type = #tpu.core_type<sc_vector_subcore>, window_params = [{transform_indices = #map}, {transform_indices = #map}, {transform_indices = #map}]} {
    %mul3A = arith.constant 2 : i32
    %mul3A_0 = arith.muli %arg1, %mul3A : i32
    %add3A = arith.addi %mul3A_0, %arg0 : i32
    %mul3A_1 = arith.constant 1024 : i32
    %mul3A_2 = arith.muli %add3A, %mul3A_1 : i32
    %iota3A = tpu.iota {dimensions = array<i32: 0>} : vector<16xi32>
    %broadcast_in_dim3A = arith.constant 0 : i32
    %broadcast_in_dim3A_3 = vector.broadcast %broadcast_in_dim3A : i32 to vector<16xi32>
    %broadcast_in_dim3A_4 = arith.constant 1 : i32
    %broadcast_in_dim3A_5 = vector.broadcast %broadcast_in_dim3A_4 : i32 to vector<16xi32>
    %scan3A = arith.constant 0 : i32
    %scan3A_6 = arith.constant 0 : i32
    %scan3A_7 = arith.constant 4 : i32
    %scan3A_8 = arith.addi %scan3A_6, %scan3A_7 : i32
    %scan3A_9 = arith.constant 1 : i32
    scf.for %scan3A_11 = %scan3A_6 to %scan3A_8 step %scan3A_9  : i32 {
      %mul3A_12 = arith.constant 256 : i32
      %mul3A_13 = arith.muli %scan3A_11, %mul3A_12 : i32
      %add3A_14 = arith.addi %mul3A_2, %mul3A_13 : i32
      "tpu.region"() ({
        %run_scoped3A = tpu.sem_alloc : memref<!tpu.dma_semaphore, #tpu.memory_space<semaphore_mem>>
        %dma_start3A = arith.constant 0 : i32
        %dma_start3A_27 = tpu.memref_slice %arg2[%add3A_14, %dma_start3A] : memref<32768x64xf32, #tpu.memory_space<hbm>> -> memref<256x64xf32, #tpu.memory_space<hbm>>
        %dma_start3A_28 = arith.constant 0 : i32
        %dma_start3A_29 = tpu.memref_slice %arg2[%add3A_14, %dma_start3A_28] : memref<32768x64xf32, #tpu.memory_space<hbm>> -> memref<256x64xf32, #tpu.memory_space<hbm>>
        tpu.enqueue_dma source(%dma_start3A_29 : memref<256x64xf32, #tpu.memory_space<hbm>>) target(%arg5 : memref<256x64xf32, #tpu.memory_space<vmem>>) target_semaphore(%run_scoped3A : memref<!tpu.dma_semaphore, #tpu.memory_space<semaphore_mem>>)
        %dma_wait3A = arith.constant 0 : i32
        %dma_wait3A_30 = tpu.memref_slice %arg2[%add3A_14, %dma_wait3A] : memref<32768x64xf32, #tpu.memory_space<hbm>> -> memref<256x64xf32, #tpu.memory_space<hbm>>
        %dma_wait3A_31 = arith.constant 0 : i32
        %dma_wait3A_32 = tpu.memref_slice %arg2[%add3A_14, %dma_wait3A_31] : memref<32768x64xf32, #tpu.memory_space<hbm>> -> memref<256x64xf32, #tpu.memory_space<hbm>>
        tpu.wait_dma2 semaphore(%run_scoped3A : memref<!tpu.dma_semaphore, #tpu.memory_space<semaphore_mem>>) src(%dma_wait3A_32 : memref<256x64xf32, #tpu.memory_space<hbm>>) dst(%arg5 : memref<256x64xf32, #tpu.memory_space<vmem>>)
        tpu.yield
      }) : () -> ()
      %scan3A_15 = arith.constant 0 : i32
      %scan3A_16 = arith.constant 0 : i32
      %scan3A_17 = arith.constant 32 : i32
      %scan3A_18 = arith.addi %scan3A_16, %scan3A_17 : i32
      %scan3A_19 = arith.constant 1 : i32
      scf.for %scan3A_27 = %scan3A_16 to %scan3A_18 step %scan3A_19  : i32 {
        %mul3A_28 = arith.constant 8 : i32
        %mul3A_29 = arith.muli %scan3A_27, %mul3A_28 : i32
        %add3A_30 = arith.constant 0 : i32
        %add3A_31 = arith.addi %mul3A_29, %add3A_30 : i32
        %get3A = arith.index_cast %add3A_31 : i32 to index
        %get3A_32 = arith.constant 0 : index
        %get3A_33 = tpu.vector_load %arg5[%get3A, %get3A_32] {strides = array<i32>} : memref<256x64xf32, #tpu.memory_space<vmem>>, vector<16xf32>,
        %add3A_34 = arith.constant 0 : i32
        %add3A_35 = arith.addi %mul3A_29, %add3A_34 : i32
        %get3A_36 = arith.index_cast %add3A_35 : i32 to index
        %get3A_37 = arith.constant 16 : index
        %get3A_38 = tpu.vector_load %arg5[%get3A_36, %get3A_37] {strides = array<i32>} : memref<256x64xf32, #tpu.memory_space<vmem>>, vector<16xf32>,
        %add3A_39 = arith.constant 0 : i32
        %add3A_40 = arith.addi %mul3A_29, %add3A_39 : i32
        %get3A_41 = arith.index_cast %add3A_40 : i32 to index
        %get3A_42 = arith.constant 32 : index
        %get3A_43 = tpu.vector_load %arg5[%get3A_41, %get3A_42] {strides = array<i32>} : memref<256x64xf32, #tpu.memory_space<vmem>>, vector<16xf32>,
        %add3A_44 = arith.constant 0 : i32
        %add3A_45 = arith.addi %mul3A_29, %add3A_44 : i32
        %get3A_46 = arith.index_cast %add3A_45 : i32 to index
        %get3A_47 = arith.constant 48 : index
        %get3A_48 = tpu.vector_load %arg5[%get3A_46, %get3A_47] {strides = array<i32>} : memref<256x64xf32, #tpu.memory_space<vmem>>, vector<16xf32>,
        %add3A_49 = arith.constant 1 : i32
        %add3A_50 = arith.addi %mul3A_29, %add3A_49 : i32
        %get3A_51 = arith.index_cast %add3A_50 : i32 to index
        %get3A_52 = arith.constant 0 : index
        %get3A_53 = tpu.vector_load %arg5[%get3A_51, %get3A_52] {strides = array<i32>} : memref<256x64xf32, #tpu.memory_space<vmem>>, vector<16xf32>,
        %add3A_54 = arith.constant 1 : i32
        %add3A_55 = arith.addi %mul3A_29, %add3A_54 : i32
        %get3A_56 = arith.index_cast %add3A_55 : i32 to index
        %get3A_57 = arith.constant 16 : index
        %get3A_58 = tpu.vector_load %arg5[%get3A_56, %get3A_57] {strides = array<i32>} : memref<256x64xf32, #tpu.memory_space<vmem>>, vector<16xf32>,
        %add3A_59 = arith.constant 1 : i32
        %add3A_60 = arith.addi %mul3A_29, %add3A_59 : i32
        %get3A_61 = arith.index_cast %add3A_60 : i32 to index
        %get3A_62 = arith.constant 32 : index
        %get3A_63 = tpu.vector_load %arg5[%get3A_61, %get3A_62] {strides = array<i32>} : memref<256x64xf32, #tpu.memory_space<vmem>>, vector<16xf32>,
        %add3A_64 = arith.constant 1 : i32
        %add3A_65 = arith.addi %mul3A_29, %add3A_64 : i32
        %get3A_66 = arith.index_cast %add3A_65 : i32 to index
        %get3A_67 = arith.constant 48 : index
        %get3A_68 = tpu.vector_load %arg5[%get3A_66, %get3A_67] {strides = array<i32>} : memref<256x64xf32, #tpu.memory_space<vmem>>, vector<16xf32>,
        %add3A_69 = arith.constant 2 : i32
        %add3A_70 = arith.addi %mul3A_29, %add3A_69 : i32
        %get3A_71 = arith.index_cast %add3A_70 : i32 to index
        %get3A_72 = arith.constant 0 : index
        %get3A_73 = tpu.vector_load %arg5[%get3A_71, %get3A_72] {strides = array<i32>} : memref<256x64xf32, #tpu.memory_space<vmem>>, vector<16xf32>,
        %add3A_74 = arith.constant 2 : i32
        %add3A_75 = arith.addi %mul3A_29, %add3A_74 : i32
        %get3A_76 = arith.index_cast %add3A_75 : i32 to index
        %get3A_77 = arith.constant 16 : index
        %get3A_78 = tpu.vector_load %arg5[%get3A_76, %get3A_77] {strides = array<i32>} : memref<256x64xf32, #tpu.memory_space<vmem>>, vector<16xf32>,
        %add3A_79 = arith.constant 2 : i32
        %add3A_80 = arith.addi %mul3A_29, %add3A_79 : i32
        %get3A_81 = arith.index_cast %add3A_80 : i32 to index
        %get3A_82 = arith.constant 32 : index
        %get3A_83 = tpu.vector_load %arg5[%get3A_81, %get3A_82] {strides = array<i32>} : memref<256x64xf32, #tpu.memory_space<vmem>>, vector<16xf32>,
        %add3A_84 = arith.constant 2 : i32
        %add3A_85 = arith.addi %mul3A_29, %add3A_84 : i32
        %get3A_86 = arith.index_cast %add3A_85 : i32 to index
        %get3A_87 = arith.constant 48 : index
        %get3A_88 = tpu.vector_load %arg5[%get3A_86, %get3A_87] {strides = array<i32>} : memref<256x64xf32, #tpu.memory_space<vmem>>, vector<16xf32>,
        %add3A_89 = arith.constant 3 : i32
        %add3A_90 = arith.addi %mul3A_29, %add3A_89 : i32
        %get3A_91 = arith.index_cast %add3A_90 : i32 to index
        %get3A_92 = arith.constant 0 : index
        %get3A_93 = tpu.vector_load %arg5[%get3A_91, %get3A_92] {strides = array<i32>} : memref<256x64xf32, #tpu.memory_space<vmem>>, vector<16xf32>,
        %add3A_94 = arith.constant 3 : i32
        %add3A_95 = arith.addi %mul3A_29, %add3A_94 : i32
        %get3A_96 = arith.index_cast %add3A_95 : i32 to index
        %get3A_97 = arith.constant 16 : index
        %get3A_98 = tpu.vector_load %arg5[%get3A_96, %get3A_97] {strides = array<i32>} : memref<256x64xf32, #tpu.memory_space<vmem>>, vector<16xf32>,
        %add3A_99 = arith.constant 3 : i32
        %add3A_100 = arith.addi %mul3A_29, %add3A_99 : i32
        %get3A_101 = arith.index_cast %add3A_100 : i32 to index
        %get3A_102 = arith.constant 32 : index
        %get3A_103 = tpu.vector_load %arg5[%get3A_101, %get3A_102] {strides = array<i32>} : memref<256x64xf32, #tpu.memory_space<vmem>>, vector<16xf32>,
        %add3A_104 = arith.constant 3 : i32
        %add3A_105 = arith.addi %mul3A_29, %add3A_104 : i32
        %get3A_106 = arith.index_cast %add3A_105 : i32 to index
        %get3A_107 = arith.constant 48 : index
        %get3A_108 = tpu.vector_load %arg5[%get3A_106, %get3A_107] {strides = array<i32>} : memref<256x64xf32, #tpu.memory_space<vmem>>, vector<16xf32>,
        %add3A_109 = arith.constant 4 : i32
        %add3A_110 = arith.addi %mul3A_29, %add3A_109 : i32
        %get3A_111 = arith.index_cast %add3A_110 : i32 to index
        %get3A_112 = arith.constant 0 : index
        %get3A_113 = tpu.vector_load %arg5[%get3A_111, %get3A_112] {strides = array<i32>} : memref<256x64xf32, #tpu.memory_space<vmem>>, vector<16xf32>,
        %add3A_114 = arith.constant 4 : i32
        %add3A_115 = arith.addi %mul3A_29, %add3A_114 : i32
        %get3A_116 = arith.index_cast %add3A_115 : i32 to index
        %get3A_117 = arith.constant 16 : index
        %get3A_118 = tpu.vector_load %arg5[%get3A_116, %get3A_117] {strides = array<i32>} : memref<256x64xf32, #tpu.memory_space<vmem>>, vector<16xf32>,
        %add3A_119 = arith.constant 4 : i32
        %add3A_120 = arith.addi %mul3A_29, %add3A_119 : i32
        %get3A_121 = arith.index_cast %add3A_120 : i32 to index
        %get3A_122 = arith.constant 32 : index
        %get3A_123 = tpu.vector_load %arg5[%get3A_121, %get3A_122] {strides = array<i32>} : memref<256x64xf32, #tpu.memory_space<vmem>>, vector<16xf32>,
        %add3A_124 = arith.constant 4 : i32
        %add3A_125 = arith.addi %mul3A_29, %add3A_124 : i32
        %get3A_126 = arith.index_cast %add3A_125 : i32 to index
        %get3A_127 = arith.constant 48 : index
        %get3A_128 = tpu.vector_load %arg5[%get3A_126, %get3A_127] {strides = array<i32>} : memref<256x64xf32, #tpu.memory_space<vmem>>, vector<16xf32>,
        %add3A_129 = arith.constant 5 : i32
        %add3A_130 = arith.addi %mul3A_29, %add3A_129 : i32
        %get3A_131 = arith.index_cast %add3A_130 : i32 to index
        %get3A_132 = arith.constant 0 : index
        %get3A_133 = tpu.vector_load %arg5[%get3A_131, %get3A_132] {strides = array<i32>} : memref<256x64xf32, #tpu.memory_space<vmem>>, vector<16xf32>,
        %add3A_134 = arith.constant 5 : i32
        %add3A_135 = arith.addi %mul3A_29, %add3A_134 : i32
        %get3A_136 = arith.index_cast %add3A_135 : i32 to index
        %get3A_137 = arith.constant 16 : index
        %get3A_138 = tpu.vector_load %arg5[%get3A_136, %get3A_137] {strides = array<i32>} : memref<256x64xf32, #tpu.memory_space<vmem>>, vector<16xf32>,
        %add3A_139 = arith.constant 5 : i32
        %add3A_140 = arith.addi %mul3A_29, %add3A_139 : i32
        %get3A_141 = arith.index_cast %add3A_140 : i32 to index
        %get3A_142 = arith.constant 32 : index
        %get3A_143 = tpu.vector_load %arg5[%get3A_141, %get3A_142] {strides = array<i32>} : memref<256x64xf32, #tpu.memory_space<vmem>>, vector<16xf32>,
        %add3A_144 = arith.constant 5 : i32
        %add3A_145 = arith.addi %mul3A_29, %add3A_144 : i32
        %get3A_146 = arith.index_cast %add3A_145 : i32 to index
        %get3A_147 = arith.constant 48 : index
        %get3A_148 = tpu.vector_load %arg5[%get3A_146, %get3A_147] {strides = array<i32>} : memref<256x64xf32, #tpu.memory_space<vmem>>, vector<16xf32>,
        %add3A_149 = arith.constant 6 : i32
        %add3A_150 = arith.addi %mul3A_29, %add3A_149 : i32
        %get3A_151 = arith.index_cast %add3A_150 : i32 to index
        %get3A_152 = arith.constant 0 : index
        %get3A_153 = tpu.vector_load %arg5[%get3A_151, %get3A_152] {strides = array<i32>} : memref<256x64xf32, #tpu.memory_space<vmem>>, vector<16xf32>,
        %add3A_154 = arith.constant 6 : i32
        %add3A_155 = arith.addi %mul3A_29, %add3A_154 : i32
        %get3A_156 = arith.index_cast %add3A_155 : i32 to index
        %get3A_157 = arith.constant 16 : index
        %get3A_158 = tpu.vector_load %arg5[%get3A_156, %get3A_157] {strides = array<i32>} : memref<256x64xf32, #tpu.memory_space<vmem>>, vector<16xf32>,
        %add3A_159 = arith.constant 6 : i32
        %add3A_160 = arith.addi %mul3A_29, %add3A_159 : i32
        %get3A_161 = arith.index_cast %add3A_160 : i32 to index
        %get3A_162 = arith.constant 32 : index
        %get3A_163 = tpu.vector_load %arg5[%get3A_161, %get3A_162] {strides = array<i32>} : memref<256x64xf32, #tpu.memory_space<vmem>>, vector<16xf32>,
        %add3A_164 = arith.constant 6 : i32
        %add3A_165 = arith.addi %mul3A_29, %add3A_164 : i32
        %get3A_166 = arith.index_cast %add3A_165 : i32 to index
        %get3A_167 = arith.constant 48 : index
        %get3A_168 = tpu.vector_load %arg5[%get3A_166, %get3A_167] {strides = array<i32>} : memref<256x64xf32, #tpu.memory_space<vmem>>, vector<16xf32>,
        %add3A_169 = arith.constant 7 : i32
        %add3A_170 = arith.addi %mul3A_29, %add3A_169 : i32
        %get3A_171 = arith.index_cast %add3A_170 : i32 to index
        %get3A_172 = arith.constant 0 : index
        %get3A_173 = tpu.vector_load %arg5[%get3A_171, %get3A_172] {strides = array<i32>} : memref<256x64xf32, #tpu.memory_space<vmem>>, vector<16xf32>,
        %add3A_174 = arith.constant 7 : i32
        %add3A_175 = arith.addi %mul3A_29, %add3A_174 : i32
        %get3A_176 = arith.index_cast %add3A_175 : i32 to index
        %get3A_177 = arith.constant 16 : index
        %get3A_178 = tpu.vector_load %arg5[%get3A_176, %get3A_177] {strides = array<i32>} : memref<256x64xf32, #tpu.memory_space<vmem>>, vector<16xf32>,
        %add3A_179 = arith.constant 7 : i32
        %add3A_180 = arith.addi %mul3A_29, %add3A_179 : i32
        %get3A_181 = arith.index_cast %add3A_180 : i32 to index
        %get3A_182 = arith.constant 32 : index
        %get3A_183 = tpu.vector_load %arg5[%get3A_181, %get3A_182] {strides = array<i32>} : memref<256x64xf32, #tpu.memory_space<vmem>>, vector<16xf32>,
        %add3A_184 = arith.constant 7 : i32
        %add3A_185 = arith.addi %mul3A_29, %add3A_184 : i32
        %get3A_186 = arith.index_cast %add3A_185 : i32 to index
        %get3A_187 = arith.constant 48 : index
        %get3A_188 = tpu.vector_load %arg5[%get3A_186, %get3A_187] {strides = array<i32>} : memref<256x64xf32, #tpu.memory_space<vmem>>, vector<16xf32>,
        %add3A_189 = arith.constant 0 : i32
        %add3A_190 = arith.addi %mul3A_29, %add3A_189 : i32
        %mul3A_191 = arith.constant 65 : i32
        %mul3A_192 = arith.muli %add3A_190, %mul3A_191 : i32
        %add3A_193 = arith.constant 0 : i32
        %add3A_194 = arith.addi %mul3A_192, %add3A_193 : i32
        %swap3A = arith.index_cast %add3A_194 : i32 to index
        %swap3A_195 = tpu.vector_load %arg6[%swap3A] {strides = array<i32>} : memref<16640xf32, #tpu.memory_space<vmem>>, vector<16xf32>,
        tpu.vector_store %arg6[%swap3A], %get3A_33 {strides = array<i32>} : memref<16640xf32, #tpu.memory_space<vmem>>, vector<16xf32>,
        %add3A_196 = arith.constant 0 : i32
        %add3A_197 = arith.addi %mul3A_29, %add3A_196 : i32
        %mul3A_198 = arith.constant 65 : i32
        %mul3A_199 = arith.muli %add3A_197, %mul3A_198 : i32
        %add3A_200 = arith.constant 16 : i32
        %add3A_201 = arith.addi %mul3A_199, %add3A_200 : i32
        %swap3A_202 = arith.index_cast %add3A_201 : i32 to index
        %swap3A_203 = tpu.vector_load %arg6[%swap3A_202] {strides = array<i32>} : memref<16640xf32, #tpu.memory_space<vmem>>, vector<16xf32>,
        tpu.vector_store %arg6[%swap3A_202], %get3A_38 {strides = array<i32>} : memref<16640xf32, #tpu.memory_space<vmem>>, vector<16xf32>,
        %add3A_204 = arith.constant 0 : i32
        %add3A_205 = arith.addi %mul3A_29, %add3A_204 : i32
        %mul3A_206 = arith.constant 65 : i32
        %mul3A_207 = arith.muli %add3A_205, %mul3A_206 : i32
        %add3A_208 = arith.constant 32 : i32
        %add3A_209 = arith.addi %mul3A_207, %add3A_208 : i32
        %swap3A_210 = arith.index_cast %add3A_209 : i32 to index
        %swap3A_211 = tpu.vector_load %arg6[%swap3A_210] {strides = array<i32>} : memref<16640xf32, #tpu.memory_space<vmem>>, vector<16xf32>,
        tpu.vector_store %arg6[%swap3A_210], %get3A_43 {strides = array<i32>} : memref<16640xf32, #tpu.memory_space<vmem>>, vector<16xf32>,
        %add3A_212 = arith.constant 0 : i32
        %add3A_213 = arith.addi %mul3A_29, %add3A_212 : i32
        %mul3A_214 = arith.constant 65 : i32
        %mul3A_215 = arith.muli %add3A_213, %mul3A_214 : i32
        %add3A_216 = arith.constant 48 : i32
        %add3A_217 = arith.addi %mul3A_215, %add3A_216 : i32
        %swap3A_218 = arith.index_cast %add3A_217 : i32 to index
        %swap3A_219 = tpu.vector_load %arg6[%swap3A_218] {strides = array<i32>} : memref<16640xf32, #tpu.memory_space<vmem>>, vector<16xf32>,
        tpu.vector_store %arg6[%swap3A_218], %get3A_48 {strides = array<i32>} : memref<16640xf32, #tpu.memory_space<vmem>>, vector<16xf32>,
        %add3A_220 = arith.constant 1 : i32
        %add3A_221 = arith.addi %mul3A_29, %add3A_220 : i32
        %mul3A_222 = arith.constant 65 : i32
        %mul3A_223 = arith.muli %add3A_221, %mul3A_222 : i32
        %add3A_224 = arith.constant 0 : i32
        %add3A_225 = arith.addi %mul3A_223, %add3A_224 : i32
        %swap3A_226 = arith.index_cast %add3A_225 : i32 to index
        %swap3A_227 = tpu.vector_load %arg6[%swap3A_226] {strides = array<i32>} : memref<16640xf32, #tpu.memory_space<vmem>>, vector<16xf32>,
        tpu.vector_store %arg6[%swap3A_226], %get3A_53 {strides = array<i32>} : memref<16640xf32, #tpu.memory_space<vmem>>, vector<16xf32>,
        %add3A_228 = arith.constant 1 : i32
        %add3A_229 = arith.addi %mul3A_29, %add3A_228 : i32
        %mul3A_230 = arith.constant 65 : i32
        %mul3A_231 = arith.muli %add3A_229, %mul3A_230 : i32
        %add3A_232 = arith.constant 16 : i32
        %add3A_233 = arith.addi %mul3A_231, %add3A_232 : i32
        %swap3A_234 = arith.index_cast %add3A_233 : i32 to index
        %swap3A_235 = tpu.vector_load %arg6[%swap3A_234] {strides = array<i32>} : memref<16640xf32, #tpu.memory_space<vmem>>, vector<16xf32>,
        tpu.vector_store %arg6[%swap3A_234], %get3A_58 {strides = array<i32>} : memref<16640xf32, #tpu.memory_space<vmem>>, vector<16xf32>,
        %add3A_236 = arith.constant 1 : i32
        %add3A_237 = arith.addi %mul3A_29, %add3A_236 : i32
        %mul3A_238 = arith.constant 65 : i32
        %mul3A_239 = arith.muli %add3A_237, %mul3A_238 : i32
        %add3A_240 = arith.constant 32 : i32
        %add3A_241 = arith.addi %mul3A_239, %add3A_240 : i32
        %swap3A_242 = arith.index_cast %add3A_241 : i32 to index
        %swap3A_243 = tpu.vector_load %arg6[%swap3A_242] {strides = array<i32>} : memref<16640xf32, #tpu.memory_space<vmem>>, vector<16xf32>,
        tpu.vector_store %arg6[%swap3A_242], %get3A_63 {strides = array<i32>} : memref<16640xf32, #tpu.memory_space<vmem>>, vector<16xf32>,
        %add3A_244 = arith.constant 1 : i32
        %add3A_245 = arith.addi %mul3A_29, %add3A_244 : i32
        %mul3A_246 = arith.constant 65 : i32
        %mul3A_247 = arith.muli %add3A_245, %mul3A_246 : i32
        %add3A_248 = arith.constant 48 : i32
        %add3A_249 = arith.addi %mul3A_247, %add3A_248 : i32
        %swap3A_250 = arith.index_cast %add3A_249 : i32 to index
        %swap3A_251 = tpu.vector_load %arg6[%swap3A_250] {strides = array<i32>} : memref<16640xf32, #tpu.memory_space<vmem>>, vector<16xf32>,
        tpu.vector_store %arg6[%swap3A_250], %get3A_68 {strides = array<i32>} : memref<16640xf32, #tpu.memory_space<vmem>>, vector<16xf32>,
        %add3A_252 = arith.constant 2 : i32
        %add3A_253 = arith.addi %mul3A_29, %add3A_252 : i32
        %mul3A_254 = arith.constant 65 : i32
        %mul3A_255 = arith.muli %add3A_253, %mul3A_254 : i32
        %add3A_256 = arith.constant 0 : i32
        %add3A_257 = arith.addi %mul3A_255, %add3A_256 : i32
        %swap3A_258 = arith.index_cast %add3A_257 : i32 to index
        %swap3A_259 = tpu.vector_load %arg6[%swap3A_258] {strides = array<i32>} : memref<16640xf32, #tpu.memory_space<vmem>>, vector<16xf32>,
        tpu.vector_store %arg6[%swap3A_258], %get3A_73 {strides = array<i32>} : memref<16640xf32, #tpu.memory_space<vmem>>, vector<16xf32>,
        %add3A_260 = arith.constant 2 : i32
        %add3A_261 = arith.addi %mul3A_29, %add3A_260 : i32
        %mul3A_262 = arith.constant 65 : i32
        %mul3A_263 = arith.muli %add3A_261, %mul3A_262 : i32
        %add3A_264 = arith.constant 16 : i32
        %add3A_265 = arith.addi %mul3A_263, %add3A_264 : i32
        %swap3A_266 = arith.index_cast %add3A_265 : i32 to index
        %swap3A_267 = tpu.vector_load %arg6[%swap3A_266] {strides = array<i32>} : memref<16640xf32, #tpu.memory_space<vmem>>, vector<16xf32>,
        tpu.vector_store %arg6[%swap3A_266], %get3A_78 {strides = array<i32>} : memref<16640xf32, #tpu.memory_space<vmem>>, vector<16xf32>,
        %add3A_268 = arith.constant 2 : i32
        %add3A_269 = arith.addi %mul3A_29, %add3A_268 : i32
        %mul3A_270 = arith.constant 65 : i32
        %mul3A_271 = arith.muli %add3A_269, %mul3A_270 : i32
        %add3A_272 = arith.constant 32 : i32
        %add3A_273 = arith.addi %mul3A_271, %add3A_272 : i32
        %swap3A_274 = arith.index_cast %add3A_273 : i32 to index
        %swap3A_275 = tpu.vector_load %arg6[%swap3A_274] {strides = array<i32>} : memref<16640xf32, #tpu.memory_space<vmem>>, vector<16xf32>,
        tpu.vector_store %arg6[%swap3A_274], %get3A_83 {strides = array<i32>} : memref<16640xf32, #tpu.memory_space<vmem>>, vector<16xf32>,
        %add3A_276 = arith.constant 2 : i32
        %add3A_277 = arith.addi %mul3A_29, %add3A_276 : i32
        %mul3A_278 = arith.constant 65 : i32
        %mul3A_279 = arith.muli %add3A_277, %mul3A_278 : i32
        %add3A_280 = arith.constant 48 : i32
        %add3A_281 = arith.addi %mul3A_279, %add3A_280 : i32
        %swap3A_282 = arith.index_cast %add3A_281 : i32 to index
        %swap3A_283 = tpu.vector_load %arg6[%swap3A_282] {strides = array<i32>} : memref<16640xf32, #tpu.memory_space<vmem>>, vector<16xf32>,
        tpu.vector_store %arg6[%swap3A_282], %get3A_88 {strides = array<i32>} : memref<16640xf32, #tpu.memory_space<vmem>>, vector<16xf32>,
        %add3A_284 = arith.constant 3 : i32
        %add3A_285 = arith.addi %mul3A_29, %add3A_284 : i32
        %mul3A_286 = arith.constant 65 : i32
        %mul3A_287 = arith.muli %add3A_285, %mul3A_286 : i32
        %add3A_288 = arith.constant 0 : i32
        %add3A_289 = arith.addi %mul3A_287, %add3A_288 : i32
        %swap3A_290 = arith.index_cast %add3A_289 : i32 to index
        %swap3A_291 = tpu.vector_load %arg6[%swap3A_290] {strides = array<i32>} : memref<16640xf32, #tpu.memory_space<vmem>>, vector<16xf32>,
        tpu.vector_store %arg6[%swap3A_290], %get3A_93 {strides = array<i32>} : memref<16640xf32, #tpu.memory_space<vmem>>, vector<16xf32>,
        %add3A_292 = arith.constant 3 : i32
        %add3A_293 = arith.addi %mul3A_29, %add3A_292 : i32
        %mul3A_294 = arith.constant 65 : i32
        %mul3A_295 = arith.muli %add3A_293, %mul3A_294 : i32
        %add3A_296 = arith.constant 16 : i32
        %add3A_297 = arith.addi %mul3A_295, %add3A_296 : i32
        %swap3A_298 = arith.index_cast %add3A_297 : i32 to index
        %swap3A_299 = tpu.vector_load %arg6[%swap3A_298] {strides = array<i32>} : memref<16640xf32, #tpu.memory_space<vmem>>, vector<16xf32>,
        tpu.vector_store %arg6[%swap3A_298], %get3A_98 {strides = array<i32>} : memref<16640xf32, #tpu.memory_space<vmem>>, vector<16xf32>,
        %add3A_300 = arith.constant 3 : i32
        %add3A_301 = arith.addi %mul3A_29, %add3A_300 : i32
        %mul3A_302 = arith.constant 65 : i32
        %mul3A_303 = arith.muli %add3A_301, %mul3A_302 : i32
        %add3A_304 = arith.constant 32 : i32
        %add3A_305 = arith.addi %mul3A_303, %add3A_304 : i32
        %swap3A_306 = arith.index_cast %add3A_305 : i32 to index
        %swap3A_307 = tpu.vector_load %arg6[%swap3A_306] {strides = array<i32>} : memref<16640xf32, #tpu.memory_space<vmem>>, vector<16xf32>,
        tpu.vector_store %arg6[%swap3A_306], %get3A_103 {strides = array<i32>} : memref<16640xf32, #tpu.memory_space<vmem>>, vector<16xf32>,
        %add3A_308 = arith.constant 3 : i32
        %add3A_309 = arith.addi %mul3A_29, %add3A_308 : i32
        %mul3A_310 = arith.constant 65 : i32
        %mul3A_311 = arith.muli %add3A_309, %mul3A_310 : i32
        %add3A_312 = arith.constant 48 : i32
        %add3A_313 = arith.addi %mul3A_311, %add3A_312 : i32
        %swap3A_314 = arith.index_cast %add3A_313 : i32 to index
        %swap3A_315 = tpu.vector_load %arg6[%swap3A_314] {strides = array<i32>} : memref<16640xf32, #tpu.memory_space<vmem>>, vector<16xf32>,
        tpu.vector_store %arg6[%swap3A_314], %get3A_108 {strides = array<i32>} : memref<16640xf32, #tpu.memory_space<vmem>>, vector<16xf32>,
        %add3A_316 = arith.constant 4 : i32
        %add3A_317 = arith.addi %mul3A_29, %add3A_316 : i32
        %mul3A_318 = arith.constant 65 : i32
        %mul3A_319 = arith.muli %add3A_317, %mul3A_318 : i32
        %add3A_320 = arith.constant 0 : i32
        %add3A_321 = arith.addi %mul3A_319, %add3A_320 : i32
        %swap3A_322 = arith.index_cast %add3A_321 : i32 to index
        %swap3A_323 = tpu.vector_load %arg6[%swap3A_322] {strides = array<i32>} : memref<16640xf32, #tpu.memory_space<vmem>>, vector<16xf32>,
        tpu.vector_store %arg6[%swap3A_322], %get3A_113 {strides = array<i32>} : memref<16640xf32, #tpu.memory_space<vmem>>, vector<16xf32>,
        %add3A_324 = arith.constant 4 : i32
        %add3A_325 = arith.addi %mul3A_29, %add3A_324 : i32
        %mul3A_326 = arith.constant 65 : i32
        %mul3A_327 = arith.muli %add3A_325, %mul3A_326 : i32
        %add3A_328 = arith.constant 16 : i32
        %add3A_329 = arith.addi %mul3A_327, %add3A_328 : i32
        %swap3A_330 = arith.index_cast %add3A_329 : i32 to index
        %swap3A_331 = tpu.vector_load %arg6[%swap3A_330] {strides = array<i32>} : memref<16640xf32, #tpu.memory_space<vmem>>, vector<16xf32>,
        tpu.vector_store %arg6[%swap3A_330], %get3A_118 {strides = array<i32>} : memref<16640xf32, #tpu.memory_space<vmem>>, vector<16xf32>,
        %add3A_332 = arith.constant 4 : i32
        %add3A_333 = arith.addi %mul3A_29, %add3A_332 : i32
        %mul3A_334 = arith.constant 65 : i32
        %mul3A_335 = arith.muli %add3A_333, %mul3A_334 : i32
        %add3A_336 = arith.constant 32 : i32
        %add3A_337 = arith.addi %mul3A_335, %add3A_336 : i32
        %swap3A_338 = arith.index_cast %add3A_337 : i32 to index
        %swap3A_339 = tpu.vector_load %arg6[%swap3A_338] {strides = array<i32>} : memref<16640xf32, #tpu.memory_space<vmem>>, vector<16xf32>,
        tpu.vector_store %arg6[%swap3A_338], %get3A_123 {strides = array<i32>} : memref<16640xf32, #tpu.memory_space<vmem>>, vector<16xf32>,
        %add3A_340 = arith.constant 4 : i32
        %add3A_341 = arith.addi %mul3A_29, %add3A_340 : i32
        %mul3A_342 = arith.constant 65 : i32
        %mul3A_343 = arith.muli %add3A_341, %mul3A_342 : i32
        %add3A_344 = arith.constant 48 : i32
        %add3A_345 = arith.addi %mul3A_343, %add3A_344 : i32
        %swap3A_346 = arith.index_cast %add3A_345 : i32 to index
        %swap3A_347 = tpu.vector_load %arg6[%swap3A_346] {strides = array<i32>} : memref<16640xf32, #tpu.memory_space<vmem>>, vector<16xf32>,
        tpu.vector_store %arg6[%swap3A_346], %get3A_128 {strides = array<i32>} : memref<16640xf32, #tpu.memory_space<vmem>>, vector<16xf32>,
        %add3A_348 = arith.constant 5 : i32
        %add3A_349 = arith.addi %mul3A_29, %add3A_348 : i32
        %mul3A_350 = arith.constant 65 : i32
        %mul3A_351 = arith.muli %add3A_349, %mul3A_350 : i32
        %add3A_352 = arith.constant 0 : i32
        %add3A_353 = arith.addi %mul3A_351, %add3A_352 : i32
        %swap3A_354 = arith.index_cast %add3A_353 : i32 to index
        %swap3A_355 = tpu.vector_load %arg6[%swap3A_354] {strides = array<i32>} : memref<16640xf32, #tpu.memory_space<vmem>>, vector<16xf32>,
        tpu.vector_store %arg6[%swap3A_354], %get3A_133 {strides = array<i32>} : memref<16640xf32, #tpu.memory_space<vmem>>, vector<16xf32>,
        %add3A_356 = arith.constant 5 : i32
        %add3A_357 = arith.addi %mul3A_29, %add3A_356 : i32
        %mul3A_358 = arith.constant 65 : i32
        %mul3A_359 = arith.muli %add3A_357, %mul3A_358 : i32
        %add3A_360 = arith.constant 16 : i32
        %add3A_361 = arith.addi %mul3A_359, %add3A_360 : i32
        %swap3A_362 = arith.index_cast %add3A_361 : i32 to index
        %swap3A_363 = tpu.vector_load %arg6[%swap3A_362] {strides = array<i32>} : memref<16640xf32, #tpu.memory_space<vmem>>, vector<16xf32>,
        tpu.vector_store %arg6[%swap3A_362], %get3A_138 {strides = array<i32>} : memref<16640xf32, #tpu.memory_space<vmem>>, vector<16xf32>,
        %add3A_364 = arith.constant 5 : i32
        %add3A_365 = arith.addi %mul3A_29, %add3A_364 : i32
        %mul3A_366 = arith.constant 65 : i32
        %mul3A_367 = arith.muli %add3A_365, %mul3A_366 : i32
        %add3A_368 = arith.constant 32 : i32
        %add3A_369 = arith.addi %mul3A_367, %add3A_368 : i32
        %swap3A_370 = arith.index_cast %add3A_369 : i32 to index
        %swap3A_371 = tpu.vector_load %arg6[%swap3A_370] {strides = array<i32>} : memref<16640xf32, #tpu.memory_space<vmem>>, vector<16xf32>,
        tpu.vector_store %arg6[%swap3A_370], %get3A_143 {strides = array<i32>} : memref<16640xf32, #tpu.memory_space<vmem>>, vector<16xf32>,
        %add3A_372 = arith.constant 5 : i32
        %add3A_373 = arith.addi %mul3A_29, %add3A_372 : i32
        %mul3A_374 = arith.constant 65 : i32
        %mul3A_375 = arith.muli %add3A_373, %mul3A_374 : i32
        %add3A_376 = arith.constant 48 : i32
        %add3A_377 = arith.addi %mul3A_375, %add3A_376 : i32
        %swap3A_378 = arith.index_cast %add3A_377 : i32 to index
        %swap3A_379 = tpu.vector_load %arg6[%swap3A_378] {strides = array<i32>} : memref<16640xf32, #tpu.memory_space<vmem>>, vector<16xf32>,
        tpu.vector_store %arg6[%swap3A_378], %get3A_148 {strides = array<i32>} : memref<16640xf32, #tpu.memory_space<vmem>>, vector<16xf32>,
        %add3A_380 = arith.constant 6 : i32
        %add3A_381 = arith.addi %mul3A_29, %add3A_380 : i32
        %mul3A_382 = arith.constant 65 : i32
        %mul3A_383 = arith.muli %add3A_381, %mul3A_382 : i32
        %add3A_384 = arith.constant 0 : i32
        %add3A_385 = arith.addi %mul3A_383, %add3A_384 : i32
        %swap3A_386 = arith.index_cast %add3A_385 : i32 to index
        %swap3A_387 = tpu.vector_load %arg6[%swap3A_386] {strides = array<i32>} : memref<16640xf32, #tpu.memory_space<vmem>>, vector<16xf32>,
        tpu.vector_store %arg6[%swap3A_386], %get3A_153 {strides = array<i32>} : memref<16640xf32, #tpu.memory_space<vmem>>, vector<16xf32>,
        %add3A_388 = arith.constant 6 : i32
        %add3A_389 = arith.addi %mul3A_29, %add3A_388 : i32
        %mul3A_390 = arith.constant 65 : i32
        %mul3A_391 = arith.muli %add3A_389, %mul3A_390 : i32
        %add3A_392 = arith.constant 16 : i32
        %add3A_393 = arith.addi %mul3A_391, %add3A_392 : i32
        %swap3A_394 = arith.index_cast %add3A_393 : i32 to index
        %swap3A_395 = tpu.vector_load %arg6[%swap3A_394] {strides = array<i32>} : memref<16640xf32, #tpu.memory_space<vmem>>, vector<16xf32>,
        tpu.vector_store %arg6[%swap3A_394], %get3A_158 {strides = array<i32>} : memref<16640xf32, #tpu.memory_space<vmem>>, vector<16xf32>,
        %add3A_396 = arith.constant 6 : i32
        %add3A_397 = arith.addi %mul3A_29, %add3A_396 : i32
        %mul3A_398 = arith.constant 65 : i32
        %mul3A_399 = arith.muli %add3A_397, %mul3A_398 : i32
        %add3A_400 = arith.constant 32 : i32
        %add3A_401 = arith.addi %mul3A_399, %add3A_400 : i32
        %swap3A_402 = arith.index_cast %add3A_401 : i32 to index
        %swap3A_403 = tpu.vector_load %arg6[%swap3A_402] {strides = array<i32>} : memref<16640xf32, #tpu.memory_space<vmem>>, vector<16xf32>,
        tpu.vector_store %arg6[%swap3A_402], %get3A_163 {strides = array<i32>} : memref<16640xf32, #tpu.memory_space<vmem>>, vector<16xf32>,
        %add3A_404 = arith.constant 6 : i32
        %add3A_405 = arith.addi %mul3A_29, %add3A_404 : i32
        %mul3A_406 = arith.constant 65 : i32
        %mul3A_407 = arith.muli %add3A_405, %mul3A_406 : i32
        %add3A_408 = arith.constant 48 : i32
        %add3A_409 = arith.addi %mul3A_407, %add3A_408 : i32
        %swap3A_410 = arith.index_cast %add3A_409 : i32 to index
        %swap3A_411 = tpu.vector_load %arg6[%swap3A_410] {strides = array<i32>} : memref<16640xf32, #tpu.memory_space<vmem>>, vector<16xf32>,
        tpu.vector_store %arg6[%swap3A_410], %get3A_168 {strides = array<i32>} : memref<16640xf32, #tpu.memory_space<vmem>>, vector<16xf32>,
        %add3A_412 = arith.constant 7 : i32
        %add3A_413 = arith.addi %mul3A_29, %add3A_412 : i32
        %mul3A_414 = arith.constant 65 : i32
        %mul3A_415 = arith.muli %add3A_413, %mul3A_414 : i32
        %add3A_416 = arith.constant 0 : i32
        %add3A_417 = arith.addi %mul3A_415, %add3A_416 : i32
        %swap3A_418 = arith.index_cast %add3A_417 : i32 to index
        %swap3A_419 = tpu.vector_load %arg6[%swap3A_418] {strides = array<i32>} : memref<16640xf32, #tpu.memory_space<vmem>>, vector<16xf32>,
        tpu.vector_store %arg6[%swap3A_418], %get3A_173 {strides = array<i32>} : memref<16640xf32, #tpu.memory_space<vmem>>, vector<16xf32>,
        %add3A_420 = arith.constant 7 : i32
        %add3A_421 = arith.addi %mul3A_29, %add3A_420 : i32
        %mul3A_422 = arith.constant 65 : i32
        %mul3A_423 = arith.muli %add3A_421, %mul3A_422 : i32
        %add3A_424 = arith.constant 16 : i32
        %add3A_425 = arith.addi %mul3A_423, %add3A_424 : i32
        %swap3A_426 = arith.index_cast %add3A_425 : i32 to index
        %swap3A_427 = tpu.vector_load %arg6[%swap3A_426] {strides = array<i32>} : memref<16640xf32, #tpu.memory_space<vmem>>, vector<16xf32>,
        tpu.vector_store %arg6[%swap3A_426], %get3A_178 {strides = array<i32>} : memref<16640xf32, #tpu.memory_space<vmem>>, vector<16xf32>,
        %add3A_428 = arith.constant 7 : i32
        %add3A_429 = arith.addi %mul3A_29, %add3A_428 : i32
        %mul3A_430 = arith.constant 65 : i32
        %mul3A_431 = arith.muli %add3A_429, %mul3A_430 : i32
        %add3A_432 = arith.constant 32 : i32
        %add3A_433 = arith.addi %mul3A_431, %add3A_432 : i32
        %swap3A_434 = arith.index_cast %add3A_433 : i32 to index
        %swap3A_435 = tpu.vector_load %arg6[%swap3A_434] {strides = array<i32>} : memref<16640xf32, #tpu.memory_space<vmem>>, vector<16xf32>,
        tpu.vector_store %arg6[%swap3A_434], %get3A_183 {strides = array<i32>} : memref<16640xf32, #tpu.memory_space<vmem>>, vector<16xf32>,
        %add3A_436 = arith.constant 7 : i32
        %add3A_437 = arith.addi %mul3A_29, %add3A_436 : i32
        %mul3A_438 = arith.constant 65 : i32
        %mul3A_439 = arith.muli %add3A_437, %mul3A_438 : i32
        %add3A_440 = arith.constant 48 : i32
        %add3A_441 = arith.addi %mul3A_439, %add3A_440 : i32
        %swap3A_442 = arith.index_cast %add3A_441 : i32 to index
        %swap3A_443 = tpu.vector_load %arg6[%swap3A_442] {strides = array<i32>} : memref<16640xf32, #tpu.memory_space<vmem>>, vector<16xf32>,
        tpu.vector_store %arg6[%swap3A_442], %get3A_188 {strides = array<i32>} : memref<16640xf32, #tpu.memory_space<vmem>>, vector<16xf32>,
      }
      %scan3A_20 = arith.constant 32 : i32
      %scan3A_21 = arith.constant 0 : i32
      %scan3A_22 = arith.constant 0 : i32
      %scan3A_23 = arith.constant 4 : i32
      %scan3A_24 = arith.addi %scan3A_22, %scan3A_23 : i32
      %scan3A_25 = arith.constant 1 : i32
      scf.for %scan3A_27 = %scan3A_22 to %scan3A_24 step %scan3A_25  : i32 {
        %broadcast_in_dim3A_28 = arith.constant 0xFF800000 : f32
        %broadcast_in_dim3A_29 = vector.broadcast %broadcast_in_dim3A_28 : f32 to vector<16xf32>
        %mul3A_30 = arith.constant 4 : i32
        %mul3A_31 = arith.muli %scan3A_27, %mul3A_30 : i32
        %add3A_32 = arith.constant 0 : i32
        %add3A_33 = arith.addi %mul3A_31, %add3A_32 : i32
        %mul3A_34 = arith.constant 16 : i32
        %mul3A_35 = arith.muli %add3A_33, %mul3A_34 : i32
        %add3A_36 = vector.broadcast %mul3A_35 : i32 to vector<16xi32>
        %add3A_37 = arith.addi %add3A_36, %iota3A : vector<16xi32>
        %mul3A_38 = arith.constant 65 : i32
        %mul3A_39 = vector.broadcast %mul3A_38 : i32 to vector<16xi32>
        %mul3A_40 = arith.muli %add3A_37, %mul3A_39 : vector<16xi32>
        %gather3A = tpu.vector_load_idx %arg6[%mul3A_40] : memref<16640xf32, #tpu.memory_space<vmem>>[vector<16xi32>], vector<16xf32>,
        %mul3A_41 = arith.constant 4 : i32
        %mul3A_42 = arith.muli %scan3A_27, %mul3A_41 : i32
        %add3A_43 = arith.constant 1 : i32
        %add3A_44 = arith.addi %mul3A_42, %add3A_43 : i32
        %mul3A_45 = arith.constant 16 : i32
        %mul3A_46 = arith.muli %add3A_44, %mul3A_45 : i32
        %add3A_47 = vector.broadcast %mul3A_46 : i32 to vector<16xi32>
        %add3A_48 = arith.addi %add3A_47, %iota3A : vector<16xi32>
        %mul3A_49 = arith.constant 65 : i32
        %mul3A_50 = vector.broadcast %mul3A_49 : i32 to vector<16xi32>
        %mul3A_51 = arith.muli %add3A_48, %mul3A_50 : vector<16xi32>
        %gather3A_52 = tpu.vector_load_idx %arg6[%mul3A_51] : memref<16640xf32, #tpu.memory_space<vmem>>[vector<16xi32>], vector<16xf32>,
        %mul3A_53 = arith.constant 4 : i32
        %mul3A_54 = arith.muli %scan3A_27, %mul3A_53 : i32
        %add3A_55 = arith.constant 2 : i32
        %add3A_56 = arith.addi %mul3A_54, %add3A_55 : i32
        %mul3A_57 = arith.constant 16 : i32
        %mul3A_58 = arith.muli %add3A_56, %mul3A_57 : i32
        %add3A_59 = vector.broadcast %mul3A_58 : i32 to vector<16xi32>
        %add3A_60 = arith.addi %add3A_59, %iota3A : vector<16xi32>
        %mul3A_61 = arith.constant 65 : i32
        %mul3A_62 = vector.broadcast %mul3A_61 : i32 to vector<16xi32>
        %mul3A_63 = arith.muli %add3A_60, %mul3A_62 : vector<16xi32>
        %gather3A_64 = tpu.vector_load_idx %arg6[%mul3A_63] : memref<16640xf32, #tpu.memory_space<vmem>>[vector<16xi32>], vector<16xf32>,
        %mul3A_65 = arith.constant 4 : i32
        %mul3A_66 = arith.muli %scan3A_27, %mul3A_65 : i32
        %add3A_67 = arith.constant 3 : i32
        %add3A_68 = arith.addi %mul3A_66, %add3A_67 : i32
        %mul3A_69 = arith.constant 16 : i32
        %mul3A_70 = arith.muli %add3A_68, %mul3A_69 : i32
        %add3A_71 = vector.broadcast %mul3A_70 : i32 to vector<16xi32>
        %add3A_72 = arith.addi %add3A_71, %iota3A : vector<16xi32>
        %mul3A_73 = arith.constant 65 : i32
        %mul3A_74 = vector.broadcast %mul3A_73 : i32 to vector<16xi32>
        %mul3A_75 = arith.muli %add3A_72, %mul3A_74 : vector<16xi32>
        %gather3A_76 = tpu.vector_load_idx %arg6[%mul3A_75] : memref<16640xf32, #tpu.memory_space<vmem>>[vector<16xi32>], vector<16xf32>,
        %broadcast_in_dim3A_77 = arith.constant 1 : i32
        %broadcast_in_dim3A_78 = vector.broadcast %broadcast_in_dim3A_77 : i32 to vector<16xi32>
        %add3A_79 = arith.constant 1 : i32
        %add3A_80 = vector.broadcast %add3A_79 : i32 to vector<16xi32>
        %add3A_81 = arith.addi %mul3A_40, %add3A_80 : vector<16xi32>
        %gather3A_82 = tpu.vector_load_idx %arg6[%add3A_81] : memref<16640xf32, #tpu.memory_space<vmem>>[vector<16xi32>], vector<16xf32>,
        %gt3A = arith.cmpf ogt, %gather3A_82, %gather3A : vector<16xf32>
        %gt3A_83 = arith.cmpf ogt, %gather3A_82, %broadcast_in_dim3A_29 : vector<16xf32>
        %select_n3A = arith.select %gt3A_83, %gather3A_82, %broadcast_in_dim3A_29 : vector<16xi1>, vector<16xf32>
        %select_n3A_84 = arith.select %gt3A, %gather3A, %select_n3A : vector<16xi1>, vector<16xf32>
        %select_n3A_85 = arith.select %gt3A_83, %broadcast_in_dim3A_78, %broadcast_in_dim3A_3 : vector<16xi1>, vector<16xi32>
        %select_n3A_86 = arith.select %gt3A, %broadcast_in_dim3A_3, %select_n3A_85 : vector<16xi1>, vector<16xi32>
        %select_n3A_87 = arith.select %gt3A, %gather3A_82, %gather3A : vector<16xi1>, vector<16xf32>
        %select_n3A_88 = arith.select %gt3A, %broadcast_in_dim3A_78, %broadcast_in_dim3A_3 : vector<16xi1>, vector<16xi32>
        %add3A_89 = arith.constant 1 : i32
        %add3A_90 = vector.broadcast %add3A_89 : i32 to vector<16xi32>
        %add3A_91 = arith.addi %mul3A_51, %add3A_90 : vector<16xi32>
        %gather3A_92 = tpu.vector_load_idx %arg6[%add3A_91] : memref<16640xf32, #tpu.memory_space<vmem>>[vector<16xi32>], vector<16xf32>,
        %gt3A_93 = arith.cmpf ogt, %gather3A_92, %gather3A_52 : vector<16xf32>
        %gt3A_94 = arith.cmpf ogt, %gather3A_92, %broadcast_in_dim3A_29 : vector<16xf32>
        %select_n3A_95 = arith.select %gt3A_94, %gather3A_92, %broadcast_in_dim3A_29 : vector<16xi1>, vector<16xf32>
        %select_n3A_96 = arith.select %gt3A_93, %gather3A_52, %select_n3A_95 : vector<16xi1>, vector<16xf32>
        %select_n3A_97 = arith.select %gt3A_94, %broadcast_in_dim3A_78, %broadcast_in_dim3A_3 : vector<16xi1>, vector<16xi32>
        %select_n3A_98 = arith.select %gt3A_93, %broadcast_in_dim3A_3, %select_n3A_97 : vector<16xi1>, vector<16xi32>
        %select_n3A_99 = arith.select %gt3A_93, %gather3A_92, %gather3A_52 : vector<16xi1>, vector<16xf32>
        %select_n3A_100 = arith.select %gt3A_93, %broadcast_in_dim3A_78, %broadcast_in_dim3A_3 : vector<16xi1>, vector<16xi32>
        %add3A_101 = arith.constant 1 : i32
        %add3A_102 = vector.broadcast %add3A_101 : i32 to vector<16xi32>
        %add3A_103 = arith.addi %mul3A_63, %add3A_102 : vector<16xi32>
        %gather3A_104 = tpu.vector_load_idx %arg6[%add3A_103] : memref<16640xf32, #tpu.memory_space<vmem>>[vector<16xi32>], vector<16xf32>,
        %gt3A_105 = arith.cmpf ogt, %gather3A_104, %gather3A_64 : vector<16xf32>
        %gt3A_106 = arith.cmpf ogt, %gather3A_104, %broadcast_in_dim3A_29 : vector<16xf32>
        %select_n3A_107 = arith.select %gt3A_106, %gather3A_104, %broadcast_in_dim3A_29 : vector<16xi1>, vector<16xf32>
        %select_n3A_108 = arith.select %gt3A_105, %gather3A_64, %select_n3A_107 : vector<16xi1>, vector<16xf32>
        %select_n3A_109 = arith.select %gt3A_106, %broadcast_in_dim3A_78, %broadcast_in_dim3A_3 : vector<16xi1>, vector<16xi32>
        %select_n3A_110 = arith.select %gt3A_105, %broadcast_in_dim3A_3, %select_n3A_109 : vector<16xi1>, vector<16xi32>
        %select_n3A_111 = arith.select %gt3A_105, %gather3A_104, %gather3A_64 : vector<16xi1>, vector<16xf32>
        %select_n3A_112 = arith.select %gt3A_105, %broadcast_in_dim3A_78, %broadcast_in_dim3A_3 : vector<16xi1>, vector<16xi32>
        %add3A_113 = arith.constant 1 : i32
        %add3A_114 = vector.broadcast %add3A_113 : i32 to vector<16xi32>
        %add3A_115 = arith.addi %mul3A_75, %add3A_114 : vector<16xi32>
        %gather3A_116 = tpu.vector_load_idx %arg6[%add3A_115] : memref<16640xf32, #tpu.memory_space<vmem>>[vector<16xi32>], vector<16xf32>,
        %gt3A_117 = arith.cmpf ogt, %gather3A_116, %gather3A_76 : vector<16xf32>
        %gt3A_118 = arith.cmpf ogt, %gather3A_116, %broadcast_in_dim3A_29 : vector<16xf32>
        %select_n3A_119 = arith.select %gt3A_118, %gather3A_116, %broadcast_in_dim3A_29 : vector<16xi1>, vector<16xf32>
        %select_n3A_120 = arith.select %gt3A_117, %gather3A_76, %select_n3A_119 : vector<16xi1>, vector<16xf32>
        %select_n3A_121 = arith.select %gt3A_118, %broadcast_in_dim3A_78, %broadcast_in_dim3A_3 : vector<16xi1>, vector<16xi32>
        %select_n3A_122 = arith.select %gt3A_117, %broadcast_in_dim3A_3, %select_n3A_121 : vector<16xi1>, vector<16xi32>
        %select_n3A_123 = arith.select %gt3A_117, %gather3A_116, %gather3A_76 : vector<16xi1>, vector<16xf32>
        %select_n3A_124 = arith.select %gt3A_117, %broadcast_in_dim3A_78, %broadcast_in_dim3A_3 : vector<16xi1>, vector<16xi32>
        %broadcast_in_dim3A_125 = arith.constant 2 : i32
        %broadcast_in_dim3A_126 = vector.broadcast %broadcast_in_dim3A_125 : i32 to vector<16xi32>
        %add3A_127 = arith.constant 2 : i32
        %add3A_128 = vector.broadcast %add3A_127 : i32 to vector<16xi32>
        %add3A_129 = arith.addi %mul3A_40, %add3A_128 : vector<16xi32>
        %gather3A_130 = tpu.vector_load_idx %arg6[%add3A_129] : memref<16640xf32, #tpu.memory_space<vmem>>[vector<16xi32>], vector<16xf32>,
        %gt3A_131 = arith.cmpf ogt, %gather3A_130, %select_n3A_87 : vector<16xf32>
        %gt3A_132 = arith.cmpf ogt, %gather3A_130, %select_n3A_84 : vector<16xf32>
        %select_n3A_133 = arith.select %gt3A_132, %gather3A_130, %select_n3A_84 : vector<16xi1>, vector<16xf32>
        %select_n3A_134 = arith.select %gt3A_131, %select_n3A_87, %select_n3A_133 : vector<16xi1>, vector<16xf32>
        %select_n3A_135 = arith.select %gt3A_132, %broadcast_in_dim3A_126, %select_n3A_86 : vector<16xi1>, vector<16xi32>
        %select_n3A_136 = arith.select %gt3A_131, %select_n3A_88, %select_n3A_135 : vector<16xi1>, vector<16xi32>
        %select_n3A_137 = arith.select %gt3A_131, %gather3A_130, %select_n3A_87 : vector<16xi1>, vector<16xf32>
        %select_n3A_138 = arith.select %gt3A_131, %broadcast_in_dim3A_126, %select_n3A_88 : vector<16xi1>, vector<16xi32>
        %add3A_139 = arith.constant 2 : i32
        %add3A_140 = vector.broadcast %add3A_139 : i32 to vector<16xi32>
        %add3A_141 = arith.addi %mul3A_51, %add3A_140 : vector<16xi32>
        %gather3A_142 = tpu.vector_load_idx %arg6[%add3A_141] : memref<16640xf32, #tpu.memory_space<vmem>>[vector<16xi32>], vector<16xf32>,
        %gt3A_143 = arith.cmpf ogt, %gather3A_142, %select_n3A_99 : vector<16xf32>
        %gt3A_144 = arith.cmpf ogt, %gather3A_142, %select_n3A_96 : vector<16xf32>
        %select_n3A_145 = arith.select %gt3A_144, %gather3A_142, %select_n3A_96 : vector<16xi1>, vector<16xf32>
        %select_n3A_146 = arith.select %gt3A_143, %select_n3A_99, %select_n3A_145 : vector<16xi1>, vector<16xf32>
        %select_n3A_147 = arith.select %gt3A_144, %broadcast_in_dim3A_126, %select_n3A_98 : vector<16xi1>, vector<16xi32>
        %select_n3A_148 = arith.select %gt3A_143, %select_n3A_100, %select_n3A_147 : vector<16xi1>, vector<16xi32>
        %select_n3A_149 = arith.select %gt3A_143, %gather3A_142, %select_n3A_99 : vector<16xi1>, vector<16xf32>
        %select_n3A_150 = arith.select %gt3A_143, %broadcast_in_dim3A_126, %select_n3A_100 : vector<16xi1>, vector<16xi32>
        %add3A_151 = arith.constant 2 : i32
        %add3A_152 = vector.broadcast %add3A_151 : i32 to vector<16xi32>
        %add3A_153 = arith.addi %mul3A_63, %add3A_152 : vector<16xi32>
        %gather3A_154 = tpu.vector_load_idx %arg6[%add3A_153] : memref<16640xf32, #tpu.memory_space<vmem>>[vector<16xi32>], vector<16xf32>,
        %gt3A_155 = arith.cmpf ogt, %gather3A_154, %select_n3A_111 : vector<16xf32>
        %gt3A_156 = arith.cmpf ogt, %gather3A_154, %select_n3A_108 : vector<16xf32>
        %select_n3A_157 = arith.select %gt3A_156, %gather3A_154, %select_n3A_108 : vector<16xi1>, vector<16xf32>
        %select_n3A_158 = arith.select %gt3A_155, %select_n3A_111, %select_n3A_157 : vector<16xi1>, vector<16xf32>
        %select_n3A_159 = arith.select %gt3A_156, %broadcast_in_dim3A_126, %select_n3A_110 : vector<16xi1>, vector<16xi32>
        %select_n3A_160 = arith.select %gt3A_155, %select_n3A_112, %select_n3A_159 : vector<16xi1>, vector<16xi32>
        %select_n3A_161 = arith.select %gt3A_155, %gather3A_154, %select_n3A_111 : vector<16xi1>, vector<16xf32>
        %select_n3A_162 = arith.select %gt3A_155, %broadcast_in_dim3A_126, %select_n3A_112 : vector<16xi1>, vector<16xi32>
        %add3A_163 = arith.constant 2 : i32
        %add3A_164 = vector.broadcast %add3A_163 : i32 to vector<16xi32>
        %add3A_165 = arith.addi %mul3A_75, %add3A_164 : vector<16xi32>
        %gather3A_166 = tpu.vector_load_idx %arg6[%add3A_165] : memref<16640xf32, #tpu.memory_space<vmem>>[vector<16xi32>], vector<16xf32>,
        %gt3A_167 = arith.cmpf ogt, %gather3A_166, %select_n3A_123 : vector<16xf32>
        %gt3A_168 = arith.cmpf ogt, %gather3A_166, %select_n3A_120 : vector<16xf32>
        %select_n3A_169 = arith.select %gt3A_168, %gather3A_166, %select_n3A_120 : vector<16xi1>, vector<16xf32>
        %select_n3A_170 = arith.select %gt3A_167, %select_n3A_123, %select_n3A_169 : vector<16xi1>, vector<16xf32>
        %select_n3A_171 = arith.select %gt3A_168, %broadcast_in_dim3A_126, %select_n3A_122 : vector<16xi1>, vector<16xi32>
        %select_n3A_172 = arith.select %gt3A_167, %select_n3A_124, %select_n3A_171 : vector<16xi1>, vector<16xi32>
        %select_n3A_173 = arith.select %gt3A_167, %gather3A_166, %select_n3A_123 : vector<16xi1>, vector<16xf32>
        %select_n3A_174 = arith.select %gt3A_167, %broadcast_in_dim3A_126, %select_n3A_124 : vector<16xi1>, vector<16xi32>
        %broadcast_in_dim3A_175 = arith.constant 3 : i32
        %broadcast_in_dim3A_176 = vector.broadcast %broadcast_in_dim3A_175 : i32 to vector<16xi32>
        %add3A_177 = arith.constant 3 : i32
        %add3A_178 = vector.broadcast %add3A_177 : i32 to vector<16xi32>
        %add3A_179 = arith.addi %mul3A_40, %add3A_178 : vector<16xi32>
        %gather3A_180 = tpu.vector_load_idx %arg6[%add3A_179] : memref<16640xf32, #tpu.memory_space<vmem>>[vector<16xi32>], vector<16xf32>,
        %gt3A_181 = arith.cmpf ogt, %gather3A_180, %select_n3A_137 : vector<16xf32>
        %gt3A_182 = arith.cmpf ogt, %gather3A_180, %select_n3A_134 : vector<16xf32>
        %select_n3A_183 = arith.select %gt3A_182, %gather3A_180, %select_n3A_134 : vector<16xi1>, vector<16xf32>
        %select_n3A_184 = arith.select %gt3A_181, %select_n3A_137, %select_n3A_183 : vector<16xi1>, vector<16xf32>
        %select_n3A_185 = arith.select %gt3A_182, %broadcast_in_dim3A_176, %select_n3A_136 : vector<16xi1>, vector<16xi32>
        %select_n3A_186 = arith.select %gt3A_181, %select_n3A_138, %select_n3A_185 : vector<16xi1>, vector<16xi32>
        %select_n3A_187 = arith.select %gt3A_181, %gather3A_180, %select_n3A_137 : vector<16xi1>, vector<16xf32>
        %select_n3A_188 = arith.select %gt3A_181, %broadcast_in_dim3A_176, %select_n3A_138 : vector<16xi1>, vector<16xi32>
        %add3A_189 = arith.constant 3 : i32
        %add3A_190 = vector.broadcast %add3A_189 : i32 to vector<16xi32>
        %add3A_191 = arith.addi %mul3A_51, %add3A_190 : vector<16xi32>
        %gather3A_192 = tpu.vector_load_idx %arg6[%add3A_191] : memref<16640xf32, #tpu.memory_space<vmem>>[vector<16xi32>], vector<16xf32>,
        %gt3A_193 = arith.cmpf ogt, %gather3A_192, %select_n3A_149 : vector<16xf32>
        %gt3A_194 = arith.cmpf ogt, %gather3A_192, %select_n3A_146 : vector<16xf32>
        %select_n3A_195 = arith.select %gt3A_194, %gather3A_192, %select_n3A_146 : vector<16xi1>, vector<16xf32>
        %select_n3A_196 = arith.select %gt3A_193, %select_n3A_149, %select_n3A_195 : vector<16xi1>, vector<16xf32>
        %select_n3A_197 = arith.select %gt3A_194, %broadcast_in_dim3A_176, %select_n3A_148 : vector<16xi1>, vector<16xi32>
        %select_n3A_198 = arith.select %gt3A_193, %select_n3A_150, %select_n3A_197 : vector<16xi1>, vector<16xi32>
        %select_n3A_199 = arith.select %gt3A_193, %gather3A_192, %select_n3A_149 : vector<16xi1>, vector<16xf32>
        %select_n3A_200 = arith.select %gt3A_193, %broadcast_in_dim3A_176, %select_n3A_150 : vector<16xi1>, vector<16xi32>
        %add3A_201 = arith.constant 3 : i32
        %add3A_202 = vector.broadcast %add3A_201 : i32 to vector<16xi32>
        %add3A_203 = arith.addi %mul3A_63, %add3A_202 : vector<16xi32>
        %gather3A_204 = tpu.vector_load_idx %arg6[%add3A_203] : memref<16640xf32, #tpu.memory_space<vmem>>[vector<16xi32>], vector<16xf32>,
        %gt3A_205 = arith.cmpf ogt, %gather3A_204, %select_n3A_161 : vector<16xf32>
        %gt3A_206 = arith.cmpf ogt, %gather3A_204, %select_n3A_158 : vector<16xf32>
        %select_n3A_207 = arith.select %gt3A_206, %gather3A_204, %select_n3A_158 : vector<16xi1>, vector<16xf32>
        %select_n3A_208 = arith.select %gt3A_205, %select_n3A_161, %select_n3A_207 : vector<16xi1>, vector<16xf32>
        %select_n3A_209 = arith.select %gt3A_206, %broadcast_in_dim3A_176, %select_n3A_160 : vector<16xi1>, vector<16xi32>
        %select_n3A_210 = arith.select %gt3A_205, %select_n3A_162, %select_n3A_209 : vector<16xi1>, vector<16xi32>
        %select_n3A_211 = arith.select %gt3A_205, %gather3A_204, %select_n3A_161 : vector<16xi1>, vector<16xf32>
        %select_n3A_212 = arith.select %gt3A_205, %broadcast_in_dim3A_176, %select_n3A_162 : vector<16xi1>, vector<16xi32>
        %add3A_213 = arith.constant 3 : i32
        %add3A_214 = vector.broadcast %add3A_213 : i32 to vector<16xi32>
        %add3A_215 = arith.addi %mul3A_75, %add3A_214 : vector<16xi32>
        %gather3A_216 = tpu.vector_load_idx %arg6[%add3A_215] : memref<16640xf32, #tpu.memory_space<vmem>>[vector<16xi32>], vector<16xf32>,
        %gt3A_217 = arith.cmpf ogt, %gather3A_216, %select_n3A_173 : vector<16xf32>
        %gt3A_218 = arith.cmpf ogt, %gather3A_216, %select_n3A_170 : vector<16xf32>
        %select_n3A_219 = arith.select %gt3A_218, %gather3A_216, %select_n3A_170 : vector<16xi1>, vector<16xf32>
        %select_n3A_220 = arith.select %gt3A_217, %select_n3A_173, %select_n3A_219 : vector<16xi1>, vector<16xf32>
        %select_n3A_221 = arith.select %gt3A_218, %broadcast_in_dim3A_176, %select_n3A_172 : vector<16xi1>, vector<16xi32>
        %select_n3A_222 = arith.select %gt3A_217, %select_n3A_174, %select_n3A_221 : vector<16xi1>, vector<16xi32>
        %select_n3A_223 = arith.select %gt3A_217, %gather3A_216, %select_n3A_173 : vector<16xi1>, vector<16xf32>
        %select_n3A_224 = arith.select %gt3A_217, %broadcast_in_dim3A_176, %select_n3A_174 : vector<16xi1>, vector<16xi32>
        %broadcast_in_dim3A_225 = arith.constant 4 : i32
        %broadcast_in_dim3A_226 = vector.broadcast %broadcast_in_dim3A_225 : i32 to vector<16xi32>
        %add3A_227 = arith.constant 4 : i32
        %add3A_228 = vector.broadcast %add3A_227 : i32 to vector<16xi32>
        %add3A_229 = arith.addi %mul3A_40, %add3A_228 : vector<16xi32>
        %gather3A_230 = tpu.vector_load_idx %arg6[%add3A_229] : memref<16640xf32, #tpu.memory_space<vmem>>[vector<16xi32>], vector<16xf32>,
        %gt3A_231 = arith.cmpf ogt, %gather3A_230, %select_n3A_187 : vector<16xf32>
        %gt3A_232 = arith.cmpf ogt, %gather3A_230, %select_n3A_184 : vector<16xf32>
        %select_n3A_233 = arith.select %gt3A_232, %gather3A_230, %select_n3A_184 : vector<16xi1>, vector<16xf32>
        %select_n3A_234 = arith.select %gt3A_231, %select_n3A_187, %select_n3A_233 : vector<16xi1>, vector<16xf32>
        %select_n3A_235 = arith.select %gt3A_232, %broadcast_in_dim3A_226, %select_n3A_186 : vector<16xi1>, vector<16xi32>
        %select_n3A_236 = arith.select %gt3A_231, %select_n3A_188, %select_n3A_235 : vector<16xi1>, vector<16xi32>
        %select_n3A_237 = arith.select %gt3A_231, %gather3A_230, %select_n3A_187 : vector<16xi1>, vector<16xf32>
        %select_n3A_238 = arith.select %gt3A_231, %broadcast_in_dim3A_226, %select_n3A_188 : vector<16xi1>, vector<16xi32>
        %add3A_239 = arith.constant 4 : i32
        %add3A_240 = vector.broadcast %add3A_239 : i32 to vector<16xi32>
        %add3A_241 = arith.addi %mul3A_51, %add3A_240 : vector<16xi32>
        %gather3A_242 = tpu.vector_load_idx %arg6[%add3A_241] : memref<16640xf32, #tpu.memory_space<vmem>>[vector<16xi32>], vector<16xf32>,
        %gt3A_243 = arith.cmpf ogt, %gather3A_242, %select_n3A_199 : vector<16xf32>
        %gt3A_244 = arith.cmpf ogt, %gather3A_242, %select_n3A_196 : vector<16xf32>
        %select_n3A_245 = arith.select %gt3A_244, %gather3A_242, %select_n3A_196 : vector<16xi1>, vector<16xf32>
        %select_n3A_246 = arith.select %gt3A_243, %select_n3A_199, %select_n3A_245 : vector<16xi1>, vector<16xf32>
        %select_n3A_247 = arith.select %gt3A_244, %broadcast_in_dim3A_226, %select_n3A_198 : vector<16xi1>, vector<16xi32>
        %select_n3A_248 = arith.select %gt3A_243, %select_n3A_200, %select_n3A_247 : vector<16xi1>, vector<16xi32>
        %select_n3A_249 = arith.select %gt3A_243, %gather3A_242, %select_n3A_199 : vector<16xi1>, vector<16xf32>
        %select_n3A_250 = arith.select %gt3A_243, %broadcast_in_dim3A_226, %select_n3A_200 : vector<16xi1>, vector<16xi32>
        %add3A_251 = arith.constant 4 : i32
        %add3A_252 = vector.broadcast %add3A_251 : i32 to vector<16xi32>
        %add3A_253 = arith.addi %mul3A_63, %add3A_252 : vector<16xi32>
        %gather3A_254 = tpu.vector_load_idx %arg6[%add3A_253] : memref<16640xf32, #tpu.memory_space<vmem>>[vector<16xi32>], vector<16xf32>,
        %gt3A_255 = arith.cmpf ogt, %gather3A_254, %select_n3A_211 : vector<16xf32>
        %gt3A_256 = arith.cmpf ogt, %gather3A_254, %select_n3A_208 : vector<16xf32>
        %select_n3A_257 = arith.select %gt3A_256, %gather3A_254, %select_n3A_208 : vector<16xi1>, vector<16xf32>
        %select_n3A_258 = arith.select %gt3A_255, %select_n3A_211, %select_n3A_257 : vector<16xi1>, vector<16xf32>
        %select_n3A_259 = arith.select %gt3A_256, %broadcast_in_dim3A_226, %select_n3A_210 : vector<16xi1>, vector<16xi32>
        %select_n3A_260 = arith.select %gt3A_255, %select_n3A_212, %select_n3A_259 : vector<16xi1>, vector<16xi32>
        %select_n3A_261 = arith.select %gt3A_255, %gather3A_254, %select_n3A_211 : vector<16xi1>, vector<16xf32>
        %select_n3A_262 = arith.select %gt3A_255, %broadcast_in_dim3A_226, %select_n3A_212 : vector<16xi1>, vector<16xi32>
        %add3A_263 = arith.constant 4 : i32
        %add3A_264 = vector.broadcast %add3A_263 : i32 to vector<16xi32>
        %add3A_265 = arith.addi %mul3A_75, %add3A_264 : vector<16xi32>
        %gather3A_266 = tpu.vector_load_idx %arg6[%add3A_265] : memref<16640xf32, #tpu.memory_space<vmem>>[vector<16xi32>], vector<16xf32>,
        %gt3A_267 = arith.cmpf ogt, %gather3A_266, %select_n3A_223 : vector<16xf32>
        %gt3A_268 = arith.cmpf ogt, %gather3A_266, %select_n3A_220 : vector<16xf32>
        %select_n3A_269 = arith.select %gt3A_268, %gather3A_266, %select_n3A_220 : vector<16xi1>, vector<16xf32>
        %select_n3A_270 = arith.select %gt3A_267, %select_n3A_223, %select_n3A_269 : vector<16xi1>, vector<16xf32>
        %select_n3A_271 = arith.select %gt3A_268, %broadcast_in_dim3A_226, %select_n3A_222 : vector<16xi1>, vector<16xi32>
        %select_n3A_272 = arith.select %gt3A_267, %select_n3A_224, %select_n3A_271 : vector<16xi1>, vector<16xi32>
        %select_n3A_273 = arith.select %gt3A_267, %gather3A_266, %select_n3A_223 : vector<16xi1>, vector<16xf32>
        %select_n3A_274 = arith.select %gt3A_267, %broadcast_in_dim3A_226, %select_n3A_224 : vector<16xi1>, vector<16xi32>
        %broadcast_in_dim3A_275 = arith.constant 5 : i32
        %broadcast_in_dim3A_276 = vector.broadcast %broadcast_in_dim3A_275 : i32 to vector<16xi32>
        %add3A_277 = arith.constant 5 : i32
        %add3A_278 = vector.broadcast %add3A_277 : i32 to vector<16xi32>
        %add3A_279 = arith.addi %mul3A_40, %add3A_278 : vector<16xi32>
        %gather3A_280 = tpu.vector_load_idx %arg6[%add3A_279] : memref<16640xf32, #tpu.memory_space<vmem>>[vector<16xi32>], vector<16xf32>,
        %gt3A_281 = arith.cmpf ogt, %gather3A_280, %select_n3A_237 : vector<16xf32>
        %gt3A_282 = arith.cmpf ogt, %gather3A_280, %select_n3A_234 : vector<16xf32>
        %select_n3A_283 = arith.select %gt3A_282, %gather3A_280, %select_n3A_234 : vector<16xi1>, vector<16xf32>
        %select_n3A_284 = arith.select %gt3A_281, %select_n3A_237, %select_n3A_283 : vector<16xi1>, vector<16xf32>
        %select_n3A_285 = arith.select %gt3A_282, %broadcast_in_dim3A_276, %select_n3A_236 : vector<16xi1>, vector<16xi32>
        %select_n3A_286 = arith.select %gt3A_281, %select_n3A_238, %select_n3A_285 : vector<16xi1>, vector<16xi32>
        %select_n3A_287 = arith.select %gt3A_281, %gather3A_280, %select_n3A_237 : vector<16xi1>, vector<16xf32>
        %select_n3A_288 = arith.select %gt3A_281, %broadcast_in_dim3A_276, %select_n3A_238 : vector<16xi1>, vector<16xi32>
        %add3A_289 = arith.constant 5 : i32
        %add3A_290 = vector.broadcast %add3A_289 : i32 to vector<16xi32>
        %add3A_291 = arith.addi %mul3A_51, %add3A_290 : vector<16xi32>
        %gather3A_292 = tpu.vector_load_idx %arg6[%add3A_291] : memref<16640xf32, #tpu.memory_space<vmem>>[vector<16xi32>], vector<16xf32>,
        %gt3A_293 = arith.cmpf ogt, %gather3A_292, %select_n3A_249 : vector<16xf32>
        %gt3A_294 = arith.cmpf ogt, %gather3A_292, %select_n3A_246 : vector<16xf32>
        %select_n3A_295 = arith.select %gt3A_294, %gather3A_292, %select_n3A_246 : vector<16xi1>, vector<16xf32>
        %select_n3A_296 = arith.select %gt3A_293, %select_n3A_249, %select_n3A_295 : vector<16xi1>, vector<16xf32>
        %select_n3A_297 = arith.select %gt3A_294, %broadcast_in_dim3A_276, %select_n3A_248 : vector<16xi1>, vector<16xi32>
        %select_n3A_298 = arith.select %gt3A_293, %select_n3A_250, %select_n3A_297 : vector<16xi1>, vector<16xi32>
        %select_n3A_299 = arith.select %gt3A_293, %gather3A_292, %select_n3A_249 : vector<16xi1>, vector<16xf32>
        %select_n3A_300 = arith.select %gt3A_293, %broadcast_in_dim3A_276, %select_n3A_250 : vector<16xi1>, vector<16xi32>
        %add3A_301 = arith.constant 5 : i32
        %add3A_302 = vector.broadcast %add3A_301 : i32 to vector<16xi32>
        %add3A_303 = arith.addi %mul3A_63, %add3A_302 : vector<16xi32>
        %gather3A_304 = tpu.vector_load_idx %arg6[%add3A_303] : memref<16640xf32, #tpu.memory_space<vmem>>[vector<16xi32>], vector<16xf32>,
        %gt3A_305 = arith.cmpf ogt, %gather3A_304, %select_n3A_261 : vector<16xf32>
        %gt3A_306 = arith.cmpf ogt, %gather3A_304, %select_n3A_258 : vector<16xf32>
        %select_n3A_307 = arith.select %gt3A_306, %gather3A_304, %select_n3A_258 : vector<16xi1>, vector<16xf32>
        %select_n3A_308 = arith.select %gt3A_305, %select_n3A_261, %select_n3A_307 : vector<16xi1>, vector<16xf32>
        %select_n3A_309 = arith.select %gt3A_306, %broadcast_in_dim3A_276, %select_n3A_260 : vector<16xi1>, vector<16xi32>
        %select_n3A_310 = arith.select %gt3A_305, %select_n3A_262, %select_n3A_309 : vector<16xi1>, vector<16xi32>
        %select_n3A_311 = arith.select %gt3A_305, %gather3A_304, %select_n3A_261 : vector<16xi1>, vector<16xf32>
        %select_n3A_312 = arith.select %gt3A_305, %broadcast_in_dim3A_276, %select_n3A_262 : vector<16xi1>, vector<16xi32>
        %add3A_313 = arith.constant 5 : i32
        %add3A_314 = vector.broadcast %add3A_313 : i32 to vector<16xi32>
        %add3A_315 = arith.addi %mul3A_75, %add3A_314 : vector<16xi32>
        %gather3A_316 = tpu.vector_load_idx %arg6[%add3A_315] : memref<16640xf32, #tpu.memory_space<vmem>>[vector<16xi32>], vector<16xf32>,
        %gt3A_317 = arith.cmpf ogt, %gather3A_316, %select_n3A_273 : vector<16xf32>
        %gt3A_318 = arith.cmpf ogt, %gather3A_316, %select_n3A_270 : vector<16xf32>
        %select_n3A_319 = arith.select %gt3A_318, %gather3A_316, %select_n3A_270 : vector<16xi1>, vector<16xf32>
        %select_n3A_320 = arith.select %gt3A_317, %select_n3A_273, %select_n3A_319 : vector<16xi1>, vector<16xf32>
        %select_n3A_321 = arith.select %gt3A_318, %broadcast_in_dim3A_276, %select_n3A_272 : vector<16xi1>, vector<16xi32>
        %select_n3A_322 = arith.select %gt3A_317, %select_n3A_274, %select_n3A_321 : vector<16xi1>, vector<16xi32>
        %select_n3A_323 = arith.select %gt3A_317, %gather3A_316, %select_n3A_273 : vector<16xi1>, vector<16xf32>
        %select_n3A_324 = arith.select %gt3A_317, %broadcast_in_dim3A_276, %select_n3A_274 : vector<16xi1>, vector<16xi32>
        %broadcast_in_dim3A_325 = arith.constant 6 : i32
        %broadcast_in_dim3A_326 = vector.broadcast %broadcast_in_dim3A_325 : i32 to vector<16xi32>
        %add3A_327 = arith.constant 6 : i32
        %add3A_328 = vector.broadcast %add3A_327 : i32 to vector<16xi32>
        %add3A_329 = arith.addi %mul3A_40, %add3A_328 : vector<16xi32>
        %gather3A_330 = tpu.vector_load_idx %arg6[%add3A_329] : memref<16640xf32, #tpu.memory_space<vmem>>[vector<16xi32>], vector<16xf32>,
        %gt3A_331 = arith.cmpf ogt, %gather3A_330, %select_n3A_287 : vector<16xf32>
        %gt3A_332 = arith.cmpf ogt, %gather3A_330, %select_n3A_284 : vector<16xf32>
        %select_n3A_333 = arith.select %gt3A_332, %gather3A_330, %select_n3A_284 : vector<16xi1>, vector<16xf32>
        %select_n3A_334 = arith.select %gt3A_331, %select_n3A_287, %select_n3A_333 : vector<16xi1>, vector<16xf32>
        %select_n3A_335 = arith.select %gt3A_332, %broadcast_in_dim3A_326, %select_n3A_286 : vector<16xi1>, vector<16xi32>
        %select_n3A_336 = arith.select %gt3A_331, %select_n3A_288, %select_n3A_335 : vector<16xi1>, vector<16xi32>
        %select_n3A_337 = arith.select %gt3A_331, %gather3A_330, %select_n3A_287 : vector<16xi1>, vector<16xf32>
        %select_n3A_338 = arith.select %gt3A_331, %broadcast_in_dim3A_326, %select_n3A_288 : vector<16xi1>, vector<16xi32>
        %add3A_339 = arith.constant 6 : i32
        %add3A_340 = vector.broadcast %add3A_339 : i32 to vector<16xi32>
        %add3A_341 = arith.addi %mul3A_51, %add3A_340 : vector<16xi32>
        %gather3A_342 = tpu.vector_load_idx %arg6[%add3A_341] : memref<16640xf32, #tpu.memory_space<vmem>>[vector<16xi32>], vector<16xf32>,
        %gt3A_343 = arith.cmpf ogt, %gather3A_342, %select_n3A_299 : vector<16xf32>
        %gt3A_344 = arith.cmpf ogt, %gather3A_342, %select_n3A_296 : vector<16xf32>
        %select_n3A_345 = arith.select %gt3A_344, %gather3A_342, %select_n3A_296 : vector<16xi1>, vector<16xf32>
        %select_n3A_346 = arith.select %gt3A_343, %select_n3A_299, %select_n3A_345 : vector<16xi1>, vector<16xf32>
        %select_n3A_347 = arith.select %gt3A_344, %broadcast_in_dim3A_326, %select_n3A_298 : vector<16xi1>, vector<16xi32>
        %select_n3A_348 = arith.select %gt3A_343, %select_n3A_300, %select_n3A_347 : vector<16xi1>, vector<16xi32>
        %select_n3A_349 = arith.select %gt3A_343, %gather3A_342, %select_n3A_299 : vector<16xi1>, vector<16xf32>
        %select_n3A_350 = arith.select %gt3A_343, %broadcast_in_dim3A_326, %select_n3A_300 : vector<16xi1>, vector<16xi32>
        %add3A_351 = arith.constant 6 : i32
        %add3A_352 = vector.broadcast %add3A_351 : i32 to vector<16xi32>
        %add3A_353 = arith.addi %mul3A_63, %add3A_352 : vector<16xi32>
        %gather3A_354 = tpu.vector_load_idx %arg6[%add3A_353] : memref<16640xf32, #tpu.memory_space<vmem>>[vector<16xi32>], vector<16xf32>,
        %gt3A_355 = arith.cmpf ogt, %gather3A_354, %select_n3A_311 : vector<16xf32>
        %gt3A_356 = arith.cmpf ogt, %gather3A_354, %select_n3A_308 : vector<16xf32>
        %select_n3A_357 = arith.select %gt3A_356, %gather3A_354, %select_n3A_308 : vector<16xi1>, vector<16xf32>
        %select_n3A_358 = arith.select %gt3A_355, %select_n3A_311, %select_n3A_357 : vector<16xi1>, vector<16xf32>
        %select_n3A_359 = arith.select %gt3A_356, %broadcast_in_dim3A_326, %select_n3A_310 : vector<16xi1>, vector<16xi32>
        %select_n3A_360 = arith.select %gt3A_355, %select_n3A_312, %select_n3A_359 : vector<16xi1>, vector<16xi32>
        %select_n3A_361 = arith.select %gt3A_355, %gather3A_354, %select_n3A_311 : vector<16xi1>, vector<16xf32>
        %select_n3A_362 = arith.select %gt3A_355, %broadcast_in_dim3A_326, %select_n3A_312 : vector<16xi1>, vector<16xi32>
        %add3A_363 = arith.constant 6 : i32
        %add3A_364 = vector.broadcast %add3A_363 : i32 to vector<16xi32>
        %add3A_365 = arith.addi %mul3A_75, %add3A_364 : vector<16xi32>
        %gather3A_366 = tpu.vector_load_idx %arg6[%add3A_365] : memref<16640xf32, #tpu.memory_space<vmem>>[vector<16xi32>], vector<16xf32>,
        %gt3A_367 = arith.cmpf ogt, %gather3A_366, %select_n3A_323 : vector<16xf32>
        %gt3A_368 = arith.cmpf ogt, %gather3A_366, %select_n3A_320 : vector<16xf32>
        %select_n3A_369 = arith.select %gt3A_368, %gather3A_366, %select_n3A_320 : vector<16xi1>, vector<16xf32>
        %select_n3A_370 = arith.select %gt3A_367, %select_n3A_323, %select_n3A_369 : vector<16xi1>, vector<16xf32>
        %select_n3A_371 = arith.select %gt3A_368, %broadcast_in_dim3A_326, %select_n3A_322 : vector<16xi1>, vector<16xi32>
        %select_n3A_372 = arith.select %gt3A_367, %select_n3A_324, %select_n3A_371 : vector<16xi1>, vector<16xi32>
        %select_n3A_373 = arith.select %gt3A_367, %gather3A_366, %select_n3A_323 : vector<16xi1>, vector<16xf32>
        %select_n3A_374 = arith.select %gt3A_367, %broadcast_in_dim3A_326, %select_n3A_324 : vector<16xi1>, vector<16xi32>
        %broadcast_in_dim3A_375 = arith.constant 7 : i32
        %broadcast_in_dim3A_376 = vector.broadcast %broadcast_in_dim3A_375 : i32 to vector<16xi32>
        %add3A_377 = arith.constant 7 : i32
        %add3A_378 = vector.broadcast %add3A_377 : i32 to vector<16xi32>
        %add3A_379 = arith.addi %mul3A_40, %add3A_378 : vector<16xi32>
        %gather3A_380 = tpu.vector_load_idx %arg6[%add3A_379] : memref<16640xf32, #tpu.memory_space<vmem>>[vector<16xi32>], vector<16xf32>,
        %gt3A_381 = arith.cmpf ogt, %gather3A_380, %select_n3A_337 : vector<16xf32>
        %gt3A_382 = arith.cmpf ogt, %gather3A_380, %select_n3A_334 : vector<16xf32>
        %select_n3A_383 = arith.select %gt3A_382, %gather3A_380, %select_n3A_334 : vector<16xi1>, vector<16xf32>
        %select_n3A_384 = arith.select %gt3A_381, %select_n3A_337, %select_n3A_383 : vector<16xi1>, vector<16xf32>
        %select_n3A_385 = arith.select %gt3A_382, %broadcast_in_dim3A_376, %select_n3A_336 : vector<16xi1>, vector<16xi32>
        %select_n3A_386 = arith.select %gt3A_381, %select_n3A_338, %select_n3A_385 : vector<16xi1>, vector<16xi32>
        %select_n3A_387 = arith.select %gt3A_381, %gather3A_380, %select_n3A_337 : vector<16xi1>, vector<16xf32>
        %select_n3A_388 = arith.select %gt3A_381, %broadcast_in_dim3A_376, %select_n3A_338 : vector<16xi1>, vector<16xi32>
        %add3A_389 = arith.constant 7 : i32
        %add3A_390 = vector.broadcast %add3A_389 : i32 to vector<16xi32>
        %add3A_391 = arith.addi %mul3A_51, %add3A_390 : vector<16xi32>
        %gather3A_392 = tpu.vector_load_idx %arg6[%add3A_391] : memref<16640xf32, #tpu.memory_space<vmem>>[vector<16xi32>], vector<16xf32>,
        %gt3A_393 = arith.cmpf ogt, %gather3A_392, %select_n3A_349 : vector<16xf32>
        %gt3A_394 = arith.cmpf ogt, %gather3A_392, %select_n3A_346 : vector<16xf32>
        %select_n3A_395 = arith.select %gt3A_394, %gather3A_392, %select_n3A_346 : vector<16xi1>, vector<16xf32>
        %select_n3A_396 = arith.select %gt3A_393, %select_n3A_349, %select_n3A_395 : vector<16xi1>, vector<16xf32>
        %select_n3A_397 = arith.select %gt3A_394, %broadcast_in_dim3A_376, %select_n3A_348 : vector<16xi1>, vector<16xi32>
        %select_n3A_398 = arith.select %gt3A_393, %select_n3A_350, %select_n3A_397 : vector<16xi1>, vector<16xi32>
        %select_n3A_399 = arith.select %gt3A_393, %gather3A_392, %select_n3A_349 : vector<16xi1>, vector<16xf32>
        %select_n3A_400 = arith.select %gt3A_393, %broadcast_in_dim3A_376, %select_n3A_350 : vector<16xi1>, vector<16xi32>
        %add3A_401 = arith.constant 7 : i32
        %add3A_402 = vector.broadcast %add3A_401 : i32 to vector<16xi32>
        %add3A_403 = arith.addi %mul3A_63, %add3A_402 : vector<16xi32>
        %gather3A_404 = tpu.vector_load_idx %arg6[%add3A_403] : memref<16640xf32, #tpu.memory_space<vmem>>[vector<16xi32>], vector<16xf32>,
        %gt3A_405 = arith.cmpf ogt, %gather3A_404, %select_n3A_361 : vector<16xf32>
        %gt3A_406 = arith.cmpf ogt, %gather3A_404, %select_n3A_358 : vector<16xf32>
        %select_n3A_407 = arith.select %gt3A_406, %gather3A_404, %select_n3A_358 : vector<16xi1>, vector<16xf32>
        %select_n3A_408 = arith.select %gt3A_405, %select_n3A_361, %select_n3A_407 : vector<16xi1>, vector<16xf32>
        %select_n3A_409 = arith.select %gt3A_406, %broadcast_in_dim3A_376, %select_n3A_360 : vector<16xi1>, vector<16xi32>
        %select_n3A_410 = arith.select %gt3A_405, %select_n3A_362, %select_n3A_409 : vector<16xi1>, vector<16xi32>
        %select_n3A_411 = arith.select %gt3A_405, %gather3A_404, %select_n3A_361 : vector<16xi1>, vector<16xf32>
        %select_n3A_412 = arith.select %gt3A_405, %broadcast_in_dim3A_376, %select_n3A_362 : vector<16xi1>, vector<16xi32>
        %add3A_413 = arith.constant 7 : i32
        %add3A_414 = vector.broadcast %add3A_413 : i32 to vector<16xi32>
        %add3A_415 = arith.addi %mul3A_75, %add3A_414 : vector<16xi32>
        %gather3A_416 = tpu.vector_load_idx %arg6[%add3A_415] : memref<16640xf32, #tpu.memory_space<vmem>>[vector<16xi32>], vector<16xf32>,
        %gt3A_417 = arith.cmpf ogt, %gather3A_416, %select_n3A_373 : vector<16xf32>
        %gt3A_418 = arith.cmpf ogt, %gather3A_416, %select_n3A_370 : vector<16xf32>
        %select_n3A_419 = arith.select %gt3A_418, %gather3A_416, %select_n3A_370 : vector<16xi1>, vector<16xf32>
        %select_n3A_420 = arith.select %gt3A_417, %select_n3A_373, %select_n3A_419 : vector<16xi1>, vector<16xf32>
        %select_n3A_421 = arith.select %gt3A_418, %broadcast_in_dim3A_376, %select_n3A_372 : vector<16xi1>, vector<16xi32>
        %select_n3A_422 = arith.select %gt3A_417, %select_n3A_374, %select_n3A_421 : vector<16xi1>, vector<16xi32>
        %select_n3A_423 = arith.select %gt3A_417, %gather3A_416, %select_n3A_373 : vector<16xi1>, vector<16xf32>
        %select_n3A_424 = arith.select %gt3A_417, %broadcast_in_dim3A_376, %select_n3A_374 : vector<16xi1>, vector<16xi32>
        %broadcast_in_dim3A_425 = arith.constant 8 : i32
        %broadcast_in_dim3A_426 = vector.broadcast %broadcast_in_dim3A_425 : i32 to vector<16xi32>
        %add3A_427 = arith.constant 8 : i32
        %add3A_428 = vector.broadcast %add3A_427 : i32 to vector<16xi32>
        %add3A_429 = arith.addi %mul3A_40, %add3A_428 : vector<16xi32>
        %gather3A_430 = tpu.vector_load_idx %arg6[%add3A_429] : memref<16640xf32, #tpu.memory_space<vmem>>[vector<16xi32>], vector<16xf32>,
        %gt3A_431 = arith.cmpf ogt, %gather3A_430, %select_n3A_387 : vector<16xf32>
        %gt3A_432 = arith.cmpf ogt, %gather3A_430, %select_n3A_384 : vector<16xf32>
        %select_n3A_433 = arith.select %gt3A_432, %gather3A_430, %select_n3A_384 : vector<16xi1>, vector<16xf32>
        %select_n3A_434 = arith.select %gt3A_431, %select_n3A_387, %select_n3A_433 : vector<16xi1>, vector<16xf32>
        %select_n3A_435 = arith.select %gt3A_432, %broadcast_in_dim3A_426, %select_n3A_386 : vector<16xi1>, vector<16xi32>
        %select_n3A_436 = arith.select %gt3A_431, %select_n3A_388, %select_n3A_435 : vector<16xi1>, vector<16xi32>
        %select_n3A_437 = arith.select %gt3A_431, %gather3A_430, %select_n3A_387 : vector<16xi1>, vector<16xf32>
        %select_n3A_438 = arith.select %gt3A_431, %broadcast_in_dim3A_426, %select_n3A_388 : vector<16xi1>, vector<16xi32>
        %add3A_439 = arith.constant 8 : i32
        %add3A_440 = vector.broadcast %add3A_439 : i32 to vector<16xi32>
        %add3A_441 = arith.addi %mul3A_51, %add3A_440 : vector<16xi32>
        %gather3A_442 = tpu.vector_load_idx %arg6[%add3A_441] : memref<16640xf32, #tpu.memory_space<vmem>>[vector<16xi32>], vector<16xf32>,
        %gt3A_443 = arith.cmpf ogt, %gather3A_442, %select_n3A_399 : vector<16xf32>
        %gt3A_444 = arith.cmpf ogt, %gather3A_442, %select_n3A_396 : vector<16xf32>
        %select_n3A_445 = arith.select %gt3A_444, %gather3A_442, %select_n3A_396 : vector<16xi1>, vector<16xf32>
        %select_n3A_446 = arith.select %gt3A_443, %select_n3A_399, %select_n3A_445 : vector<16xi1>, vector<16xf32>
        %select_n3A_447 = arith.select %gt3A_444, %broadcast_in_dim3A_426, %select_n3A_398 : vector<16xi1>, vector<16xi32>
        %select_n3A_448 = arith.select %gt3A_443, %select_n3A_400, %select_n3A_447 : vector<16xi1>, vector<16xi32>
        %select_n3A_449 = arith.select %gt3A_443, %gather3A_442, %select_n3A_399 : vector<16xi1>, vector<16xf32>
        %select_n3A_450 = arith.select %gt3A_443, %broadcast_in_dim3A_426, %select_n3A_400 : vector<16xi1>, vector<16xi32>
        %add3A_451 = arith.constant 8 : i32
        %add3A_452 = vector.broadcast %add3A_451 : i32 to vector<16xi32>
        %add3A_453 = arith.addi %mul3A_63, %add3A_452 : vector<16xi32>
        %gather3A_454 = tpu.vector_load_idx %arg6[%add3A_453] : memref<16640xf32, #tpu.memory_space<vmem>>[vector<16xi32>], vector<16xf32>,
        %gt3A_455 = arith.cmpf ogt, %gather3A_454, %select_n3A_411 : vector<16xf32>
        %gt3A_456 = arith.cmpf ogt, %gather3A_454, %select_n3A_408 : vector<16xf32>
        %select_n3A_457 = arith.select %gt3A_456, %gather3A_454, %select_n3A_408 : vector<16xi1>, vector<16xf32>
        %select_n3A_458 = arith.select %gt3A_455, %select_n3A_411, %select_n3A_457 : vector<16xi1>, vector<16xf32>
        %select_n3A_459 = arith.select %gt3A_456, %broadcast_in_dim3A_426, %select_n3A_410 : vector<16xi1>, vector<16xi32>
        %select_n3A_460 = arith.select %gt3A_455, %select_n3A_412, %select_n3A_459 : vector<16xi1>, vector<16xi32>
        %select_n3A_461 = arith.select %gt3A_455, %gather3A_454, %select_n3A_411 : vector<16xi1>, vector<16xf32>
        %select_n3A_462 = arith.select %gt3A_455, %broadcast_in_dim3A_426, %select_n3A_412 : vector<16xi1>, vector<16xi32>
        %add3A_463 = arith.constant 8 : i32
        %add3A_464 = vector.broadcast %add3A_463 : i32 to vector<16xi32>
        %add3A_465 = arith.addi %mul3A_75, %add3A_464 : vector<16xi32>
        %gather3A_466 = tpu.vector_load_idx %arg6[%add3A_465] : memref<16640xf32, #tpu.memory_space<vmem>>[vector<16xi32>], vector<16xf32>,
        %gt3A_467 = arith.cmpf ogt, %gather3A_466, %select_n3A_423 : vector<16xf32>
        %gt3A_468 = arith.cmpf ogt, %gather3A_466, %select_n3A_420 : vector<16xf32>
        %select_n3A_469 = arith.select %gt3A_468, %gather3A_466, %select_n3A_420 : vector<16xi1>, vector<16xf32>
        %select_n3A_470 = arith.select %gt3A_467, %select_n3A_423, %select_n3A_469 : vector<16xi1>, vector<16xf32>
        %select_n3A_471 = arith.select %gt3A_468, %broadcast_in_dim3A_426, %select_n3A_422 : vector<16xi1>, vector<16xi32>
        %select_n3A_472 = arith.select %gt3A_467, %select_n3A_424, %select_n3A_471 : vector<16xi1>, vector<16xi32>
        %select_n3A_473 = arith.select %gt3A_467, %gather3A_466, %select_n3A_423 : vector<16xi1>, vector<16xf32>
        %select_n3A_474 = arith.select %gt3A_467, %broadcast_in_dim3A_426, %select_n3A_424 : vector<16xi1>, vector<16xi32>
        %broadcast_in_dim3A_475 = arith.constant 9 : i32
        %broadcast_in_dim3A_476 = vector.broadcast %broadcast_in_dim3A_475 : i32 to vector<16xi32>
        %add3A_477 = arith.constant 9 : i32
        %add3A_478 = vector.broadcast %add3A_477 : i32 to vector<16xi32>
        %add3A_479 = arith.addi %mul3A_40, %add3A_478 : vector<16xi32>
        %gather3A_480 = tpu.vector_load_idx %arg6[%add3A_479] : memref<16640xf32, #tpu.memory_space<vmem>>[vector<16xi32>], vector<16xf32>,
        %gt3A_481 = arith.cmpf ogt, %gather3A_480, %select_n3A_437 : vector<16xf32>
        %gt3A_482 = arith.cmpf ogt, %gather3A_480, %select_n3A_434 : vector<16xf32>
        %select_n3A_483 = arith.select %gt3A_482, %gather3A_480, %select_n3A_434 : vector<16xi1>, vector<16xf32>
        %select_n3A_484 = arith.select %gt3A_481, %select_n3A_437, %select_n3A_483 : vector<16xi1>, vector<16xf32>
        %select_n3A_485 = arith.select %gt3A_482, %broadcast_in_dim3A_476, %select_n3A_436 : vector<16xi1>, vector<16xi32>
        %select_n3A_486 = arith.select %gt3A_481, %select_n3A_438, %select_n3A_485 : vector<16xi1>, vector<16xi32>
        %select_n3A_487 = arith.select %gt3A_481, %gather3A_480, %select_n3A_437 : vector<16xi1>, vector<16xf32>
        %select_n3A_488 = arith.select %gt3A_481, %broadcast_in_dim3A_476, %select_n3A_438 : vector<16xi1>, vector<16xi32>
        %add3A_489 = arith.constant 9 : i32
        %add3A_490 = vector.broadcast %add3A_489 : i32 to vector<16xi32>
        %add3A_491 = arith.addi %mul3A_51, %add3A_490 : vector<16xi32>
        %gather3A_492 = tpu.vector_load_idx %arg6[%add3A_491] : memref<16640xf32, #tpu.memory_space<vmem>>[vector<16xi32>], vector<16xf32>,
        %gt3A_493 = arith.cmpf ogt, %gather3A_492, %select_n3A_449 : vector<16xf32>
        %gt3A_494 = arith.cmpf ogt, %gather3A_492, %select_n3A_446 : vector<16xf32>
        %select_n3A_495 = arith.select %gt3A_494, %gather3A_492, %select_n3A_446 : vector<16xi1>, vector<16xf32>
        %select_n3A_496 = arith.select %gt3A_493, %select_n3A_449, %select_n3A_495 : vector<16xi1>, vector<16xf32>
        %select_n3A_497 = arith.select %gt3A_494, %broadcast_in_dim3A_476, %select_n3A_448 : vector<16xi1>, vector<16xi32>
        %select_n3A_498 = arith.select %gt3A_493, %select_n3A_450, %select_n3A_497 : vector<16xi1>, vector<16xi32>
        %select_n3A_499 = arith.select %gt3A_493, %gather3A_492, %select_n3A_449 : vector<16xi1>, vector<16xf32>
        %select_n3A_500 = arith.select %gt3A_493, %broadcast_in_dim3A_476, %select_n3A_450 : vector<16xi1>, vector<16xi32>
        %add3A_501 = arith.constant 9 : i32
        %add3A_502 = vector.broadcast %add3A_501 : i32 to vector<16xi32>
        %add3A_503 = arith.addi %mul3A_63, %add3A_502 : vector<16xi32>
        %gather3A_504 = tpu.vector_load_idx %arg6[%add3A_503] : memref<16640xf32, #tpu.memory_space<vmem>>[vector<16xi32>], vector<16xf32>,
        %gt3A_505 = arith.cmpf ogt, %gather3A_504, %select_n3A_461 : vector<16xf32>
        %gt3A_506 = arith.cmpf ogt, %gather3A_504, %select_n3A_458 : vector<16xf32>
        %select_n3A_507 = arith.select %gt3A_506, %gather3A_504, %select_n3A_458 : vector<16xi1>, vector<16xf32>
        %select_n3A_508 = arith.select %gt3A_505, %select_n3A_461, %select_n3A_507 : vector<16xi1>, vector<16xf32>
        %select_n3A_509 = arith.select %gt3A_506, %broadcast_in_dim3A_476, %select_n3A_460 : vector<16xi1>, vector<16xi32>
        %select_n3A_510 = arith.select %gt3A_505, %select_n3A_462, %select_n3A_509 : vector<16xi1>, vector<16xi32>
        %select_n3A_511 = arith.select %gt3A_505, %gather3A_504, %select_n3A_461 : vector<16xi1>, vector<16xf32>
        %select_n3A_512 = arith.select %gt3A_505, %broadcast_in_dim3A_476, %select_n3A_462 : vector<16xi1>, vector<16xi32>
        %add3A_513 = arith.constant 9 : i32
        %add3A_514 = vector.broadcast %add3A_513 : i32 to vector<16xi32>
        %add3A_515 = arith.addi %mul3A_75, %add3A_514 : vector<16xi32>
        %gather3A_516 = tpu.vector_load_idx %arg6[%add3A_515] : memref<16640xf32, #tpu.memory_space<vmem>>[vector<16xi32>], vector<16xf32>,
        %gt3A_517 = arith.cmpf ogt, %gather3A_516, %select_n3A_473 : vector<16xf32>
        %gt3A_518 = arith.cmpf ogt, %gather3A_516, %select_n3A_470 : vector<16xf32>
        %select_n3A_519 = arith.select %gt3A_518, %gather3A_516, %select_n3A_470 : vector<16xi1>, vector<16xf32>
        %select_n3A_520 = arith.select %gt3A_517, %select_n3A_473, %select_n3A_519 : vector<16xi1>, vector<16xf32>
        %select_n3A_521 = arith.select %gt3A_518, %broadcast_in_dim3A_476, %select_n3A_472 : vector<16xi1>, vector<16xi32>
        %select_n3A_522 = arith.select %gt3A_517, %select_n3A_474, %select_n3A_521 : vector<16xi1>, vector<16xi32>
        %select_n3A_523 = arith.select %gt3A_517, %gather3A_516, %select_n3A_473 : vector<16xi1>, vector<16xf32>
        %select_n3A_524 = arith.select %gt3A_517, %broadcast_in_dim3A_476, %select_n3A_474 : vector<16xi1>, vector<16xi32>
        %broadcast_in_dim3A_525 = arith.constant 10 : i32
        %broadcast_in_dim3A_526 = vector.broadcast %broadcast_in_dim3A_525 : i32 to vector<16xi32>
        %add3A_527 = arith.constant 10 : i32
        %add3A_528 = vector.broadcast %add3A_527 : i32 to vector<16xi32>
        %add3A_529 = arith.addi %mul3A_40, %add3A_528 : vector<16xi32>
        %gather3A_530 = tpu.vector_load_idx %arg6[%add3A_529] : memref<16640xf32, #tpu.memory_space<vmem>>[vector<16xi32>], vector<16xf32>,
        %gt3A_531 = arith.cmpf ogt, %gather3A_530, %select_n3A_487 : vector<16xf32>
        %gt3A_532 = arith.cmpf ogt, %gather3A_530, %select_n3A_484 : vector<16xf32>
        %select_n3A_533 = arith.select %gt3A_532, %gather3A_530, %select_n3A_484 : vector<16xi1>, vector<16xf32>
        %select_n3A_534 = arith.select %gt3A_531, %select_n3A_487, %select_n3A_533 : vector<16xi1>, vector<16xf32>
        %select_n3A_535 = arith.select %gt3A_532, %broadcast_in_dim3A_526, %select_n3A_486 : vector<16xi1>, vector<16xi32>
        %select_n3A_536 = arith.select %gt3A_531, %select_n3A_488, %select_n3A_535 : vector<16xi1>, vector<16xi32>
        %select_n3A_537 = arith.select %gt3A_531, %gather3A_530, %select_n3A_487 : vector<16xi1>, vector<16xf32>
        %select_n3A_538 = arith.select %gt3A_531, %broadcast_in_dim3A_526, %select_n3A_488 : vector<16xi1>, vector<16xi32>
        %add3A_539 = arith.constant 10 : i32
        %add3A_540 = vector.broadcast %add3A_539 : i32 to vector<16xi32>
        %add3A_541 = arith.addi %mul3A_51, %add3A_540 : vector<16xi32>
        %gather3A_542 = tpu.vector_load_idx %arg6[%add3A_541] : memref<16640xf32, #tpu.memory_space<vmem>>[vector<16xi32>], vector<16xf32>,
        %gt3A_543 = arith.cmpf ogt, %gather3A_542, %select_n3A_499 : vector<16xf32>
        %gt3A_544 = arith.cmpf ogt, %gather3A_542, %select_n3A_496 : vector<16xf32>
        %select_n3A_545 = arith.select %gt3A_544, %gather3A_542, %select_n3A_496 : vector<16xi1>, vector<16xf32>
        %select_n3A_546 = arith.select %gt3A_543, %select_n3A_499, %select_n3A_545 : vector<16xi1>, vector<16xf32>
        %select_n3A_547 = arith.select %gt3A_544, %broadcast_in_dim3A_526, %select_n3A_498 : vector<16xi1>, vector<16xi32>
        %select_n3A_548 = arith.select %gt3A_543, %select_n3A_500, %select_n3A_547 : vector<16xi1>, vector<16xi32>
        %select_n3A_549 = arith.select %gt3A_543, %gather3A_542, %select_n3A_499 : vector<16xi1>, vector<16xf32>
        %select_n3A_550 = arith.select %gt3A_543, %broadcast_in_dim3A_526, %select_n3A_500 : vector<16xi1>, vector<16xi32>
        %add3A_551 = arith.constant 10 : i32
        %add3A_552 = vector.broadcast %add3A_551 : i32 to vector<16xi32>
        %add3A_553 = arith.addi %mul3A_63, %add3A_552 : vector<16xi32>
        %gather3A_554 = tpu.vector_load_idx %arg6[%add3A_553] : memref<16640xf32, #tpu.memory_space<vmem>>[vector<16xi32>], vector<16xf32>,
        %gt3A_555 = arith.cmpf ogt, %gather3A_554, %select_n3A_511 : vector<16xf32>
        %gt3A_556 = arith.cmpf ogt, %gather3A_554, %select_n3A_508 : vector<16xf32>
        %select_n3A_557 = arith.select %gt3A_556, %gather3A_554, %select_n3A_508 : vector<16xi1>, vector<16xf32>
        %select_n3A_558 = arith.select %gt3A_555, %select_n3A_511, %select_n3A_557 : vector<16xi1>, vector<16xf32>
        %select_n3A_559 = arith.select %gt3A_556, %broadcast_in_dim3A_526, %select_n3A_510 : vector<16xi1>, vector<16xi32>
        %select_n3A_560 = arith.select %gt3A_555, %select_n3A_512, %select_n3A_559 : vector<16xi1>, vector<16xi32>
        %select_n3A_561 = arith.select %gt3A_555, %gather3A_554, %select_n3A_511 : vector<16xi1>, vector<16xf32>
        %select_n3A_562 = arith.select %gt3A_555, %broadcast_in_dim3A_526, %select_n3A_512 : vector<16xi1>, vector<16xi32>
        %add3A_563 = arith.constant 10 : i32
        %add3A_564 = vector.broadcast %add3A_563 : i32 to vector<16xi32>
        %add3A_565 = arith.addi %mul3A_75, %add3A_564 : vector<16xi32>
        %gather3A_566 = tpu.vector_load_idx %arg6[%add3A_565] : memref<16640xf32, #tpu.memory_space<vmem>>[vector<16xi32>], vector<16xf32>,
        %gt3A_567 = arith.cmpf ogt, %gather3A_566, %select_n3A_523 : vector<16xf32>
        %gt3A_568 = arith.cmpf ogt, %gather3A_566, %select_n3A_520 : vector<16xf32>
        %select_n3A_569 = arith.select %gt3A_568, %gather3A_566, %select_n3A_520 : vector<16xi1>, vector<16xf32>
        %select_n3A_570 = arith.select %gt3A_567, %select_n3A_523, %select_n3A_569 : vector<16xi1>, vector<16xf32>
        %select_n3A_571 = arith.select %gt3A_568, %broadcast_in_dim3A_526, %select_n3A_522 : vector<16xi1>, vector<16xi32>
        %select_n3A_572 = arith.select %gt3A_567, %select_n3A_524, %select_n3A_571 : vector<16xi1>, vector<16xi32>
        %select_n3A_573 = arith.select %gt3A_567, %gather3A_566, %select_n3A_523 : vector<16xi1>, vector<16xf32>
        %select_n3A_574 = arith.select %gt3A_567, %broadcast_in_dim3A_526, %select_n3A_524 : vector<16xi1>, vector<16xi32>
        %broadcast_in_dim3A_575 = arith.constant 11 : i32
        %broadcast_in_dim3A_576 = vector.broadcast %broadcast_in_dim3A_575 : i32 to vector<16xi32>
        %add3A_577 = arith.constant 11 : i32
        %add3A_578 = vector.broadcast %add3A_577 : i32 to vector<16xi32>
        %add3A_579 = arith.addi %mul3A_40, %add3A_578 : vector<16xi32>
        %gather3A_580 = tpu.vector_load_idx %arg6[%add3A_579] : memref<16640xf32, #tpu.memory_space<vmem>>[vector<16xi32>], vector<16xf32>,
        %gt3A_581 = arith.cmpf ogt, %gather3A_580, %select_n3A_537 : vector<16xf32>
        %gt3A_582 = arith.cmpf ogt, %gather3A_580, %select_n3A_534 : vector<16xf32>
        %select_n3A_583 = arith.select %gt3A_582, %gather3A_580, %select_n3A_534 : vector<16xi1>, vector<16xf32>
        %select_n3A_584 = arith.select %gt3A_581, %select_n3A_537, %select_n3A_583 : vector<16xi1>, vector<16xf32>
        %select_n3A_585 = arith.select %gt3A_582, %broadcast_in_dim3A_576, %select_n3A_536 : vector<16xi1>, vector<16xi32>
        %select_n3A_586 = arith.select %gt3A_581, %select_n3A_538, %select_n3A_585 : vector<16xi1>, vector<16xi32>
        %select_n3A_587 = arith.select %gt3A_581, %gather3A_580, %select_n3A_537 : vector<16xi1>, vector<16xf32>
        %select_n3A_588 = arith.select %gt3A_581, %broadcast_in_dim3A_576, %select_n3A_538 : vector<16xi1>, vector<16xi32>
        %add3A_589 = arith.constant 11 : i32
        %add3A_590 = vector.broadcast %add3A_589 : i32 to vector<16xi32>
        %add3A_591 = arith.addi %mul3A_51, %add3A_590 : vector<16xi32>
        %gather3A_592 = tpu.vector_load_idx %arg6[%add3A_591] : memref<16640xf32, #tpu.memory_space<vmem>>[vector<16xi32>], vector<16xf32>,
        %gt3A_593 = arith.cmpf ogt, %gather3A_592, %select_n3A_549 : vector<16xf32>
        %gt3A_594 = arith.cmpf ogt, %gather3A_592, %select_n3A_546 : vector<16xf32>
        %select_n3A_595 = arith.select %gt3A_594, %gather3A_592, %select_n3A_546 : vector<16xi1>, vector<16xf32>
        %select_n3A_596 = arith.select %gt3A_593, %select_n3A_549, %select_n3A_595 : vector<16xi1>, vector<16xf32>
        %select_n3A_597 = arith.select %gt3A_594, %broadcast_in_dim3A_576, %select_n3A_548 : vector<16xi1>, vector<16xi32>
        %select_n3A_598 = arith.select %gt3A_593, %select_n3A_550, %select_n3A_597 : vector<16xi1>, vector<16xi32>
        %select_n3A_599 = arith.select %gt3A_593, %gather3A_592, %select_n3A_549 : vector<16xi1>, vector<16xf32>
        %select_n3A_600 = arith.select %gt3A_593, %broadcast_in_dim3A_576, %select_n3A_550 : vector<16xi1>, vector<16xi32>
        %add3A_601 = arith.constant 11 : i32
        %add3A_602 = vector.broadcast %add3A_601 : i32 to vector<16xi32>
        %add3A_603 = arith.addi %mul3A_63, %add3A_602 : vector<16xi32>
        %gather3A_604 = tpu.vector_load_idx %arg6[%add3A_603] : memref<16640xf32, #tpu.memory_space<vmem>>[vector<16xi32>], vector<16xf32>,
        %gt3A_605 = arith.cmpf ogt, %gather3A_604, %select_n3A_561 : vector<16xf32>
        %gt3A_606 = arith.cmpf ogt, %gather3A_604, %select_n3A_558 : vector<16xf32>
        %select_n3A_607 = arith.select %gt3A_606, %gather3A_604, %select_n3A_558 : vector<16xi1>, vector<16xf32>
        %select_n3A_608 = arith.select %gt3A_605, %select_n3A_561, %select_n3A_607 : vector<16xi1>, vector<16xf32>
        %select_n3A_609 = arith.select %gt3A_606, %broadcast_in_dim3A_576, %select_n3A_560 : vector<16xi1>, vector<16xi32>
        %select_n3A_610 = arith.select %gt3A_605, %select_n3A_562, %select_n3A_609 : vector<16xi1>, vector<16xi32>
        %select_n3A_611 = arith.select %gt3A_605, %gather3A_604, %select_n3A_561 : vector<16xi1>, vector<16xf32>
        %select_n3A_612 = arith.select %gt3A_605, %broadcast_in_dim3A_576, %select_n3A_562 : vector<16xi1>, vector<16xi32>
        %add3A_613 = arith.constant 11 : i32
        %add3A_614 = vector.broadcast %add3A_613 : i32 to vector<16xi32>
        %add3A_615 = arith.addi %mul3A_75, %add3A_614 : vector<16xi32>
        %gather3A_616 = tpu.vector_load_idx %arg6[%add3A_615] : memref<16640xf32, #tpu.memory_space<vmem>>[vector<16xi32>], vector<16xf32>,
        %gt3A_617 = arith.cmpf ogt, %gather3A_616, %select_n3A_573 : vector<16xf32>
        %gt3A_618 = arith.cmpf ogt, %gather3A_616, %select_n3A_570 : vector<16xf32>
        %select_n3A_619 = arith.select %gt3A_618, %gather3A_616, %select_n3A_570 : vector<16xi1>, vector<16xf32>
        %select_n3A_620 = arith.select %gt3A_617, %select_n3A_573, %select_n3A_619 : vector<16xi1>, vector<16xf32>
        %select_n3A_621 = arith.select %gt3A_618, %broadcast_in_dim3A_576, %select_n3A_572 : vector<16xi1>, vector<16xi32>
        %select_n3A_622 = arith.select %gt3A_617, %select_n3A_574, %select_n3A_621 : vector<16xi1>, vector<16xi32>
        %select_n3A_623 = arith.select %gt3A_617, %gather3A_616, %select_n3A_573 : vector<16xi1>, vector<16xf32>
        %select_n3A_624 = arith.select %gt3A_617, %broadcast_in_dim3A_576, %select_n3A_574 : vector<16xi1>, vector<16xi32>
        %broadcast_in_dim3A_625 = arith.constant 12 : i32
        %broadcast_in_dim3A_626 = vector.broadcast %broadcast_in_dim3A_625 : i32 to vector<16xi32>
        %add3A_627 = arith.constant 12 : i32
        %add3A_628 = vector.broadcast %add3A_627 : i32 to vector<16xi32>
        %add3A_629 = arith.addi %mul3A_40, %add3A_628 : vector<16xi32>
        %gather3A_630 = tpu.vector_load_idx %arg6[%add3A_629] : memref<16640xf32, #tpu.memory_space<vmem>>[vector<16xi32>], vector<16xf32>,
        %gt3A_631 = arith.cmpf ogt, %gather3A_630, %select_n3A_587 : vector<16xf32>
        %gt3A_632 = arith.cmpf ogt, %gather3A_630, %select_n3A_584 : vector<16xf32>
        %select_n3A_633 = arith.select %gt3A_632, %gather3A_630, %select_n3A_584 : vector<16xi1>, vector<16xf32>
        %select_n3A_634 = arith.select %gt3A_631, %select_n3A_587, %select_n3A_633 : vector<16xi1>, vector<16xf32>
        %select_n3A_635 = arith.select %gt3A_632, %broadcast_in_dim3A_626, %select_n3A_586 : vector<16xi1>, vector<16xi32>
        %select_n3A_636 = arith.select %gt3A_631, %select_n3A_588, %select_n3A_635 : vector<16xi1>, vector<16xi32>
        %select_n3A_637 = arith.select %gt3A_631, %gather3A_630, %select_n3A_587 : vector<16xi1>, vector<16xf32>
        %select_n3A_638 = arith.select %gt3A_631, %broadcast_in_dim3A_626, %select_n3A_588 : vector<16xi1>, vector<16xi32>
        %add3A_639 = arith.constant 12 : i32
        %add3A_640 = vector.broadcast %add3A_639 : i32 to vector<16xi32>
        %add3A_641 = arith.addi %mul3A_51, %add3A_640 : vector<16xi32>
        %gather3A_642 = tpu.vector_load_idx %arg6[%add3A_641] : memref<16640xf32, #tpu.memory_space<vmem>>[vector<16xi32>], vector<16xf32>,
        %gt3A_643 = arith.cmpf ogt, %gather3A_642, %select_n3A_599 : vector<16xf32>
        %gt3A_644 = arith.cmpf ogt, %gather3A_642, %select_n3A_596 : vector<16xf32>
        %select_n3A_645 = arith.select %gt3A_644, %gather3A_642, %select_n3A_596 : vector<16xi1>, vector<16xf32>
        %select_n3A_646 = arith.select %gt3A_643, %select_n3A_599, %select_n3A_645 : vector<16xi1>, vector<16xf32>
        %select_n3A_647 = arith.select %gt3A_644, %broadcast_in_dim3A_626, %select_n3A_598 : vector<16xi1>, vector<16xi32>
        %select_n3A_648 = arith.select %gt3A_643, %select_n3A_600, %select_n3A_647 : vector<16xi1>, vector<16xi32>
        %select_n3A_649 = arith.select %gt3A_643, %gather3A_642, %select_n3A_599 : vector<16xi1>, vector<16xf32>
        %select_n3A_650 = arith.select %gt3A_643, %broadcast_in_dim3A_626, %select_n3A_600 : vector<16xi1>, vector<16xi32>
        %add3A_651 = arith.constant 12 : i32
        %add3A_652 = vector.broadcast %add3A_651 : i32 to vector<16xi32>
        %add3A_653 = arith.addi %mul3A_63, %add3A_652 : vector<16xi32>
        %gather3A_654 = tpu.vector_load_idx %arg6[%add3A_653] : memref<16640xf32, #tpu.memory_space<vmem>>[vector<16xi32>], vector<16xf32>,
        %gt3A_655 = arith.cmpf ogt, %gather3A_654, %select_n3A_611 : vector<16xf32>
        %gt3A_656 = arith.cmpf ogt, %gather3A_654, %select_n3A_608 : vector<16xf32>
        %select_n3A_657 = arith.select %gt3A_656, %gather3A_654, %select_n3A_608 : vector<16xi1>, vector<16xf32>
        %select_n3A_658 = arith.select %gt3A_655, %select_n3A_611, %select_n3A_657 : vector<16xi1>, vector<16xf32>
        %select_n3A_659 = arith.select %gt3A_656, %broadcast_in_dim3A_626, %select_n3A_610 : vector<16xi1>, vector<16xi32>
        %select_n3A_660 = arith.select %gt3A_655, %select_n3A_612, %select_n3A_659 : vector<16xi1>, vector<16xi32>
        %select_n3A_661 = arith.select %gt3A_655, %gather3A_654, %select_n3A_611 : vector<16xi1>, vector<16xf32>
        %select_n3A_662 = arith.select %gt3A_655, %broadcast_in_dim3A_626, %select_n3A_612 : vector<16xi1>, vector<16xi32>
        %add3A_663 = arith.constant 12 : i32
        %add3A_664 = vector.broadcast %add3A_663 : i32 to vector<16xi32>
        %add3A_665 = arith.addi %mul3A_75, %add3A_664 : vector<16xi32>
        %gather3A_666 = tpu.vector_load_idx %arg6[%add3A_665] : memref<16640xf32, #tpu.memory_space<vmem>>[vector<16xi32>], vector<16xf32>,
        %gt3A_667 = arith.cmpf ogt, %gather3A_666, %select_n3A_623 : vector<16xf32>
        %gt3A_668 = arith.cmpf ogt, %gather3A_666, %select_n3A_620 : vector<16xf32>
        %select_n3A_669 = arith.select %gt3A_668, %gather3A_666, %select_n3A_620 : vector<16xi1>, vector<16xf32>
        %select_n3A_670 = arith.select %gt3A_667, %select_n3A_623, %select_n3A_669 : vector<16xi1>, vector<16xf32>
        %select_n3A_671 = arith.select %gt3A_668, %broadcast_in_dim3A_626, %select_n3A_622 : vector<16xi1>, vector<16xi32>
        %select_n3A_672 = arith.select %gt3A_667, %select_n3A_624, %select_n3A_671 : vector<16xi1>, vector<16xi32>
        %select_n3A_673 = arith.select %gt3A_667, %gather3A_666, %select_n3A_623 : vector<16xi1>, vector<16xf32>
        %select_n3A_674 = arith.select %gt3A_667, %broadcast_in_dim3A_626, %select_n3A_624 : vector<16xi1>, vector<16xi32>
        %broadcast_in_dim3A_675 = arith.constant 13 : i32
        %broadcast_in_dim3A_676 = vector.broadcast %broadcast_in_dim3A_675 : i32 to vector<16xi32>
        %add3A_677 = arith.constant 13 : i32
        %add3A_678 = vector.broadcast %add3A_677 : i32 to vector<16xi32>
        %add3A_679 = arith.addi %mul3A_40, %add3A_678 : vector<16xi32>
        %gather3A_680 = tpu.vector_load_idx %arg6[%add3A_679] : memref<16640xf32, #tpu.memory_space<vmem>>[vector<16xi32>], vector<16xf32>,
        %gt3A_681 = arith.cmpf ogt, %gather3A_680, %select_n3A_637 : vector<16xf32>
        %gt3A_682 = arith.cmpf ogt, %gather3A_680, %select_n3A_634 : vector<16xf32>
        %select_n3A_683 = arith.select %gt3A_682, %gather3A_680, %select_n3A_634 : vector<16xi1>, vector<16xf32>
        %select_n3A_684 = arith.select %gt3A_681, %select_n3A_637, %select_n3A_683 : vector<16xi1>, vector<16xf32>
        %select_n3A_685 = arith.select %gt3A_682, %broadcast_in_dim3A_676, %select_n3A_636 : vector<16xi1>, vector<16xi32>
        %select_n3A_686 = arith.select %gt3A_681, %select_n3A_638, %select_n3A_685 : vector<16xi1>, vector<16xi32>
        %select_n3A_687 = arith.select %gt3A_681, %gather3A_680, %select_n3A_637 : vector<16xi1>, vector<16xf32>
        %select_n3A_688 = arith.select %gt3A_681, %broadcast_in_dim3A_676, %select_n3A_638 : vector<16xi1>, vector<16xi32>
        %add3A_689 = arith.constant 13 : i32
        %add3A_690 = vector.broadcast %add3A_689 : i32 to vector<16xi32>
        %add3A_691 = arith.addi %mul3A_51, %add3A_690 : vector<16xi32>
        %gather3A_692 = tpu.vector_load_idx %arg6[%add3A_691] : memref<16640xf32, #tpu.memory_space<vmem>>[vector<16xi32>], vector<16xf32>,
        %gt3A_693 = arith.cmpf ogt, %gather3A_692, %select_n3A_649 : vector<16xf32>
        %gt3A_694 = arith.cmpf ogt, %gather3A_692, %select_n3A_646 : vector<16xf32>
        %select_n3A_695 = arith.select %gt3A_694, %gather3A_692, %select_n3A_646 : vector<16xi1>, vector<16xf32>
        %select_n3A_696 = arith.select %gt3A_693, %select_n3A_649, %select_n3A_695 : vector<16xi1>, vector<16xf32>
        %select_n3A_697 = arith.select %gt3A_694, %broadcast_in_dim3A_676, %select_n3A_648 : vector<16xi1>, vector<16xi32>
        %select_n3A_698 = arith.select %gt3A_693, %select_n3A_650, %select_n3A_697 : vector<16xi1>, vector<16xi32>
        %select_n3A_699 = arith.select %gt3A_693, %gather3A_692, %select_n3A_649 : vector<16xi1>, vector<16xf32>
        %select_n3A_700 = arith.select %gt3A_693, %broadcast_in_dim3A_676, %select_n3A_650 : vector<16xi1>, vector<16xi32>
        %add3A_701 = arith.constant 13 : i32
        %add3A_702 = vector.broadcast %add3A_701 : i32 to vector<16xi32>
        %add3A_703 = arith.addi %mul3A_63, %add3A_702 : vector<16xi32>
        %gather3A_704 = tpu.vector_load_idx %arg6[%add3A_703] : memref<16640xf32, #tpu.memory_space<vmem>>[vector<16xi32>], vector<16xf32>,
        %gt3A_705 = arith.cmpf ogt, %gather3A_704, %select_n3A_661 : vector<16xf32>
        %gt3A_706 = arith.cmpf ogt, %gather3A_704, %select_n3A_658 : vector<16xf32>
        %select_n3A_707 = arith.select %gt3A_706, %gather3A_704, %select_n3A_658 : vector<16xi1>, vector<16xf32>
        %select_n3A_708 = arith.select %gt3A_705, %select_n3A_661, %select_n3A_707 : vector<16xi1>, vector<16xf32>
        %select_n3A_709 = arith.select %gt3A_706, %broadcast_in_dim3A_676, %select_n3A_660 : vector<16xi1>, vector<16xi32>
        %select_n3A_710 = arith.select %gt3A_705, %select_n3A_662, %select_n3A_709 : vector<16xi1>, vector<16xi32>
        %select_n3A_711 = arith.select %gt3A_705, %gather3A_704, %select_n3A_661 : vector<16xi1>, vector<16xf32>
        %select_n3A_712 = arith.select %gt3A_705, %broadcast_in_dim3A_676, %select_n3A_662 : vector<16xi1>, vector<16xi32>
        %add3A_713 = arith.constant 13 : i32
        %add3A_714 = vector.broadcast %add3A_713 : i32 to vector<16xi32>
        %add3A_715 = arith.addi %mul3A_75, %add3A_714 : vector<16xi32>
        %gather3A_716 = tpu.vector_load_idx %arg6[%add3A_715] : memref<16640xf32, #tpu.memory_space<vmem>>[vector<16xi32>], vector<16xf32>,
        %gt3A_717 = arith.cmpf ogt, %gather3A_716, %select_n3A_673 : vector<16xf32>
        %gt3A_718 = arith.cmpf ogt, %gather3A_716, %select_n3A_670 : vector<16xf32>
        %select_n3A_719 = arith.select %gt3A_718, %gather3A_716, %select_n3A_670 : vector<16xi1>, vector<16xf32>
        %select_n3A_720 = arith.select %gt3A_717, %select_n3A_673, %select_n3A_719 : vector<16xi1>, vector<16xf32>
        %select_n3A_721 = arith.select %gt3A_718, %broadcast_in_dim3A_676, %select_n3A_672 : vector<16xi1>, vector<16xi32>
        %select_n3A_722 = arith.select %gt3A_717, %select_n3A_674, %select_n3A_721 : vector<16xi1>, vector<16xi32>
        %select_n3A_723 = arith.select %gt3A_717, %gather3A_716, %select_n3A_673 : vector<16xi1>, vector<16xf32>
        %select_n3A_724 = arith.select %gt3A_717, %broadcast_in_dim3A_676, %select_n3A_674 : vector<16xi1>, vector<16xi32>
        %broadcast_in_dim3A_725 = arith.constant 14 : i32
        %broadcast_in_dim3A_726 = vector.broadcast %broadcast_in_dim3A_725 : i32 to vector<16xi32>
        %add3A_727 = arith.constant 14 : i32
        %add3A_728 = vector.broadcast %add3A_727 : i32 to vector<16xi32>
        %add3A_729 = arith.addi %mul3A_40, %add3A_728 : vector<16xi32>
        %gather3A_730 = tpu.vector_load_idx %arg6[%add3A_729] : memref<16640xf32, #tpu.memory_space<vmem>>[vector<16xi32>], vector<16xf32>,
        %gt3A_731 = arith.cmpf ogt, %gather3A_730, %select_n3A_687 : vector<16xf32>
        %gt3A_732 = arith.cmpf ogt, %gather3A_730, %select_n3A_684 : vector<16xf32>
        %select_n3A_733 = arith.select %gt3A_732, %gather3A_730, %select_n3A_684 : vector<16xi1>, vector<16xf32>
        %select_n3A_734 = arith.select %gt3A_731, %select_n3A_687, %select_n3A_733 : vector<16xi1>, vector<16xf32>
        %select_n3A_735 = arith.select %gt3A_732, %broadcast_in_dim3A_726, %select_n3A_686 : vector<16xi1>, vector<16xi32>
        %select_n3A_736 = arith.select %gt3A_731, %select_n3A_688, %select_n3A_735 : vector<16xi1>, vector<16xi32>
        %select_n3A_737 = arith.select %gt3A_731, %gather3A_730, %select_n3A_687 : vector<16xi1>, vector<16xf32>
        %select_n3A_738 = arith.select %gt3A_731, %broadcast_in_dim3A_726, %select_n3A_688 : vector<16xi1>, vector<16xi32>
        %add3A_739 = arith.constant 14 : i32
        %add3A_740 = vector.broadcast %add3A_739 : i32 to vector<16xi32>
        %add3A_741 = arith.addi %mul3A_51, %add3A_740 : vector<16xi32>
        %gather3A_742 = tpu.vector_load_idx %arg6[%add3A_741] : memref<16640xf32, #tpu.memory_space<vmem>>[vector<16xi32>], vector<16xf32>,
        %gt3A_743 = arith.cmpf ogt, %gather3A_742, %select_n3A_699 : vector<16xf32>
        %gt3A_744 = arith.cmpf ogt, %gather3A_742, %select_n3A_696 : vector<16xf32>
        %select_n3A_745 = arith.select %gt3A_744, %gather3A_742, %select_n3A_696 : vector<16xi1>, vector<16xf32>
        %select_n3A_746 = arith.select %gt3A_743, %select_n3A_699, %select_n3A_745 : vector<16xi1>, vector<16xf32>
        %select_n3A_747 = arith.select %gt3A_744, %broadcast_in_dim3A_726, %select_n3A_698 : vector<16xi1>, vector<16xi32>
        %select_n3A_748 = arith.select %gt3A_743, %select_n3A_700, %select_n3A_747 : vector<16xi1>, vector<16xi32>
        %select_n3A_749 = arith.select %gt3A_743, %gather3A_742, %select_n3A_699 : vector<16xi1>, vector<16xf32>
        %select_n3A_750 = arith.select %gt3A_743, %broadcast_in_dim3A_726, %select_n3A_700 : vector<16xi1>, vector<16xi32>
        %add3A_751 = arith.constant 14 : i32
        %add3A_752 = vector.broadcast %add3A_751 : i32 to vector<16xi32>
        %add3A_753 = arith.addi %mul3A_63, %add3A_752 : vector<16xi32>
        %gather3A_754 = tpu.vector_load_idx %arg6[%add3A_753] : memref<16640xf32, #tpu.memory_space<vmem>>[vector<16xi32>], vector<16xf32>,
        %gt3A_755 = arith.cmpf ogt, %gather3A_754, %select_n3A_711 : vector<16xf32>
        %gt3A_756 = arith.cmpf ogt, %gather3A_754, %select_n3A_708 : vector<16xf32>
        %select_n3A_757 = arith.select %gt3A_756, %gather3A_754, %select_n3A_708 : vector<16xi1>, vector<16xf32>
        %select_n3A_758 = arith.select %gt3A_755, %select_n3A_711, %select_n3A_757 : vector<16xi1>, vector<16xf32>
        %select_n3A_759 = arith.select %gt3A_756, %broadcast_in_dim3A_726, %select_n3A_710 : vector<16xi1>, vector<16xi32>
        %select_n3A_760 = arith.select %gt3A_755, %select_n3A_712, %select_n3A_759 : vector<16xi1>, vector<16xi32>
        %select_n3A_761 = arith.select %gt3A_755, %gather3A_754, %select_n3A_711 : vector<16xi1>, vector<16xf32>
        %select_n3A_762 = arith.select %gt3A_755, %broadcast_in_dim3A_726, %select_n3A_712 : vector<16xi1>, vector<16xi32>
        %add3A_763 = arith.constant 14 : i32
        %add3A_764 = vector.broadcast %add3A_763 : i32 to vector<16xi32>
        %add3A_765 = arith.addi %mul3A_75, %add3A_764 : vector<16xi32>
        %gather3A_766 = tpu.vector_load_idx %arg6[%add3A_765] : memref<16640xf32, #tpu.memory_space<vmem>>[vector<16xi32>], vector<16xf32>,
        %gt3A_767 = arith.cmpf ogt, %gather3A_766, %select_n3A_723 : vector<16xf32>
        %gt3A_768 = arith.cmpf ogt, %gather3A_766, %select_n3A_720 : vector<16xf32>
        %select_n3A_769 = arith.select %gt3A_768, %gather3A_766, %select_n3A_720 : vector<16xi1>, vector<16xf32>
        %select_n3A_770 = arith.select %gt3A_767, %select_n3A_723, %select_n3A_769 : vector<16xi1>, vector<16xf32>
        %select_n3A_771 = arith.select %gt3A_768, %broadcast_in_dim3A_726, %select_n3A_722 : vector<16xi1>, vector<16xi32>
        %select_n3A_772 = arith.select %gt3A_767, %select_n3A_724, %select_n3A_771 : vector<16xi1>, vector<16xi32>
        %select_n3A_773 = arith.select %gt3A_767, %gather3A_766, %select_n3A_723 : vector<16xi1>, vector<16xf32>
        %select_n3A_774 = arith.select %gt3A_767, %broadcast_in_dim3A_726, %select_n3A_724 : vector<16xi1>, vector<16xi32>
        %broadcast_in_dim3A_775 = arith.constant 15 : i32
        %broadcast_in_dim3A_776 = vector.broadcast %broadcast_in_dim3A_775 : i32 to vector<16xi32>
        %add3A_777 = arith.constant 15 : i32
        %add3A_778 = vector.broadcast %add3A_777 : i32 to vector<16xi32>
        %add3A_779 = arith.addi %mul3A_40, %add3A_778 : vector<16xi32>
        %gather3A_780 = tpu.vector_load_idx %arg6[%add3A_779] : memref<16640xf32, #tpu.memory_space<vmem>>[vector<16xi32>], vector<16xf32>,
        %gt3A_781 = arith.cmpf ogt, %gather3A_780, %select_n3A_737 : vector<16xf32>
        %gt3A_782 = arith.cmpf ogt, %gather3A_780, %select_n3A_734 : vector<16xf32>
        %select_n3A_783 = arith.select %gt3A_782, %gather3A_780, %select_n3A_734 : vector<16xi1>, vector<16xf32>
        %select_n3A_784 = arith.select %gt3A_781, %select_n3A_737, %select_n3A_783 : vector<16xi1>, vector<16xf32>
        %select_n3A_785 = arith.select %gt3A_782, %broadcast_in_dim3A_776, %select_n3A_736 : vector<16xi1>, vector<16xi32>
        %select_n3A_786 = arith.select %gt3A_781, %select_n3A_738, %select_n3A_785 : vector<16xi1>, vector<16xi32>
        %select_n3A_787 = arith.select %gt3A_781, %gather3A_780, %select_n3A_737 : vector<16xi1>, vector<16xf32>
        %select_n3A_788 = arith.select %gt3A_781, %broadcast_in_dim3A_776, %select_n3A_738 : vector<16xi1>, vector<16xi32>
        %add3A_789 = arith.constant 15 : i32
        %add3A_790 = vector.broadcast %add3A_789 : i32 to vector<16xi32>
        %add3A_791 = arith.addi %mul3A_51, %add3A_790 : vector<16xi32>
        %gather3A_792 = tpu.vector_load_idx %arg6[%add3A_791] : memref<16640xf32, #tpu.memory_space<vmem>>[vector<16xi32>], vector<16xf32>,
        %gt3A_793 = arith.cmpf ogt, %gather3A_792, %select_n3A_749 : vector<16xf32>
        %gt3A_794 = arith.cmpf ogt, %gather3A_792, %select_n3A_746 : vector<16xf32>
        %select_n3A_795 = arith.select %gt3A_794, %gather3A_792, %select_n3A_746 : vector<16xi1>, vector<16xf32>
        %select_n3A_796 = arith.select %gt3A_793, %select_n3A_749, %select_n3A_795 : vector<16xi1>, vector<16xf32>
        %select_n3A_797 = arith.select %gt3A_794, %broadcast_in_dim3A_776, %select_n3A_748 : vector<16xi1>, vector<16xi32>
        %select_n3A_798 = arith.select %gt3A_793, %select_n3A_750, %select_n3A_797 : vector<16xi1>, vector<16xi32>
        %select_n3A_799 = arith.select %gt3A_793, %gather3A_792, %select_n3A_749 : vector<16xi1>, vector<16xf32>
        %select_n3A_800 = arith.select %gt3A_793, %broadcast_in_dim3A_776, %select_n3A_750 : vector<16xi1>, vector<16xi32>
        %add3A_801 = arith.constant 15 : i32
        %add3A_802 = vector.broadcast %add3A_801 : i32 to vector<16xi32>
        %add3A_803 = arith.addi %mul3A_63, %add3A_802 : vector<16xi32>
        %gather3A_804 = tpu.vector_load_idx %arg6[%add3A_803] : memref<16640xf32, #tpu.memory_space<vmem>>[vector<16xi32>], vector<16xf32>,
        %gt3A_805 = arith.cmpf ogt, %gather3A_804, %select_n3A_761 : vector<16xf32>
        %gt3A_806 = arith.cmpf ogt, %gather3A_804, %select_n3A_758 : vector<16xf32>
        %select_n3A_807 = arith.select %gt3A_806, %gather3A_804, %select_n3A_758 : vector<16xi1>, vector<16xf32>
        %select_n3A_808 = arith.select %gt3A_805, %select_n3A_761, %select_n3A_807 : vector<16xi1>, vector<16xf32>
        %select_n3A_809 = arith.select %gt3A_806, %broadcast_in_dim3A_776, %select_n3A_760 : vector<16xi1>, vector<16xi32>
        %select_n3A_810 = arith.select %gt3A_805, %select_n3A_762, %select_n3A_809 : vector<16xi1>, vector<16xi32>
        %select_n3A_811 = arith.select %gt3A_805, %gather3A_804, %select_n3A_761 : vector<16xi1>, vector<16xf32>
        %select_n3A_812 = arith.select %gt3A_805, %broadcast_in_dim3A_776, %select_n3A_762 : vector<16xi1>, vector<16xi32>
        %add3A_813 = arith.constant 15 : i32
        %add3A_814 = vector.broadcast %add3A_813 : i32 to vector<16xi32>
        %add3A_815 = arith.addi %mul3A_75, %add3A_814 : vector<16xi32>
        %gather3A_816 = tpu.vector_load_idx %arg6[%add3A_815] : memref<16640xf32, #tpu.memory_space<vmem>>[vector<16xi32>], vector<16xf32>,
        %gt3A_817 = arith.cmpf ogt, %gather3A_816, %select_n3A_773 : vector<16xf32>
        %gt3A_818 = arith.cmpf ogt, %gather3A_816, %select_n3A_770 : vector<16xf32>
        %select_n3A_819 = arith.select %gt3A_818, %gather3A_816, %select_n3A_770 : vector<16xi1>, vector<16xf32>
        %select_n3A_820 = arith.select %gt3A_817, %select_n3A_773, %select_n3A_819 : vector<16xi1>, vector<16xf32>
        %select_n3A_821 = arith.select %gt3A_818, %broadcast_in_dim3A_776, %select_n3A_772 : vector<16xi1>, vector<16xi32>
        %select_n3A_822 = arith.select %gt3A_817, %select_n3A_774, %select_n3A_821 : vector<16xi1>, vector<16xi32>
        %select_n3A_823 = arith.select %gt3A_817, %gather3A_816, %select_n3A_773 : vector<16xi1>, vector<16xf32>
        %select_n3A_824 = arith.select %gt3A_817, %broadcast_in_dim3A_776, %select_n3A_774 : vector<16xi1>, vector<16xi32>
        %broadcast_in_dim3A_825 = arith.constant 16 : i32
        %broadcast_in_dim3A_826 = vector.broadcast %broadcast_in_dim3A_825 : i32 to vector<16xi32>
        %add3A_827 = arith.constant 16 : i32
        %add3A_828 = vector.broadcast %add3A_827 : i32 to vector<16xi32>
        %add3A_829 = arith.addi %mul3A_40, %add3A_828 : vector<16xi32>
        %gather3A_830 = tpu.vector_load_idx %arg6[%add3A_829] : memref<16640xf32, #tpu.memory_space<vmem>>[vector<16xi32>], vector<16xf32>,
        %gt3A_831 = arith.cmpf ogt, %gather3A_830, %select_n3A_787 : vector<16xf32>
        %gt3A_832 = arith.cmpf ogt, %gather3A_830, %select_n3A_784 : vector<16xf32>
        %select_n3A_833 = arith.select %gt3A_832, %gather3A_830, %select_n3A_784 : vector<16xi1>, vector<16xf32>
        %select_n3A_834 = arith.select %gt3A_831, %select_n3A_787, %select_n3A_833 : vector<16xi1>, vector<16xf32>
        %select_n3A_835 = arith.select %gt3A_832, %broadcast_in_dim3A_826, %select_n3A_786 : vector<16xi1>, vector<16xi32>
        %select_n3A_836 = arith.select %gt3A_831, %select_n3A_788, %select_n3A_835 : vector<16xi1>, vector<16xi32>
        %select_n3A_837 = arith.select %gt3A_831, %gather3A_830, %select_n3A_787 : vector<16xi1>, vector<16xf32>
        %select_n3A_838 = arith.select %gt3A_831, %broadcast_in_dim3A_826, %select_n3A_788 : vector<16xi1>, vector<16xi32>
        %add3A_839 = arith.constant 16 : i32
        %add3A_840 = vector.broadcast %add3A_839 : i32 to vector<16xi32>
        %add3A_841 = arith.addi %mul3A_51, %add3A_840 : vector<16xi32>
        %gather3A_842 = tpu.vector_load_idx %arg6[%add3A_841] : memref<16640xf32, #tpu.memory_space<vmem>>[vector<16xi32>], vector<16xf32>,
        %gt3A_843 = arith.cmpf ogt, %gather3A_842, %select_n3A_799 : vector<16xf32>
        %gt3A_844 = arith.cmpf ogt, %gather3A_842, %select_n3A_796 : vector<16xf32>
        %select_n3A_845 = arith.select %gt3A_844, %gather3A_842, %select_n3A_796 : vector<16xi1>, vector<16xf32>
        %select_n3A_846 = arith.select %gt3A_843, %select_n3A_799, %select_n3A_845 : vector<16xi1>, vector<16xf32>
        %select_n3A_847 = arith.select %gt3A_844, %broadcast_in_dim3A_826, %select_n3A_798 : vector<16xi1>, vector<16xi32>
        %select_n3A_848 = arith.select %gt3A_843, %select_n3A_800, %select_n3A_847 : vector<16xi1>, vector<16xi32>
        %select_n3A_849 = arith.select %gt3A_843, %gather3A_842, %select_n3A_799 : vector<16xi1>, vector<16xf32>
        %select_n3A_850 = arith.select %gt3A_843, %broadcast_in_dim3A_826, %select_n3A_800 : vector<16xi1>, vector<16xi32>
        %add3A_851 = arith.constant 16 : i32
        %add3A_852 = vector.broadcast %add3A_851 : i32 to vector<16xi32>
        %add3A_853 = arith.addi %mul3A_63, %add3A_852 : vector<16xi32>
        %gather3A_854 = tpu.vector_load_idx %arg6[%add3A_853] : memref<16640xf32, #tpu.memory_space<vmem>>[vector<16xi32>], vector<16xf32>,
        %gt3A_855 = arith.cmpf ogt, %gather3A_854, %select_n3A_811 : vector<16xf32>
        %gt3A_856 = arith.cmpf ogt, %gather3A_854, %select_n3A_808 : vector<16xf32>
        %select_n3A_857 = arith.select %gt3A_856, %gather3A_854, %select_n3A_808 : vector<16xi1>, vector<16xf32>
        %select_n3A_858 = arith.select %gt3A_855, %select_n3A_811, %select_n3A_857 : vector<16xi1>, vector<16xf32>
        %select_n3A_859 = arith.select %gt3A_856, %broadcast_in_dim3A_826, %select_n3A_810 : vector<16xi1>, vector<16xi32>
        %select_n3A_860 = arith.select %gt3A_855, %select_n3A_812, %select_n3A_859 : vector<16xi1>, vector<16xi32>
        %select_n3A_861 = arith.select %gt3A_855, %gather3A_854, %select_n3A_811 : vector<16xi1>, vector<16xf32>
        %select_n3A_862 = arith.select %gt3A_855, %broadcast_in_dim3A_826, %select_n3A_812 : vector<16xi1>, vector<16xi32>
        %add3A_863 = arith.constant 16 : i32
        %add3A_864 = vector.broadcast %add3A_863 : i32 to vector<16xi32>
        %add3A_865 = arith.addi %mul3A_75, %add3A_864 : vector<16xi32>
        %gather3A_866 = tpu.vector_load_idx %arg6[%add3A_865] : memref<16640xf32, #tpu.memory_space<vmem>>[vector<16xi32>], vector<16xf32>,
        %gt3A_867 = arith.cmpf ogt, %gather3A_866, %select_n3A_823 : vector<16xf32>
        %gt3A_868 = arith.cmpf ogt, %gather3A_866, %select_n3A_820 : vector<16xf32>
        %select_n3A_869 = arith.select %gt3A_868, %gather3A_866, %select_n3A_820 : vector<16xi1>, vector<16xf32>
        %select_n3A_870 = arith.select %gt3A_867, %select_n3A_823, %select_n3A_869 : vector<16xi1>, vector<16xf32>
        %select_n3A_871 = arith.select %gt3A_868, %broadcast_in_dim3A_826, %select_n3A_822 : vector<16xi1>, vector<16xi32>
        %select_n3A_872 = arith.select %gt3A_867, %select_n3A_824, %select_n3A_871 : vector<16xi1>, vector<16xi32>
        %select_n3A_873 = arith.select %gt3A_867, %gather3A_866, %select_n3A_823 : vector<16xi1>, vector<16xf32>
        %select_n3A_874 = arith.select %gt3A_867, %broadcast_in_dim3A_826, %select_n3A_824 : vector<16xi1>, vector<16xi32>
        %broadcast_in_dim3A_875 = arith.constant 17 : i32
        %broadcast_in_dim3A_876 = vector.broadcast %broadcast_in_dim3A_875 : i32 to vector<16xi32>
        %add3A_877 = arith.constant 17 : i32
        %add3A_878 = vector.broadcast %add3A_877 : i32 to vector<16xi32>
        %add3A_879 = arith.addi %mul3A_40, %add3A_878 : vector<16xi32>
        %gather3A_880 = tpu.vector_load_idx %arg6[%add3A_879] : memref<16640xf32, #tpu.memory_space<vmem>>[vector<16xi32>], vector<16xf32>,
        %gt3A_881 = arith.cmpf ogt, %gather3A_880, %select_n3A_837 : vector<16xf32>
        %gt3A_882 = arith.cmpf ogt, %gather3A_880, %select_n3A_834 : vector<16xf32>
        %select_n3A_883 = arith.select %gt3A_882, %gather3A_880, %select_n3A_834 : vector<16xi1>, vector<16xf32>
        %select_n3A_884 = arith.select %gt3A_881, %select_n3A_837, %select_n3A_883 : vector<16xi1>, vector<16xf32>
        %select_n3A_885 = arith.select %gt3A_882, %broadcast_in_dim3A_876, %select_n3A_836 : vector<16xi1>, vector<16xi32>
        %select_n3A_886 = arith.select %gt3A_881, %select_n3A_838, %select_n3A_885 : vector<16xi1>, vector<16xi32>
        %select_n3A_887 = arith.select %gt3A_881, %gather3A_880, %select_n3A_837 : vector<16xi1>, vector<16xf32>
        %select_n3A_888 = arith.select %gt3A_881, %broadcast_in_dim3A_876, %select_n3A_838 : vector<16xi1>, vector<16xi32>
        %add3A_889 = arith.constant 17 : i32
        %add3A_890 = vector.broadcast %add3A_889 : i32 to vector<16xi32>
        %add3A_891 = arith.addi %mul3A_51, %add3A_890 : vector<16xi32>
        %gather3A_892 = tpu.vector_load_idx %arg6[%add3A_891] : memref<16640xf32, #tpu.memory_space<vmem>>[vector<16xi32>], vector<16xf32>,
        %gt3A_893 = arith.cmpf ogt, %gather3A_892, %select_n3A_849 : vector<16xf32>
        %gt3A_894 = arith.cmpf ogt, %gather3A_892, %select_n3A_846 : vector<16xf32>
        %select_n3A_895 = arith.select %gt3A_894, %gather3A_892, %select_n3A_846 : vector<16xi1>, vector<16xf32>
        %select_n3A_896 = arith.select %gt3A_893, %select_n3A_849, %select_n3A_895 : vector<16xi1>, vector<16xf32>
        %select_n3A_897 = arith.select %gt3A_894, %broadcast_in_dim3A_876, %select_n3A_848 : vector<16xi1>, vector<16xi32>
        %select_n3A_898 = arith.select %gt3A_893, %select_n3A_850, %select_n3A_897 : vector<16xi1>, vector<16xi32>
        %select_n3A_899 = arith.select %gt3A_893, %gather3A_892, %select_n3A_849 : vector<16xi1>, vector<16xf32>
        %select_n3A_900 = arith.select %gt3A_893, %broadcast_in_dim3A_876, %select_n3A_850 : vector<16xi1>, vector<16xi32>
        %add3A_901 = arith.constant 17 : i32
        %add3A_902 = vector.broadcast %add3A_901 : i32 to vector<16xi32>
        %add3A_903 = arith.addi %mul3A_63, %add3A_902 : vector<16xi32>
        %gather3A_904 = tpu.vector_load_idx %arg6[%add3A_903] : memref<16640xf32, #tpu.memory_space<vmem>>[vector<16xi32>], vector<16xf32>,
        %gt3A_905 = arith.cmpf ogt, %gather3A_904, %select_n3A_861 : vector<16xf32>
        %gt3A_906 = arith.cmpf ogt, %gather3A_904, %select_n3A_858 : vector<16xf32>
        %select_n3A_907 = arith.select %gt3A_906, %gather3A_904, %select_n3A_858 : vector<16xi1>, vector<16xf32>
        %select_n3A_908 = arith.select %gt3A_905, %select_n3A_861, %select_n3A_907 : vector<16xi1>, vector<16xf32>
        %select_n3A_909 = arith.select %gt3A_906, %broadcast_in_dim3A_876, %select_n3A_860 : vector<16xi1>, vector<16xi32>
        %select_n3A_910 = arith.select %gt3A_905, %select_n3A_862, %select_n3A_909 : vector<16xi1>, vector<16xi32>
        %select_n3A_911 = arith.select %gt3A_905, %gather3A_904, %select_n3A_861 : vector<16xi1>, vector<16xf32>
        %select_n3A_912 = arith.select %gt3A_905, %broadcast_in_dim3A_876, %select_n3A_862 : vector<16xi1>, vector<16xi32>
        %add3A_913 = arith.constant 17 : i32
        %add3A_914 = vector.broadcast %add3A_913 : i32 to vector<16xi32>
        %add3A_915 = arith.addi %mul3A_75, %add3A_914 : vector<16xi32>
        %gather3A_916 = tpu.vector_load_idx %arg6[%add3A_915] : memref<16640xf32, #tpu.memory_space<vmem>>[vector<16xi32>], vector<16xf32>,
        %gt3A_917 = arith.cmpf ogt, %gather3A_916, %select_n3A_873 : vector<16xf32>
        %gt3A_918 = arith.cmpf ogt, %gather3A_916, %select_n3A_870 : vector<16xf32>
        %select_n3A_919 = arith.select %gt3A_918, %gather3A_916, %select_n3A_870 : vector<16xi1>, vector<16xf32>
        %select_n3A_920 = arith.select %gt3A_917, %select_n3A_873, %select_n3A_919 : vector<16xi1>, vector<16xf32>
        %select_n3A_921 = arith.select %gt3A_918, %broadcast_in_dim3A_876, %select_n3A_872 : vector<16xi1>, vector<16xi32>
        %select_n3A_922 = arith.select %gt3A_917, %select_n3A_874, %select_n3A_921 : vector<16xi1>, vector<16xi32>
        %select_n3A_923 = arith.select %gt3A_917, %gather3A_916, %select_n3A_873 : vector<16xi1>, vector<16xf32>
        %select_n3A_924 = arith.select %gt3A_917, %broadcast_in_dim3A_876, %select_n3A_874 : vector<16xi1>, vector<16xi32>
        %broadcast_in_dim3A_925 = arith.constant 18 : i32
        %broadcast_in_dim3A_926 = vector.broadcast %broadcast_in_dim3A_925 : i32 to vector<16xi32>
        %add3A_927 = arith.constant 18 : i32
        %add3A_928 = vector.broadcast %add3A_927 : i32 to vector<16xi32>
        %add3A_929 = arith.addi %mul3A_40, %add3A_928 : vector<16xi32>
        %gather3A_930 = tpu.vector_load_idx %arg6[%add3A_929] : memref<16640xf32, #tpu.memory_space<vmem>>[vector<16xi32>], vector<16xf32>,
        %gt3A_931 = arith.cmpf ogt, %gather3A_930, %select_n3A_887 : vector<16xf32>
        %gt3A_932 = arith.cmpf ogt, %gather3A_930, %select_n3A_884 : vector<16xf32>
        %select_n3A_933 = arith.select %gt3A_932, %gather3A_930, %select_n3A_884 : vector<16xi1>, vector<16xf32>
        %select_n3A_934 = arith.select %gt3A_931, %select_n3A_887, %select_n3A_933 : vector<16xi1>, vector<16xf32>
        %select_n3A_935 = arith.select %gt3A_932, %broadcast_in_dim3A_926, %select_n3A_886 : vector<16xi1>, vector<16xi32>
        %select_n3A_936 = arith.select %gt3A_931, %select_n3A_888, %select_n3A_935 : vector<16xi1>, vector<16xi32>
        %select_n3A_937 = arith.select %gt3A_931, %gather3A_930, %select_n3A_887 : vector<16xi1>, vector<16xf32>
        %select_n3A_938 = arith.select %gt3A_931, %broadcast_in_dim3A_926, %select_n3A_888 : vector<16xi1>, vector<16xi32>
        %add3A_939 = arith.constant 18 : i32
        %add3A_940 = vector.broadcast %add3A_939 : i32 to vector<16xi32>
        %add3A_941 = arith.addi %mul3A_51, %add3A_940 : vector<16xi32>
        %gather3A_942 = tpu.vector_load_idx %arg6[%add3A_941] : memref<16640xf32, #tpu.memory_space<vmem>>[vector<16xi32>], vector<16xf32>,
        %gt3A_943 = arith.cmpf ogt, %gather3A_942, %select_n3A_899 : vector<16xf32>
        %gt3A_944 = arith.cmpf ogt, %gather3A_942, %select_n3A_896 : vector<16xf32>
        %select_n3A_945 = arith.select %gt3A_944, %gather3A_942, %select_n3A_896 : vector<16xi1>, vector<16xf32>
        %select_n3A_946 = arith.select %gt3A_943, %select_n3A_899, %select_n3A_945 : vector<16xi1>, vector<16xf32>
        %select_n3A_947 = arith.select %gt3A_944, %broadcast_in_dim3A_926, %select_n3A_898 : vector<16xi1>, vector<16xi32>
        %select_n3A_948 = arith.select %gt3A_943, %select_n3A_900, %select_n3A_947 : vector<16xi1>, vector<16xi32>
        %select_n3A_949 = arith.select %gt3A_943, %gather3A_942, %select_n3A_899 : vector<16xi1>, vector<16xf32>
        %select_n3A_950 = arith.select %gt3A_943, %broadcast_in_dim3A_926, %select_n3A_900 : vector<16xi1>, vector<16xi32>
        %add3A_951 = arith.constant 18 : i32
        %add3A_952 = vector.broadcast %add3A_951 : i32 to vector<16xi32>
        %add3A_953 = arith.addi %mul3A_63, %add3A_952 : vector<16xi32>
        %gather3A_954 = tpu.vector_load_idx %arg6[%add3A_953] : memref<16640xf32, #tpu.memory_space<vmem>>[vector<16xi32>], vector<16xf32>,
        %gt3A_955 = arith.cmpf ogt, %gather3A_954, %select_n3A_911 : vector<16xf32>
        %gt3A_956 = arith.cmpf ogt, %gather3A_954, %select_n3A_908 : vector<16xf32>
        %select_n3A_957 = arith.select %gt3A_956, %gather3A_954, %select_n3A_908 : vector<16xi1>, vector<16xf32>
        %select_n3A_958 = arith.select %gt3A_955, %select_n3A_911, %select_n3A_957 : vector<16xi1>, vector<16xf32>
        %select_n3A_959 = arith.select %gt3A_956, %broadcast_in_dim3A_926, %select_n3A_910 : vector<16xi1>, vector<16xi32>
        %select_n3A_960 = arith.select %gt3A_955, %select_n3A_912, %select_n3A_959 : vector<16xi1>, vector<16xi32>
        %select_n3A_961 = arith.select %gt3A_955, %gather3A_954, %select_n3A_911 : vector<16xi1>, vector<16xf32>
        %select_n3A_962 = arith.select %gt3A_955, %broadcast_in_dim3A_926, %select_n3A_912 : vector<16xi1>, vector<16xi32>
        %add3A_963 = arith.constant 18 : i32
        %add3A_964 = vector.broadcast %add3A_963 : i32 to vector<16xi32>
        %add3A_965 = arith.addi %mul3A_75, %add3A_964 : vector<16xi32>
        %gather3A_966 = tpu.vector_load_idx %arg6[%add3A_965] : memref<16640xf32, #tpu.memory_space<vmem>>[vector<16xi32>], vector<16xf32>,
        %gt3A_967 = arith.cmpf ogt, %gather3A_966, %select_n3A_923 : vector<16xf32>
        %gt3A_968 = arith.cmpf ogt, %gather3A_966, %select_n3A_920 : vector<16xf32>
        %select_n3A_969 = arith.select %gt3A_968, %gather3A_966, %select_n3A_920 : vector<16xi1>, vector<16xf32>
        %select_n3A_970 = arith.select %gt3A_967, %select_n3A_923, %select_n3A_969 : vector<16xi1>, vector<16xf32>
        %select_n3A_971 = arith.select %gt3A_968, %broadcast_in_dim3A_926, %select_n3A_922 : vector<16xi1>, vector<16xi32>
        %select_n3A_972 = arith.select %gt3A_967, %select_n3A_924, %select_n3A_971 : vector<16xi1>, vector<16xi32>
        %select_n3A_973 = arith.select %gt3A_967, %gather3A_966, %select_n3A_923 : vector<16xi1>, vector<16xf32>
        %select_n3A_974 = arith.select %gt3A_967, %broadcast_in_dim3A_926, %select_n3A_924 : vector<16xi1>, vector<16xi32>
        %broadcast_in_dim3A_975 = arith.constant 19 : i32
        %broadcast_in_dim3A_976 = vector.broadcast %broadcast_in_dim3A_975 : i32 to vector<16xi32>
        %add3A_977 = arith.constant 19 : i32
        %add3A_978 = vector.broadcast %add3A_977 : i32 to vector<16xi32>
        %add3A_979 = arith.addi %mul3A_40, %add3A_978 : vector<16xi32>
        %gather3A_980 = tpu.vector_load_idx %arg6[%add3A_979] : memref<16640xf32, #tpu.memory_space<vmem>>[vector<16xi32>], vector<16xf32>,
        %gt3A_981 = arith.cmpf ogt, %gather3A_980, %select_n3A_937 : vector<16xf32>
        %gt3A_982 = arith.cmpf ogt, %gather3A_980, %select_n3A_934 : vector<16xf32>
        %select_n3A_983 = arith.select %gt3A_982, %gather3A_980, %select_n3A_934 : vector<16xi1>, vector<16xf32>
        %select_n3A_984 = arith.select %gt3A_981, %select_n3A_937, %select_n3A_983 : vector<16xi1>, vector<16xf32>
        %select_n3A_985 = arith.select %gt3A_982, %broadcast_in_dim3A_976, %select_n3A_936 : vector<16xi1>, vector<16xi32>
        %select_n3A_986 = arith.select %gt3A_981, %select_n3A_938, %select_n3A_985 : vector<16xi1>, vector<16xi32>
        %select_n3A_987 = arith.select %gt3A_981, %gather3A_980, %select_n3A_937 : vector<16xi1>, vector<16xf32>
        %select_n3A_988 = arith.select %gt3A_981, %broadcast_in_dim3A_976, %select_n3A_938 : vector<16xi1>, vector<16xi32>
        %add3A_989 = arith.constant 19 : i32
        %add3A_990 = vector.broadcast %add3A_989 : i32 to vector<16xi32>
        %add3A_991 = arith.addi %mul3A_51, %add3A_990 : vector<16xi32>
        %gather3A_992 = tpu.vector_load_idx %arg6[%add3A_991] : memref<16640xf32, #tpu.memory_space<vmem>>[vector<16xi32>], vector<16xf32>,
        %gt3A_993 = arith.cmpf ogt, %gather3A_992, %select_n3A_949 : vector<16xf32>
        %gt3A_994 = arith.cmpf ogt, %gather3A_992, %select_n3A_946 : vector<16xf32>
        %select_n3A_995 = arith.select %gt3A_994, %gather3A_992, %select_n3A_946 : vector<16xi1>, vector<16xf32>
        %select_n3A_996 = arith.select %gt3A_993, %select_n3A_949, %select_n3A_995 : vector<16xi1>, vector<16xf32>
        %select_n3A_997 = arith.select %gt3A_994, %broadcast_in_dim3A_976, %select_n3A_948 : vector<16xi1>, vector<16xi32>
        %select_n3A_998 = arith.select %gt3A_993, %select_n3A_950, %select_n3A_997 : vector<16xi1>, vector<16xi32>
        %select_n3A_999 = arith.select %gt3A_993, %gather3A_992, %select_n3A_949 : vector<16xi1>, vector<16xf32>
        %select_n3A_1000 = arith.select %gt3A_993, %broadcast_in_dim3A_976, %select_n3A_950 : vector<16xi1>, vector<16xi32>
        %add3A_1001 = arith.constant 19 : i32
        %add3A_1002 = vector.broadcast %add3A_1001 : i32 to vector<16xi32>
        %add3A_1003 = arith.addi %mul3A_63, %add3A_1002 : vector<16xi32>
        %gather3A_1004 = tpu.vector_load_idx %arg6[%add3A_1003] : memref<16640xf32, #tpu.memory_space<vmem>>[vector<16xi32>], vector<16xf32>,
        %gt3A_1005 = arith.cmpf ogt, %gather3A_1004, %select_n3A_961 : vector<16xf32>
        %gt3A_1006 = arith.cmpf ogt, %gather3A_1004, %select_n3A_958 : vector<16xf32>
        %select_n3A_1007 = arith.select %gt3A_1006, %gather3A_1004, %select_n3A_958 : vector<16xi1>, vector<16xf32>
        %select_n3A_1008 = arith.select %gt3A_1005, %select_n3A_961, %select_n3A_1007 : vector<16xi1>, vector<16xf32>
        %select_n3A_1009 = arith.select %gt3A_1006, %broadcast_in_dim3A_976, %select_n3A_960 : vector<16xi1>, vector<16xi32>
        %select_n3A_1010 = arith.select %gt3A_1005, %select_n3A_962, %select_n3A_1009 : vector<16xi1>, vector<16xi32>
        %select_n3A_1011 = arith.select %gt3A_1005, %gather3A_1004, %select_n3A_961 : vector<16xi1>, vector<16xf32>
        %select_n3A_1012 = arith.select %gt3A_1005, %broadcast_in_dim3A_976, %select_n3A_962 : vector<16xi1>, vector<16xi32>
        %add3A_1013 = arith.constant 19 : i32
        %add3A_1014 = vector.broadcast %add3A_1013 : i32 to vector<16xi32>
        %add3A_1015 = arith.addi %mul3A_75, %add3A_1014 : vector<16xi32>
        %gather3A_1016 = tpu.vector_load_idx %arg6[%add3A_1015] : memref<16640xf32, #tpu.memory_space<vmem>>[vector<16xi32>], vector<16xf32>,
        %gt3A_1017 = arith.cmpf ogt, %gather3A_1016, %select_n3A_973 : vector<16xf32>
        %gt3A_1018 = arith.cmpf ogt, %gather3A_1016, %select_n3A_970 : vector<16xf32>
        %select_n3A_1019 = arith.select %gt3A_1018, %gather3A_1016, %select_n3A_970 : vector<16xi1>, vector<16xf32>
        %select_n3A_1020 = arith.select %gt3A_1017, %select_n3A_973, %select_n3A_1019 : vector<16xi1>, vector<16xf32>
        %select_n3A_1021 = arith.select %gt3A_1018, %broadcast_in_dim3A_976, %select_n3A_972 : vector<16xi1>, vector<16xi32>
        %select_n3A_1022 = arith.select %gt3A_1017, %select_n3A_974, %select_n3A_1021 : vector<16xi1>, vector<16xi32>
        %select_n3A_1023 = arith.select %gt3A_1017, %gather3A_1016, %select_n3A_973 : vector<16xi1>, vector<16xf32>
        %select_n3A_1024 = arith.select %gt3A_1017, %broadcast_in_dim3A_976, %select_n3A_974 : vector<16xi1>, vector<16xi32>
        %broadcast_in_dim3A_1025 = arith.constant 20 : i32
        %broadcast_in_dim3A_1026 = vector.broadcast %broadcast_in_dim3A_1025 : i32 to vector<16xi32>
        %add3A_1027 = arith.constant 20 : i32
        %add3A_1028 = vector.broadcast %add3A_1027 : i32 to vector<16xi32>
        %add3A_1029 = arith.addi %mul3A_40, %add3A_1028 : vector<16xi32>
        %gather3A_1030 = tpu.vector_load_idx %arg6[%add3A_1029] : memref<16640xf32, #tpu.memory_space<vmem>>[vector<16xi32>], vector<16xf32>,
        %gt3A_1031 = arith.cmpf ogt, %gather3A_1030, %select_n3A_987 : vector<16xf32>
        %gt3A_1032 = arith.cmpf ogt, %gather3A_1030, %select_n3A_984 : vector<16xf32>
        %select_n3A_1033 = arith.select %gt3A_1032, %gather3A_1030, %select_n3A_984 : vector<16xi1>, vector<16xf32>
        %select_n3A_1034 = arith.select %gt3A_1031, %select_n3A_987, %select_n3A_1033 : vector<16xi1>, vector<16xf32>
        %select_n3A_1035 = arith.select %gt3A_1032, %broadcast_in_dim3A_1026, %select_n3A_986 : vector<16xi1>, vector<16xi32>
        %select_n3A_1036 = arith.select %gt3A_1031, %select_n3A_988, %select_n3A_1035 : vector<16xi1>, vector<16xi32>
        %select_n3A_1037 = arith.select %gt3A_1031, %gather3A_1030, %select_n3A_987 : vector<16xi1>, vector<16xf32>
        %select_n3A_1038 = arith.select %gt3A_1031, %broadcast_in_dim3A_1026, %select_n3A_988 : vector<16xi1>, vector<16xi32>
        %add3A_1039 = arith.constant 20 : i32
        %add3A_1040 = vector.broadcast %add3A_1039 : i32 to vector<16xi32>
        %add3A_1041 = arith.addi %mul3A_51, %add3A_1040 : vector<16xi32>
        %gather3A_1042 = tpu.vector_load_idx %arg6[%add3A_1041] : memref<16640xf32, #tpu.memory_space<vmem>>[vector<16xi32>], vector<16xf32>,
        %gt3A_1043 = arith.cmpf ogt, %gather3A_1042, %select_n3A_999 : vector<16xf32>
        %gt3A_1044 = arith.cmpf ogt, %gather3A_1042, %select_n3A_996 : vector<16xf32>
        %select_n3A_1045 = arith.select %gt3A_1044, %gather3A_1042, %select_n3A_996 : vector<16xi1>, vector<16xf32>
        %select_n3A_1046 = arith.select %gt3A_1043, %select_n3A_999, %select_n3A_1045 : vector<16xi1>, vector<16xf32>
        %select_n3A_1047 = arith.select %gt3A_1044, %broadcast_in_dim3A_1026, %select_n3A_998 : vector<16xi1>, vector<16xi32>
        %select_n3A_1048 = arith.select %gt3A_1043, %select_n3A_1000, %select_n3A_1047 : vector<16xi1>, vector<16xi32>
        %select_n3A_1049 = arith.select %gt3A_1043, %gather3A_1042, %select_n3A_999 : vector<16xi1>, vector<16xf32>
        %select_n3A_1050 = arith.select %gt3A_1043, %broadcast_in_dim3A_1026, %select_n3A_1000 : vector<16xi1>, vector<16xi32>
        %add3A_1051 = arith.constant 20 : i32
        %add3A_1052 = vector.broadcast %add3A_1051 : i32 to vector<16xi32>
        %add3A_1053 = arith.addi %mul3A_63, %add3A_1052 : vector<16xi32>
        %gather3A_1054 = tpu.vector_load_idx %arg6[%add3A_1053] : memref<16640xf32, #tpu.memory_space<vmem>>[vector<16xi32>], vector<16xf32>,
        %gt3A_1055 = arith.cmpf ogt, %gather3A_1054, %select_n3A_1011 : vector<16xf32>
        %gt3A_1056 = arith.cmpf ogt, %gather3A_1054, %select_n3A_1008 : vector<16xf32>
        %select_n3A_1057 = arith.select %gt3A_1056, %gather3A_1054, %select_n3A_1008 : vector<16xi1>, vector<16xf32>
        %select_n3A_1058 = arith.select %gt3A_1055, %select_n3A_1011, %select_n3A_1057 : vector<16xi1>, vector<16xf32>
        %select_n3A_1059 = arith.select %gt3A_1056, %broadcast_in_dim3A_1026, %select_n3A_1010 : vector<16xi1>, vector<16xi32>
        %select_n3A_1060 = arith.select %gt3A_1055, %select_n3A_1012, %select_n3A_1059 : vector<16xi1>, vector<16xi32>
        %select_n3A_1061 = arith.select %gt3A_1055, %gather3A_1054, %select_n3A_1011 : vector<16xi1>, vector<16xf32>
        %select_n3A_1062 = arith.select %gt3A_1055, %broadcast_in_dim3A_1026, %select_n3A_1012 : vector<16xi1>, vector<16xi32>
        %add3A_1063 = arith.constant 20 : i32
        %add3A_1064 = vector.broadcast %add3A_1063 : i32 to vector<16xi32>
        %add3A_1065 = arith.addi %mul3A_75, %add3A_1064 : vector<16xi32>
        %gather3A_1066 = tpu.vector_load_idx %arg6[%add3A_1065] : memref<16640xf32, #tpu.memory_space<vmem>>[vector<16xi32>], vector<16xf32>,
        %gt3A_1067 = arith.cmpf ogt, %gather3A_1066, %select_n3A_1023 : vector<16xf32>
        %gt3A_1068 = arith.cmpf ogt, %gather3A_1066, %select_n3A_1020 : vector<16xf32>
        %select_n3A_1069 = arith.select %gt3A_1068, %gather3A_1066, %select_n3A_1020 : vector<16xi1>, vector<16xf32>
        %select_n3A_1070 = arith.select %gt3A_1067, %select_n3A_1023, %select_n3A_1069 : vector<16xi1>, vector<16xf32>
        %select_n3A_1071 = arith.select %gt3A_1068, %broadcast_in_dim3A_1026, %select_n3A_1022 : vector<16xi1>, vector<16xi32>
        %select_n3A_1072 = arith.select %gt3A_1067, %select_n3A_1024, %select_n3A_1071 : vector<16xi1>, vector<16xi32>
        %select_n3A_1073 = arith.select %gt3A_1067, %gather3A_1066, %select_n3A_1023 : vector<16xi1>, vector<16xf32>
        %select_n3A_1074 = arith.select %gt3A_1067, %broadcast_in_dim3A_1026, %select_n3A_1024 : vector<16xi1>, vector<16xi32>
        %broadcast_in_dim3A_1075 = arith.constant 21 : i32
        %broadcast_in_dim3A_1076 = vector.broadcast %broadcast_in_dim3A_1075 : i32 to vector<16xi32>
        %add3A_1077 = arith.constant 21 : i32
        %add3A_1078 = vector.broadcast %add3A_1077 : i32 to vector<16xi32>
        %add3A_1079 = arith.addi %mul3A_40, %add3A_1078 : vector<16xi32>
        %gather3A_1080 = tpu.vector_load_idx %arg6[%add3A_1079] : memref<16640xf32, #tpu.memory_space<vmem>>[vector<16xi32>], vector<16xf32>,
        %gt3A_1081 = arith.cmpf ogt, %gather3A_1080, %select_n3A_1037 : vector<16xf32>
        %gt3A_1082 = arith.cmpf ogt, %gather3A_1080, %select_n3A_1034 : vector<16xf32>
        %select_n3A_1083 = arith.select %gt3A_1082, %gather3A_1080, %select_n3A_1034 : vector<16xi1>, vector<16xf32>
        %select_n3A_1084 = arith.select %gt3A_1081, %select_n3A_1037, %select_n3A_1083 : vector<16xi1>, vector<16xf32>
        %select_n3A_1085 = arith.select %gt3A_1082, %broadcast_in_dim3A_1076, %select_n3A_1036 : vector<16xi1>, vector<16xi32>
        %select_n3A_1086 = arith.select %gt3A_1081, %select_n3A_1038, %select_n3A_1085 : vector<16xi1>, vector<16xi32>
        %select_n3A_1087 = arith.select %gt3A_1081, %gather3A_1080, %select_n3A_1037 : vector<16xi1>, vector<16xf32>
        %select_n3A_1088 = arith.select %gt3A_1081, %broadcast_in_dim3A_1076, %select_n3A_1038 : vector<16xi1>, vector<16xi32>
        %add3A_1089 = arith.constant 21 : i32
        %add3A_1090 = vector.broadcast %add3A_1089 : i32 to vector<16xi32>
        %add3A_1091 = arith.addi %mul3A_51, %add3A_1090 : vector<16xi32>
        %gather3A_1092 = tpu.vector_load_idx %arg6[%add3A_1091] : memref<16640xf32, #tpu.memory_space<vmem>>[vector<16xi32>], vector<16xf32>,
        %gt3A_1093 = arith.cmpf ogt, %gather3A_1092, %select_n3A_1049 : vector<16xf32>
        %gt3A_1094 = arith.cmpf ogt, %gather3A_1092, %select_n3A_1046 : vector<16xf32>
        %select_n3A_1095 = arith.select %gt3A_1094, %gather3A_1092, %select_n3A_1046 : vector<16xi1>, vector<16xf32>
        %select_n3A_1096 = arith.select %gt3A_1093, %select_n3A_1049, %select_n3A_1095 : vector<16xi1>, vector<16xf32>
        %select_n3A_1097 = arith.select %gt3A_1094, %broadcast_in_dim3A_1076, %select_n3A_1048 : vector<16xi1>, vector<16xi32>
        %select_n3A_1098 = arith.select %gt3A_1093, %select_n3A_1050, %select_n3A_1097 : vector<16xi1>, vector<16xi32>
        %select_n3A_1099 = arith.select %gt3A_1093, %gather3A_1092, %select_n3A_1049 : vector<16xi1>, vector<16xf32>
        %select_n3A_1100 = arith.select %gt3A_1093, %broadcast_in_dim3A_1076, %select_n3A_1050 : vector<16xi1>, vector<16xi32>
        %add3A_1101 = arith.constant 21 : i32
        %add3A_1102 = vector.broadcast %add3A_1101 : i32 to vector<16xi32>
        %add3A_1103 = arith.addi %mul3A_63, %add3A_1102 : vector<16xi32>
        %gather3A_1104 = tpu.vector_load_idx %arg6[%add3A_1103] : memref<16640xf32, #tpu.memory_space<vmem>>[vector<16xi32>], vector<16xf32>,
        %gt3A_1105 = arith.cmpf ogt, %gather3A_1104, %select_n3A_1061 : vector<16xf32>
        %gt3A_1106 = arith.cmpf ogt, %gather3A_1104, %select_n3A_1058 : vector<16xf32>
        %select_n3A_1107 = arith.select %gt3A_1106, %gather3A_1104, %select_n3A_1058 : vector<16xi1>, vector<16xf32>
        %select_n3A_1108 = arith.select %gt3A_1105, %select_n3A_1061, %select_n3A_1107 : vector<16xi1>, vector<16xf32>
        %select_n3A_1109 = arith.select %gt3A_1106, %broadcast_in_dim3A_1076, %select_n3A_1060 : vector<16xi1>, vector<16xi32>
        %select_n3A_1110 = arith.select %gt3A_1105, %select_n3A_1062, %select_n3A_1109 : vector<16xi1>, vector<16xi32>
        %select_n3A_1111 = arith.select %gt3A_1105, %gather3A_1104, %select_n3A_1061 : vector<16xi1>, vector<16xf32>
        %select_n3A_1112 = arith.select %gt3A_1105, %broadcast_in_dim3A_1076, %select_n3A_1062 : vector<16xi1>, vector<16xi32>
        %add3A_1113 = arith.constant 21 : i32
        %add3A_1114 = vector.broadcast %add3A_1113 : i32 to vector<16xi32>
        %add3A_1115 = arith.addi %mul3A_75, %add3A_1114 : vector<16xi32>
        %gather3A_1116 = tpu.vector_load_idx %arg6[%add3A_1115] : memref<16640xf32, #tpu.memory_space<vmem>>[vector<16xi32>], vector<16xf32>,
        %gt3A_1117 = arith.cmpf ogt, %gather3A_1116, %select_n3A_1073 : vector<16xf32>
        %gt3A_1118 = arith.cmpf ogt, %gather3A_1116, %select_n3A_1070 : vector<16xf32>
        %select_n3A_1119 = arith.select %gt3A_1118, %gather3A_1116, %select_n3A_1070 : vector<16xi1>, vector<16xf32>
        %select_n3A_1120 = arith.select %gt3A_1117, %select_n3A_1073, %select_n3A_1119 : vector<16xi1>, vector<16xf32>
        %select_n3A_1121 = arith.select %gt3A_1118, %broadcast_in_dim3A_1076, %select_n3A_1072 : vector<16xi1>, vector<16xi32>
        %select_n3A_1122 = arith.select %gt3A_1117, %select_n3A_1074, %select_n3A_1121 : vector<16xi1>, vector<16xi32>
        %select_n3A_1123 = arith.select %gt3A_1117, %gather3A_1116, %select_n3A_1073 : vector<16xi1>, vector<16xf32>
        %select_n3A_1124 = arith.select %gt3A_1117, %broadcast_in_dim3A_1076, %select_n3A_1074 : vector<16xi1>, vector<16xi32>
        %broadcast_in_dim3A_1125 = arith.constant 22 : i32
        %broadcast_in_dim3A_1126 = vector.broadcast %broadcast_in_dim3A_1125 : i32 to vector<16xi32>
        %add3A_1127 = arith.constant 22 : i32
        %add3A_1128 = vector.broadcast %add3A_1127 : i32 to vector<16xi32>
        %add3A_1129 = arith.addi %mul3A_40, %add3A_1128 : vector<16xi32>
        %gather3A_1130 = tpu.vector_load_idx %arg6[%add3A_1129] : memref<16640xf32, #tpu.memory_space<vmem>>[vector<16xi32>], vector<16xf32>,
        %gt3A_1131 = arith.cmpf ogt, %gather3A_1130, %select_n3A_1087 : vector<16xf32>
        %gt3A_1132 = arith.cmpf ogt, %gather3A_1130, %select_n3A_1084 : vector<16xf32>
        %select_n3A_1133 = arith.select %gt3A_1132, %gather3A_1130, %select_n3A_1084 : vector<16xi1>, vector<16xf32>
        %select_n3A_1134 = arith.select %gt3A_1131, %select_n3A_1087, %select_n3A_1133 : vector<16xi1>, vector<16xf32>
        %select_n3A_1135 = arith.select %gt3A_1132, %broadcast_in_dim3A_1126, %select_n3A_1086 : vector<16xi1>, vector<16xi32>
        %select_n3A_1136 = arith.select %gt3A_1131, %select_n3A_1088, %select_n3A_1135 : vector<16xi1>, vector<16xi32>
        %select_n3A_1137 = arith.select %gt3A_1131, %gather3A_1130, %select_n3A_1087 : vector<16xi1>, vector<16xf32>
        %select_n3A_1138 = arith.select %gt3A_1131, %broadcast_in_dim3A_1126, %select_n3A_1088 : vector<16xi1>, vector<16xi32>
        %add3A_1139 = arith.constant 22 : i32
        %add3A_1140 = vector.broadcast %add3A_1139 : i32 to vector<16xi32>
        %add3A_1141 = arith.addi %mul3A_51, %add3A_1140 : vector<16xi32>
        %gather3A_1142 = tpu.vector_load_idx %arg6[%add3A_1141] : memref<16640xf32, #tpu.memory_space<vmem>>[vector<16xi32>], vector<16xf32>,
        %gt3A_1143 = arith.cmpf ogt, %gather3A_1142, %select_n3A_1099 : vector<16xf32>
        %gt3A_1144 = arith.cmpf ogt, %gather3A_1142, %select_n3A_1096 : vector<16xf32>
        %select_n3A_1145 = arith.select %gt3A_1144, %gather3A_1142, %select_n3A_1096 : vector<16xi1>, vector<16xf32>
        %select_n3A_1146 = arith.select %gt3A_1143, %select_n3A_1099, %select_n3A_1145 : vector<16xi1>, vector<16xf32>
        %select_n3A_1147 = arith.select %gt3A_1144, %broadcast_in_dim3A_1126, %select_n3A_1098 : vector<16xi1>, vector<16xi32>
        %select_n3A_1148 = arith.select %gt3A_1143, %select_n3A_1100, %select_n3A_1147 : vector<16xi1>, vector<16xi32>
        %select_n3A_1149 = arith.select %gt3A_1143, %gather3A_1142, %select_n3A_1099 : vector<16xi1>, vector<16xf32>
        %select_n3A_1150 = arith.select %gt3A_1143, %broadcast_in_dim3A_1126, %select_n3A_1100 : vector<16xi1>, vector<16xi32>
        %add3A_1151 = arith.constant 22 : i32
        %add3A_1152 = vector.broadcast %add3A_1151 : i32 to vector<16xi32>
        %add3A_1153 = arith.addi %mul3A_63, %add3A_1152 : vector<16xi32>
        %gather3A_1154 = tpu.vector_load_idx %arg6[%add3A_1153] : memref<16640xf32, #tpu.memory_space<vmem>>[vector<16xi32>], vector<16xf32>,
        %gt3A_1155 = arith.cmpf ogt, %gather3A_1154, %select_n3A_1111 : vector<16xf32>
        %gt3A_1156 = arith.cmpf ogt, %gather3A_1154, %select_n3A_1108 : vector<16xf32>
        %select_n3A_1157 = arith.select %gt3A_1156, %gather3A_1154, %select_n3A_1108 : vector<16xi1>, vector<16xf32>
        %select_n3A_1158 = arith.select %gt3A_1155, %select_n3A_1111, %select_n3A_1157 : vector<16xi1>, vector<16xf32>
        %select_n3A_1159 = arith.select %gt3A_1156, %broadcast_in_dim3A_1126, %select_n3A_1110 : vector<16xi1>, vector<16xi32>
        %select_n3A_1160 = arith.select %gt3A_1155, %select_n3A_1112, %select_n3A_1159 : vector<16xi1>, vector<16xi32>
        %select_n3A_1161 = arith.select %gt3A_1155, %gather3A_1154, %select_n3A_1111 : vector<16xi1>, vector<16xf32>
        %select_n3A_1162 = arith.select %gt3A_1155, %broadcast_in_dim3A_1126, %select_n3A_1112 : vector<16xi1>, vector<16xi32>
        %add3A_1163 = arith.constant 22 : i32
        %add3A_1164 = vector.broadcast %add3A_1163 : i32 to vector<16xi32>
        %add3A_1165 = arith.addi %mul3A_75, %add3A_1164 : vector<16xi32>
        %gather3A_1166 = tpu.vector_load_idx %arg6[%add3A_1165] : memref<16640xf32, #tpu.memory_space<vmem>>[vector<16xi32>], vector<16xf32>,
        %gt3A_1167 = arith.cmpf ogt, %gather3A_1166, %select_n3A_1123 : vector<16xf32>
        %gt3A_1168 = arith.cmpf ogt, %gather3A_1166, %select_n3A_1120 : vector<16xf32>
        %select_n3A_1169 = arith.select %gt3A_1168, %gather3A_1166, %select_n3A_1120 : vector<16xi1>, vector<16xf32>
        %select_n3A_1170 = arith.select %gt3A_1167, %select_n3A_1123, %select_n3A_1169 : vector<16xi1>, vector<16xf32>
        %select_n3A_1171 = arith.select %gt3A_1168, %broadcast_in_dim3A_1126, %select_n3A_1122 : vector<16xi1>, vector<16xi32>
        %select_n3A_1172 = arith.select %gt3A_1167, %select_n3A_1124, %select_n3A_1171 : vector<16xi1>, vector<16xi32>
        %select_n3A_1173 = arith.select %gt3A_1167, %gather3A_1166, %select_n3A_1123 : vector<16xi1>, vector<16xf32>
        %select_n3A_1174 = arith.select %gt3A_1167, %broadcast_in_dim3A_1126, %select_n3A_1124 : vector<16xi1>, vector<16xi32>
        %broadcast_in_dim3A_1175 = arith.constant 23 : i32
        %broadcast_in_dim3A_1176 = vector.broadcast %broadcast_in_dim3A_1175 : i32 to vector<16xi32>
        %add3A_1177 = arith.constant 23 : i32
        %add3A_1178 = vector.broadcast %add3A_1177 : i32 to vector<16xi32>
        %add3A_1179 = arith.addi %mul3A_40, %add3A_1178 : vector<16xi32>
        %gather3A_1180 = tpu.vector_load_idx %arg6[%add3A_1179] : memref<16640xf32, #tpu.memory_space<vmem>>[vector<16xi32>], vector<16xf32>,
        %gt3A_1181 = arith.cmpf ogt, %gather3A_1180, %select_n3A_1137 : vector<16xf32>
        %gt3A_1182 = arith.cmpf ogt, %gather3A_1180, %select_n3A_1134 : vector<16xf32>
        %select_n3A_1183 = arith.select %gt3A_1182, %gather3A_1180, %select_n3A_1134 : vector<16xi1>, vector<16xf32>
        %select_n3A_1184 = arith.select %gt3A_1181, %select_n3A_1137, %select_n3A_1183 : vector<16xi1>, vector<16xf32>
        %select_n3A_1185 = arith.select %gt3A_1182, %broadcast_in_dim3A_1176, %select_n3A_1136 : vector<16xi1>, vector<16xi32>
        %select_n3A_1186 = arith.select %gt3A_1181, %select_n3A_1138, %select_n3A_1185 : vector<16xi1>, vector<16xi32>
        %select_n3A_1187 = arith.select %gt3A_1181, %gather3A_1180, %select_n3A_1137 : vector<16xi1>, vector<16xf32>
        %select_n3A_1188 = arith.select %gt3A_1181, %broadcast_in_dim3A_1176, %select_n3A_1138 : vector<16xi1>, vector<16xi32>
        %add3A_1189 = arith.constant 23 : i32
        %add3A_1190 = vector.broadcast %add3A_1189 : i32 to vector<16xi32>
        %add3A_1191 = arith.addi %mul3A_51, %add3A_1190 : vector<16xi32>
        %gather3A_1192 = tpu.vector_load_idx %arg6[%add3A_1191] : memref<16640xf32, #tpu.memory_space<vmem>>[vector<16xi32>], vector<16xf32>,
        %gt3A_1193 = arith.cmpf ogt, %gather3A_1192, %select_n3A_1149 : vector<16xf32>
        %gt3A_1194 = arith.cmpf ogt, %gather3A_1192, %select_n3A_1146 : vector<16xf32>
        %select_n3A_1195 = arith.select %gt3A_1194, %gather3A_1192, %select_n3A_1146 : vector<16xi1>, vector<16xf32>
        %select_n3A_1196 = arith.select %gt3A_1193, %select_n3A_1149, %select_n3A_1195 : vector<16xi1>, vector<16xf32>
        %select_n3A_1197 = arith.select %gt3A_1194, %broadcast_in_dim3A_1176, %select_n3A_1148 : vector<16xi1>, vector<16xi32>
        %select_n3A_1198 = arith.select %gt3A_1193, %select_n3A_1150, %select_n3A_1197 : vector<16xi1>, vector<16xi32>
        %select_n3A_1199 = arith.select %gt3A_1193, %gather3A_1192, %select_n3A_1149 : vector<16xi1>, vector<16xf32>
        %select_n3A_1200 = arith.select %gt3A_1193, %broadcast_in_dim3A_1176, %select_n3A_1150 : vector<16xi1>, vector<16xi32>
        %add3A_1201 = arith.constant 23 : i32
        %add3A_1202 = vector.broadcast %add3A_1201 : i32 to vector<16xi32>
        %add3A_1203 = arith.addi %mul3A_63, %add3A_1202 : vector<16xi32>
        %gather3A_1204 = tpu.vector_load_idx %arg6[%add3A_1203] : memref<16640xf32, #tpu.memory_space<vmem>>[vector<16xi32>], vector<16xf32>,
        %gt3A_1205 = arith.cmpf ogt, %gather3A_1204, %select_n3A_1161 : vector<16xf32>
        %gt3A_1206 = arith.cmpf ogt, %gather3A_1204, %select_n3A_1158 : vector<16xf32>
        %select_n3A_1207 = arith.select %gt3A_1206, %gather3A_1204, %select_n3A_1158 : vector<16xi1>, vector<16xf32>
        %select_n3A_1208 = arith.select %gt3A_1205, %select_n3A_1161, %select_n3A_1207 : vector<16xi1>, vector<16xf32>
        %select_n3A_1209 = arith.select %gt3A_1206, %broadcast_in_dim3A_1176, %select_n3A_1160 : vector<16xi1>, vector<16xi32>
        %select_n3A_1210 = arith.select %gt3A_1205, %select_n3A_1162, %select_n3A_1209 : vector<16xi1>, vector<16xi32>
        %select_n3A_1211 = arith.select %gt3A_1205, %gather3A_1204, %select_n3A_1161 : vector<16xi1>, vector<16xf32>
        %select_n3A_1212 = arith.select %gt3A_1205, %broadcast_in_dim3A_1176, %select_n3A_1162 : vector<16xi1>, vector<16xi32>
        %add3A_1213 = arith.constant 23 : i32
        %add3A_1214 = vector.broadcast %add3A_1213 : i32 to vector<16xi32>
        %add3A_1215 = arith.addi %mul3A_75, %add3A_1214 : vector<16xi32>
        %gather3A_1216 = tpu.vector_load_idx %arg6[%add3A_1215] : memref<16640xf32, #tpu.memory_space<vmem>>[vector<16xi32>], vector<16xf32>,
        %gt3A_1217 = arith.cmpf ogt, %gather3A_1216, %select_n3A_1173 : vector<16xf32>
        %gt3A_1218 = arith.cmpf ogt, %gather3A_1216, %select_n3A_1170 : vector<16xf32>
        %select_n3A_1219 = arith.select %gt3A_1218, %gather3A_1216, %select_n3A_1170 : vector<16xi1>, vector<16xf32>
        %select_n3A_1220 = arith.select %gt3A_1217, %select_n3A_1173, %select_n3A_1219 : vector<16xi1>, vector<16xf32>
        %select_n3A_1221 = arith.select %gt3A_1218, %broadcast_in_dim3A_1176, %select_n3A_1172 : vector<16xi1>, vector<16xi32>
        %select_n3A_1222 = arith.select %gt3A_1217, %select_n3A_1174, %select_n3A_1221 : vector<16xi1>, vector<16xi32>
        %select_n3A_1223 = arith.select %gt3A_1217, %gather3A_1216, %select_n3A_1173 : vector<16xi1>, vector<16xf32>
        %select_n3A_1224 = arith.select %gt3A_1217, %broadcast_in_dim3A_1176, %select_n3A_1174 : vector<16xi1>, vector<16xi32>
        %broadcast_in_dim3A_1225 = arith.constant 24 : i32
        %broadcast_in_dim3A_1226 = vector.broadcast %broadcast_in_dim3A_1225 : i32 to vector<16xi32>
        %add3A_1227 = arith.constant 24 : i32
        %add3A_1228 = vector.broadcast %add3A_1227 : i32 to vector<16xi32>
        %add3A_1229 = arith.addi %mul3A_40, %add3A_1228 : vector<16xi32>
        %gather3A_1230 = tpu.vector_load_idx %arg6[%add3A_1229] : memref<16640xf32, #tpu.memory_space<vmem>>[vector<16xi32>], vector<16xf32>,
        %gt3A_1231 = arith.cmpf ogt, %gather3A_1230, %select_n3A_1187 : vector<16xf32>
        %gt3A_1232 = arith.cmpf ogt, %gather3A_1230, %select_n3A_1184 : vector<16xf32>
        %select_n3A_1233 = arith.select %gt3A_1232, %gather3A_1230, %select_n3A_1184 : vector<16xi1>, vector<16xf32>
        %select_n3A_1234 = arith.select %gt3A_1231, %select_n3A_1187, %select_n3A_1233 : vector<16xi1>, vector<16xf32>
        %select_n3A_1235 = arith.select %gt3A_1232, %broadcast_in_dim3A_1226, %select_n3A_1186 : vector<16xi1>, vector<16xi32>
        %select_n3A_1236 = arith.select %gt3A_1231, %select_n3A_1188, %select_n3A_1235 : vector<16xi1>, vector<16xi32>
        %select_n3A_1237 = arith.select %gt3A_1231, %gather3A_1230, %select_n3A_1187 : vector<16xi1>, vector<16xf32>
        %select_n3A_1238 = arith.select %gt3A_1231, %broadcast_in_dim3A_1226, %select_n3A_1188 : vector<16xi1>, vector<16xi32>
        %add3A_1239 = arith.constant 24 : i32
        %add3A_1240 = vector.broadcast %add3A_1239 : i32 to vector<16xi32>
        %add3A_1241 = arith.addi %mul3A_51, %add3A_1240 : vector<16xi32>
        %gather3A_1242 = tpu.vector_load_idx %arg6[%add3A_1241] : memref<16640xf32, #tpu.memory_space<vmem>>[vector<16xi32>], vector<16xf32>,
        %gt3A_1243 = arith.cmpf ogt, %gather3A_1242, %select_n3A_1199 : vector<16xf32>
        %gt3A_1244 = arith.cmpf ogt, %gather3A_1242, %select_n3A_1196 : vector<16xf32>
        %select_n3A_1245 = arith.select %gt3A_1244, %gather3A_1242, %select_n3A_1196 : vector<16xi1>, vector<16xf32>
        %select_n3A_1246 = arith.select %gt3A_1243, %select_n3A_1199, %select_n3A_1245 : vector<16xi1>, vector<16xf32>
        %select_n3A_1247 = arith.select %gt3A_1244, %broadcast_in_dim3A_1226, %select_n3A_1198 : vector<16xi1>, vector<16xi32>
        %select_n3A_1248 = arith.select %gt3A_1243, %select_n3A_1200, %select_n3A_1247 : vector<16xi1>, vector<16xi32>
        %select_n3A_1249 = arith.select %gt3A_1243, %gather3A_1242, %select_n3A_1199 : vector<16xi1>, vector<16xf32>
        %select_n3A_1250 = arith.select %gt3A_1243, %broadcast_in_dim3A_1226, %select_n3A_1200 : vector<16xi1>, vector<16xi32>
        %add3A_1251 = arith.constant 24 : i32
        %add3A_1252 = vector.broadcast %add3A_1251 : i32 to vector<16xi32>
        %add3A_1253 = arith.addi %mul3A_63, %add3A_1252 : vector<16xi32>
        %gather3A_1254 = tpu.vector_load_idx %arg6[%add3A_1253] : memref<16640xf32, #tpu.memory_space<vmem>>[vector<16xi32>], vector<16xf32>,
        %gt3A_1255 = arith.cmpf ogt, %gather3A_1254, %select_n3A_1211 : vector<16xf32>
        %gt3A_1256 = arith.cmpf ogt, %gather3A_1254, %select_n3A_1208 : vector<16xf32>
        %select_n3A_1257 = arith.select %gt3A_1256, %gather3A_1254, %select_n3A_1208 : vector<16xi1>, vector<16xf32>
        %select_n3A_1258 = arith.select %gt3A_1255, %select_n3A_1211, %select_n3A_1257 : vector<16xi1>, vector<16xf32>
        %select_n3A_1259 = arith.select %gt3A_1256, %broadcast_in_dim3A_1226, %select_n3A_1210 : vector<16xi1>, vector<16xi32>
        %select_n3A_1260 = arith.select %gt3A_1255, %select_n3A_1212, %select_n3A_1259 : vector<16xi1>, vector<16xi32>
        %select_n3A_1261 = arith.select %gt3A_1255, %gather3A_1254, %select_n3A_1211 : vector<16xi1>, vector<16xf32>
        %select_n3A_1262 = arith.select %gt3A_1255, %broadcast_in_dim3A_1226, %select_n3A_1212 : vector<16xi1>, vector<16xi32>
        %add3A_1263 = arith.constant 24 : i32
        %add3A_1264 = vector.broadcast %add3A_1263 : i32 to vector<16xi32>
        %add3A_1265 = arith.addi %mul3A_75, %add3A_1264 : vector<16xi32>
        %gather3A_1266 = tpu.vector_load_idx %arg6[%add3A_1265] : memref<16640xf32, #tpu.memory_space<vmem>>[vector<16xi32>], vector<16xf32>,
        %gt3A_1267 = arith.cmpf ogt, %gather3A_1266, %select_n3A_1223 : vector<16xf32>
        %gt3A_1268 = arith.cmpf ogt, %gather3A_1266, %select_n3A_1220 : vector<16xf32>
        %select_n3A_1269 = arith.select %gt3A_1268, %gather3A_1266, %select_n3A_1220 : vector<16xi1>, vector<16xf32>
        %select_n3A_1270 = arith.select %gt3A_1267, %select_n3A_1223, %select_n3A_1269 : vector<16xi1>, vector<16xf32>
        %select_n3A_1271 = arith.select %gt3A_1268, %broadcast_in_dim3A_1226, %select_n3A_1222 : vector<16xi1>, vector<16xi32>
        %select_n3A_1272 = arith.select %gt3A_1267, %select_n3A_1224, %select_n3A_1271 : vector<16xi1>, vector<16xi32>
        %select_n3A_1273 = arith.select %gt3A_1267, %gather3A_1266, %select_n3A_1223 : vector<16xi1>, vector<16xf32>
        %select_n3A_1274 = arith.select %gt3A_1267, %broadcast_in_dim3A_1226, %select_n3A_1224 : vector<16xi1>, vector<16xi32>
        %broadcast_in_dim3A_1275 = arith.constant 25 : i32
        %broadcast_in_dim3A_1276 = vector.broadcast %broadcast_in_dim3A_1275 : i32 to vector<16xi32>
        %add3A_1277 = arith.constant 25 : i32
        %add3A_1278 = vector.broadcast %add3A_1277 : i32 to vector<16xi32>
        %add3A_1279 = arith.addi %mul3A_40, %add3A_1278 : vector<16xi32>
        %gather3A_1280 = tpu.vector_load_idx %arg6[%add3A_1279] : memref<16640xf32, #tpu.memory_space<vmem>>[vector<16xi32>], vector<16xf32>,
        %gt3A_1281 = arith.cmpf ogt, %gather3A_1280, %select_n3A_1237 : vector<16xf32>
        %gt3A_1282 = arith.cmpf ogt, %gather3A_1280, %select_n3A_1234 : vector<16xf32>
        %select_n3A_1283 = arith.select %gt3A_1282, %gather3A_1280, %select_n3A_1234 : vector<16xi1>, vector<16xf32>
        %select_n3A_1284 = arith.select %gt3A_1281, %select_n3A_1237, %select_n3A_1283 : vector<16xi1>, vector<16xf32>
        %select_n3A_1285 = arith.select %gt3A_1282, %broadcast_in_dim3A_1276, %select_n3A_1236 : vector<16xi1>, vector<16xi32>
        %select_n3A_1286 = arith.select %gt3A_1281, %select_n3A_1238, %select_n3A_1285 : vector<16xi1>, vector<16xi32>
        %select_n3A_1287 = arith.select %gt3A_1281, %gather3A_1280, %select_n3A_1237 : vector<16xi1>, vector<16xf32>
        %select_n3A_1288 = arith.select %gt3A_1281, %broadcast_in_dim3A_1276, %select_n3A_1238 : vector<16xi1>, vector<16xi32>
        %add3A_1289 = arith.constant 25 : i32
        %add3A_1290 = vector.broadcast %add3A_1289 : i32 to vector<16xi32>
        %add3A_1291 = arith.addi %mul3A_51, %add3A_1290 : vector<16xi32>
        %gather3A_1292 = tpu.vector_load_idx %arg6[%add3A_1291] : memref<16640xf32, #tpu.memory_space<vmem>>[vector<16xi32>], vector<16xf32>,
        %gt3A_1293 = arith.cmpf ogt, %gather3A_1292, %select_n3A_1249 : vector<16xf32>
        %gt3A_1294 = arith.cmpf ogt, %gather3A_1292, %select_n3A_1246 : vector<16xf32>
        %select_n3A_1295 = arith.select %gt3A_1294, %gather3A_1292, %select_n3A_1246 : vector<16xi1>, vector<16xf32>
        %select_n3A_1296 = arith.select %gt3A_1293, %select_n3A_1249, %select_n3A_1295 : vector<16xi1>, vector<16xf32>
        %select_n3A_1297 = arith.select %gt3A_1294, %broadcast_in_dim3A_1276, %select_n3A_1248 : vector<16xi1>, vector<16xi32>
        %select_n3A_1298 = arith.select %gt3A_1293, %select_n3A_1250, %select_n3A_1297 : vector<16xi1>, vector<16xi32>
        %select_n3A_1299 = arith.select %gt3A_1293, %gather3A_1292, %select_n3A_1249 : vector<16xi1>, vector<16xf32>
        %select_n3A_1300 = arith.select %gt3A_1293, %broadcast_in_dim3A_1276, %select_n3A_1250 : vector<16xi1>, vector<16xi32>
        %add3A_1301 = arith.constant 25 : i32
        %add3A_1302 = vector.broadcast %add3A_1301 : i32 to vector<16xi32>
        %add3A_1303 = arith.addi %mul3A_63, %add3A_1302 : vector<16xi32>
        %gather3A_1304 = tpu.vector_load_idx %arg6[%add3A_1303] : memref<16640xf32, #tpu.memory_space<vmem>>[vector<16xi32>], vector<16xf32>,
        %gt3A_1305 = arith.cmpf ogt, %gather3A_1304, %select_n3A_1261 : vector<16xf32>
        %gt3A_1306 = arith.cmpf ogt, %gather3A_1304, %select_n3A_1258 : vector<16xf32>
        %select_n3A_1307 = arith.select %gt3A_1306, %gather3A_1304, %select_n3A_1258 : vector<16xi1>, vector<16xf32>
        %select_n3A_1308 = arith.select %gt3A_1305, %select_n3A_1261, %select_n3A_1307 : vector<16xi1>, vector<16xf32>
        %select_n3A_1309 = arith.select %gt3A_1306, %broadcast_in_dim3A_1276, %select_n3A_1260 : vector<16xi1>, vector<16xi32>
        %select_n3A_1310 = arith.select %gt3A_1305, %select_n3A_1262, %select_n3A_1309 : vector<16xi1>, vector<16xi32>
        %select_n3A_1311 = arith.select %gt3A_1305, %gather3A_1304, %select_n3A_1261 : vector<16xi1>, vector<16xf32>
        %select_n3A_1312 = arith.select %gt3A_1305, %broadcast_in_dim3A_1276, %select_n3A_1262 : vector<16xi1>, vector<16xi32>
        %add3A_1313 = arith.constant 25 : i32
        %add3A_1314 = vector.broadcast %add3A_1313 : i32 to vector<16xi32>
        %add3A_1315 = arith.addi %mul3A_75, %add3A_1314 : vector<16xi32>
        %gather3A_1316 = tpu.vector_load_idx %arg6[%add3A_1315] : memref<16640xf32, #tpu.memory_space<vmem>>[vector<16xi32>], vector<16xf32>,
        %gt3A_1317 = arith.cmpf ogt, %gather3A_1316, %select_n3A_1273 : vector<16xf32>
        %gt3A_1318 = arith.cmpf ogt, %gather3A_1316, %select_n3A_1270 : vector<16xf32>
        %select_n3A_1319 = arith.select %gt3A_1318, %gather3A_1316, %select_n3A_1270 : vector<16xi1>, vector<16xf32>
        %select_n3A_1320 = arith.select %gt3A_1317, %select_n3A_1273, %select_n3A_1319 : vector<16xi1>, vector<16xf32>
        %select_n3A_1321 = arith.select %gt3A_1318, %broadcast_in_dim3A_1276, %select_n3A_1272 : vector<16xi1>, vector<16xi32>
        %select_n3A_1322 = arith.select %gt3A_1317, %select_n3A_1274, %select_n3A_1321 : vector<16xi1>, vector<16xi32>
        %select_n3A_1323 = arith.select %gt3A_1317, %gather3A_1316, %select_n3A_1273 : vector<16xi1>, vector<16xf32>
        %select_n3A_1324 = arith.select %gt3A_1317, %broadcast_in_dim3A_1276, %select_n3A_1274 : vector<16xi1>, vector<16xi32>
        %broadcast_in_dim3A_1325 = arith.constant 26 : i32
        %broadcast_in_dim3A_1326 = vector.broadcast %broadcast_in_dim3A_1325 : i32 to vector<16xi32>
        %add3A_1327 = arith.constant 26 : i32
        %add3A_1328 = vector.broadcast %add3A_1327 : i32 to vector<16xi32>
        %add3A_1329 = arith.addi %mul3A_40, %add3A_1328 : vector<16xi32>
        %gather3A_1330 = tpu.vector_load_idx %arg6[%add3A_1329] : memref<16640xf32, #tpu.memory_space<vmem>>[vector<16xi32>], vector<16xf32>,
        %gt3A_1331 = arith.cmpf ogt, %gather3A_1330, %select_n3A_1287 : vector<16xf32>
        %gt3A_1332 = arith.cmpf ogt, %gather3A_1330, %select_n3A_1284 : vector<16xf32>
        %select_n3A_1333 = arith.select %gt3A_1332, %gather3A_1330, %select_n3A_1284 : vector<16xi1>, vector<16xf32>
        %select_n3A_1334 = arith.select %gt3A_1331, %select_n3A_1287, %select_n3A_1333 : vector<16xi1>, vector<16xf32>
        %select_n3A_1335 = arith.select %gt3A_1332, %broadcast_in_dim3A_1326, %select_n3A_1286 : vector<16xi1>, vector<16xi32>
        %select_n3A_1336 = arith.select %gt3A_1331, %select_n3A_1288, %select_n3A_1335 : vector<16xi1>, vector<16xi32>
        %select_n3A_1337 = arith.select %gt3A_1331, %gather3A_1330, %select_n3A_1287 : vector<16xi1>, vector<16xf32>
        %select_n3A_1338 = arith.select %gt3A_1331, %broadcast_in_dim3A_1326, %select_n3A_1288 : vector<16xi1>, vector<16xi32>
        %add3A_1339 = arith.constant 26 : i32
        %add3A_1340 = vector.broadcast %add3A_1339 : i32 to vector<16xi32>
        %add3A_1341 = arith.addi %mul3A_51, %add3A_1340 : vector<16xi32>
        %gather3A_1342 = tpu.vector_load_idx %arg6[%add3A_1341] : memref<16640xf32, #tpu.memory_space<vmem>>[vector<16xi32>], vector<16xf32>,
        %gt3A_1343 = arith.cmpf ogt, %gather3A_1342, %select_n3A_1299 : vector<16xf32>
        %gt3A_1344 = arith.cmpf ogt, %gather3A_1342, %select_n3A_1296 : vector<16xf32>
        %select_n3A_1345 = arith.select %gt3A_1344, %gather3A_1342, %select_n3A_1296 : vector<16xi1>, vector<16xf32>
        %select_n3A_1346 = arith.select %gt3A_1343, %select_n3A_1299, %select_n3A_1345 : vector<16xi1>, vector<16xf32>
        %select_n3A_1347 = arith.select %gt3A_1344, %broadcast_in_dim3A_1326, %select_n3A_1298 : vector<16xi1>, vector<16xi32>
        %select_n3A_1348 = arith.select %gt3A_1343, %select_n3A_1300, %select_n3A_1347 : vector<16xi1>, vector<16xi32>
        %select_n3A_1349 = arith.select %gt3A_1343, %gather3A_1342, %select_n3A_1299 : vector<16xi1>, vector<16xf32>
        %select_n3A_1350 = arith.select %gt3A_1343, %broadcast_in_dim3A_1326, %select_n3A_1300 : vector<16xi1>, vector<16xi32>
        %add3A_1351 = arith.constant 26 : i32
        %add3A_1352 = vector.broadcast %add3A_1351 : i32 to vector<16xi32>
        %add3A_1353 = arith.addi %mul3A_63, %add3A_1352 : vector<16xi32>
        %gather3A_1354 = tpu.vector_load_idx %arg6[%add3A_1353] : memref<16640xf32, #tpu.memory_space<vmem>>[vector<16xi32>], vector<16xf32>,
        %gt3A_1355 = arith.cmpf ogt, %gather3A_1354, %select_n3A_1311 : vector<16xf32>
        %gt3A_1356 = arith.cmpf ogt, %gather3A_1354, %select_n3A_1308 : vector<16xf32>
        %select_n3A_1357 = arith.select %gt3A_1356, %gather3A_1354, %select_n3A_1308 : vector<16xi1>, vector<16xf32>
        %select_n3A_1358 = arith.select %gt3A_1355, %select_n3A_1311, %select_n3A_1357 : vector<16xi1>, vector<16xf32>
        %select_n3A_1359 = arith.select %gt3A_1356, %broadcast_in_dim3A_1326, %select_n3A_1310 : vector<16xi1>, vector<16xi32>
        %select_n3A_1360 = arith.select %gt3A_1355, %select_n3A_1312, %select_n3A_1359 : vector<16xi1>, vector<16xi32>
        %select_n3A_1361 = arith.select %gt3A_1355, %gather3A_1354, %select_n3A_1311 : vector<16xi1>, vector<16xf32>
        %select_n3A_1362 = arith.select %gt3A_1355, %broadcast_in_dim3A_1326, %select_n3A_1312 : vector<16xi1>, vector<16xi32>
        %add3A_1363 = arith.constant 26 : i32
        %add3A_1364 = vector.broadcast %add3A_1363 : i32 to vector<16xi32>
        %add3A_1365 = arith.addi %mul3A_75, %add3A_1364 : vector<16xi32>
        %gather3A_1366 = tpu.vector_load_idx %arg6[%add3A_1365] : memref<16640xf32, #tpu.memory_space<vmem>>[vector<16xi32>], vector<16xf32>,
        %gt3A_1367 = arith.cmpf ogt, %gather3A_1366, %select_n3A_1323 : vector<16xf32>
        %gt3A_1368 = arith.cmpf ogt, %gather3A_1366, %select_n3A_1320 : vector<16xf32>
        %select_n3A_1369 = arith.select %gt3A_1368, %gather3A_1366, %select_n3A_1320 : vector<16xi1>, vector<16xf32>
        %select_n3A_1370 = arith.select %gt3A_1367, %select_n3A_1323, %select_n3A_1369 : vector<16xi1>, vector<16xf32>
        %select_n3A_1371 = arith.select %gt3A_1368, %broadcast_in_dim3A_1326, %select_n3A_1322 : vector<16xi1>, vector<16xi32>
        %select_n3A_1372 = arith.select %gt3A_1367, %select_n3A_1324, %select_n3A_1371 : vector<16xi1>, vector<16xi32>
        %select_n3A_1373 = arith.select %gt3A_1367, %gather3A_1366, %select_n3A_1323 : vector<16xi1>, vector<16xf32>
        %select_n3A_1374 = arith.select %gt3A_1367, %broadcast_in_dim3A_1326, %select_n3A_1324 : vector<16xi1>, vector<16xi32>
        %broadcast_in_dim3A_1375 = arith.constant 27 : i32
        %broadcast_in_dim3A_1376 = vector.broadcast %broadcast_in_dim3A_1375 : i32 to vector<16xi32>
        %add3A_1377 = arith.constant 27 : i32
        %add3A_1378 = vector.broadcast %add3A_1377 : i32 to vector<16xi32>
        %add3A_1379 = arith.addi %mul3A_40, %add3A_1378 : vector<16xi32>
        %gather3A_1380 = tpu.vector_load_idx %arg6[%add3A_1379] : memref<16640xf32, #tpu.memory_space<vmem>>[vector<16xi32>], vector<16xf32>,
        %gt3A_1381 = arith.cmpf ogt, %gather3A_1380, %select_n3A_1337 : vector<16xf32>
        %gt3A_1382 = arith.cmpf ogt, %gather3A_1380, %select_n3A_1334 : vector<16xf32>
        %select_n3A_1383 = arith.select %gt3A_1382, %gather3A_1380, %select_n3A_1334 : vector<16xi1>, vector<16xf32>
        %select_n3A_1384 = arith.select %gt3A_1381, %select_n3A_1337, %select_n3A_1383 : vector<16xi1>, vector<16xf32>
        %select_n3A_1385 = arith.select %gt3A_1382, %broadcast_in_dim3A_1376, %select_n3A_1336 : vector<16xi1>, vector<16xi32>
        %select_n3A_1386 = arith.select %gt3A_1381, %select_n3A_1338, %select_n3A_1385 : vector<16xi1>, vector<16xi32>
        %select_n3A_1387 = arith.select %gt3A_1381, %gather3A_1380, %select_n3A_1337 : vector<16xi1>, vector<16xf32>
        %select_n3A_1388 = arith.select %gt3A_1381, %broadcast_in_dim3A_1376, %select_n3A_1338 : vector<16xi1>, vector<16xi32>
        %add3A_1389 = arith.constant 27 : i32
        %add3A_1390 = vector.broadcast %add3A_1389 : i32 to vector<16xi32>
        %add3A_1391 = arith.addi %mul3A_51, %add3A_1390 : vector<16xi32>
        %gather3A_1392 = tpu.vector_load_idx %arg6[%add3A_1391] : memref<16640xf32, #tpu.memory_space<vmem>>[vector<16xi32>], vector<16xf32>,
        %gt3A_1393 = arith.cmpf ogt, %gather3A_1392, %select_n3A_1349 : vector<16xf32>
        %gt3A_1394 = arith.cmpf ogt, %gather3A_1392, %select_n3A_1346 : vector<16xf32>
        %select_n3A_1395 = arith.select %gt3A_1394, %gather3A_1392, %select_n3A_1346 : vector<16xi1>, vector<16xf32>
        %select_n3A_1396 = arith.select %gt3A_1393, %select_n3A_1349, %select_n3A_1395 : vector<16xi1>, vector<16xf32>
        %select_n3A_1397 = arith.select %gt3A_1394, %broadcast_in_dim3A_1376, %select_n3A_1348 : vector<16xi1>, vector<16xi32>
        %select_n3A_1398 = arith.select %gt3A_1393, %select_n3A_1350, %select_n3A_1397 : vector<16xi1>, vector<16xi32>
        %select_n3A_1399 = arith.select %gt3A_1393, %gather3A_1392, %select_n3A_1349 : vector<16xi1>, vector<16xf32>
        %select_n3A_1400 = arith.select %gt3A_1393, %broadcast_in_dim3A_1376, %select_n3A_1350 : vector<16xi1>, vector<16xi32>
        %add3A_1401 = arith.constant 27 : i32
        %add3A_1402 = vector.broadcast %add3A_1401 : i32 to vector<16xi32>
        %add3A_1403 = arith.addi %mul3A_63, %add3A_1402 : vector<16xi32>
        %gather3A_1404 = tpu.vector_load_idx %arg6[%add3A_1403] : memref<16640xf32, #tpu.memory_space<vmem>>[vector<16xi32>], vector<16xf32>,
        %gt3A_1405 = arith.cmpf ogt, %gather3A_1404, %select_n3A_1361 : vector<16xf32>
        %gt3A_1406 = arith.cmpf ogt, %gather3A_1404, %select_n3A_1358 : vector<16xf32>
        %select_n3A_1407 = arith.select %gt3A_1406, %gather3A_1404, %select_n3A_1358 : vector<16xi1>, vector<16xf32>
        %select_n3A_1408 = arith.select %gt3A_1405, %select_n3A_1361, %select_n3A_1407 : vector<16xi1>, vector<16xf32>
        %select_n3A_1409 = arith.select %gt3A_1406, %broadcast_in_dim3A_1376, %select_n3A_1360 : vector<16xi1>, vector<16xi32>
        %select_n3A_1410 = arith.select %gt3A_1405, %select_n3A_1362, %select_n3A_1409 : vector<16xi1>, vector<16xi32>
        %select_n3A_1411 = arith.select %gt3A_1405, %gather3A_1404, %select_n3A_1361 : vector<16xi1>, vector<16xf32>
        %select_n3A_1412 = arith.select %gt3A_1405, %broadcast_in_dim3A_1376, %select_n3A_1362 : vector<16xi1>, vector<16xi32>
        %add3A_1413 = arith.constant 27 : i32
        %add3A_1414 = vector.broadcast %add3A_1413 : i32 to vector<16xi32>
        %add3A_1415 = arith.addi %mul3A_75, %add3A_1414 : vector<16xi32>
        %gather3A_1416 = tpu.vector_load_idx %arg6[%add3A_1415] : memref<16640xf32, #tpu.memory_space<vmem>>[vector<16xi32>], vector<16xf32>,
        %gt3A_1417 = arith.cmpf ogt, %gather3A_1416, %select_n3A_1373 : vector<16xf32>
        %gt3A_1418 = arith.cmpf ogt, %gather3A_1416, %select_n3A_1370 : vector<16xf32>
        %select_n3A_1419 = arith.select %gt3A_1418, %gather3A_1416, %select_n3A_1370 : vector<16xi1>, vector<16xf32>
        %select_n3A_1420 = arith.select %gt3A_1417, %select_n3A_1373, %select_n3A_1419 : vector<16xi1>, vector<16xf32>
        %select_n3A_1421 = arith.select %gt3A_1418, %broadcast_in_dim3A_1376, %select_n3A_1372 : vector<16xi1>, vector<16xi32>
        %select_n3A_1422 = arith.select %gt3A_1417, %select_n3A_1374, %select_n3A_1421 : vector<16xi1>, vector<16xi32>
        %select_n3A_1423 = arith.select %gt3A_1417, %gather3A_1416, %select_n3A_1373 : vector<16xi1>, vector<16xf32>
        %select_n3A_1424 = arith.select %gt3A_1417, %broadcast_in_dim3A_1376, %select_n3A_1374 : vector<16xi1>, vector<16xi32>
        %broadcast_in_dim3A_1425 = arith.constant 28 : i32
        %broadcast_in_dim3A_1426 = vector.broadcast %broadcast_in_dim3A_1425 : i32 to vector<16xi32>
        %add3A_1427 = arith.constant 28 : i32
        %add3A_1428 = vector.broadcast %add3A_1427 : i32 to vector<16xi32>
        %add3A_1429 = arith.addi %mul3A_40, %add3A_1428 : vector<16xi32>
        %gather3A_1430 = tpu.vector_load_idx %arg6[%add3A_1429] : memref<16640xf32, #tpu.memory_space<vmem>>[vector<16xi32>], vector<16xf32>,
        %gt3A_1431 = arith.cmpf ogt, %gather3A_1430, %select_n3A_1387 : vector<16xf32>
        %gt3A_1432 = arith.cmpf ogt, %gather3A_1430, %select_n3A_1384 : vector<16xf32>
        %select_n3A_1433 = arith.select %gt3A_1432, %gather3A_1430, %select_n3A_1384 : vector<16xi1>, vector<16xf32>
        %select_n3A_1434 = arith.select %gt3A_1431, %select_n3A_1387, %select_n3A_1433 : vector<16xi1>, vector<16xf32>
        %select_n3A_1435 = arith.select %gt3A_1432, %broadcast_in_dim3A_1426, %select_n3A_1386 : vector<16xi1>, vector<16xi32>
        %select_n3A_1436 = arith.select %gt3A_1431, %select_n3A_1388, %select_n3A_1435 : vector<16xi1>, vector<16xi32>
        %select_n3A_1437 = arith.select %gt3A_1431, %gather3A_1430, %select_n3A_1387 : vector<16xi1>, vector<16xf32>
        %select_n3A_1438 = arith.select %gt3A_1431, %broadcast_in_dim3A_1426, %select_n3A_1388 : vector<16xi1>, vector<16xi32>
        %add3A_1439 = arith.constant 28 : i32
        %add3A_1440 = vector.broadcast %add3A_1439 : i32 to vector<16xi32>
        %add3A_1441 = arith.addi %mul3A_51, %add3A_1440 : vector<16xi32>
        %gather3A_1442 = tpu.vector_load_idx %arg6[%add3A_1441] : memref<16640xf32, #tpu.memory_space<vmem>>[vector<16xi32>], vector<16xf32>,
        %gt3A_1443 = arith.cmpf ogt, %gather3A_1442, %select_n3A_1399 : vector<16xf32>
        %gt3A_1444 = arith.cmpf ogt, %gather3A_1442, %select_n3A_1396 : vector<16xf32>
        %select_n3A_1445 = arith.select %gt3A_1444, %gather3A_1442, %select_n3A_1396 : vector<16xi1>, vector<16xf32>
        %select_n3A_1446 = arith.select %gt3A_1443, %select_n3A_1399, %select_n3A_1445 : vector<16xi1>, vector<16xf32>
        %select_n3A_1447 = arith.select %gt3A_1444, %broadcast_in_dim3A_1426, %select_n3A_1398 : vector<16xi1>, vector<16xi32>
        %select_n3A_1448 = arith.select %gt3A_1443, %select_n3A_1400, %select_n3A_1447 : vector<16xi1>, vector<16xi32>
        %select_n3A_1449 = arith.select %gt3A_1443, %gather3A_1442, %select_n3A_1399 : vector<16xi1>, vector<16xf32>
        %select_n3A_1450 = arith.select %gt3A_1443, %broadcast_in_dim3A_1426, %select_n3A_1400 : vector<16xi1>, vector<16xi32>
        %add3A_1451 = arith.constant 28 : i32
        %add3A_1452 = vector.broadcast %add3A_1451 : i32 to vector<16xi32>
        %add3A_1453 = arith.addi %mul3A_63, %add3A_1452 : vector<16xi32>
        %gather3A_1454 = tpu.vector_load_idx %arg6[%add3A_1453] : memref<16640xf32, #tpu.memory_space<vmem>>[vector<16xi32>], vector<16xf32>,
        %gt3A_1455 = arith.cmpf ogt, %gather3A_1454, %select_n3A_1411 : vector<16xf32>
        %gt3A_1456 = arith.cmpf ogt, %gather3A_1454, %select_n3A_1408 : vector<16xf32>
        %select_n3A_1457 = arith.select %gt3A_1456, %gather3A_1454, %select_n3A_1408 : vector<16xi1>, vector<16xf32>
        %select_n3A_1458 = arith.select %gt3A_1455, %select_n3A_1411, %select_n3A_1457 : vector<16xi1>, vector<16xf32>
        %select_n3A_1459 = arith.select %gt3A_1456, %broadcast_in_dim3A_1426, %select_n3A_1410 : vector<16xi1>, vector<16xi32>
        %select_n3A_1460 = arith.select %gt3A_1455, %select_n3A_1412, %select_n3A_1459 : vector<16xi1>, vector<16xi32>
        %select_n3A_1461 = arith.select %gt3A_1455, %gather3A_1454, %select_n3A_1411 : vector<16xi1>, vector<16xf32>
        %select_n3A_1462 = arith.select %gt3A_1455, %broadcast_in_dim3A_1426, %select_n3A_1412 : vector<16xi1>, vector<16xi32>
        %add3A_1463 = arith.constant 28 : i32
        %add3A_1464 = vector.broadcast %add3A_1463 : i32 to vector<16xi32>
        %add3A_1465 = arith.addi %mul3A_75, %add3A_1464 : vector<16xi32>
        %gather3A_1466 = tpu.vector_load_idx %arg6[%add3A_1465] : memref<16640xf32, #tpu.memory_space<vmem>>[vector<16xi32>], vector<16xf32>,
        %gt3A_1467 = arith.cmpf ogt, %gather3A_1466, %select_n3A_1423 : vector<16xf32>
        %gt3A_1468 = arith.cmpf ogt, %gather3A_1466, %select_n3A_1420 : vector<16xf32>
        %select_n3A_1469 = arith.select %gt3A_1468, %gather3A_1466, %select_n3A_1420 : vector<16xi1>, vector<16xf32>
        %select_n3A_1470 = arith.select %gt3A_1467, %select_n3A_1423, %select_n3A_1469 : vector<16xi1>, vector<16xf32>
        %select_n3A_1471 = arith.select %gt3A_1468, %broadcast_in_dim3A_1426, %select_n3A_1422 : vector<16xi1>, vector<16xi32>
        %select_n3A_1472 = arith.select %gt3A_1467, %select_n3A_1424, %select_n3A_1471 : vector<16xi1>, vector<16xi32>
        %select_n3A_1473 = arith.select %gt3A_1467, %gather3A_1466, %select_n3A_1423 : vector<16xi1>, vector<16xf32>
        %select_n3A_1474 = arith.select %gt3A_1467, %broadcast_in_dim3A_1426, %select_n3A_1424 : vector<16xi1>, vector<16xi32>
        %broadcast_in_dim3A_1475 = arith.constant 29 : i32
        %broadcast_in_dim3A_1476 = vector.broadcast %broadcast_in_dim3A_1475 : i32 to vector<16xi32>
        %add3A_1477 = arith.constant 29 : i32
        %add3A_1478 = vector.broadcast %add3A_1477 : i32 to vector<16xi32>
        %add3A_1479 = arith.addi %mul3A_40, %add3A_1478 : vector<16xi32>
        %gather3A_1480 = tpu.vector_load_idx %arg6[%add3A_1479] : memref<16640xf32, #tpu.memory_space<vmem>>[vector<16xi32>], vector<16xf32>,
        %gt3A_1481 = arith.cmpf ogt, %gather3A_1480, %select_n3A_1437 : vector<16xf32>
        %gt3A_1482 = arith.cmpf ogt, %gather3A_1480, %select_n3A_1434 : vector<16xf32>
        %select_n3A_1483 = arith.select %gt3A_1482, %gather3A_1480, %select_n3A_1434 : vector<16xi1>, vector<16xf32>
        %select_n3A_1484 = arith.select %gt3A_1481, %select_n3A_1437, %select_n3A_1483 : vector<16xi1>, vector<16xf32>
        %select_n3A_1485 = arith.select %gt3A_1482, %broadcast_in_dim3A_1476, %select_n3A_1436 : vector<16xi1>, vector<16xi32>
        %select_n3A_1486 = arith.select %gt3A_1481, %select_n3A_1438, %select_n3A_1485 : vector<16xi1>, vector<16xi32>
        %select_n3A_1487 = arith.select %gt3A_1481, %gather3A_1480, %select_n3A_1437 : vector<16xi1>, vector<16xf32>
        %select_n3A_1488 = arith.select %gt3A_1481, %broadcast_in_dim3A_1476, %select_n3A_1438 : vector<16xi1>, vector<16xi32>
        %add3A_1489 = arith.constant 29 : i32
        %add3A_1490 = vector.broadcast %add3A_1489 : i32 to vector<16xi32>
        %add3A_1491 = arith.addi %mul3A_51, %add3A_1490 : vector<16xi32>
        %gather3A_1492 = tpu.vector_load_idx %arg6[%add3A_1491] : memref<16640xf32, #tpu.memory_space<vmem>>[vector<16xi32>], vector<16xf32>,
        %gt3A_1493 = arith.cmpf ogt, %gather3A_1492, %select_n3A_1449 : vector<16xf32>
        %gt3A_1494 = arith.cmpf ogt, %gather3A_1492, %select_n3A_1446 : vector<16xf32>
        %select_n3A_1495 = arith.select %gt3A_1494, %gather3A_1492, %select_n3A_1446 : vector<16xi1>, vector<16xf32>
        %select_n3A_1496 = arith.select %gt3A_1493, %select_n3A_1449, %select_n3A_1495 : vector<16xi1>, vector<16xf32>
        %select_n3A_1497 = arith.select %gt3A_1494, %broadcast_in_dim3A_1476, %select_n3A_1448 : vector<16xi1>, vector<16xi32>
        %select_n3A_1498 = arith.select %gt3A_1493, %select_n3A_1450, %select_n3A_1497 : vector<16xi1>, vector<16xi32>
        %select_n3A_1499 = arith.select %gt3A_1493, %gather3A_1492, %select_n3A_1449 : vector<16xi1>, vector<16xf32>
        %select_n3A_1500 = arith.select %gt3A_1493, %broadcast_in_dim3A_1476, %select_n3A_1450 : vector<16xi1>, vector<16xi32>
        %add3A_1501 = arith.constant 29 : i32
        %add3A_1502 = vector.broadcast %add3A_1501 : i32 to vector<16xi32>
        %add3A_1503 = arith.addi %mul3A_63, %add3A_1502 : vector<16xi32>
        %gather3A_1504 = tpu.vector_load_idx %arg6[%add3A_1503] : memref<16640xf32, #tpu.memory_space<vmem>>[vector<16xi32>], vector<16xf32>,
        %gt3A_1505 = arith.cmpf ogt, %gather3A_1504, %select_n3A_1461 : vector<16xf32>
        %gt3A_1506 = arith.cmpf ogt, %gather3A_1504, %select_n3A_1458 : vector<16xf32>
        %select_n3A_1507 = arith.select %gt3A_1506, %gather3A_1504, %select_n3A_1458 : vector<16xi1>, vector<16xf32>
        %select_n3A_1508 = arith.select %gt3A_1505, %select_n3A_1461, %select_n3A_1507 : vector<16xi1>, vector<16xf32>
        %select_n3A_1509 = arith.select %gt3A_1506, %broadcast_in_dim3A_1476, %select_n3A_1460 : vector<16xi1>, vector<16xi32>
        %select_n3A_1510 = arith.select %gt3A_1505, %select_n3A_1462, %select_n3A_1509 : vector<16xi1>, vector<16xi32>
        %select_n3A_1511 = arith.select %gt3A_1505, %gather3A_1504, %select_n3A_1461 : vector<16xi1>, vector<16xf32>
        %select_n3A_1512 = arith.select %gt3A_1505, %broadcast_in_dim3A_1476, %select_n3A_1462 : vector<16xi1>, vector<16xi32>
        %add3A_1513 = arith.constant 29 : i32
        %add3A_1514 = vector.broadcast %add3A_1513 : i32 to vector<16xi32>
        %add3A_1515 = arith.addi %mul3A_75, %add3A_1514 : vector<16xi32>
        %gather3A_1516 = tpu.vector_load_idx %arg6[%add3A_1515] : memref<16640xf32, #tpu.memory_space<vmem>>[vector<16xi32>], vector<16xf32>,
        %gt3A_1517 = arith.cmpf ogt, %gather3A_1516, %select_n3A_1473 : vector<16xf32>
        %gt3A_1518 = arith.cmpf ogt, %gather3A_1516, %select_n3A_1470 : vector<16xf32>
        %select_n3A_1519 = arith.select %gt3A_1518, %gather3A_1516, %select_n3A_1470 : vector<16xi1>, vector<16xf32>
        %select_n3A_1520 = arith.select %gt3A_1517, %select_n3A_1473, %select_n3A_1519 : vector<16xi1>, vector<16xf32>
        %select_n3A_1521 = arith.select %gt3A_1518, %broadcast_in_dim3A_1476, %select_n3A_1472 : vector<16xi1>, vector<16xi32>
        %select_n3A_1522 = arith.select %gt3A_1517, %select_n3A_1474, %select_n3A_1521 : vector<16xi1>, vector<16xi32>
        %select_n3A_1523 = arith.select %gt3A_1517, %gather3A_1516, %select_n3A_1473 : vector<16xi1>, vector<16xf32>
        %select_n3A_1524 = arith.select %gt3A_1517, %broadcast_in_dim3A_1476, %select_n3A_1474 : vector<16xi1>, vector<16xi32>
        %broadcast_in_dim3A_1525 = arith.constant 30 : i32
        %broadcast_in_dim3A_1526 = vector.broadcast %broadcast_in_dim3A_1525 : i32 to vector<16xi32>
        %add3A_1527 = arith.constant 30 : i32
        %add3A_1528 = vector.broadcast %add3A_1527 : i32 to vector<16xi32>
        %add3A_1529 = arith.addi %mul3A_40, %add3A_1528 : vector<16xi32>
        %gather3A_1530 = tpu.vector_load_idx %arg6[%add3A_1529] : memref<16640xf32, #tpu.memory_space<vmem>>[vector<16xi32>], vector<16xf32>,
        %gt3A_1531 = arith.cmpf ogt, %gather3A_1530, %select_n3A_1487 : vector<16xf32>
        %gt3A_1532 = arith.cmpf ogt, %gather3A_1530, %select_n3A_1484 : vector<16xf32>
        %select_n3A_1533 = arith.select %gt3A_1532, %gather3A_1530, %select_n3A_1484 : vector<16xi1>, vector<16xf32>
        %select_n3A_1534 = arith.select %gt3A_1531, %select_n3A_1487, %select_n3A_1533 : vector<16xi1>, vector<16xf32>
        %select_n3A_1535 = arith.select %gt3A_1532, %broadcast_in_dim3A_1526, %select_n3A_1486 : vector<16xi1>, vector<16xi32>
        %select_n3A_1536 = arith.select %gt3A_1531, %select_n3A_1488, %select_n3A_1535 : vector<16xi1>, vector<16xi32>
        %select_n3A_1537 = arith.select %gt3A_1531, %gather3A_1530, %select_n3A_1487 : vector<16xi1>, vector<16xf32>
        %select_n3A_1538 = arith.select %gt3A_1531, %broadcast_in_dim3A_1526, %select_n3A_1488 : vector<16xi1>, vector<16xi32>
        %add3A_1539 = arith.constant 30 : i32
        %add3A_1540 = vector.broadcast %add3A_1539 : i32 to vector<16xi32>
        %add3A_1541 = arith.addi %mul3A_51, %add3A_1540 : vector<16xi32>
        %gather3A_1542 = tpu.vector_load_idx %arg6[%add3A_1541] : memref<16640xf32, #tpu.memory_space<vmem>>[vector<16xi32>], vector<16xf32>,
        %gt3A_1543 = arith.cmpf ogt, %gather3A_1542, %select_n3A_1499 : vector<16xf32>
        %gt3A_1544 = arith.cmpf ogt, %gather3A_1542, %select_n3A_1496 : vector<16xf32>
        %select_n3A_1545 = arith.select %gt3A_1544, %gather3A_1542, %select_n3A_1496 : vector<16xi1>, vector<16xf32>
        %select_n3A_1546 = arith.select %gt3A_1543, %select_n3A_1499, %select_n3A_1545 : vector<16xi1>, vector<16xf32>
        %select_n3A_1547 = arith.select %gt3A_1544, %broadcast_in_dim3A_1526, %select_n3A_1498 : vector<16xi1>, vector<16xi32>
        %select_n3A_1548 = arith.select %gt3A_1543, %select_n3A_1500, %select_n3A_1547 : vector<16xi1>, vector<16xi32>
        %select_n3A_1549 = arith.select %gt3A_1543, %gather3A_1542, %select_n3A_1499 : vector<16xi1>, vector<16xf32>
        %select_n3A_1550 = arith.select %gt3A_1543, %broadcast_in_dim3A_1526, %select_n3A_1500 : vector<16xi1>, vector<16xi32>
        %add3A_1551 = arith.constant 30 : i32
        %add3A_1552 = vector.broadcast %add3A_1551 : i32 to vector<16xi32>
        %add3A_1553 = arith.addi %mul3A_63, %add3A_1552 : vector<16xi32>
        %gather3A_1554 = tpu.vector_load_idx %arg6[%add3A_1553] : memref<16640xf32, #tpu.memory_space<vmem>>[vector<16xi32>], vector<16xf32>,
        %gt3A_1555 = arith.cmpf ogt, %gather3A_1554, %select_n3A_1511 : vector<16xf32>
        %gt3A_1556 = arith.cmpf ogt, %gather3A_1554, %select_n3A_1508 : vector<16xf32>
        %select_n3A_1557 = arith.select %gt3A_1556, %gather3A_1554, %select_n3A_1508 : vector<16xi1>, vector<16xf32>
        %select_n3A_1558 = arith.select %gt3A_1555, %select_n3A_1511, %select_n3A_1557 : vector<16xi1>, vector<16xf32>
        %select_n3A_1559 = arith.select %gt3A_1556, %broadcast_in_dim3A_1526, %select_n3A_1510 : vector<16xi1>, vector<16xi32>
        %select_n3A_1560 = arith.select %gt3A_1555, %select_n3A_1512, %select_n3A_1559 : vector<16xi1>, vector<16xi32>
        %select_n3A_1561 = arith.select %gt3A_1555, %gather3A_1554, %select_n3A_1511 : vector<16xi1>, vector<16xf32>
        %select_n3A_1562 = arith.select %gt3A_1555, %broadcast_in_dim3A_1526, %select_n3A_1512 : vector<16xi1>, vector<16xi32>
        %add3A_1563 = arith.constant 30 : i32
        %add3A_1564 = vector.broadcast %add3A_1563 : i32 to vector<16xi32>
        %add3A_1565 = arith.addi %mul3A_75, %add3A_1564 : vector<16xi32>
        %gather3A_1566 = tpu.vector_load_idx %arg6[%add3A_1565] : memref<16640xf32, #tpu.memory_space<vmem>>[vector<16xi32>], vector<16xf32>,
        %gt3A_1567 = arith.cmpf ogt, %gather3A_1566, %select_n3A_1523 : vector<16xf32>
        %gt3A_1568 = arith.cmpf ogt, %gather3A_1566, %select_n3A_1520 : vector<16xf32>
        %select_n3A_1569 = arith.select %gt3A_1568, %gather3A_1566, %select_n3A_1520 : vector<16xi1>, vector<16xf32>
        %select_n3A_1570 = arith.select %gt3A_1567, %select_n3A_1523, %select_n3A_1569 : vector<16xi1>, vector<16xf32>
        %select_n3A_1571 = arith.select %gt3A_1568, %broadcast_in_dim3A_1526, %select_n3A_1522 : vector<16xi1>, vector<16xi32>
        %select_n3A_1572 = arith.select %gt3A_1567, %select_n3A_1524, %select_n3A_1571 : vector<16xi1>, vector<16xi32>
        %select_n3A_1573 = arith.select %gt3A_1567, %gather3A_1566, %select_n3A_1523 : vector<16xi1>, vector<16xf32>
        %select_n3A_1574 = arith.select %gt3A_1567, %broadcast_in_dim3A_1526, %select_n3A_1524 : vector<16xi1>, vector<16xi32>
        %broadcast_in_dim3A_1575 = arith.constant 31 : i32
        %broadcast_in_dim3A_1576 = vector.broadcast %broadcast_in_dim3A_1575 : i32 to vector<16xi32>
        %add3A_1577 = arith.constant 31 : i32
        %add3A_1578 = vector.broadcast %add3A_1577 : i32 to vector<16xi32>
        %add3A_1579 = arith.addi %mul3A_40, %add3A_1578 : vector<16xi32>
        %gather3A_1580 = tpu.vector_load_idx %arg6[%add3A_1579] : memref<16640xf32, #tpu.memory_space<vmem>>[vector<16xi32>], vector<16xf32>,
        %gt3A_1581 = arith.cmpf ogt, %gather3A_1580, %select_n3A_1537 : vector<16xf32>
        %gt3A_1582 = arith.cmpf ogt, %gather3A_1580, %select_n3A_1534 : vector<16xf32>
        %select_n3A_1583 = arith.select %gt3A_1582, %gather3A_1580, %select_n3A_1534 : vector<16xi1>, vector<16xf32>
        %select_n3A_1584 = arith.select %gt3A_1581, %select_n3A_1537, %select_n3A_1583 : vector<16xi1>, vector<16xf32>
        %select_n3A_1585 = arith.select %gt3A_1582, %broadcast_in_dim3A_1576, %select_n3A_1536 : vector<16xi1>, vector<16xi32>
        %select_n3A_1586 = arith.select %gt3A_1581, %select_n3A_1538, %select_n3A_1585 : vector<16xi1>, vector<16xi32>
        %select_n3A_1587 = arith.select %gt3A_1581, %gather3A_1580, %select_n3A_1537 : vector<16xi1>, vector<16xf32>
        %select_n3A_1588 = arith.select %gt3A_1581, %broadcast_in_dim3A_1576, %select_n3A_1538 : vector<16xi1>, vector<16xi32>
        %add3A_1589 = arith.constant 31 : i32
        %add3A_1590 = vector.broadcast %add3A_1589 : i32 to vector<16xi32>
        %add3A_1591 = arith.addi %mul3A_51, %add3A_1590 : vector<16xi32>
        %gather3A_1592 = tpu.vector_load_idx %arg6[%add3A_1591] : memref<16640xf32, #tpu.memory_space<vmem>>[vector<16xi32>], vector<16xf32>,
        %gt3A_1593 = arith.cmpf ogt, %gather3A_1592, %select_n3A_1549 : vector<16xf32>
        %gt3A_1594 = arith.cmpf ogt, %gather3A_1592, %select_n3A_1546 : vector<16xf32>
        %select_n3A_1595 = arith.select %gt3A_1594, %gather3A_1592, %select_n3A_1546 : vector<16xi1>, vector<16xf32>
        %select_n3A_1596 = arith.select %gt3A_1593, %select_n3A_1549, %select_n3A_1595 : vector<16xi1>, vector<16xf32>
        %select_n3A_1597 = arith.select %gt3A_1594, %broadcast_in_dim3A_1576, %select_n3A_1548 : vector<16xi1>, vector<16xi32>
        %select_n3A_1598 = arith.select %gt3A_1593, %select_n3A_1550, %select_n3A_1597 : vector<16xi1>, vector<16xi32>
        %select_n3A_1599 = arith.select %gt3A_1593, %gather3A_1592, %select_n3A_1549 : vector<16xi1>, vector<16xf32>
        %select_n3A_1600 = arith.select %gt3A_1593, %broadcast_in_dim3A_1576, %select_n3A_1550 : vector<16xi1>, vector<16xi32>
        %add3A_1601 = arith.constant 31 : i32
        %add3A_1602 = vector.broadcast %add3A_1601 : i32 to vector<16xi32>
        %add3A_1603 = arith.addi %mul3A_63, %add3A_1602 : vector<16xi32>
        %gather3A_1604 = tpu.vector_load_idx %arg6[%add3A_1603] : memref<16640xf32, #tpu.memory_space<vmem>>[vector<16xi32>], vector<16xf32>,
        %gt3A_1605 = arith.cmpf ogt, %gather3A_1604, %select_n3A_1561 : vector<16xf32>
        %gt3A_1606 = arith.cmpf ogt, %gather3A_1604, %select_n3A_1558 : vector<16xf32>
        %select_n3A_1607 = arith.select %gt3A_1606, %gather3A_1604, %select_n3A_1558 : vector<16xi1>, vector<16xf32>
        %select_n3A_1608 = arith.select %gt3A_1605, %select_n3A_1561, %select_n3A_1607 : vector<16xi1>, vector<16xf32>
        %select_n3A_1609 = arith.select %gt3A_1606, %broadcast_in_dim3A_1576, %select_n3A_1560 : vector<16xi1>, vector<16xi32>
        %select_n3A_1610 = arith.select %gt3A_1605, %select_n3A_1562, %select_n3A_1609 : vector<16xi1>, vector<16xi32>
        %select_n3A_1611 = arith.select %gt3A_1605, %gather3A_1604, %select_n3A_1561 : vector<16xi1>, vector<16xf32>
        %select_n3A_1612 = arith.select %gt3A_1605, %broadcast_in_dim3A_1576, %select_n3A_1562 : vector<16xi1>, vector<16xi32>
        %add3A_1613 = arith.constant 31 : i32
        %add3A_1614 = vector.broadcast %add3A_1613 : i32 to vector<16xi32>
        %add3A_1615 = arith.addi %mul3A_75, %add3A_1614 : vector<16xi32>
        %gather3A_1616 = tpu.vector_load_idx %arg6[%add3A_1615] : memref<16640xf32, #tpu.memory_space<vmem>>[vector<16xi32>], vector<16xf32>,
        %gt3A_1617 = arith.cmpf ogt, %gather3A_1616, %select_n3A_1573 : vector<16xf32>
        %gt3A_1618 = arith.cmpf ogt, %gather3A_1616, %select_n3A_1570 : vector<16xf32>
        %select_n3A_1619 = arith.select %gt3A_1618, %gather3A_1616, %select_n3A_1570 : vector<16xi1>, vector<16xf32>
        %select_n3A_1620 = arith.select %gt3A_1617, %select_n3A_1573, %select_n3A_1619 : vector<16xi1>, vector<16xf32>
        %select_n3A_1621 = arith.select %gt3A_1618, %broadcast_in_dim3A_1576, %select_n3A_1572 : vector<16xi1>, vector<16xi32>
        %select_n3A_1622 = arith.select %gt3A_1617, %select_n3A_1574, %select_n3A_1621 : vector<16xi1>, vector<16xi32>
        %select_n3A_1623 = arith.select %gt3A_1617, %gather3A_1616, %select_n3A_1573 : vector<16xi1>, vector<16xf32>
        %select_n3A_1624 = arith.select %gt3A_1617, %broadcast_in_dim3A_1576, %select_n3A_1574 : vector<16xi1>, vector<16xi32>
        %broadcast_in_dim3A_1625 = arith.constant 32 : i32
        %broadcast_in_dim3A_1626 = vector.broadcast %broadcast_in_dim3A_1625 : i32 to vector<16xi32>
        %add3A_1627 = arith.constant 32 : i32
        %add3A_1628 = vector.broadcast %add3A_1627 : i32 to vector<16xi32>
        %add3A_1629 = arith.addi %mul3A_40, %add3A_1628 : vector<16xi32>
        %gather3A_1630 = tpu.vector_load_idx %arg6[%add3A_1629] : memref<16640xf32, #tpu.memory_space<vmem>>[vector<16xi32>], vector<16xf32>,
        %gt3A_1631 = arith.cmpf ogt, %gather3A_1630, %select_n3A_1587 : vector<16xf32>
        %gt3A_1632 = arith.cmpf ogt, %gather3A_1630, %select_n3A_1584 : vector<16xf32>
        %select_n3A_1633 = arith.select %gt3A_1632, %gather3A_1630, %select_n3A_1584 : vector<16xi1>, vector<16xf32>
        %select_n3A_1634 = arith.select %gt3A_1631, %select_n3A_1587, %select_n3A_1633 : vector<16xi1>, vector<16xf32>
        %select_n3A_1635 = arith.select %gt3A_1632, %broadcast_in_dim3A_1626, %select_n3A_1586 : vector<16xi1>, vector<16xi32>
        %select_n3A_1636 = arith.select %gt3A_1631, %select_n3A_1588, %select_n3A_1635 : vector<16xi1>, vector<16xi32>
        %select_n3A_1637 = arith.select %gt3A_1631, %gather3A_1630, %select_n3A_1587 : vector<16xi1>, vector<16xf32>
        %select_n3A_1638 = arith.select %gt3A_1631, %broadcast_in_dim3A_1626, %select_n3A_1588 : vector<16xi1>, vector<16xi32>
        %add3A_1639 = arith.constant 32 : i32
        %add3A_1640 = vector.broadcast %add3A_1639 : i32 to vector<16xi32>
        %add3A_1641 = arith.addi %mul3A_51, %add3A_1640 : vector<16xi32>
        %gather3A_1642 = tpu.vector_load_idx %arg6[%add3A_1641] : memref<16640xf32, #tpu.memory_space<vmem>>[vector<16xi32>], vector<16xf32>,
        %gt3A_1643 = arith.cmpf ogt, %gather3A_1642, %select_n3A_1599 : vector<16xf32>
        %gt3A_1644 = arith.cmpf ogt, %gather3A_1642, %select_n3A_1596 : vector<16xf32>
        %select_n3A_1645 = arith.select %gt3A_1644, %gather3A_1642, %select_n3A_1596 : vector<16xi1>, vector<16xf32>
        %select_n3A_1646 = arith.select %gt3A_1643, %select_n3A_1599, %select_n3A_1645 : vector<16xi1>, vector<16xf32>
        %select_n3A_1647 = arith.select %gt3A_1644, %broadcast_in_dim3A_1626, %select_n3A_1598 : vector<16xi1>, vector<16xi32>
        %select_n3A_1648 = arith.select %gt3A_1643, %select_n3A_1600, %select_n3A_1647 : vector<16xi1>, vector<16xi32>
        %select_n3A_1649 = arith.select %gt3A_1643, %gather3A_1642, %select_n3A_1599 : vector<16xi1>, vector<16xf32>
        %select_n3A_1650 = arith.select %gt3A_1643, %broadcast_in_dim3A_1626, %select_n3A_1600 : vector<16xi1>, vector<16xi32>
        %add3A_1651 = arith.constant 32 : i32
        %add3A_1652 = vector.broadcast %add3A_1651 : i32 to vector<16xi32>
        %add3A_1653 = arith.addi %mul3A_63, %add3A_1652 : vector<16xi32>
        %gather3A_1654 = tpu.vector_load_idx %arg6[%add3A_1653] : memref<16640xf32, #tpu.memory_space<vmem>>[vector<16xi32>], vector<16xf32>,
        %gt3A_1655 = arith.cmpf ogt, %gather3A_1654, %select_n3A_1611 : vector<16xf32>
        %gt3A_1656 = arith.cmpf ogt, %gather3A_1654, %select_n3A_1608 : vector<16xf32>
        %select_n3A_1657 = arith.select %gt3A_1656, %gather3A_1654, %select_n3A_1608 : vector<16xi1>, vector<16xf32>
        %select_n3A_1658 = arith.select %gt3A_1655, %select_n3A_1611, %select_n3A_1657 : vector<16xi1>, vector<16xf32>
        %select_n3A_1659 = arith.select %gt3A_1656, %broadcast_in_dim3A_1626, %select_n3A_1610 : vector<16xi1>, vector<16xi32>
        %select_n3A_1660 = arith.select %gt3A_1655, %select_n3A_1612, %select_n3A_1659 : vector<16xi1>, vector<16xi32>
        %select_n3A_1661 = arith.select %gt3A_1655, %gather3A_1654, %select_n3A_1611 : vector<16xi1>, vector<16xf32>
        %select_n3A_1662 = arith.select %gt3A_1655, %broadcast_in_dim3A_1626, %select_n3A_1612 : vector<16xi1>, vector<16xi32>
        %add3A_1663 = arith.constant 32 : i32
        %add3A_1664 = vector.broadcast %add3A_1663 : i32 to vector<16xi32>
        %add3A_1665 = arith.addi %mul3A_75, %add3A_1664 : vector<16xi32>
        %gather3A_1666 = tpu.vector_load_idx %arg6[%add3A_1665] : memref<16640xf32, #tpu.memory_space<vmem>>[vector<16xi32>], vector<16xf32>,
        %gt3A_1667 = arith.cmpf ogt, %gather3A_1666, %select_n3A_1623 : vector<16xf32>
        %gt3A_1668 = arith.cmpf ogt, %gather3A_1666, %select_n3A_1620 : vector<16xf32>
        %select_n3A_1669 = arith.select %gt3A_1668, %gather3A_1666, %select_n3A_1620 : vector<16xi1>, vector<16xf32>
        %select_n3A_1670 = arith.select %gt3A_1667, %select_n3A_1623, %select_n3A_1669 : vector<16xi1>, vector<16xf32>
        %select_n3A_1671 = arith.select %gt3A_1668, %broadcast_in_dim3A_1626, %select_n3A_1622 : vector<16xi1>, vector<16xi32>
        %select_n3A_1672 = arith.select %gt3A_1667, %select_n3A_1624, %select_n3A_1671 : vector<16xi1>, vector<16xi32>
        %select_n3A_1673 = arith.select %gt3A_1667, %gather3A_1666, %select_n3A_1623 : vector<16xi1>, vector<16xf32>
        %select_n3A_1674 = arith.select %gt3A_1667, %broadcast_in_dim3A_1626, %select_n3A_1624 : vector<16xi1>, vector<16xi32>
        %broadcast_in_dim3A_1675 = arith.constant 33 : i32
        %broadcast_in_dim3A_1676 = vector.broadcast %broadcast_in_dim3A_1675 : i32 to vector<16xi32>
        %add3A_1677 = arith.constant 33 : i32
        %add3A_1678 = vector.broadcast %add3A_1677 : i32 to vector<16xi32>
        %add3A_1679 = arith.addi %mul3A_40, %add3A_1678 : vector<16xi32>
        %gather3A_1680 = tpu.vector_load_idx %arg6[%add3A_1679] : memref<16640xf32, #tpu.memory_space<vmem>>[vector<16xi32>], vector<16xf32>,
        %gt3A_1681 = arith.cmpf ogt, %gather3A_1680, %select_n3A_1637 : vector<16xf32>
        %gt3A_1682 = arith.cmpf ogt, %gather3A_1680, %select_n3A_1634 : vector<16xf32>
        %select_n3A_1683 = arith.select %gt3A_1682, %gather3A_1680, %select_n3A_1634 : vector<16xi1>, vector<16xf32>
        %select_n3A_1684 = arith.select %gt3A_1681, %select_n3A_1637, %select_n3A_1683 : vector<16xi1>, vector<16xf32>
        %select_n3A_1685 = arith.select %gt3A_1682, %broadcast_in_dim3A_1676, %select_n3A_1636 : vector<16xi1>, vector<16xi32>
        %select_n3A_1686 = arith.select %gt3A_1681, %select_n3A_1638, %select_n3A_1685 : vector<16xi1>, vector<16xi32>
        %select_n3A_1687 = arith.select %gt3A_1681, %gather3A_1680, %select_n3A_1637 : vector<16xi1>, vector<16xf32>
        %select_n3A_1688 = arith.select %gt3A_1681, %broadcast_in_dim3A_1676, %select_n3A_1638 : vector<16xi1>, vector<16xi32>
        %add3A_1689 = arith.constant 33 : i32
        %add3A_1690 = vector.broadcast %add3A_1689 : i32 to vector<16xi32>
        %add3A_1691 = arith.addi %mul3A_51, %add3A_1690 : vector<16xi32>
        %gather3A_1692 = tpu.vector_load_idx %arg6[%add3A_1691] : memref<16640xf32, #tpu.memory_space<vmem>>[vector<16xi32>], vector<16xf32>,
        %gt3A_1693 = arith.cmpf ogt, %gather3A_1692, %select_n3A_1649 : vector<16xf32>
        %gt3A_1694 = arith.cmpf ogt, %gather3A_1692, %select_n3A_1646 : vector<16xf32>
        %select_n3A_1695 = arith.select %gt3A_1694, %gather3A_1692, %select_n3A_1646 : vector<16xi1>, vector<16xf32>
        %select_n3A_1696 = arith.select %gt3A_1693, %select_n3A_1649, %select_n3A_1695 : vector<16xi1>, vector<16xf32>
        %select_n3A_1697 = arith.select %gt3A_1694, %broadcast_in_dim3A_1676, %select_n3A_1648 : vector<16xi1>, vector<16xi32>
        %select_n3A_1698 = arith.select %gt3A_1693, %select_n3A_1650, %select_n3A_1697 : vector<16xi1>, vector<16xi32>
        %select_n3A_1699 = arith.select %gt3A_1693, %gather3A_1692, %select_n3A_1649 : vector<16xi1>, vector<16xf32>
        %select_n3A_1700 = arith.select %gt3A_1693, %broadcast_in_dim3A_1676, %select_n3A_1650 : vector<16xi1>, vector<16xi32>
        %add3A_1701 = arith.constant 33 : i32
        %add3A_1702 = vector.broadcast %add3A_1701 : i32 to vector<16xi32>
        %add3A_1703 = arith.addi %mul3A_63, %add3A_1702 : vector<16xi32>
        %gather3A_1704 = tpu.vector_load_idx %arg6[%add3A_1703] : memref<16640xf32, #tpu.memory_space<vmem>>[vector<16xi32>], vector<16xf32>,
        %gt3A_1705 = arith.cmpf ogt, %gather3A_1704, %select_n3A_1661 : vector<16xf32>
        %gt3A_1706 = arith.cmpf ogt, %gather3A_1704, %select_n3A_1658 : vector<16xf32>
        %select_n3A_1707 = arith.select %gt3A_1706, %gather3A_1704, %select_n3A_1658 : vector<16xi1>, vector<16xf32>
        %select_n3A_1708 = arith.select %gt3A_1705, %select_n3A_1661, %select_n3A_1707 : vector<16xi1>, vector<16xf32>
        %select_n3A_1709 = arith.select %gt3A_1706, %broadcast_in_dim3A_1676, %select_n3A_1660 : vector<16xi1>, vector<16xi32>
        %select_n3A_1710 = arith.select %gt3A_1705, %select_n3A_1662, %select_n3A_1709 : vector<16xi1>, vector<16xi32>
        %select_n3A_1711 = arith.select %gt3A_1705, %gather3A_1704, %select_n3A_1661 : vector<16xi1>, vector<16xf32>
        %select_n3A_1712 = arith.select %gt3A_1705, %broadcast_in_dim3A_1676, %select_n3A_1662 : vector<16xi1>, vector<16xi32>
        %add3A_1713 = arith.constant 33 : i32
        %add3A_1714 = vector.broadcast %add3A_1713 : i32 to vector<16xi32>
        %add3A_1715 = arith.addi %mul3A_75, %add3A_1714 : vector<16xi32>
        %gather3A_1716 = tpu.vector_load_idx %arg6[%add3A_1715] : memref<16640xf32, #tpu.memory_space<vmem>>[vector<16xi32>], vector<16xf32>,
        %gt3A_1717 = arith.cmpf ogt, %gather3A_1716, %select_n3A_1673 : vector<16xf32>
        %gt3A_1718 = arith.cmpf ogt, %gather3A_1716, %select_n3A_1670 : vector<16xf32>
        %select_n3A_1719 = arith.select %gt3A_1718, %gather3A_1716, %select_n3A_1670 : vector<16xi1>, vector<16xf32>
        %select_n3A_1720 = arith.select %gt3A_1717, %select_n3A_1673, %select_n3A_1719 : vector<16xi1>, vector<16xf32>
        %select_n3A_1721 = arith.select %gt3A_1718, %broadcast_in_dim3A_1676, %select_n3A_1672 : vector<16xi1>, vector<16xi32>
        %select_n3A_1722 = arith.select %gt3A_1717, %select_n3A_1674, %select_n3A_1721 : vector<16xi1>, vector<16xi32>
        %select_n3A_1723 = arith.select %gt3A_1717, %gather3A_1716, %select_n3A_1673 : vector<16xi1>, vector<16xf32>
        %select_n3A_1724 = arith.select %gt3A_1717, %broadcast_in_dim3A_1676, %select_n3A_1674 : vector<16xi1>, vector<16xi32>
        %broadcast_in_dim3A_1725 = arith.constant 34 : i32
        %broadcast_in_dim3A_1726 = vector.broadcast %broadcast_in_dim3A_1725 : i32 to vector<16xi32>
        %add3A_1727 = arith.constant 34 : i32
        %add3A_1728 = vector.broadcast %add3A_1727 : i32 to vector<16xi32>
        %add3A_1729 = arith.addi %mul3A_40, %add3A_1728 : vector<16xi32>
        %gather3A_1730 = tpu.vector_load_idx %arg6[%add3A_1729] : memref<16640xf32, #tpu.memory_space<vmem>>[vector<16xi32>], vector<16xf32>,
        %gt3A_1731 = arith.cmpf ogt, %gather3A_1730, %select_n3A_1687 : vector<16xf32>
        %gt3A_1732 = arith.cmpf ogt, %gather3A_1730, %select_n3A_1684 : vector<16xf32>
        %select_n3A_1733 = arith.select %gt3A_1732, %gather3A_1730, %select_n3A_1684 : vector<16xi1>, vector<16xf32>
        %select_n3A_1734 = arith.select %gt3A_1731, %select_n3A_1687, %select_n3A_1733 : vector<16xi1>, vector<16xf32>
        %select_n3A_1735 = arith.select %gt3A_1732, %broadcast_in_dim3A_1726, %select_n3A_1686 : vector<16xi1>, vector<16xi32>
        %select_n3A_1736 = arith.select %gt3A_1731, %select_n3A_1688, %select_n3A_1735 : vector<16xi1>, vector<16xi32>
        %select_n3A_1737 = arith.select %gt3A_1731, %gather3A_1730, %select_n3A_1687 : vector<16xi1>, vector<16xf32>
        %select_n3A_1738 = arith.select %gt3A_1731, %broadcast_in_dim3A_1726, %select_n3A_1688 : vector<16xi1>, vector<16xi32>
        %add3A_1739 = arith.constant 34 : i32
        %add3A_1740 = vector.broadcast %add3A_1739 : i32 to vector<16xi32>
        %add3A_1741 = arith.addi %mul3A_51, %add3A_1740 : vector<16xi32>
        %gather3A_1742 = tpu.vector_load_idx %arg6[%add3A_1741] : memref<16640xf32, #tpu.memory_space<vmem>>[vector<16xi32>], vector<16xf32>,
        %gt3A_1743 = arith.cmpf ogt, %gather3A_1742, %select_n3A_1699 : vector<16xf32>
        %gt3A_1744 = arith.cmpf ogt, %gather3A_1742, %select_n3A_1696 : vector<16xf32>
        %select_n3A_1745 = arith.select %gt3A_1744, %gather3A_1742, %select_n3A_1696 : vector<16xi1>, vector<16xf32>
        %select_n3A_1746 = arith.select %gt3A_1743, %select_n3A_1699, %select_n3A_1745 : vector<16xi1>, vector<16xf32>
        %select_n3A_1747 = arith.select %gt3A_1744, %broadcast_in_dim3A_1726, %select_n3A_1698 : vector<16xi1>, vector<16xi32>
        %select_n3A_1748 = arith.select %gt3A_1743, %select_n3A_1700, %select_n3A_1747 : vector<16xi1>, vector<16xi32>
        %select_n3A_1749 = arith.select %gt3A_1743, %gather3A_1742, %select_n3A_1699 : vector<16xi1>, vector<16xf32>
        %select_n3A_1750 = arith.select %gt3A_1743, %broadcast_in_dim3A_1726, %select_n3A_1700 : vector<16xi1>, vector<16xi32>
        %add3A_1751 = arith.constant 34 : i32
        %add3A_1752 = vector.broadcast %add3A_1751 : i32 to vector<16xi32>
        %add3A_1753 = arith.addi %mul3A_63, %add3A_1752 : vector<16xi32>
        %gather3A_1754 = tpu.vector_load_idx %arg6[%add3A_1753] : memref<16640xf32, #tpu.memory_space<vmem>>[vector<16xi32>], vector<16xf32>,
        %gt3A_1755 = arith.cmpf ogt, %gather3A_1754, %select_n3A_1711 : vector<16xf32>
        %gt3A_1756 = arith.cmpf ogt, %gather3A_1754, %select_n3A_1708 : vector<16xf32>
        %select_n3A_1757 = arith.select %gt3A_1756, %gather3A_1754, %select_n3A_1708 : vector<16xi1>, vector<16xf32>
        %select_n3A_1758 = arith.select %gt3A_1755, %select_n3A_1711, %select_n3A_1757 : vector<16xi1>, vector<16xf32>
        %select_n3A_1759 = arith.select %gt3A_1756, %broadcast_in_dim3A_1726, %select_n3A_1710 : vector<16xi1>, vector<16xi32>
        %select_n3A_1760 = arith.select %gt3A_1755, %select_n3A_1712, %select_n3A_1759 : vector<16xi1>, vector<16xi32>
        %select_n3A_1761 = arith.select %gt3A_1755, %gather3A_1754, %select_n3A_1711 : vector<16xi1>, vector<16xf32>
        %select_n3A_1762 = arith.select %gt3A_1755, %broadcast_in_dim3A_1726, %select_n3A_1712 : vector<16xi1>, vector<16xi32>
        %add3A_1763 = arith.constant 34 : i32
        %add3A_1764 = vector.broadcast %add3A_1763 : i32 to vector<16xi32>
        %add3A_1765 = arith.addi %mul3A_75, %add3A_1764 : vector<16xi32>
        %gather3A_1766 = tpu.vector_load_idx %arg6[%add3A_1765] : memref<16640xf32, #tpu.memory_space<vmem>>[vector<16xi32>], vector<16xf32>,
        %gt3A_1767 = arith.cmpf ogt, %gather3A_1766, %select_n3A_1723 : vector<16xf32>
        %gt3A_1768 = arith.cmpf ogt, %gather3A_1766, %select_n3A_1720 : vector<16xf32>
        %select_n3A_1769 = arith.select %gt3A_1768, %gather3A_1766, %select_n3A_1720 : vector<16xi1>, vector<16xf32>
        %select_n3A_1770 = arith.select %gt3A_1767, %select_n3A_1723, %select_n3A_1769 : vector<16xi1>, vector<16xf32>
        %select_n3A_1771 = arith.select %gt3A_1768, %broadcast_in_dim3A_1726, %select_n3A_1722 : vector<16xi1>, vector<16xi32>
        %select_n3A_1772 = arith.select %gt3A_1767, %select_n3A_1724, %select_n3A_1771 : vector<16xi1>, vector<16xi32>
        %select_n3A_1773 = arith.select %gt3A_1767, %gather3A_1766, %select_n3A_1723 : vector<16xi1>, vector<16xf32>
        %select_n3A_1774 = arith.select %gt3A_1767, %broadcast_in_dim3A_1726, %select_n3A_1724 : vector<16xi1>, vector<16xi32>
        %broadcast_in_dim3A_1775 = arith.constant 35 : i32
        %broadcast_in_dim3A_1776 = vector.broadcast %broadcast_in_dim3A_1775 : i32 to vector<16xi32>
        %add3A_1777 = arith.constant 35 : i32
        %add3A_1778 = vector.broadcast %add3A_1777 : i32 to vector<16xi32>
        %add3A_1779 = arith.addi %mul3A_40, %add3A_1778 : vector<16xi32>
        %gather3A_1780 = tpu.vector_load_idx %arg6[%add3A_1779] : memref<16640xf32, #tpu.memory_space<vmem>>[vector<16xi32>], vector<16xf32>,
        %gt3A_1781 = arith.cmpf ogt, %gather3A_1780, %select_n3A_1737 : vector<16xf32>
        %gt3A_1782 = arith.cmpf ogt, %gather3A_1780, %select_n3A_1734 : vector<16xf32>
        %select_n3A_1783 = arith.select %gt3A_1782, %gather3A_1780, %select_n3A_1734 : vector<16xi1>, vector<16xf32>
        %select_n3A_1784 = arith.select %gt3A_1781, %select_n3A_1737, %select_n3A_1783 : vector<16xi1>, vector<16xf32>
        %select_n3A_1785 = arith.select %gt3A_1782, %broadcast_in_dim3A_1776, %select_n3A_1736 : vector<16xi1>, vector<16xi32>
        %select_n3A_1786 = arith.select %gt3A_1781, %select_n3A_1738, %select_n3A_1785 : vector<16xi1>, vector<16xi32>
        %select_n3A_1787 = arith.select %gt3A_1781, %gather3A_1780, %select_n3A_1737 : vector<16xi1>, vector<16xf32>
        %select_n3A_1788 = arith.select %gt3A_1781, %broadcast_in_dim3A_1776, %select_n3A_1738 : vector<16xi1>, vector<16xi32>
        %add3A_1789 = arith.constant 35 : i32
        %add3A_1790 = vector.broadcast %add3A_1789 : i32 to vector<16xi32>
        %add3A_1791 = arith.addi %mul3A_51, %add3A_1790 : vector<16xi32>
        %gather3A_1792 = tpu.vector_load_idx %arg6[%add3A_1791] : memref<16640xf32, #tpu.memory_space<vmem>>[vector<16xi32>], vector<16xf32>,
        %gt3A_1793 = arith.cmpf ogt, %gather3A_1792, %select_n3A_1749 : vector<16xf32>
        %gt3A_1794 = arith.cmpf ogt, %gather3A_1792, %select_n3A_1746 : vector<16xf32>
        %select_n3A_1795 = arith.select %gt3A_1794, %gather3A_1792, %select_n3A_1746 : vector<16xi1>, vector<16xf32>
        %select_n3A_1796 = arith.select %gt3A_1793, %select_n3A_1749, %select_n3A_1795 : vector<16xi1>, vector<16xf32>
        %select_n3A_1797 = arith.select %gt3A_1794, %broadcast_in_dim3A_1776, %select_n3A_1748 : vector<16xi1>, vector<16xi32>
        %select_n3A_1798 = arith.select %gt3A_1793, %select_n3A_1750, %select_n3A_1797 : vector<16xi1>, vector<16xi32>
        %select_n3A_1799 = arith.select %gt3A_1793, %gather3A_1792, %select_n3A_1749 : vector<16xi1>, vector<16xf32>
        %select_n3A_1800 = arith.select %gt3A_1793, %broadcast_in_dim3A_1776, %select_n3A_1750 : vector<16xi1>, vector<16xi32>
        %add3A_1801 = arith.constant 35 : i32
        %add3A_1802 = vector.broadcast %add3A_1801 : i32 to vector<16xi32>
        %add3A_1803 = arith.addi %mul3A_63, %add3A_1802 : vector<16xi32>
        %gather3A_1804 = tpu.vector_load_idx %arg6[%add3A_1803] : memref<16640xf32, #tpu.memory_space<vmem>>[vector<16xi32>], vector<16xf32>,
        %gt3A_1805 = arith.cmpf ogt, %gather3A_1804, %select_n3A_1761 : vector<16xf32>
        %gt3A_1806 = arith.cmpf ogt, %gather3A_1804, %select_n3A_1758 : vector<16xf32>
        %select_n3A_1807 = arith.select %gt3A_1806, %gather3A_1804, %select_n3A_1758 : vector<16xi1>, vector<16xf32>
        %select_n3A_1808 = arith.select %gt3A_1805, %select_n3A_1761, %select_n3A_1807 : vector<16xi1>, vector<16xf32>
        %select_n3A_1809 = arith.select %gt3A_1806, %broadcast_in_dim3A_1776, %select_n3A_1760 : vector<16xi1>, vector<16xi32>
        %select_n3A_1810 = arith.select %gt3A_1805, %select_n3A_1762, %select_n3A_1809 : vector<16xi1>, vector<16xi32>
        %select_n3A_1811 = arith.select %gt3A_1805, %gather3A_1804, %select_n3A_1761 : vector<16xi1>, vector<16xf32>
        %select_n3A_1812 = arith.select %gt3A_1805, %broadcast_in_dim3A_1776, %select_n3A_1762 : vector<16xi1>, vector<16xi32>
        %add3A_1813 = arith.constant 35 : i32
        %add3A_1814 = vector.broadcast %add3A_1813 : i32 to vector<16xi32>
        %add3A_1815 = arith.addi %mul3A_75, %add3A_1814 : vector<16xi32>
        %gather3A_1816 = tpu.vector_load_idx %arg6[%add3A_1815] : memref<16640xf32, #tpu.memory_space<vmem>>[vector<16xi32>], vector<16xf32>,
        %gt3A_1817 = arith.cmpf ogt, %gather3A_1816, %select_n3A_1773 : vector<16xf32>
        %gt3A_1818 = arith.cmpf ogt, %gather3A_1816, %select_n3A_1770 : vector<16xf32>
        %select_n3A_1819 = arith.select %gt3A_1818, %gather3A_1816, %select_n3A_1770 : vector<16xi1>, vector<16xf32>
        %select_n3A_1820 = arith.select %gt3A_1817, %select_n3A_1773, %select_n3A_1819 : vector<16xi1>, vector<16xf32>
        %select_n3A_1821 = arith.select %gt3A_1818, %broadcast_in_dim3A_1776, %select_n3A_1772 : vector<16xi1>, vector<16xi32>
        %select_n3A_1822 = arith.select %gt3A_1817, %select_n3A_1774, %select_n3A_1821 : vector<16xi1>, vector<16xi32>
        %select_n3A_1823 = arith.select %gt3A_1817, %gather3A_1816, %select_n3A_1773 : vector<16xi1>, vector<16xf32>
        %select_n3A_1824 = arith.select %gt3A_1817, %broadcast_in_dim3A_1776, %select_n3A_1774 : vector<16xi1>, vector<16xi32>
        %broadcast_in_dim3A_1825 = arith.constant 36 : i32
        %broadcast_in_dim3A_1826 = vector.broadcast %broadcast_in_dim3A_1825 : i32 to vector<16xi32>
        %add3A_1827 = arith.constant 36 : i32
        %add3A_1828 = vector.broadcast %add3A_1827 : i32 to vector<16xi32>
        %add3A_1829 = arith.addi %mul3A_40, %add3A_1828 : vector<16xi32>
        %gather3A_1830 = tpu.vector_load_idx %arg6[%add3A_1829] : memref<16640xf32, #tpu.memory_space<vmem>>[vector<16xi32>], vector<16xf32>,
        %gt3A_1831 = arith.cmpf ogt, %gather3A_1830, %select_n3A_1787 : vector<16xf32>
        %gt3A_1832 = arith.cmpf ogt, %gather3A_1830, %select_n3A_1784 : vector<16xf32>
        %select_n3A_1833 = arith.select %gt3A_1832, %gather3A_1830, %select_n3A_1784 : vector<16xi1>, vector<16xf32>
        %select_n3A_1834 = arith.select %gt3A_1831, %select_n3A_1787, %select_n3A_1833 : vector<16xi1>, vector<16xf32>
        %select_n3A_1835 = arith.select %gt3A_1832, %broadcast_in_dim3A_1826, %select_n3A_1786 : vector<16xi1>, vector<16xi32>
        %select_n3A_1836 = arith.select %gt3A_1831, %select_n3A_1788, %select_n3A_1835 : vector<16xi1>, vector<16xi32>
        %select_n3A_1837 = arith.select %gt3A_1831, %gather3A_1830, %select_n3A_1787 : vector<16xi1>, vector<16xf32>
        %select_n3A_1838 = arith.select %gt3A_1831, %broadcast_in_dim3A_1826, %select_n3A_1788 : vector<16xi1>, vector<16xi32>
        %add3A_1839 = arith.constant 36 : i32
        %add3A_1840 = vector.broadcast %add3A_1839 : i32 to vector<16xi32>
        %add3A_1841 = arith.addi %mul3A_51, %add3A_1840 : vector<16xi32>
        %gather3A_1842 = tpu.vector_load_idx %arg6[%add3A_1841] : memref<16640xf32, #tpu.memory_space<vmem>>[vector<16xi32>], vector<16xf32>,
        %gt3A_1843 = arith.cmpf ogt, %gather3A_1842, %select_n3A_1799 : vector<16xf32>
        %gt3A_1844 = arith.cmpf ogt, %gather3A_1842, %select_n3A_1796 : vector<16xf32>
        %select_n3A_1845 = arith.select %gt3A_1844, %gather3A_1842, %select_n3A_1796 : vector<16xi1>, vector<16xf32>
        %select_n3A_1846 = arith.select %gt3A_1843, %select_n3A_1799, %select_n3A_1845 : vector<16xi1>, vector<16xf32>
        %select_n3A_1847 = arith.select %gt3A_1844, %broadcast_in_dim3A_1826, %select_n3A_1798 : vector<16xi1>, vector<16xi32>
        %select_n3A_1848 = arith.select %gt3A_1843, %select_n3A_1800, %select_n3A_1847 : vector<16xi1>, vector<16xi32>
        %select_n3A_1849 = arith.select %gt3A_1843, %gather3A_1842, %select_n3A_1799 : vector<16xi1>, vector<16xf32>
        %select_n3A_1850 = arith.select %gt3A_1843, %broadcast_in_dim3A_1826, %select_n3A_1800 : vector<16xi1>, vector<16xi32>
        %add3A_1851 = arith.constant 36 : i32
        %add3A_1852 = vector.broadcast %add3A_1851 : i32 to vector<16xi32>
        %add3A_1853 = arith.addi %mul3A_63, %add3A_1852 : vector<16xi32>
        %gather3A_1854 = tpu.vector_load_idx %arg6[%add3A_1853] : memref<16640xf32, #tpu.memory_space<vmem>>[vector<16xi32>], vector<16xf32>,
        %gt3A_1855 = arith.cmpf ogt, %gather3A_1854, %select_n3A_1811 : vector<16xf32>
        %gt3A_1856 = arith.cmpf ogt, %gather3A_1854, %select_n3A_1808 : vector<16xf32>
        %select_n3A_1857 = arith.select %gt3A_1856, %gather3A_1854, %select_n3A_1808 : vector<16xi1>, vector<16xf32>
        %select_n3A_1858 = arith.select %gt3A_1855, %select_n3A_1811, %select_n3A_1857 : vector<16xi1>, vector<16xf32>
        %select_n3A_1859 = arith.select %gt3A_1856, %broadcast_in_dim3A_1826, %select_n3A_1810 : vector<16xi1>, vector<16xi32>
        %select_n3A_1860 = arith.select %gt3A_1855, %select_n3A_1812, %select_n3A_1859 : vector<16xi1>, vector<16xi32>
        %select_n3A_1861 = arith.select %gt3A_1855, %gather3A_1854, %select_n3A_1811 : vector<16xi1>, vector<16xf32>
        %select_n3A_1862 = arith.select %gt3A_1855, %broadcast_in_dim3A_1826, %select_n3A_1812 : vector<16xi1>, vector<16xi32>
        %add3A_1863 = arith.constant 36 : i32
        %add3A_1864 = vector.broadcast %add3A_1863 : i32 to vector<16xi32>
        %add3A_1865 = arith.addi %mul3A_75, %add3A_1864 : vector<16xi32>
        %gather3A_1866 = tpu.vector_load_idx %arg6[%add3A_1865] : memref<16640xf32, #tpu.memory_space<vmem>>[vector<16xi32>], vector<16xf32>,
        %gt3A_1867 = arith.cmpf ogt, %gather3A_1866, %select_n3A_1823 : vector<16xf32>
        %gt3A_1868 = arith.cmpf ogt, %gather3A_1866, %select_n3A_1820 : vector<16xf32>
        %select_n3A_1869 = arith.select %gt3A_1868, %gather3A_1866, %select_n3A_1820 : vector<16xi1>, vector<16xf32>
        %select_n3A_1870 = arith.select %gt3A_1867, %select_n3A_1823, %select_n3A_1869 : vector<16xi1>, vector<16xf32>
        %select_n3A_1871 = arith.select %gt3A_1868, %broadcast_in_dim3A_1826, %select_n3A_1822 : vector<16xi1>, vector<16xi32>
        %select_n3A_1872 = arith.select %gt3A_1867, %select_n3A_1824, %select_n3A_1871 : vector<16xi1>, vector<16xi32>
        %select_n3A_1873 = arith.select %gt3A_1867, %gather3A_1866, %select_n3A_1823 : vector<16xi1>, vector<16xf32>
        %select_n3A_1874 = arith.select %gt3A_1867, %broadcast_in_dim3A_1826, %select_n3A_1824 : vector<16xi1>, vector<16xi32>
        %broadcast_in_dim3A_1875 = arith.constant 37 : i32
        %broadcast_in_dim3A_1876 = vector.broadcast %broadcast_in_dim3A_1875 : i32 to vector<16xi32>
        %add3A_1877 = arith.constant 37 : i32
        %add3A_1878 = vector.broadcast %add3A_1877 : i32 to vector<16xi32>
        %add3A_1879 = arith.addi %mul3A_40, %add3A_1878 : vector<16xi32>
        %gather3A_1880 = tpu.vector_load_idx %arg6[%add3A_1879] : memref<16640xf32, #tpu.memory_space<vmem>>[vector<16xi32>], vector<16xf32>,
        %gt3A_1881 = arith.cmpf ogt, %gather3A_1880, %select_n3A_1837 : vector<16xf32>
        %gt3A_1882 = arith.cmpf ogt, %gather3A_1880, %select_n3A_1834 : vector<16xf32>
        %select_n3A_1883 = arith.select %gt3A_1882, %gather3A_1880, %select_n3A_1834 : vector<16xi1>, vector<16xf32>
        %select_n3A_1884 = arith.select %gt3A_1881, %select_n3A_1837, %select_n3A_1883 : vector<16xi1>, vector<16xf32>
        %select_n3A_1885 = arith.select %gt3A_1882, %broadcast_in_dim3A_1876, %select_n3A_1836 : vector<16xi1>, vector<16xi32>
        %select_n3A_1886 = arith.select %gt3A_1881, %select_n3A_1838, %select_n3A_1885 : vector<16xi1>, vector<16xi32>
        %select_n3A_1887 = arith.select %gt3A_1881, %gather3A_1880, %select_n3A_1837 : vector<16xi1>, vector<16xf32>
        %select_n3A_1888 = arith.select %gt3A_1881, %broadcast_in_dim3A_1876, %select_n3A_1838 : vector<16xi1>, vector<16xi32>
        %add3A_1889 = arith.constant 37 : i32
        %add3A_1890 = vector.broadcast %add3A_1889 : i32 to vector<16xi32>
        %add3A_1891 = arith.addi %mul3A_51, %add3A_1890 : vector<16xi32>
        %gather3A_1892 = tpu.vector_load_idx %arg6[%add3A_1891] : memref<16640xf32, #tpu.memory_space<vmem>>[vector<16xi32>], vector<16xf32>,
        %gt3A_1893 = arith.cmpf ogt, %gather3A_1892, %select_n3A_1849 : vector<16xf32>
        %gt3A_1894 = arith.cmpf ogt, %gather3A_1892, %select_n3A_1846 : vector<16xf32>
        %select_n3A_1895 = arith.select %gt3A_1894, %gather3A_1892, %select_n3A_1846 : vector<16xi1>, vector<16xf32>
        %select_n3A_1896 = arith.select %gt3A_1893, %select_n3A_1849, %select_n3A_1895 : vector<16xi1>, vector<16xf32>
        %select_n3A_1897 = arith.select %gt3A_1894, %broadcast_in_dim3A_1876, %select_n3A_1848 : vector<16xi1>, vector<16xi32>
        %select_n3A_1898 = arith.select %gt3A_1893, %select_n3A_1850, %select_n3A_1897 : vector<16xi1>, vector<16xi32>
        %select_n3A_1899 = arith.select %gt3A_1893, %gather3A_1892, %select_n3A_1849 : vector<16xi1>, vector<16xf32>
        %select_n3A_1900 = arith.select %gt3A_1893, %broadcast_in_dim3A_1876, %select_n3A_1850 : vector<16xi1>, vector<16xi32>
        %add3A_1901 = arith.constant 37 : i32
        %add3A_1902 = vector.broadcast %add3A_1901 : i32 to vector<16xi32>
        %add3A_1903 = arith.addi %mul3A_63, %add3A_1902 : vector<16xi32>
        %gather3A_1904 = tpu.vector_load_idx %arg6[%add3A_1903] : memref<16640xf32, #tpu.memory_space<vmem>>[vector<16xi32>], vector<16xf32>,
        %gt3A_1905 = arith.cmpf ogt, %gather3A_1904, %select_n3A_1861 : vector<16xf32>
        %gt3A_1906 = arith.cmpf ogt, %gather3A_1904, %select_n3A_1858 : vector<16xf32>
        %select_n3A_1907 = arith.select %gt3A_1906, %gather3A_1904, %select_n3A_1858 : vector<16xi1>, vector<16xf32>
        %select_n3A_1908 = arith.select %gt3A_1905, %select_n3A_1861, %select_n3A_1907 : vector<16xi1>, vector<16xf32>
        %select_n3A_1909 = arith.select %gt3A_1906, %broadcast_in_dim3A_1876, %select_n3A_1860 : vector<16xi1>, vector<16xi32>
        %select_n3A_1910 = arith.select %gt3A_1905, %select_n3A_1862, %select_n3A_1909 : vector<16xi1>, vector<16xi32>
        %select_n3A_1911 = arith.select %gt3A_1905, %gather3A_1904, %select_n3A_1861 : vector<16xi1>, vector<16xf32>
        %select_n3A_1912 = arith.select %gt3A_1905, %broadcast_in_dim3A_1876, %select_n3A_1862 : vector<16xi1>, vector<16xi32>
        %add3A_1913 = arith.constant 37 : i32
        %add3A_1914 = vector.broadcast %add3A_1913 : i32 to vector<16xi32>
        %add3A_1915 = arith.addi %mul3A_75, %add3A_1914 : vector<16xi32>
        %gather3A_1916 = tpu.vector_load_idx %arg6[%add3A_1915] : memref<16640xf32, #tpu.memory_space<vmem>>[vector<16xi32>], vector<16xf32>,
        %gt3A_1917 = arith.cmpf ogt, %gather3A_1916, %select_n3A_1873 : vector<16xf32>
        %gt3A_1918 = arith.cmpf ogt, %gather3A_1916, %select_n3A_1870 : vector<16xf32>
        %select_n3A_1919 = arith.select %gt3A_1918, %gather3A_1916, %select_n3A_1870 : vector<16xi1>, vector<16xf32>
        %select_n3A_1920 = arith.select %gt3A_1917, %select_n3A_1873, %select_n3A_1919 : vector<16xi1>, vector<16xf32>
        %select_n3A_1921 = arith.select %gt3A_1918, %broadcast_in_dim3A_1876, %select_n3A_1872 : vector<16xi1>, vector<16xi32>
        %select_n3A_1922 = arith.select %gt3A_1917, %select_n3A_1874, %select_n3A_1921 : vector<16xi1>, vector<16xi32>
        %select_n3A_1923 = arith.select %gt3A_1917, %gather3A_1916, %select_n3A_1873 : vector<16xi1>, vector<16xf32>
        %select_n3A_1924 = arith.select %gt3A_1917, %broadcast_in_dim3A_1876, %select_n3A_1874 : vector<16xi1>, vector<16xi32>
        %broadcast_in_dim3A_1925 = arith.constant 38 : i32
        %broadcast_in_dim3A_1926 = vector.broadcast %broadcast_in_dim3A_1925 : i32 to vector<16xi32>
        %add3A_1927 = arith.constant 38 : i32
        %add3A_1928 = vector.broadcast %add3A_1927 : i32 to vector<16xi32>
        %add3A_1929 = arith.addi %mul3A_40, %add3A_1928 : vector<16xi32>
        %gather3A_1930 = tpu.vector_load_idx %arg6[%add3A_1929] : memref<16640xf32, #tpu.memory_space<vmem>>[vector<16xi32>], vector<16xf32>,
        %gt3A_1931 = arith.cmpf ogt, %gather3A_1930, %select_n3A_1887 : vector<16xf32>
        %gt3A_1932 = arith.cmpf ogt, %gather3A_1930, %select_n3A_1884 : vector<16xf32>
        %select_n3A_1933 = arith.select %gt3A_1932, %gather3A_1930, %select_n3A_1884 : vector<16xi1>, vector<16xf32>
        %select_n3A_1934 = arith.select %gt3A_1931, %select_n3A_1887, %select_n3A_1933 : vector<16xi1>, vector<16xf32>
        %select_n3A_1935 = arith.select %gt3A_1932, %broadcast_in_dim3A_1926, %select_n3A_1886 : vector<16xi1>, vector<16xi32>
        %select_n3A_1936 = arith.select %gt3A_1931, %select_n3A_1888, %select_n3A_1935 : vector<16xi1>, vector<16xi32>
        %select_n3A_1937 = arith.select %gt3A_1931, %gather3A_1930, %select_n3A_1887 : vector<16xi1>, vector<16xf32>
        %select_n3A_1938 = arith.select %gt3A_1931, %broadcast_in_dim3A_1926, %select_n3A_1888 : vector<16xi1>, vector<16xi32>
        %add3A_1939 = arith.constant 38 : i32
        %add3A_1940 = vector.broadcast %add3A_1939 : i32 to vector<16xi32>
        %add3A_1941 = arith.addi %mul3A_51, %add3A_1940 : vector<16xi32>
        %gather3A_1942 = tpu.vector_load_idx %arg6[%add3A_1941] : memref<16640xf32, #tpu.memory_space<vmem>>[vector<16xi32>], vector<16xf32>,
        %gt3A_1943 = arith.cmpf ogt, %gather3A_1942, %select_n3A_1899 : vector<16xf32>
        %gt3A_1944 = arith.cmpf ogt, %gather3A_1942, %select_n3A_1896 : vector<16xf32>
        %select_n3A_1945 = arith.select %gt3A_1944, %gather3A_1942, %select_n3A_1896 : vector<16xi1>, vector<16xf32>
        %select_n3A_1946 = arith.select %gt3A_1943, %select_n3A_1899, %select_n3A_1945 : vector<16xi1>, vector<16xf32>
        %select_n3A_1947 = arith.select %gt3A_1944, %broadcast_in_dim3A_1926, %select_n3A_1898 : vector<16xi1>, vector<16xi32>
        %select_n3A_1948 = arith.select %gt3A_1943, %select_n3A_1900, %select_n3A_1947 : vector<16xi1>, vector<16xi32>
        %select_n3A_1949 = arith.select %gt3A_1943, %gather3A_1942, %select_n3A_1899 : vector<16xi1>, vector<16xf32>
        %select_n3A_1950 = arith.select %gt3A_1943, %broadcast_in_dim3A_1926, %select_n3A_1900 : vector<16xi1>, vector<16xi32>
        %add3A_1951 = arith.constant 38 : i32
        %add3A_1952 = vector.broadcast %add3A_1951 : i32 to vector<16xi32>
        %add3A_1953 = arith.addi %mul3A_63, %add3A_1952 : vector<16xi32>
        %gather3A_1954 = tpu.vector_load_idx %arg6[%add3A_1953] : memref<16640xf32, #tpu.memory_space<vmem>>[vector<16xi32>], vector<16xf32>,
        %gt3A_1955 = arith.cmpf ogt, %gather3A_1954, %select_n3A_1911 : vector<16xf32>
        %gt3A_1956 = arith.cmpf ogt, %gather3A_1954, %select_n3A_1908 : vector<16xf32>
        %select_n3A_1957 = arith.select %gt3A_1956, %gather3A_1954, %select_n3A_1908 : vector<16xi1>, vector<16xf32>
        %select_n3A_1958 = arith.select %gt3A_1955, %select_n3A_1911, %select_n3A_1957 : vector<16xi1>, vector<16xf32>
        %select_n3A_1959 = arith.select %gt3A_1956, %broadcast_in_dim3A_1926, %select_n3A_1910 : vector<16xi1>, vector<16xi32>
        %select_n3A_1960 = arith.select %gt3A_1955, %select_n3A_1912, %select_n3A_1959 : vector<16xi1>, vector<16xi32>
        %select_n3A_1961 = arith.select %gt3A_1955, %gather3A_1954, %select_n3A_1911 : vector<16xi1>, vector<16xf32>
        %select_n3A_1962 = arith.select %gt3A_1955, %broadcast_in_dim3A_1926, %select_n3A_1912 : vector<16xi1>, vector<16xi32>
        %add3A_1963 = arith.constant 38 : i32
        %add3A_1964 = vector.broadcast %add3A_1963 : i32 to vector<16xi32>
        %add3A_1965 = arith.addi %mul3A_75, %add3A_1964 : vector<16xi32>
        %gather3A_1966 = tpu.vector_load_idx %arg6[%add3A_1965] : memref<16640xf32, #tpu.memory_space<vmem>>[vector<16xi32>], vector<16xf32>,
        %gt3A_1967 = arith.cmpf ogt, %gather3A_1966, %select_n3A_1923 : vector<16xf32>
        %gt3A_1968 = arith.cmpf ogt, %gather3A_1966, %select_n3A_1920 : vector<16xf32>
        %select_n3A_1969 = arith.select %gt3A_1968, %gather3A_1966, %select_n3A_1920 : vector<16xi1>, vector<16xf32>
        %select_n3A_1970 = arith.select %gt3A_1967, %select_n3A_1923, %select_n3A_1969 : vector<16xi1>, vector<16xf32>
        %select_n3A_1971 = arith.select %gt3A_1968, %broadcast_in_dim3A_1926, %select_n3A_1922 : vector<16xi1>, vector<16xi32>
        %select_n3A_1972 = arith.select %gt3A_1967, %select_n3A_1924, %select_n3A_1971 : vector<16xi1>, vector<16xi32>
        %select_n3A_1973 = arith.select %gt3A_1967, %gather3A_1966, %select_n3A_1923 : vector<16xi1>, vector<16xf32>
        %select_n3A_1974 = arith.select %gt3A_1967, %broadcast_in_dim3A_1926, %select_n3A_1924 : vector<16xi1>, vector<16xi32>
        %broadcast_in_dim3A_1975 = arith.constant 39 : i32
        %broadcast_in_dim3A_1976 = vector.broadcast %broadcast_in_dim3A_1975 : i32 to vector<16xi32>
        %add3A_1977 = arith.constant 39 : i32
        %add3A_1978 = vector.broadcast %add3A_1977 : i32 to vector<16xi32>
        %add3A_1979 = arith.addi %mul3A_40, %add3A_1978 : vector<16xi32>
        %gather3A_1980 = tpu.vector_load_idx %arg6[%add3A_1979] : memref<16640xf32, #tpu.memory_space<vmem>>[vector<16xi32>], vector<16xf32>,
        %gt3A_1981 = arith.cmpf ogt, %gather3A_1980, %select_n3A_1937 : vector<16xf32>
        %gt3A_1982 = arith.cmpf ogt, %gather3A_1980, %select_n3A_1934 : vector<16xf32>
        %select_n3A_1983 = arith.select %gt3A_1982, %gather3A_1980, %select_n3A_1934 : vector<16xi1>, vector<16xf32>
        %select_n3A_1984 = arith.select %gt3A_1981, %select_n3A_1937, %select_n3A_1983 : vector<16xi1>, vector<16xf32>
        %select_n3A_1985 = arith.select %gt3A_1982, %broadcast_in_dim3A_1976, %select_n3A_1936 : vector<16xi1>, vector<16xi32>
        %select_n3A_1986 = arith.select %gt3A_1981, %select_n3A_1938, %select_n3A_1985 : vector<16xi1>, vector<16xi32>
        %select_n3A_1987 = arith.select %gt3A_1981, %gather3A_1980, %select_n3A_1937 : vector<16xi1>, vector<16xf32>
        %select_n3A_1988 = arith.select %gt3A_1981, %broadcast_in_dim3A_1976, %select_n3A_1938 : vector<16xi1>, vector<16xi32>
        %add3A_1989 = arith.constant 39 : i32
        %add3A_1990 = vector.broadcast %add3A_1989 : i32 to vector<16xi32>
        %add3A_1991 = arith.addi %mul3A_51, %add3A_1990 : vector<16xi32>
        %gather3A_1992 = tpu.vector_load_idx %arg6[%add3A_1991] : memref<16640xf32, #tpu.memory_space<vmem>>[vector<16xi32>], vector<16xf32>,
        %gt3A_1993 = arith.cmpf ogt, %gather3A_1992, %select_n3A_1949 : vector<16xf32>
        %gt3A_1994 = arith.cmpf ogt, %gather3A_1992, %select_n3A_1946 : vector<16xf32>
        %select_n3A_1995 = arith.select %gt3A_1994, %gather3A_1992, %select_n3A_1946 : vector<16xi1>, vector<16xf32>
        %select_n3A_1996 = arith.select %gt3A_1993, %select_n3A_1949, %select_n3A_1995 : vector<16xi1>, vector<16xf32>
        %select_n3A_1997 = arith.select %gt3A_1994, %broadcast_in_dim3A_1976, %select_n3A_1948 : vector<16xi1>, vector<16xi32>
        %select_n3A_1998 = arith.select %gt3A_1993, %select_n3A_1950, %select_n3A_1997 : vector<16xi1>, vector<16xi32>
        %select_n3A_1999 = arith.select %gt3A_1993, %gather3A_1992, %select_n3A_1949 : vector<16xi1>, vector<16xf32>
        %select_n3A_2000 = arith.select %gt3A_1993, %broadcast_in_dim3A_1976, %select_n3A_1950 : vector<16xi1>, vector<16xi32>
        %add3A_2001 = arith.constant 39 : i32
        %add3A_2002 = vector.broadcast %add3A_2001 : i32 to vector<16xi32>
        %add3A_2003 = arith.addi %mul3A_63, %add3A_2002 : vector<16xi32>
        %gather3A_2004 = tpu.vector_load_idx %arg6[%add3A_2003] : memref<16640xf32, #tpu.memory_space<vmem>>[vector<16xi32>], vector<16xf32>,
        %gt3A_2005 = arith.cmpf ogt, %gather3A_2004, %select_n3A_1961 : vector<16xf32>
        %gt3A_2006 = arith.cmpf ogt, %gather3A_2004, %select_n3A_1958 : vector<16xf32>
        %select_n3A_2007 = arith.select %gt3A_2006, %gather3A_2004, %select_n3A_1958 : vector<16xi1>, vector<16xf32>
        %select_n3A_2008 = arith.select %gt3A_2005, %select_n3A_1961, %select_n3A_2007 : vector<16xi1>, vector<16xf32>
        %select_n3A_2009 = arith.select %gt3A_2006, %broadcast_in_dim3A_1976, %select_n3A_1960 : vector<16xi1>, vector<16xi32>
        %select_n3A_2010 = arith.select %gt3A_2005, %select_n3A_1962, %select_n3A_2009 : vector<16xi1>, vector<16xi32>
        %select_n3A_2011 = arith.select %gt3A_2005, %gather3A_2004, %select_n3A_1961 : vector<16xi1>, vector<16xf32>
        %select_n3A_2012 = arith.select %gt3A_2005, %broadcast_in_dim3A_1976, %select_n3A_1962 : vector<16xi1>, vector<16xi32>
        %add3A_2013 = arith.constant 39 : i32
        %add3A_2014 = vector.broadcast %add3A_2013 : i32 to vector<16xi32>
        %add3A_2015 = arith.addi %mul3A_75, %add3A_2014 : vector<16xi32>
        %gather3A_2016 = tpu.vector_load_idx %arg6[%add3A_2015] : memref<16640xf32, #tpu.memory_space<vmem>>[vector<16xi32>], vector<16xf32>,
        %gt3A_2017 = arith.cmpf ogt, %gather3A_2016, %select_n3A_1973 : vector<16xf32>
        %gt3A_2018 = arith.cmpf ogt, %gather3A_2016, %select_n3A_1970 : vector<16xf32>
        %select_n3A_2019 = arith.select %gt3A_2018, %gather3A_2016, %select_n3A_1970 : vector<16xi1>, vector<16xf32>
        %select_n3A_2020 = arith.select %gt3A_2017, %select_n3A_1973, %select_n3A_2019 : vector<16xi1>, vector<16xf32>
        %select_n3A_2021 = arith.select %gt3A_2018, %broadcast_in_dim3A_1976, %select_n3A_1972 : vector<16xi1>, vector<16xi32>
        %select_n3A_2022 = arith.select %gt3A_2017, %select_n3A_1974, %select_n3A_2021 : vector<16xi1>, vector<16xi32>
        %select_n3A_2023 = arith.select %gt3A_2017, %gather3A_2016, %select_n3A_1973 : vector<16xi1>, vector<16xf32>
        %select_n3A_2024 = arith.select %gt3A_2017, %broadcast_in_dim3A_1976, %select_n3A_1974 : vector<16xi1>, vector<16xi32>
        %broadcast_in_dim3A_2025 = arith.constant 40 : i32
        %broadcast_in_dim3A_2026 = vector.broadcast %broadcast_in_dim3A_2025 : i32 to vector<16xi32>
        %add3A_2027 = arith.constant 40 : i32
        %add3A_2028 = vector.broadcast %add3A_2027 : i32 to vector<16xi32>
        %add3A_2029 = arith.addi %mul3A_40, %add3A_2028 : vector<16xi32>
        %gather3A_2030 = tpu.vector_load_idx %arg6[%add3A_2029] : memref<16640xf32, #tpu.memory_space<vmem>>[vector<16xi32>], vector<16xf32>,
        %gt3A_2031 = arith.cmpf ogt, %gather3A_2030, %select_n3A_1987 : vector<16xf32>
        %gt3A_2032 = arith.cmpf ogt, %gather3A_2030, %select_n3A_1984 : vector<16xf32>
        %select_n3A_2033 = arith.select %gt3A_2032, %gather3A_2030, %select_n3A_1984 : vector<16xi1>, vector<16xf32>
        %select_n3A_2034 = arith.select %gt3A_2031, %select_n3A_1987, %select_n3A_2033 : vector<16xi1>, vector<16xf32>
        %select_n3A_2035 = arith.select %gt3A_2032, %broadcast_in_dim3A_2026, %select_n3A_1986 : vector<16xi1>, vector<16xi32>
        %select_n3A_2036 = arith.select %gt3A_2031, %select_n3A_1988, %select_n3A_2035 : vector<16xi1>, vector<16xi32>
        %select_n3A_2037 = arith.select %gt3A_2031, %gather3A_2030, %select_n3A_1987 : vector<16xi1>, vector<16xf32>
        %select_n3A_2038 = arith.select %gt3A_2031, %broadcast_in_dim3A_2026, %select_n3A_1988 : vector<16xi1>, vector<16xi32>
        %add3A_2039 = arith.constant 40 : i32
        %add3A_2040 = vector.broadcast %add3A_2039 : i32 to vector<16xi32>
        %add3A_2041 = arith.addi %mul3A_51, %add3A_2040 : vector<16xi32>
        %gather3A_2042 = tpu.vector_load_idx %arg6[%add3A_2041] : memref<16640xf32, #tpu.memory_space<vmem>>[vector<16xi32>], vector<16xf32>,
        %gt3A_2043 = arith.cmpf ogt, %gather3A_2042, %select_n3A_1999 : vector<16xf32>
        %gt3A_2044 = arith.cmpf ogt, %gather3A_2042, %select_n3A_1996 : vector<16xf32>
        %select_n3A_2045 = arith.select %gt3A_2044, %gather3A_2042, %select_n3A_1996 : vector<16xi1>, vector<16xf32>
        %select_n3A_2046 = arith.select %gt3A_2043, %select_n3A_1999, %select_n3A_2045 : vector<16xi1>, vector<16xf32>
        %select_n3A_2047 = arith.select %gt3A_2044, %broadcast_in_dim3A_2026, %select_n3A_1998 : vector<16xi1>, vector<16xi32>
        %select_n3A_2048 = arith.select %gt3A_2043, %select_n3A_2000, %select_n3A_2047 : vector<16xi1>, vector<16xi32>
        %select_n3A_2049 = arith.select %gt3A_2043, %gather3A_2042, %select_n3A_1999 : vector<16xi1>, vector<16xf32>
        %select_n3A_2050 = arith.select %gt3A_2043, %broadcast_in_dim3A_2026, %select_n3A_2000 : vector<16xi1>, vector<16xi32>
        %add3A_2051 = arith.constant 40 : i32
        %add3A_2052 = vector.broadcast %add3A_2051 : i32 to vector<16xi32>
        %add3A_2053 = arith.addi %mul3A_63, %add3A_2052 : vector<16xi32>
        %gather3A_2054 = tpu.vector_load_idx %arg6[%add3A_2053] : memref<16640xf32, #tpu.memory_space<vmem>>[vector<16xi32>], vector<16xf32>,
        %gt3A_2055 = arith.cmpf ogt, %gather3A_2054, %select_n3A_2011 : vector<16xf32>
        %gt3A_2056 = arith.cmpf ogt, %gather3A_2054, %select_n3A_2008 : vector<16xf32>
        %select_n3A_2057 = arith.select %gt3A_2056, %gather3A_2054, %select_n3A_2008 : vector<16xi1>, vector<16xf32>
        %select_n3A_2058 = arith.select %gt3A_2055, %select_n3A_2011, %select_n3A_2057 : vector<16xi1>, vector<16xf32>
        %select_n3A_2059 = arith.select %gt3A_2056, %broadcast_in_dim3A_2026, %select_n3A_2010 : vector<16xi1>, vector<16xi32>
        %select_n3A_2060 = arith.select %gt3A_2055, %select_n3A_2012, %select_n3A_2059 : vector<16xi1>, vector<16xi32>
        %select_n3A_2061 = arith.select %gt3A_2055, %gather3A_2054, %select_n3A_2011 : vector<16xi1>, vector<16xf32>
        %select_n3A_2062 = arith.select %gt3A_2055, %broadcast_in_dim3A_2026, %select_n3A_2012 : vector<16xi1>, vector<16xi32>
        %add3A_2063 = arith.constant 40 : i32
        %add3A_2064 = vector.broadcast %add3A_2063 : i32 to vector<16xi32>
        %add3A_2065 = arith.addi %mul3A_75, %add3A_2064 : vector<16xi32>
        %gather3A_2066 = tpu.vector_load_idx %arg6[%add3A_2065] : memref<16640xf32, #tpu.memory_space<vmem>>[vector<16xi32>], vector<16xf32>,
        %gt3A_2067 = arith.cmpf ogt, %gather3A_2066, %select_n3A_2023 : vector<16xf32>
        %gt3A_2068 = arith.cmpf ogt, %gather3A_2066, %select_n3A_2020 : vector<16xf32>
        %select_n3A_2069 = arith.select %gt3A_2068, %gather3A_2066, %select_n3A_2020 : vector<16xi1>, vector<16xf32>
        %select_n3A_2070 = arith.select %gt3A_2067, %select_n3A_2023, %select_n3A_2069 : vector<16xi1>, vector<16xf32>
        %select_n3A_2071 = arith.select %gt3A_2068, %broadcast_in_dim3A_2026, %select_n3A_2022 : vector<16xi1>, vector<16xi32>
        %select_n3A_2072 = arith.select %gt3A_2067, %select_n3A_2024, %select_n3A_2071 : vector<16xi1>, vector<16xi32>
        %select_n3A_2073 = arith.select %gt3A_2067, %gather3A_2066, %select_n3A_2023 : vector<16xi1>, vector<16xf32>
        %select_n3A_2074 = arith.select %gt3A_2067, %broadcast_in_dim3A_2026, %select_n3A_2024 : vector<16xi1>, vector<16xi32>
        %broadcast_in_dim3A_2075 = arith.constant 41 : i32
        %broadcast_in_dim3A_2076 = vector.broadcast %broadcast_in_dim3A_2075 : i32 to vector<16xi32>
        %add3A_2077 = arith.constant 41 : i32
        %add3A_2078 = vector.broadcast %add3A_2077 : i32 to vector<16xi32>
        %add3A_2079 = arith.addi %mul3A_40, %add3A_2078 : vector<16xi32>
        %gather3A_2080 = tpu.vector_load_idx %arg6[%add3A_2079] : memref<16640xf32, #tpu.memory_space<vmem>>[vector<16xi32>], vector<16xf32>,
        %gt3A_2081 = arith.cmpf ogt, %gather3A_2080, %select_n3A_2037 : vector<16xf32>
        %gt3A_2082 = arith.cmpf ogt, %gather3A_2080, %select_n3A_2034 : vector<16xf32>
        %select_n3A_2083 = arith.select %gt3A_2082, %gather3A_2080, %select_n3A_2034 : vector<16xi1>, vector<16xf32>
        %select_n3A_2084 = arith.select %gt3A_2081, %select_n3A_2037, %select_n3A_2083 : vector<16xi1>, vector<16xf32>
        %select_n3A_2085 = arith.select %gt3A_2082, %broadcast_in_dim3A_2076, %select_n3A_2036 : vector<16xi1>, vector<16xi32>
        %select_n3A_2086 = arith.select %gt3A_2081, %select_n3A_2038, %select_n3A_2085 : vector<16xi1>, vector<16xi32>
        %select_n3A_2087 = arith.select %gt3A_2081, %gather3A_2080, %select_n3A_2037 : vector<16xi1>, vector<16xf32>
        %select_n3A_2088 = arith.select %gt3A_2081, %broadcast_in_dim3A_2076, %select_n3A_2038 : vector<16xi1>, vector<16xi32>
        %add3A_2089 = arith.constant 41 : i32
        %add3A_2090 = vector.broadcast %add3A_2089 : i32 to vector<16xi32>
        %add3A_2091 = arith.addi %mul3A_51, %add3A_2090 : vector<16xi32>
        %gather3A_2092 = tpu.vector_load_idx %arg6[%add3A_2091] : memref<16640xf32, #tpu.memory_space<vmem>>[vector<16xi32>], vector<16xf32>,
        %gt3A_2093 = arith.cmpf ogt, %gather3A_2092, %select_n3A_2049 : vector<16xf32>
        %gt3A_2094 = arith.cmpf ogt, %gather3A_2092, %select_n3A_2046 : vector<16xf32>
        %select_n3A_2095 = arith.select %gt3A_2094, %gather3A_2092, %select_n3A_2046 : vector<16xi1>, vector<16xf32>
        %select_n3A_2096 = arith.select %gt3A_2093, %select_n3A_2049, %select_n3A_2095 : vector<16xi1>, vector<16xf32>
        %select_n3A_2097 = arith.select %gt3A_2094, %broadcast_in_dim3A_2076, %select_n3A_2048 : vector<16xi1>, vector<16xi32>
        %select_n3A_2098 = arith.select %gt3A_2093, %select_n3A_2050, %select_n3A_2097 : vector<16xi1>, vector<16xi32>
        %select_n3A_2099 = arith.select %gt3A_2093, %gather3A_2092, %select_n3A_2049 : vector<16xi1>, vector<16xf32>
        %select_n3A_2100 = arith.select %gt3A_2093, %broadcast_in_dim3A_2076, %select_n3A_2050 : vector<16xi1>, vector<16xi32>
        %add3A_2101 = arith.constant 41 : i32
        %add3A_2102 = vector.broadcast %add3A_2101 : i32 to vector<16xi32>
        %add3A_2103 = arith.addi %mul3A_63, %add3A_2102 : vector<16xi32>
        %gather3A_2104 = tpu.vector_load_idx %arg6[%add3A_2103] : memref<16640xf32, #tpu.memory_space<vmem>>[vector<16xi32>], vector<16xf32>,
        %gt3A_2105 = arith.cmpf ogt, %gather3A_2104, %select_n3A_2061 : vector<16xf32>
        %gt3A_2106 = arith.cmpf ogt, %gather3A_2104, %select_n3A_2058 : vector<16xf32>
        %select_n3A_2107 = arith.select %gt3A_2106, %gather3A_2104, %select_n3A_2058 : vector<16xi1>, vector<16xf32>
        %select_n3A_2108 = arith.select %gt3A_2105, %select_n3A_2061, %select_n3A_2107 : vector<16xi1>, vector<16xf32>
        %select_n3A_2109 = arith.select %gt3A_2106, %broadcast_in_dim3A_2076, %select_n3A_2060 : vector<16xi1>, vector<16xi32>
        %select_n3A_2110 = arith.select %gt3A_2105, %select_n3A_2062, %select_n3A_2109 : vector<16xi1>, vector<16xi32>
        %select_n3A_2111 = arith.select %gt3A_2105, %gather3A_2104, %select_n3A_2061 : vector<16xi1>, vector<16xf32>
        %select_n3A_2112 = arith.select %gt3A_2105, %broadcast_in_dim3A_2076, %select_n3A_2062 : vector<16xi1>, vector<16xi32>
        %add3A_2113 = arith.constant 41 : i32
        %add3A_2114 = vector.broadcast %add3A_2113 : i32 to vector<16xi32>
        %add3A_2115 = arith.addi %mul3A_75, %add3A_2114 : vector<16xi32>
        %gather3A_2116 = tpu.vector_load_idx %arg6[%add3A_2115] : memref<16640xf32, #tpu.memory_space<vmem>>[vector<16xi32>], vector<16xf32>,
        %gt3A_2117 = arith.cmpf ogt, %gather3A_2116, %select_n3A_2073 : vector<16xf32>
        %gt3A_2118 = arith.cmpf ogt, %gather3A_2116, %select_n3A_2070 : vector<16xf32>
        %select_n3A_2119 = arith.select %gt3A_2118, %gather3A_2116, %select_n3A_2070 : vector<16xi1>, vector<16xf32>
        %select_n3A_2120 = arith.select %gt3A_2117, %select_n3A_2073, %select_n3A_2119 : vector<16xi1>, vector<16xf32>
        %select_n3A_2121 = arith.select %gt3A_2118, %broadcast_in_dim3A_2076, %select_n3A_2072 : vector<16xi1>, vector<16xi32>
        %select_n3A_2122 = arith.select %gt3A_2117, %select_n3A_2074, %select_n3A_2121 : vector<16xi1>, vector<16xi32>
        %select_n3A_2123 = arith.select %gt3A_2117, %gather3A_2116, %select_n3A_2073 : vector<16xi1>, vector<16xf32>
        %select_n3A_2124 = arith.select %gt3A_2117, %broadcast_in_dim3A_2076, %select_n3A_2074 : vector<16xi1>, vector<16xi32>
        %broadcast_in_dim3A_2125 = arith.constant 42 : i32
        %broadcast_in_dim3A_2126 = vector.broadcast %broadcast_in_dim3A_2125 : i32 to vector<16xi32>
        %add3A_2127 = arith.constant 42 : i32
        %add3A_2128 = vector.broadcast %add3A_2127 : i32 to vector<16xi32>
        %add3A_2129 = arith.addi %mul3A_40, %add3A_2128 : vector<16xi32>
        %gather3A_2130 = tpu.vector_load_idx %arg6[%add3A_2129] : memref<16640xf32, #tpu.memory_space<vmem>>[vector<16xi32>], vector<16xf32>,
        %gt3A_2131 = arith.cmpf ogt, %gather3A_2130, %select_n3A_2087 : vector<16xf32>
        %gt3A_2132 = arith.cmpf ogt, %gather3A_2130, %select_n3A_2084 : vector<16xf32>
        %select_n3A_2133 = arith.select %gt3A_2132, %gather3A_2130, %select_n3A_2084 : vector<16xi1>, vector<16xf32>
        %select_n3A_2134 = arith.select %gt3A_2131, %select_n3A_2087, %select_n3A_2133 : vector<16xi1>, vector<16xf32>
        %select_n3A_2135 = arith.select %gt3A_2132, %broadcast_in_dim3A_2126, %select_n3A_2086 : vector<16xi1>, vector<16xi32>
        %select_n3A_2136 = arith.select %gt3A_2131, %select_n3A_2088, %select_n3A_2135 : vector<16xi1>, vector<16xi32>
        %select_n3A_2137 = arith.select %gt3A_2131, %gather3A_2130, %select_n3A_2087 : vector<16xi1>, vector<16xf32>
        %select_n3A_2138 = arith.select %gt3A_2131, %broadcast_in_dim3A_2126, %select_n3A_2088 : vector<16xi1>, vector<16xi32>
        %add3A_2139 = arith.constant 42 : i32
        %add3A_2140 = vector.broadcast %add3A_2139 : i32 to vector<16xi32>
        %add3A_2141 = arith.addi %mul3A_51, %add3A_2140 : vector<16xi32>
        %gather3A_2142 = tpu.vector_load_idx %arg6[%add3A_2141] : memref<16640xf32, #tpu.memory_space<vmem>>[vector<16xi32>], vector<16xf32>,
        %gt3A_2143 = arith.cmpf ogt, %gather3A_2142, %select_n3A_2099 : vector<16xf32>
        %gt3A_2144 = arith.cmpf ogt, %gather3A_2142, %select_n3A_2096 : vector<16xf32>
        %select_n3A_2145 = arith.select %gt3A_2144, %gather3A_2142, %select_n3A_2096 : vector<16xi1>, vector<16xf32>
        %select_n3A_2146 = arith.select %gt3A_2143, %select_n3A_2099, %select_n3A_2145 : vector<16xi1>, vector<16xf32>
        %select_n3A_2147 = arith.select %gt3A_2144, %broadcast_in_dim3A_2126, %select_n3A_2098 : vector<16xi1>, vector<16xi32>
        %select_n3A_2148 = arith.select %gt3A_2143, %select_n3A_2100, %select_n3A_2147 : vector<16xi1>, vector<16xi32>
        %select_n3A_2149 = arith.select %gt3A_2143, %gather3A_2142, %select_n3A_2099 : vector<16xi1>, vector<16xf32>
        %select_n3A_2150 = arith.select %gt3A_2143, %broadcast_in_dim3A_2126, %select_n3A_2100 : vector<16xi1>, vector<16xi32>
        %add3A_2151 = arith.constant 42 : i32
        %add3A_2152 = vector.broadcast %add3A_2151 : i32 to vector<16xi32>
        %add3A_2153 = arith.addi %mul3A_63, %add3A_2152 : vector<16xi32>
        %gather3A_2154 = tpu.vector_load_idx %arg6[%add3A_2153] : memref<16640xf32, #tpu.memory_space<vmem>>[vector<16xi32>], vector<16xf32>,
        %gt3A_2155 = arith.cmpf ogt, %gather3A_2154, %select_n3A_2111 : vector<16xf32>
        %gt3A_2156 = arith.cmpf ogt, %gather3A_2154, %select_n3A_2108 : vector<16xf32>
        %select_n3A_2157 = arith.select %gt3A_2156, %gather3A_2154, %select_n3A_2108 : vector<16xi1>, vector<16xf32>
        %select_n3A_2158 = arith.select %gt3A_2155, %select_n3A_2111, %select_n3A_2157 : vector<16xi1>, vector<16xf32>
        %select_n3A_2159 = arith.select %gt3A_2156, %broadcast_in_dim3A_2126, %select_n3A_2110 : vector<16xi1>, vector<16xi32>
        %select_n3A_2160 = arith.select %gt3A_2155, %select_n3A_2112, %select_n3A_2159 : vector<16xi1>, vector<16xi32>
        %select_n3A_2161 = arith.select %gt3A_2155, %gather3A_2154, %select_n3A_2111 : vector<16xi1>, vector<16xf32>
        %select_n3A_2162 = arith.select %gt3A_2155, %broadcast_in_dim3A_2126, %select_n3A_2112 : vector<16xi1>, vector<16xi32>
        %add3A_2163 = arith.constant 42 : i32
        %add3A_2164 = vector.broadcast %add3A_2163 : i32 to vector<16xi32>
        %add3A_2165 = arith.addi %mul3A_75, %add3A_2164 : vector<16xi32>
        %gather3A_2166 = tpu.vector_load_idx %arg6[%add3A_2165] : memref<16640xf32, #tpu.memory_space<vmem>>[vector<16xi32>], vector<16xf32>,
        %gt3A_2167 = arith.cmpf ogt, %gather3A_2166, %select_n3A_2123 : vector<16xf32>
        %gt3A_2168 = arith.cmpf ogt, %gather3A_2166, %select_n3A_2120 : vector<16xf32>
        %select_n3A_2169 = arith.select %gt3A_2168, %gather3A_2166, %select_n3A_2120 : vector<16xi1>, vector<16xf32>
        %select_n3A_2170 = arith.select %gt3A_2167, %select_n3A_2123, %select_n3A_2169 : vector<16xi1>, vector<16xf32>
        %select_n3A_2171 = arith.select %gt3A_2168, %broadcast_in_dim3A_2126, %select_n3A_2122 : vector<16xi1>, vector<16xi32>
        %select_n3A_2172 = arith.select %gt3A_2167, %select_n3A_2124, %select_n3A_2171 : vector<16xi1>, vector<16xi32>
        %select_n3A_2173 = arith.select %gt3A_2167, %gather3A_2166, %select_n3A_2123 : vector<16xi1>, vector<16xf32>
        %select_n3A_2174 = arith.select %gt3A_2167, %broadcast_in_dim3A_2126, %select_n3A_2124 : vector<16xi1>, vector<16xi32>
        %broadcast_in_dim3A_2175 = arith.constant 43 : i32
        %broadcast_in_dim3A_2176 = vector.broadcast %broadcast_in_dim3A_2175 : i32 to vector<16xi32>
        %add3A_2177 = arith.constant 43 : i32
        %add3A_2178 = vector.broadcast %add3A_2177 : i32 to vector<16xi32>
        %add3A_2179 = arith.addi %mul3A_40, %add3A_2178 : vector<16xi32>
        %gather3A_2180 = tpu.vector_load_idx %arg6[%add3A_2179] : memref<16640xf32, #tpu.memory_space<vmem>>[vector<16xi32>], vector<16xf32>,
        %gt3A_2181 = arith.cmpf ogt, %gather3A_2180, %select_n3A_2137 : vector<16xf32>
        %gt3A_2182 = arith.cmpf ogt, %gather3A_2180, %select_n3A_2134 : vector<16xf32>
        %select_n3A_2183 = arith.select %gt3A_2182, %gather3A_2180, %select_n3A_2134 : vector<16xi1>, vector<16xf32>
        %select_n3A_2184 = arith.select %gt3A_2181, %select_n3A_2137, %select_n3A_2183 : vector<16xi1>, vector<16xf32>
        %select_n3A_2185 = arith.select %gt3A_2182, %broadcast_in_dim3A_2176, %select_n3A_2136 : vector<16xi1>, vector<16xi32>
        %select_n3A_2186 = arith.select %gt3A_2181, %select_n3A_2138, %select_n3A_2185 : vector<16xi1>, vector<16xi32>
        %select_n3A_2187 = arith.select %gt3A_2181, %gather3A_2180, %select_n3A_2137 : vector<16xi1>, vector<16xf32>
        %select_n3A_2188 = arith.select %gt3A_2181, %broadcast_in_dim3A_2176, %select_n3A_2138 : vector<16xi1>, vector<16xi32>
        %add3A_2189 = arith.constant 43 : i32
        %add3A_2190 = vector.broadcast %add3A_2189 : i32 to vector<16xi32>
        %add3A_2191 = arith.addi %mul3A_51, %add3A_2190 : vector<16xi32>
        %gather3A_2192 = tpu.vector_load_idx %arg6[%add3A_2191] : memref<16640xf32, #tpu.memory_space<vmem>>[vector<16xi32>], vector<16xf32>,
        %gt3A_2193 = arith.cmpf ogt, %gather3A_2192, %select_n3A_2149 : vector<16xf32>
        %gt3A_2194 = arith.cmpf ogt, %gather3A_2192, %select_n3A_2146 : vector<16xf32>
        %select_n3A_2195 = arith.select %gt3A_2194, %gather3A_2192, %select_n3A_2146 : vector<16xi1>, vector<16xf32>
        %select_n3A_2196 = arith.select %gt3A_2193, %select_n3A_2149, %select_n3A_2195 : vector<16xi1>, vector<16xf32>
        %select_n3A_2197 = arith.select %gt3A_2194, %broadcast_in_dim3A_2176, %select_n3A_2148 : vector<16xi1>, vector<16xi32>
        %select_n3A_2198 = arith.select %gt3A_2193, %select_n3A_2150, %select_n3A_2197 : vector<16xi1>, vector<16xi32>
        %select_n3A_2199 = arith.select %gt3A_2193, %gather3A_2192, %select_n3A_2149 : vector<16xi1>, vector<16xf32>
        %select_n3A_2200 = arith.select %gt3A_2193, %broadcast_in_dim3A_2176, %select_n3A_2150 : vector<16xi1>, vector<16xi32>
        %add3A_2201 = arith.constant 43 : i32
        %add3A_2202 = vector.broadcast %add3A_2201 : i32 to vector<16xi32>
        %add3A_2203 = arith.addi %mul3A_63, %add3A_2202 : vector<16xi32>
        %gather3A_2204 = tpu.vector_load_idx %arg6[%add3A_2203] : memref<16640xf32, #tpu.memory_space<vmem>>[vector<16xi32>], vector<16xf32>,
        %gt3A_2205 = arith.cmpf ogt, %gather3A_2204, %select_n3A_2161 : vector<16xf32>
        %gt3A_2206 = arith.cmpf ogt, %gather3A_2204, %select_n3A_2158 : vector<16xf32>
        %select_n3A_2207 = arith.select %gt3A_2206, %gather3A_2204, %select_n3A_2158 : vector<16xi1>, vector<16xf32>
        %select_n3A_2208 = arith.select %gt3A_2205, %select_n3A_2161, %select_n3A_2207 : vector<16xi1>, vector<16xf32>
        %select_n3A_2209 = arith.select %gt3A_2206, %broadcast_in_dim3A_2176, %select_n3A_2160 : vector<16xi1>, vector<16xi32>
        %select_n3A_2210 = arith.select %gt3A_2205, %select_n3A_2162, %select_n3A_2209 : vector<16xi1>, vector<16xi32>
        %select_n3A_2211 = arith.select %gt3A_2205, %gather3A_2204, %select_n3A_2161 : vector<16xi1>, vector<16xf32>
        %select_n3A_2212 = arith.select %gt3A_2205, %broadcast_in_dim3A_2176, %select_n3A_2162 : vector<16xi1>, vector<16xi32>
        %add3A_2213 = arith.constant 43 : i32
        %add3A_2214 = vector.broadcast %add3A_2213 : i32 to vector<16xi32>
        %add3A_2215 = arith.addi %mul3A_75, %add3A_2214 : vector<16xi32>
        %gather3A_2216 = tpu.vector_load_idx %arg6[%add3A_2215] : memref<16640xf32, #tpu.memory_space<vmem>>[vector<16xi32>], vector<16xf32>,
        %gt3A_2217 = arith.cmpf ogt, %gather3A_2216, %select_n3A_2173 : vector<16xf32>
        %gt3A_2218 = arith.cmpf ogt, %gather3A_2216, %select_n3A_2170 : vector<16xf32>
        %select_n3A_2219 = arith.select %gt3A_2218, %gather3A_2216, %select_n3A_2170 : vector<16xi1>, vector<16xf32>
        %select_n3A_2220 = arith.select %gt3A_2217, %select_n3A_2173, %select_n3A_2219 : vector<16xi1>, vector<16xf32>
        %select_n3A_2221 = arith.select %gt3A_2218, %broadcast_in_dim3A_2176, %select_n3A_2172 : vector<16xi1>, vector<16xi32>
        %select_n3A_2222 = arith.select %gt3A_2217, %select_n3A_2174, %select_n3A_2221 : vector<16xi1>, vector<16xi32>
        %select_n3A_2223 = arith.select %gt3A_2217, %gather3A_2216, %select_n3A_2173 : vector<16xi1>, vector<16xf32>
        %select_n3A_2224 = arith.select %gt3A_2217, %broadcast_in_dim3A_2176, %select_n3A_2174 : vector<16xi1>, vector<16xi32>
        %broadcast_in_dim3A_2225 = arith.constant 44 : i32
        %broadcast_in_dim3A_2226 = vector.broadcast %broadcast_in_dim3A_2225 : i32 to vector<16xi32>
        %add3A_2227 = arith.constant 44 : i32
        %add3A_2228 = vector.broadcast %add3A_2227 : i32 to vector<16xi32>
        %add3A_2229 = arith.addi %mul3A_40, %add3A_2228 : vector<16xi32>
        %gather3A_2230 = tpu.vector_load_idx %arg6[%add3A_2229] : memref<16640xf32, #tpu.memory_space<vmem>>[vector<16xi32>], vector<16xf32>,
        %gt3A_2231 = arith.cmpf ogt, %gather3A_2230, %select_n3A_2187 : vector<16xf32>
        %gt3A_2232 = arith.cmpf ogt, %gather3A_2230, %select_n3A_2184 : vector<16xf32>
        %select_n3A_2233 = arith.select %gt3A_2232, %gather3A_2230, %select_n3A_2184 : vector<16xi1>, vector<16xf32>
        %select_n3A_2234 = arith.select %gt3A_2231, %select_n3A_2187, %select_n3A_2233 : vector<16xi1>, vector<16xf32>
        %select_n3A_2235 = arith.select %gt3A_2232, %broadcast_in_dim3A_2226, %select_n3A_2186 : vector<16xi1>, vector<16xi32>
        %select_n3A_2236 = arith.select %gt3A_2231, %select_n3A_2188, %select_n3A_2235 : vector<16xi1>, vector<16xi32>
        %select_n3A_2237 = arith.select %gt3A_2231, %gather3A_2230, %select_n3A_2187 : vector<16xi1>, vector<16xf32>
        %select_n3A_2238 = arith.select %gt3A_2231, %broadcast_in_dim3A_2226, %select_n3A_2188 : vector<16xi1>, vector<16xi32>
        %add3A_2239 = arith.constant 44 : i32
        %add3A_2240 = vector.broadcast %add3A_2239 : i32 to vector<16xi32>
        %add3A_2241 = arith.addi %mul3A_51, %add3A_2240 : vector<16xi32>
        %gather3A_2242 = tpu.vector_load_idx %arg6[%add3A_2241] : memref<16640xf32, #tpu.memory_space<vmem>>[vector<16xi32>], vector<16xf32>,
        %gt3A_2243 = arith.cmpf ogt, %gather3A_2242, %select_n3A_2199 : vector<16xf32>
        %gt3A_2244 = arith.cmpf ogt, %gather3A_2242, %select_n3A_2196 : vector<16xf32>
        %select_n3A_2245 = arith.select %gt3A_2244, %gather3A_2242, %select_n3A_2196 : vector<16xi1>, vector<16xf32>
        %select_n3A_2246 = arith.select %gt3A_2243, %select_n3A_2199, %select_n3A_2245 : vector<16xi1>, vector<16xf32>
        %select_n3A_2247 = arith.select %gt3A_2244, %broadcast_in_dim3A_2226, %select_n3A_2198 : vector<16xi1>, vector<16xi32>
        %select_n3A_2248 = arith.select %gt3A_2243, %select_n3A_2200, %select_n3A_2247 : vector<16xi1>, vector<16xi32>
        %select_n3A_2249 = arith.select %gt3A_2243, %gather3A_2242, %select_n3A_2199 : vector<16xi1>, vector<16xf32>
        %select_n3A_2250 = arith.select %gt3A_2243, %broadcast_in_dim3A_2226, %select_n3A_2200 : vector<16xi1>, vector<16xi32>
        %add3A_2251 = arith.constant 44 : i32
        %add3A_2252 = vector.broadcast %add3A_2251 : i32 to vector<16xi32>
        %add3A_2253 = arith.addi %mul3A_63, %add3A_2252 : vector<16xi32>
        %gather3A_2254 = tpu.vector_load_idx %arg6[%add3A_2253] : memref<16640xf32, #tpu.memory_space<vmem>>[vector<16xi32>], vector<16xf32>,
        %gt3A_2255 = arith.cmpf ogt, %gather3A_2254, %select_n3A_2211 : vector<16xf32>
        %gt3A_2256 = arith.cmpf ogt, %gather3A_2254, %select_n3A_2208 : vector<16xf32>
        %select_n3A_2257 = arith.select %gt3A_2256, %gather3A_2254, %select_n3A_2208 : vector<16xi1>, vector<16xf32>
        %select_n3A_2258 = arith.select %gt3A_2255, %select_n3A_2211, %select_n3A_2257 : vector<16xi1>, vector<16xf32>
        %select_n3A_2259 = arith.select %gt3A_2256, %broadcast_in_dim3A_2226, %select_n3A_2210 : vector<16xi1>, vector<16xi32>
        %select_n3A_2260 = arith.select %gt3A_2255, %select_n3A_2212, %select_n3A_2259 : vector<16xi1>, vector<16xi32>
        %select_n3A_2261 = arith.select %gt3A_2255, %gather3A_2254, %select_n3A_2211 : vector<16xi1>, vector<16xf32>
        %select_n3A_2262 = arith.select %gt3A_2255, %broadcast_in_dim3A_2226, %select_n3A_2212 : vector<16xi1>, vector<16xi32>
        %add3A_2263 = arith.constant 44 : i32
        %add3A_2264 = vector.broadcast %add3A_2263 : i32 to vector<16xi32>
        %add3A_2265 = arith.addi %mul3A_75, %add3A_2264 : vector<16xi32>
        %gather3A_2266 = tpu.vector_load_idx %arg6[%add3A_2265] : memref<16640xf32, #tpu.memory_space<vmem>>[vector<16xi32>], vector<16xf32>,
        %gt3A_2267 = arith.cmpf ogt, %gather3A_2266, %select_n3A_2223 : vector<16xf32>
        %gt3A_2268 = arith.cmpf ogt, %gather3A_2266, %select_n3A_2220 : vector<16xf32>
        %select_n3A_2269 = arith.select %gt3A_2268, %gather3A_2266, %select_n3A_2220 : vector<16xi1>, vector<16xf32>
        %select_n3A_2270 = arith.select %gt3A_2267, %select_n3A_2223, %select_n3A_2269 : vector<16xi1>, vector<16xf32>
        %select_n3A_2271 = arith.select %gt3A_2268, %broadcast_in_dim3A_2226, %select_n3A_2222 : vector<16xi1>, vector<16xi32>
        %select_n3A_2272 = arith.select %gt3A_2267, %select_n3A_2224, %select_n3A_2271 : vector<16xi1>, vector<16xi32>
        %select_n3A_2273 = arith.select %gt3A_2267, %gather3A_2266, %select_n3A_2223 : vector<16xi1>, vector<16xf32>
        %select_n3A_2274 = arith.select %gt3A_2267, %broadcast_in_dim3A_2226, %select_n3A_2224 : vector<16xi1>, vector<16xi32>
        %broadcast_in_dim3A_2275 = arith.constant 45 : i32
        %broadcast_in_dim3A_2276 = vector.broadcast %broadcast_in_dim3A_2275 : i32 to vector<16xi32>
        %add3A_2277 = arith.constant 45 : i32
        %add3A_2278 = vector.broadcast %add3A_2277 : i32 to vector<16xi32>
        %add3A_2279 = arith.addi %mul3A_40, %add3A_2278 : vector<16xi32>
        %gather3A_2280 = tpu.vector_load_idx %arg6[%add3A_2279] : memref<16640xf32, #tpu.memory_space<vmem>>[vector<16xi32>], vector<16xf32>,
        %gt3A_2281 = arith.cmpf ogt, %gather3A_2280, %select_n3A_2237 : vector<16xf32>
        %gt3A_2282 = arith.cmpf ogt, %gather3A_2280, %select_n3A_2234 : vector<16xf32>
        %select_n3A_2283 = arith.select %gt3A_2282, %gather3A_2280, %select_n3A_2234 : vector<16xi1>, vector<16xf32>
        %select_n3A_2284 = arith.select %gt3A_2281, %select_n3A_2237, %select_n3A_2283 : vector<16xi1>, vector<16xf32>
        %select_n3A_2285 = arith.select %gt3A_2282, %broadcast_in_dim3A_2276, %select_n3A_2236 : vector<16xi1>, vector<16xi32>
        %select_n3A_2286 = arith.select %gt3A_2281, %select_n3A_2238, %select_n3A_2285 : vector<16xi1>, vector<16xi32>
        %select_n3A_2287 = arith.select %gt3A_2281, %gather3A_2280, %select_n3A_2237 : vector<16xi1>, vector<16xf32>
        %select_n3A_2288 = arith.select %gt3A_2281, %broadcast_in_dim3A_2276, %select_n3A_2238 : vector<16xi1>, vector<16xi32>
        %add3A_2289 = arith.constant 45 : i32
        %add3A_2290 = vector.broadcast %add3A_2289 : i32 to vector<16xi32>
        %add3A_2291 = arith.addi %mul3A_51, %add3A_2290 : vector<16xi32>
        %gather3A_2292 = tpu.vector_load_idx %arg6[%add3A_2291] : memref<16640xf32, #tpu.memory_space<vmem>>[vector<16xi32>], vector<16xf32>,
        %gt3A_2293 = arith.cmpf ogt, %gather3A_2292, %select_n3A_2249 : vector<16xf32>
        %gt3A_2294 = arith.cmpf ogt, %gather3A_2292, %select_n3A_2246 : vector<16xf32>
        %select_n3A_2295 = arith.select %gt3A_2294, %gather3A_2292, %select_n3A_2246 : vector<16xi1>, vector<16xf32>
        %select_n3A_2296 = arith.select %gt3A_2293, %select_n3A_2249, %select_n3A_2295 : vector<16xi1>, vector<16xf32>
        %select_n3A_2297 = arith.select %gt3A_2294, %broadcast_in_dim3A_2276, %select_n3A_2248 : vector<16xi1>, vector<16xi32>
        %select_n3A_2298 = arith.select %gt3A_2293, %select_n3A_2250, %select_n3A_2297 : vector<16xi1>, vector<16xi32>
        %select_n3A_2299 = arith.select %gt3A_2293, %gather3A_2292, %select_n3A_2249 : vector<16xi1>, vector<16xf32>
        %select_n3A_2300 = arith.select %gt3A_2293, %broadcast_in_dim3A_2276, %select_n3A_2250 : vector<16xi1>, vector<16xi32>
        %add3A_2301 = arith.constant 45 : i32
        %add3A_2302 = vector.broadcast %add3A_2301 : i32 to vector<16xi32>
        %add3A_2303 = arith.addi %mul3A_63, %add3A_2302 : vector<16xi32>
        %gather3A_2304 = tpu.vector_load_idx %arg6[%add3A_2303] : memref<16640xf32, #tpu.memory_space<vmem>>[vector<16xi32>], vector<16xf32>,
        %gt3A_2305 = arith.cmpf ogt, %gather3A_2304, %select_n3A_2261 : vector<16xf32>
        %gt3A_2306 = arith.cmpf ogt, %gather3A_2304, %select_n3A_2258 : vector<16xf32>
        %select_n3A_2307 = arith.select %gt3A_2306, %gather3A_2304, %select_n3A_2258 : vector<16xi1>, vector<16xf32>
        %select_n3A_2308 = arith.select %gt3A_2305, %select_n3A_2261, %select_n3A_2307 : vector<16xi1>, vector<16xf32>
        %select_n3A_2309 = arith.select %gt3A_2306, %broadcast_in_dim3A_2276, %select_n3A_2260 : vector<16xi1>, vector<16xi32>
        %select_n3A_2310 = arith.select %gt3A_2305, %select_n3A_2262, %select_n3A_2309 : vector<16xi1>, vector<16xi32>
        %select_n3A_2311 = arith.select %gt3A_2305, %gather3A_2304, %select_n3A_2261 : vector<16xi1>, vector<16xf32>
        %select_n3A_2312 = arith.select %gt3A_2305, %broadcast_in_dim3A_2276, %select_n3A_2262 : vector<16xi1>, vector<16xi32>
        %add3A_2313 = arith.constant 45 : i32
        %add3A_2314 = vector.broadcast %add3A_2313 : i32 to vector<16xi32>
        %add3A_2315 = arith.addi %mul3A_75, %add3A_2314 : vector<16xi32>
        %gather3A_2316 = tpu.vector_load_idx %arg6[%add3A_2315] : memref<16640xf32, #tpu.memory_space<vmem>>[vector<16xi32>], vector<16xf32>,
        %gt3A_2317 = arith.cmpf ogt, %gather3A_2316, %select_n3A_2273 : vector<16xf32>
        %gt3A_2318 = arith.cmpf ogt, %gather3A_2316, %select_n3A_2270 : vector<16xf32>
        %select_n3A_2319 = arith.select %gt3A_2318, %gather3A_2316, %select_n3A_2270 : vector<16xi1>, vector<16xf32>
        %select_n3A_2320 = arith.select %gt3A_2317, %select_n3A_2273, %select_n3A_2319 : vector<16xi1>, vector<16xf32>
        %select_n3A_2321 = arith.select %gt3A_2318, %broadcast_in_dim3A_2276, %select_n3A_2272 : vector<16xi1>, vector<16xi32>
        %select_n3A_2322 = arith.select %gt3A_2317, %select_n3A_2274, %select_n3A_2321 : vector<16xi1>, vector<16xi32>
        %select_n3A_2323 = arith.select %gt3A_2317, %gather3A_2316, %select_n3A_2273 : vector<16xi1>, vector<16xf32>
        %select_n3A_2324 = arith.select %gt3A_2317, %broadcast_in_dim3A_2276, %select_n3A_2274 : vector<16xi1>, vector<16xi32>
        %broadcast_in_dim3A_2325 = arith.constant 46 : i32
        %broadcast_in_dim3A_2326 = vector.broadcast %broadcast_in_dim3A_2325 : i32 to vector<16xi32>
        %add3A_2327 = arith.constant 46 : i32
        %add3A_2328 = vector.broadcast %add3A_2327 : i32 to vector<16xi32>
        %add3A_2329 = arith.addi %mul3A_40, %add3A_2328 : vector<16xi32>
        %gather3A_2330 = tpu.vector_load_idx %arg6[%add3A_2329] : memref<16640xf32, #tpu.memory_space<vmem>>[vector<16xi32>], vector<16xf32>,
        %gt3A_2331 = arith.cmpf ogt, %gather3A_2330, %select_n3A_2287 : vector<16xf32>
        %gt3A_2332 = arith.cmpf ogt, %gather3A_2330, %select_n3A_2284 : vector<16xf32>
        %select_n3A_2333 = arith.select %gt3A_2332, %gather3A_2330, %select_n3A_2284 : vector<16xi1>, vector<16xf32>
        %select_n3A_2334 = arith.select %gt3A_2331, %select_n3A_2287, %select_n3A_2333 : vector<16xi1>, vector<16xf32>
        %select_n3A_2335 = arith.select %gt3A_2332, %broadcast_in_dim3A_2326, %select_n3A_2286 : vector<16xi1>, vector<16xi32>
        %select_n3A_2336 = arith.select %gt3A_2331, %select_n3A_2288, %select_n3A_2335 : vector<16xi1>, vector<16xi32>
        %select_n3A_2337 = arith.select %gt3A_2331, %gather3A_2330, %select_n3A_2287 : vector<16xi1>, vector<16xf32>
        %select_n3A_2338 = arith.select %gt3A_2331, %broadcast_in_dim3A_2326, %select_n3A_2288 : vector<16xi1>, vector<16xi32>
        %add3A_2339 = arith.constant 46 : i32
        %add3A_2340 = vector.broadcast %add3A_2339 : i32 to vector<16xi32>
        %add3A_2341 = arith.addi %mul3A_51, %add3A_2340 : vector<16xi32>
        %gather3A_2342 = tpu.vector_load_idx %arg6[%add3A_2341] : memref<16640xf32, #tpu.memory_space<vmem>>[vector<16xi32>], vector<16xf32>,
        %gt3A_2343 = arith.cmpf ogt, %gather3A_2342, %select_n3A_2299 : vector<16xf32>
        %gt3A_2344 = arith.cmpf ogt, %gather3A_2342, %select_n3A_2296 : vector<16xf32>
        %select_n3A_2345 = arith.select %gt3A_2344, %gather3A_2342, %select_n3A_2296 : vector<16xi1>, vector<16xf32>
        %select_n3A_2346 = arith.select %gt3A_2343, %select_n3A_2299, %select_n3A_2345 : vector<16xi1>, vector<16xf32>
        %select_n3A_2347 = arith.select %gt3A_2344, %broadcast_in_dim3A_2326, %select_n3A_2298 : vector<16xi1>, vector<16xi32>
        %select_n3A_2348 = arith.select %gt3A_2343, %select_n3A_2300, %select_n3A_2347 : vector<16xi1>, vector<16xi32>
        %select_n3A_2349 = arith.select %gt3A_2343, %gather3A_2342, %select_n3A_2299 : vector<16xi1>, vector<16xf32>
        %select_n3A_2350 = arith.select %gt3A_2343, %broadcast_in_dim3A_2326, %select_n3A_2300 : vector<16xi1>, vector<16xi32>
        %add3A_2351 = arith.constant 46 : i32
        %add3A_2352 = vector.broadcast %add3A_2351 : i32 to vector<16xi32>
        %add3A_2353 = arith.addi %mul3A_63, %add3A_2352 : vector<16xi32>
        %gather3A_2354 = tpu.vector_load_idx %arg6[%add3A_2353] : memref<16640xf32, #tpu.memory_space<vmem>>[vector<16xi32>], vector<16xf32>,
        %gt3A_2355 = arith.cmpf ogt, %gather3A_2354, %select_n3A_2311 : vector<16xf32>
        %gt3A_2356 = arith.cmpf ogt, %gather3A_2354, %select_n3A_2308 : vector<16xf32>
        %select_n3A_2357 = arith.select %gt3A_2356, %gather3A_2354, %select_n3A_2308 : vector<16xi1>, vector<16xf32>
        %select_n3A_2358 = arith.select %gt3A_2355, %select_n3A_2311, %select_n3A_2357 : vector<16xi1>, vector<16xf32>
        %select_n3A_2359 = arith.select %gt3A_2356, %broadcast_in_dim3A_2326, %select_n3A_2310 : vector<16xi1>, vector<16xi32>
        %select_n3A_2360 = arith.select %gt3A_2355, %select_n3A_2312, %select_n3A_2359 : vector<16xi1>, vector<16xi32>
        %select_n3A_2361 = arith.select %gt3A_2355, %gather3A_2354, %select_n3A_2311 : vector<16xi1>, vector<16xf32>
        %select_n3A_2362 = arith.select %gt3A_2355, %broadcast_in_dim3A_2326, %select_n3A_2312 : vector<16xi1>, vector<16xi32>
        %add3A_2363 = arith.constant 46 : i32
        %add3A_2364 = vector.broadcast %add3A_2363 : i32 to vector<16xi32>
        %add3A_2365 = arith.addi %mul3A_75, %add3A_2364 : vector<16xi32>
        %gather3A_2366 = tpu.vector_load_idx %arg6[%add3A_2365] : memref<16640xf32, #tpu.memory_space<vmem>>[vector<16xi32>], vector<16xf32>,
        %gt3A_2367 = arith.cmpf ogt, %gather3A_2366, %select_n3A_2323 : vector<16xf32>
        %gt3A_2368 = arith.cmpf ogt, %gather3A_2366, %select_n3A_2320 : vector<16xf32>
        %select_n3A_2369 = arith.select %gt3A_2368, %gather3A_2366, %select_n3A_2320 : vector<16xi1>, vector<16xf32>
        %select_n3A_2370 = arith.select %gt3A_2367, %select_n3A_2323, %select_n3A_2369 : vector<16xi1>, vector<16xf32>
        %select_n3A_2371 = arith.select %gt3A_2368, %broadcast_in_dim3A_2326, %select_n3A_2322 : vector<16xi1>, vector<16xi32>
        %select_n3A_2372 = arith.select %gt3A_2367, %select_n3A_2324, %select_n3A_2371 : vector<16xi1>, vector<16xi32>
        %select_n3A_2373 = arith.select %gt3A_2367, %gather3A_2366, %select_n3A_2323 : vector<16xi1>, vector<16xf32>
        %select_n3A_2374 = arith.select %gt3A_2367, %broadcast_in_dim3A_2326, %select_n3A_2324 : vector<16xi1>, vector<16xi32>
        %broadcast_in_dim3A_2375 = arith.constant 47 : i32
        %broadcast_in_dim3A_2376 = vector.broadcast %broadcast_in_dim3A_2375 : i32 to vector<16xi32>
        %add3A_2377 = arith.constant 47 : i32
        %add3A_2378 = vector.broadcast %add3A_2377 : i32 to vector<16xi32>
        %add3A_2379 = arith.addi %mul3A_40, %add3A_2378 : vector<16xi32>
        %gather3A_2380 = tpu.vector_load_idx %arg6[%add3A_2379] : memref<16640xf32, #tpu.memory_space<vmem>>[vector<16xi32>], vector<16xf32>,
        %gt3A_2381 = arith.cmpf ogt, %gather3A_2380, %select_n3A_2337 : vector<16xf32>
        %gt3A_2382 = arith.cmpf ogt, %gather3A_2380, %select_n3A_2334 : vector<16xf32>
        %select_n3A_2383 = arith.select %gt3A_2382, %gather3A_2380, %select_n3A_2334 : vector<16xi1>, vector<16xf32>
        %select_n3A_2384 = arith.select %gt3A_2381, %select_n3A_2337, %select_n3A_2383 : vector<16xi1>, vector<16xf32>
        %select_n3A_2385 = arith.select %gt3A_2382, %broadcast_in_dim3A_2376, %select_n3A_2336 : vector<16xi1>, vector<16xi32>
        %select_n3A_2386 = arith.select %gt3A_2381, %select_n3A_2338, %select_n3A_2385 : vector<16xi1>, vector<16xi32>
        %select_n3A_2387 = arith.select %gt3A_2381, %gather3A_2380, %select_n3A_2337 : vector<16xi1>, vector<16xf32>
        %select_n3A_2388 = arith.select %gt3A_2381, %broadcast_in_dim3A_2376, %select_n3A_2338 : vector<16xi1>, vector<16xi32>
        %add3A_2389 = arith.constant 47 : i32
        %add3A_2390 = vector.broadcast %add3A_2389 : i32 to vector<16xi32>
        %add3A_2391 = arith.addi %mul3A_51, %add3A_2390 : vector<16xi32>
        %gather3A_2392 = tpu.vector_load_idx %arg6[%add3A_2391] : memref<16640xf32, #tpu.memory_space<vmem>>[vector<16xi32>], vector<16xf32>,
        %gt3A_2393 = arith.cmpf ogt, %gather3A_2392, %select_n3A_2349 : vector<16xf32>
        %gt3A_2394 = arith.cmpf ogt, %gather3A_2392, %select_n3A_2346 : vector<16xf32>
        %select_n3A_2395 = arith.select %gt3A_2394, %gather3A_2392, %select_n3A_2346 : vector<16xi1>, vector<16xf32>
        %select_n3A_2396 = arith.select %gt3A_2393, %select_n3A_2349, %select_n3A_2395 : vector<16xi1>, vector<16xf32>
        %select_n3A_2397 = arith.select %gt3A_2394, %broadcast_in_dim3A_2376, %select_n3A_2348 : vector<16xi1>, vector<16xi32>
        %select_n3A_2398 = arith.select %gt3A_2393, %select_n3A_2350, %select_n3A_2397 : vector<16xi1>, vector<16xi32>
        %select_n3A_2399 = arith.select %gt3A_2393, %gather3A_2392, %select_n3A_2349 : vector<16xi1>, vector<16xf32>
        %select_n3A_2400 = arith.select %gt3A_2393, %broadcast_in_dim3A_2376, %select_n3A_2350 : vector<16xi1>, vector<16xi32>
        %add3A_2401 = arith.constant 47 : i32
        %add3A_2402 = vector.broadcast %add3A_2401 : i32 to vector<16xi32>
        %add3A_2403 = arith.addi %mul3A_63, %add3A_2402 : vector<16xi32>
        %gather3A_2404 = tpu.vector_load_idx %arg6[%add3A_2403] : memref<16640xf32, #tpu.memory_space<vmem>>[vector<16xi32>], vector<16xf32>,
        %gt3A_2405 = arith.cmpf ogt, %gather3A_2404, %select_n3A_2361 : vector<16xf32>
        %gt3A_2406 = arith.cmpf ogt, %gather3A_2404, %select_n3A_2358 : vector<16xf32>
        %select_n3A_2407 = arith.select %gt3A_2406, %gather3A_2404, %select_n3A_2358 : vector<16xi1>, vector<16xf32>
        %select_n3A_2408 = arith.select %gt3A_2405, %select_n3A_2361, %select_n3A_2407 : vector<16xi1>, vector<16xf32>
        %select_n3A_2409 = arith.select %gt3A_2406, %broadcast_in_dim3A_2376, %select_n3A_2360 : vector<16xi1>, vector<16xi32>
        %select_n3A_2410 = arith.select %gt3A_2405, %select_n3A_2362, %select_n3A_2409 : vector<16xi1>, vector<16xi32>
        %select_n3A_2411 = arith.select %gt3A_2405, %gather3A_2404, %select_n3A_2361 : vector<16xi1>, vector<16xf32>
        %select_n3A_2412 = arith.select %gt3A_2405, %broadcast_in_dim3A_2376, %select_n3A_2362 : vector<16xi1>, vector<16xi32>
        %add3A_2413 = arith.constant 47 : i32
        %add3A_2414 = vector.broadcast %add3A_2413 : i32 to vector<16xi32>
        %add3A_2415 = arith.addi %mul3A_75, %add3A_2414 : vector<16xi32>
        %gather3A_2416 = tpu.vector_load_idx %arg6[%add3A_2415] : memref<16640xf32, #tpu.memory_space<vmem>>[vector<16xi32>], vector<16xf32>,
        %gt3A_2417 = arith.cmpf ogt, %gather3A_2416, %select_n3A_2373 : vector<16xf32>
        %gt3A_2418 = arith.cmpf ogt, %gather3A_2416, %select_n3A_2370 : vector<16xf32>
        %select_n3A_2419 = arith.select %gt3A_2418, %gather3A_2416, %select_n3A_2370 : vector<16xi1>, vector<16xf32>
        %select_n3A_2420 = arith.select %gt3A_2417, %select_n3A_2373, %select_n3A_2419 : vector<16xi1>, vector<16xf32>
        %select_n3A_2421 = arith.select %gt3A_2418, %broadcast_in_dim3A_2376, %select_n3A_2372 : vector<16xi1>, vector<16xi32>
        %select_n3A_2422 = arith.select %gt3A_2417, %select_n3A_2374, %select_n3A_2421 : vector<16xi1>, vector<16xi32>
        %select_n3A_2423 = arith.select %gt3A_2417, %gather3A_2416, %select_n3A_2373 : vector<16xi1>, vector<16xf32>
        %select_n3A_2424 = arith.select %gt3A_2417, %broadcast_in_dim3A_2376, %select_n3A_2374 : vector<16xi1>, vector<16xi32>
        %broadcast_in_dim3A_2425 = arith.constant 48 : i32
        %broadcast_in_dim3A_2426 = vector.broadcast %broadcast_in_dim3A_2425 : i32 to vector<16xi32>
        %add3A_2427 = arith.constant 48 : i32
        %add3A_2428 = vector.broadcast %add3A_2427 : i32 to vector<16xi32>
        %add3A_2429 = arith.addi %mul3A_40, %add3A_2428 : vector<16xi32>
        %gather3A_2430 = tpu.vector_load_idx %arg6[%add3A_2429] : memref<16640xf32, #tpu.memory_space<vmem>>[vector<16xi32>], vector<16xf32>,
        %gt3A_2431 = arith.cmpf ogt, %gather3A_2430, %select_n3A_2387 : vector<16xf32>
        %gt3A_2432 = arith.cmpf ogt, %gather3A_2430, %select_n3A_2384 : vector<16xf32>
        %select_n3A_2433 = arith.select %gt3A_2432, %gather3A_2430, %select_n3A_2384 : vector<16xi1>, vector<16xf32>
        %select_n3A_2434 = arith.select %gt3A_2431, %select_n3A_2387, %select_n3A_2433 : vector<16xi1>, vector<16xf32>
        %select_n3A_2435 = arith.select %gt3A_2432, %broadcast_in_dim3A_2426, %select_n3A_2386 : vector<16xi1>, vector<16xi32>
        %select_n3A_2436 = arith.select %gt3A_2431, %select_n3A_2388, %select_n3A_2435 : vector<16xi1>, vector<16xi32>
        %select_n3A_2437 = arith.select %gt3A_2431, %gather3A_2430, %select_n3A_2387 : vector<16xi1>, vector<16xf32>
        %select_n3A_2438 = arith.select %gt3A_2431, %broadcast_in_dim3A_2426, %select_n3A_2388 : vector<16xi1>, vector<16xi32>
        %add3A_2439 = arith.constant 48 : i32
        %add3A_2440 = vector.broadcast %add3A_2439 : i32 to vector<16xi32>
        %add3A_2441 = arith.addi %mul3A_51, %add3A_2440 : vector<16xi32>
        %gather3A_2442 = tpu.vector_load_idx %arg6[%add3A_2441] : memref<16640xf32, #tpu.memory_space<vmem>>[vector<16xi32>], vector<16xf32>,
        %gt3A_2443 = arith.cmpf ogt, %gather3A_2442, %select_n3A_2399 : vector<16xf32>
        %gt3A_2444 = arith.cmpf ogt, %gather3A_2442, %select_n3A_2396 : vector<16xf32>
        %select_n3A_2445 = arith.select %gt3A_2444, %gather3A_2442, %select_n3A_2396 : vector<16xi1>, vector<16xf32>
        %select_n3A_2446 = arith.select %gt3A_2443, %select_n3A_2399, %select_n3A_2445 : vector<16xi1>, vector<16xf32>
        %select_n3A_2447 = arith.select %gt3A_2444, %broadcast_in_dim3A_2426, %select_n3A_2398 : vector<16xi1>, vector<16xi32>
        %select_n3A_2448 = arith.select %gt3A_2443, %select_n3A_2400, %select_n3A_2447 : vector<16xi1>, vector<16xi32>
        %select_n3A_2449 = arith.select %gt3A_2443, %gather3A_2442, %select_n3A_2399 : vector<16xi1>, vector<16xf32>
        %select_n3A_2450 = arith.select %gt3A_2443, %broadcast_in_dim3A_2426, %select_n3A_2400 : vector<16xi1>, vector<16xi32>
        %add3A_2451 = arith.constant 48 : i32
        %add3A_2452 = vector.broadcast %add3A_2451 : i32 to vector<16xi32>
        %add3A_2453 = arith.addi %mul3A_63, %add3A_2452 : vector<16xi32>
        %gather3A_2454 = tpu.vector_load_idx %arg6[%add3A_2453] : memref<16640xf32, #tpu.memory_space<vmem>>[vector<16xi32>], vector<16xf32>,
        %gt3A_2455 = arith.cmpf ogt, %gather3A_2454, %select_n3A_2411 : vector<16xf32>
        %gt3A_2456 = arith.cmpf ogt, %gather3A_2454, %select_n3A_2408 : vector<16xf32>
        %select_n3A_2457 = arith.select %gt3A_2456, %gather3A_2454, %select_n3A_2408 : vector<16xi1>, vector<16xf32>
        %select_n3A_2458 = arith.select %gt3A_2455, %select_n3A_2411, %select_n3A_2457 : vector<16xi1>, vector<16xf32>
        %select_n3A_2459 = arith.select %gt3A_2456, %broadcast_in_dim3A_2426, %select_n3A_2410 : vector<16xi1>, vector<16xi32>
        %select_n3A_2460 = arith.select %gt3A_2455, %select_n3A_2412, %select_n3A_2459 : vector<16xi1>, vector<16xi32>
        %select_n3A_2461 = arith.select %gt3A_2455, %gather3A_2454, %select_n3A_2411 : vector<16xi1>, vector<16xf32>
        %select_n3A_2462 = arith.select %gt3A_2455, %broadcast_in_dim3A_2426, %select_n3A_2412 : vector<16xi1>, vector<16xi32>
        %add3A_2463 = arith.constant 48 : i32
        %add3A_2464 = vector.broadcast %add3A_2463 : i32 to vector<16xi32>
        %add3A_2465 = arith.addi %mul3A_75, %add3A_2464 : vector<16xi32>
        %gather3A_2466 = tpu.vector_load_idx %arg6[%add3A_2465] : memref<16640xf32, #tpu.memory_space<vmem>>[vector<16xi32>], vector<16xf32>,
        %gt3A_2467 = arith.cmpf ogt, %gather3A_2466, %select_n3A_2423 : vector<16xf32>
        %gt3A_2468 = arith.cmpf ogt, %gather3A_2466, %select_n3A_2420 : vector<16xf32>
        %select_n3A_2469 = arith.select %gt3A_2468, %gather3A_2466, %select_n3A_2420 : vector<16xi1>, vector<16xf32>
        %select_n3A_2470 = arith.select %gt3A_2467, %select_n3A_2423, %select_n3A_2469 : vector<16xi1>, vector<16xf32>
        %select_n3A_2471 = arith.select %gt3A_2468, %broadcast_in_dim3A_2426, %select_n3A_2422 : vector<16xi1>, vector<16xi32>
        %select_n3A_2472 = arith.select %gt3A_2467, %select_n3A_2424, %select_n3A_2471 : vector<16xi1>, vector<16xi32>
        %select_n3A_2473 = arith.select %gt3A_2467, %gather3A_2466, %select_n3A_2423 : vector<16xi1>, vector<16xf32>
        %select_n3A_2474 = arith.select %gt3A_2467, %broadcast_in_dim3A_2426, %select_n3A_2424 : vector<16xi1>, vector<16xi32>
        %broadcast_in_dim3A_2475 = arith.constant 49 : i32
        %broadcast_in_dim3A_2476 = vector.broadcast %broadcast_in_dim3A_2475 : i32 to vector<16xi32>
        %add3A_2477 = arith.constant 49 : i32
        %add3A_2478 = vector.broadcast %add3A_2477 : i32 to vector<16xi32>
        %add3A_2479 = arith.addi %mul3A_40, %add3A_2478 : vector<16xi32>
        %gather3A_2480 = tpu.vector_load_idx %arg6[%add3A_2479] : memref<16640xf32, #tpu.memory_space<vmem>>[vector<16xi32>], vector<16xf32>,
        %gt3A_2481 = arith.cmpf ogt, %gather3A_2480, %select_n3A_2437 : vector<16xf32>
        %gt3A_2482 = arith.cmpf ogt, %gather3A_2480, %select_n3A_2434 : vector<16xf32>
        %select_n3A_2483 = arith.select %gt3A_2482, %gather3A_2480, %select_n3A_2434 : vector<16xi1>, vector<16xf32>
        %select_n3A_2484 = arith.select %gt3A_2481, %select_n3A_2437, %select_n3A_2483 : vector<16xi1>, vector<16xf32>
        %select_n3A_2485 = arith.select %gt3A_2482, %broadcast_in_dim3A_2476, %select_n3A_2436 : vector<16xi1>, vector<16xi32>
        %select_n3A_2486 = arith.select %gt3A_2481, %select_n3A_2438, %select_n3A_2485 : vector<16xi1>, vector<16xi32>
        %select_n3A_2487 = arith.select %gt3A_2481, %gather3A_2480, %select_n3A_2437 : vector<16xi1>, vector<16xf32>
        %select_n3A_2488 = arith.select %gt3A_2481, %broadcast_in_dim3A_2476, %select_n3A_2438 : vector<16xi1>, vector<16xi32>
        %add3A_2489 = arith.constant 49 : i32
        %add3A_2490 = vector.broadcast %add3A_2489 : i32 to vector<16xi32>
        %add3A_2491 = arith.addi %mul3A_51, %add3A_2490 : vector<16xi32>
        %gather3A_2492 = tpu.vector_load_idx %arg6[%add3A_2491] : memref<16640xf32, #tpu.memory_space<vmem>>[vector<16xi32>], vector<16xf32>,
        %gt3A_2493 = arith.cmpf ogt, %gather3A_2492, %select_n3A_2449 : vector<16xf32>
        %gt3A_2494 = arith.cmpf ogt, %gather3A_2492, %select_n3A_2446 : vector<16xf32>
        %select_n3A_2495 = arith.select %gt3A_2494, %gather3A_2492, %select_n3A_2446 : vector<16xi1>, vector<16xf32>
        %select_n3A_2496 = arith.select %gt3A_2493, %select_n3A_2449, %select_n3A_2495 : vector<16xi1>, vector<16xf32>
        %select_n3A_2497 = arith.select %gt3A_2494, %broadcast_in_dim3A_2476, %select_n3A_2448 : vector<16xi1>, vector<16xi32>
        %select_n3A_2498 = arith.select %gt3A_2493, %select_n3A_2450, %select_n3A_2497 : vector<16xi1>, vector<16xi32>
        %select_n3A_2499 = arith.select %gt3A_2493, %gather3A_2492, %select_n3A_2449 : vector<16xi1>, vector<16xf32>
        %select_n3A_2500 = arith.select %gt3A_2493, %broadcast_in_dim3A_2476, %select_n3A_2450 : vector<16xi1>, vector<16xi32>
        %add3A_2501 = arith.constant 49 : i32
        %add3A_2502 = vector.broadcast %add3A_2501 : i32 to vector<16xi32>
        %add3A_2503 = arith.addi %mul3A_63, %add3A_2502 : vector<16xi32>
        %gather3A_2504 = tpu.vector_load_idx %arg6[%add3A_2503] : memref<16640xf32, #tpu.memory_space<vmem>>[vector<16xi32>], vector<16xf32>,
        %gt3A_2505 = arith.cmpf ogt, %gather3A_2504, %select_n3A_2461 : vector<16xf32>
        %gt3A_2506 = arith.cmpf ogt, %gather3A_2504, %select_n3A_2458 : vector<16xf32>
        %select_n3A_2507 = arith.select %gt3A_2506, %gather3A_2504, %select_n3A_2458 : vector<16xi1>, vector<16xf32>
        %select_n3A_2508 = arith.select %gt3A_2505, %select_n3A_2461, %select_n3A_2507 : vector<16xi1>, vector<16xf32>
        %select_n3A_2509 = arith.select %gt3A_2506, %broadcast_in_dim3A_2476, %select_n3A_2460 : vector<16xi1>, vector<16xi32>
        %select_n3A_2510 = arith.select %gt3A_2505, %select_n3A_2462, %select_n3A_2509 : vector<16xi1>, vector<16xi32>
        %select_n3A_2511 = arith.select %gt3A_2505, %gather3A_2504, %select_n3A_2461 : vector<16xi1>, vector<16xf32>
        %select_n3A_2512 = arith.select %gt3A_2505, %broadcast_in_dim3A_2476, %select_n3A_2462 : vector<16xi1>, vector<16xi32>
        %add3A_2513 = arith.constant 49 : i32
        %add3A_2514 = vector.broadcast %add3A_2513 : i32 to vector<16xi32>
        %add3A_2515 = arith.addi %mul3A_75, %add3A_2514 : vector<16xi32>
        %gather3A_2516 = tpu.vector_load_idx %arg6[%add3A_2515] : memref<16640xf32, #tpu.memory_space<vmem>>[vector<16xi32>], vector<16xf32>,
        %gt3A_2517 = arith.cmpf ogt, %gather3A_2516, %select_n3A_2473 : vector<16xf32>
        %gt3A_2518 = arith.cmpf ogt, %gather3A_2516, %select_n3A_2470 : vector<16xf32>
        %select_n3A_2519 = arith.select %gt3A_2518, %gather3A_2516, %select_n3A_2470 : vector<16xi1>, vector<16xf32>
        %select_n3A_2520 = arith.select %gt3A_2517, %select_n3A_2473, %select_n3A_2519 : vector<16xi1>, vector<16xf32>
        %select_n3A_2521 = arith.select %gt3A_2518, %broadcast_in_dim3A_2476, %select_n3A_2472 : vector<16xi1>, vector<16xi32>
        %select_n3A_2522 = arith.select %gt3A_2517, %select_n3A_2474, %select_n3A_2521 : vector<16xi1>, vector<16xi32>
        %select_n3A_2523 = arith.select %gt3A_2517, %gather3A_2516, %select_n3A_2473 : vector<16xi1>, vector<16xf32>
        %select_n3A_2524 = arith.select %gt3A_2517, %broadcast_in_dim3A_2476, %select_n3A_2474 : vector<16xi1>, vector<16xi32>
        %broadcast_in_dim3A_2525 = arith.constant 50 : i32
        %broadcast_in_dim3A_2526 = vector.broadcast %broadcast_in_dim3A_2525 : i32 to vector<16xi32>
        %add3A_2527 = arith.constant 50 : i32
        %add3A_2528 = vector.broadcast %add3A_2527 : i32 to vector<16xi32>
        %add3A_2529 = arith.addi %mul3A_40, %add3A_2528 : vector<16xi32>
        %gather3A_2530 = tpu.vector_load_idx %arg6[%add3A_2529] : memref<16640xf32, #tpu.memory_space<vmem>>[vector<16xi32>], vector<16xf32>,
        %gt3A_2531 = arith.cmpf ogt, %gather3A_2530, %select_n3A_2487 : vector<16xf32>
        %gt3A_2532 = arith.cmpf ogt, %gather3A_2530, %select_n3A_2484 : vector<16xf32>
        %select_n3A_2533 = arith.select %gt3A_2532, %gather3A_2530, %select_n3A_2484 : vector<16xi1>, vector<16xf32>
        %select_n3A_2534 = arith.select %gt3A_2531, %select_n3A_2487, %select_n3A_2533 : vector<16xi1>, vector<16xf32>
        %select_n3A_2535 = arith.select %gt3A_2532, %broadcast_in_dim3A_2526, %select_n3A_2486 : vector<16xi1>, vector<16xi32>
        %select_n3A_2536 = arith.select %gt3A_2531, %select_n3A_2488, %select_n3A_2535 : vector<16xi1>, vector<16xi32>
        %select_n3A_2537 = arith.select %gt3A_2531, %gather3A_2530, %select_n3A_2487 : vector<16xi1>, vector<16xf32>
        %select_n3A_2538 = arith.select %gt3A_2531, %broadcast_in_dim3A_2526, %select_n3A_2488 : vector<16xi1>, vector<16xi32>
        %add3A_2539 = arith.constant 50 : i32
        %add3A_2540 = vector.broadcast %add3A_2539 : i32 to vector<16xi32>
        %add3A_2541 = arith.addi %mul3A_51, %add3A_2540 : vector<16xi32>
        %gather3A_2542 = tpu.vector_load_idx %arg6[%add3A_2541] : memref<16640xf32, #tpu.memory_space<vmem>>[vector<16xi32>], vector<16xf32>,
        %gt3A_2543 = arith.cmpf ogt, %gather3A_2542, %select_n3A_2499 : vector<16xf32>
        %gt3A_2544 = arith.cmpf ogt, %gather3A_2542, %select_n3A_2496 : vector<16xf32>
        %select_n3A_2545 = arith.select %gt3A_2544, %gather3A_2542, %select_n3A_2496 : vector<16xi1>, vector<16xf32>
        %select_n3A_2546 = arith.select %gt3A_2543, %select_n3A_2499, %select_n3A_2545 : vector<16xi1>, vector<16xf32>
        %select_n3A_2547 = arith.select %gt3A_2544, %broadcast_in_dim3A_2526, %select_n3A_2498 : vector<16xi1>, vector<16xi32>
        %select_n3A_2548 = arith.select %gt3A_2543, %select_n3A_2500, %select_n3A_2547 : vector<16xi1>, vector<16xi32>
        %select_n3A_2549 = arith.select %gt3A_2543, %gather3A_2542, %select_n3A_2499 : vector<16xi1>, vector<16xf32>
        %select_n3A_2550 = arith.select %gt3A_2543, %broadcast_in_dim3A_2526, %select_n3A_2500 : vector<16xi1>, vector<16xi32>
        %add3A_2551 = arith.constant 50 : i32
        %add3A_2552 = vector.broadcast %add3A_2551 : i32 to vector<16xi32>
        %add3A_2553 = arith.addi %mul3A_63, %add3A_2552 : vector<16xi32>
        %gather3A_2554 = tpu.vector_load_idx %arg6[%add3A_2553] : memref<16640xf32, #tpu.memory_space<vmem>>[vector<16xi32>], vector<16xf32>,
        %gt3A_2555 = arith.cmpf ogt, %gather3A_2554, %select_n3A_2511 : vector<16xf32>
        %gt3A_2556 = arith.cmpf ogt, %gather3A_2554, %select_n3A_2508 : vector<16xf32>
        %select_n3A_2557 = arith.select %gt3A_2556, %gather3A_2554, %select_n3A_2508 : vector<16xi1>, vector<16xf32>
        %select_n3A_2558 = arith.select %gt3A_2555, %select_n3A_2511, %select_n3A_2557 : vector<16xi1>, vector<16xf32>
        %select_n3A_2559 = arith.select %gt3A_2556, %broadcast_in_dim3A_2526, %select_n3A_2510 : vector<16xi1>, vector<16xi32>
        %select_n3A_2560 = arith.select %gt3A_2555, %select_n3A_2512, %select_n3A_2559 : vector<16xi1>, vector<16xi32>
        %select_n3A_2561 = arith.select %gt3A_2555, %gather3A_2554, %select_n3A_2511 : vector<16xi1>, vector<16xf32>
        %select_n3A_2562 = arith.select %gt3A_2555, %broadcast_in_dim3A_2526, %select_n3A_2512 : vector<16xi1>, vector<16xi32>
        %add3A_2563 = arith.constant 50 : i32
        %add3A_2564 = vector.broadcast %add3A_2563 : i32 to vector<16xi32>
        %add3A_2565 = arith.addi %mul3A_75, %add3A_2564 : vector<16xi32>
        %gather3A_2566 = tpu.vector_load_idx %arg6[%add3A_2565] : memref<16640xf32, #tpu.memory_space<vmem>>[vector<16xi32>], vector<16xf32>,
        %gt3A_2567 = arith.cmpf ogt, %gather3A_2566, %select_n3A_2523 : vector<16xf32>
        %gt3A_2568 = arith.cmpf ogt, %gather3A_2566, %select_n3A_2520 : vector<16xf32>
        %select_n3A_2569 = arith.select %gt3A_2568, %gather3A_2566, %select_n3A_2520 : vector<16xi1>, vector<16xf32>
        %select_n3A_2570 = arith.select %gt3A_2567, %select_n3A_2523, %select_n3A_2569 : vector<16xi1>, vector<16xf32>
        %select_n3A_2571 = arith.select %gt3A_2568, %broadcast_in_dim3A_2526, %select_n3A_2522 : vector<16xi1>, vector<16xi32>
        %select_n3A_2572 = arith.select %gt3A_2567, %select_n3A_2524, %select_n3A_2571 : vector<16xi1>, vector<16xi32>
        %select_n3A_2573 = arith.select %gt3A_2567, %gather3A_2566, %select_n3A_2523 : vector<16xi1>, vector<16xf32>
        %select_n3A_2574 = arith.select %gt3A_2567, %broadcast_in_dim3A_2526, %select_n3A_2524 : vector<16xi1>, vector<16xi32>
        %broadcast_in_dim3A_2575 = arith.constant 51 : i32
        %broadcast_in_dim3A_2576 = vector.broadcast %broadcast_in_dim3A_2575 : i32 to vector<16xi32>
        %add3A_2577 = arith.constant 51 : i32
        %add3A_2578 = vector.broadcast %add3A_2577 : i32 to vector<16xi32>
        %add3A_2579 = arith.addi %mul3A_40, %add3A_2578 : vector<16xi32>
        %gather3A_2580 = tpu.vector_load_idx %arg6[%add3A_2579] : memref<16640xf32, #tpu.memory_space<vmem>>[vector<16xi32>], vector<16xf32>,
        %gt3A_2581 = arith.cmpf ogt, %gather3A_2580, %select_n3A_2537 : vector<16xf32>
        %gt3A_2582 = arith.cmpf ogt, %gather3A_2580, %select_n3A_2534 : vector<16xf32>
        %select_n3A_2583 = arith.select %gt3A_2582, %gather3A_2580, %select_n3A_2534 : vector<16xi1>, vector<16xf32>
        %select_n3A_2584 = arith.select %gt3A_2581, %select_n3A_2537, %select_n3A_2583 : vector<16xi1>, vector<16xf32>
        %select_n3A_2585 = arith.select %gt3A_2582, %broadcast_in_dim3A_2576, %select_n3A_2536 : vector<16xi1>, vector<16xi32>
        %select_n3A_2586 = arith.select %gt3A_2581, %select_n3A_2538, %select_n3A_2585 : vector<16xi1>, vector<16xi32>
        %select_n3A_2587 = arith.select %gt3A_2581, %gather3A_2580, %select_n3A_2537 : vector<16xi1>, vector<16xf32>
        %select_n3A_2588 = arith.select %gt3A_2581, %broadcast_in_dim3A_2576, %select_n3A_2538 : vector<16xi1>, vector<16xi32>
        %add3A_2589 = arith.constant 51 : i32
        %add3A_2590 = vector.broadcast %add3A_2589 : i32 to vector<16xi32>
        %add3A_2591 = arith.addi %mul3A_51, %add3A_2590 : vector<16xi32>
        %gather3A_2592 = tpu.vector_load_idx %arg6[%add3A_2591] : memref<16640xf32, #tpu.memory_space<vmem>>[vector<16xi32>], vector<16xf32>,
        %gt3A_2593 = arith.cmpf ogt, %gather3A_2592, %select_n3A_2549 : vector<16xf32>
        %gt3A_2594 = arith.cmpf ogt, %gather3A_2592, %select_n3A_2546 : vector<16xf32>
        %select_n3A_2595 = arith.select %gt3A_2594, %gather3A_2592, %select_n3A_2546 : vector<16xi1>, vector<16xf32>
        %select_n3A_2596 = arith.select %gt3A_2593, %select_n3A_2549, %select_n3A_2595 : vector<16xi1>, vector<16xf32>
        %select_n3A_2597 = arith.select %gt3A_2594, %broadcast_in_dim3A_2576, %select_n3A_2548 : vector<16xi1>, vector<16xi32>
        %select_n3A_2598 = arith.select %gt3A_2593, %select_n3A_2550, %select_n3A_2597 : vector<16xi1>, vector<16xi32>
        %select_n3A_2599 = arith.select %gt3A_2593, %gather3A_2592, %select_n3A_2549 : vector<16xi1>, vector<16xf32>
        %select_n3A_2600 = arith.select %gt3A_2593, %broadcast_in_dim3A_2576, %select_n3A_2550 : vector<16xi1>, vector<16xi32>
        %add3A_2601 = arith.constant 51 : i32
        %add3A_2602 = vector.broadcast %add3A_2601 : i32 to vector<16xi32>
        %add3A_2603 = arith.addi %mul3A_63, %add3A_2602 : vector<16xi32>
        %gather3A_2604 = tpu.vector_load_idx %arg6[%add3A_2603] : memref<16640xf32, #tpu.memory_space<vmem>>[vector<16xi32>], vector<16xf32>,
        %gt3A_2605 = arith.cmpf ogt, %gather3A_2604, %select_n3A_2561 : vector<16xf32>
        %gt3A_2606 = arith.cmpf ogt, %gather3A_2604, %select_n3A_2558 : vector<16xf32>
        %select_n3A_2607 = arith.select %gt3A_2606, %gather3A_2604, %select_n3A_2558 : vector<16xi1>, vector<16xf32>
        %select_n3A_2608 = arith.select %gt3A_2605, %select_n3A_2561, %select_n3A_2607 : vector<16xi1>, vector<16xf32>
        %select_n3A_2609 = arith.select %gt3A_2606, %broadcast_in_dim3A_2576, %select_n3A_2560 : vector<16xi1>, vector<16xi32>
        %select_n3A_2610 = arith.select %gt3A_2605, %select_n3A_2562, %select_n3A_2609 : vector<16xi1>, vector<16xi32>
        %select_n3A_2611 = arith.select %gt3A_2605, %gather3A_2604, %select_n3A_2561 : vector<16xi1>, vector<16xf32>
        %select_n3A_2612 = arith.select %gt3A_2605, %broadcast_in_dim3A_2576, %select_n3A_2562 : vector<16xi1>, vector<16xi32>
        %add3A_2613 = arith.constant 51 : i32
        %add3A_2614 = vector.broadcast %add3A_2613 : i32 to vector<16xi32>
        %add3A_2615 = arith.addi %mul3A_75, %add3A_2614 : vector<16xi32>
        %gather3A_2616 = tpu.vector_load_idx %arg6[%add3A_2615] : memref<16640xf32, #tpu.memory_space<vmem>>[vector<16xi32>], vector<16xf32>,
        %gt3A_2617 = arith.cmpf ogt, %gather3A_2616, %select_n3A_2573 : vector<16xf32>
        %gt3A_2618 = arith.cmpf ogt, %gather3A_2616, %select_n3A_2570 : vector<16xf32>
        %select_n3A_2619 = arith.select %gt3A_2618, %gather3A_2616, %select_n3A_2570 : vector<16xi1>, vector<16xf32>
        %select_n3A_2620 = arith.select %gt3A_2617, %select_n3A_2573, %select_n3A_2619 : vector<16xi1>, vector<16xf32>
        %select_n3A_2621 = arith.select %gt3A_2618, %broadcast_in_dim3A_2576, %select_n3A_2572 : vector<16xi1>, vector<16xi32>
        %select_n3A_2622 = arith.select %gt3A_2617, %select_n3A_2574, %select_n3A_2621 : vector<16xi1>, vector<16xi32>
        %select_n3A_2623 = arith.select %gt3A_2617, %gather3A_2616, %select_n3A_2573 : vector<16xi1>, vector<16xf32>
        %select_n3A_2624 = arith.select %gt3A_2617, %broadcast_in_dim3A_2576, %select_n3A_2574 : vector<16xi1>, vector<16xi32>
        %broadcast_in_dim3A_2625 = arith.constant 52 : i32
        %broadcast_in_dim3A_2626 = vector.broadcast %broadcast_in_dim3A_2625 : i32 to vector<16xi32>
        %add3A_2627 = arith.constant 52 : i32
        %add3A_2628 = vector.broadcast %add3A_2627 : i32 to vector<16xi32>
        %add3A_2629 = arith.addi %mul3A_40, %add3A_2628 : vector<16xi32>
        %gather3A_2630 = tpu.vector_load_idx %arg6[%add3A_2629] : memref<16640xf32, #tpu.memory_space<vmem>>[vector<16xi32>], vector<16xf32>,
        %gt3A_2631 = arith.cmpf ogt, %gather3A_2630, %select_n3A_2587 : vector<16xf32>
        %gt3A_2632 = arith.cmpf ogt, %gather3A_2630, %select_n3A_2584 : vector<16xf32>
        %select_n3A_2633 = arith.select %gt3A_2632, %gather3A_2630, %select_n3A_2584 : vector<16xi1>, vector<16xf32>
        %select_n3A_2634 = arith.select %gt3A_2631, %select_n3A_2587, %select_n3A_2633 : vector<16xi1>, vector<16xf32>
        %select_n3A_2635 = arith.select %gt3A_2632, %broadcast_in_dim3A_2626, %select_n3A_2586 : vector<16xi1>, vector<16xi32>
        %select_n3A_2636 = arith.select %gt3A_2631, %select_n3A_2588, %select_n3A_2635 : vector<16xi1>, vector<16xi32>
        %select_n3A_2637 = arith.select %gt3A_2631, %gather3A_2630, %select_n3A_2587 : vector<16xi1>, vector<16xf32>
        %select_n3A_2638 = arith.select %gt3A_2631, %broadcast_in_dim3A_2626, %select_n3A_2588 : vector<16xi1>, vector<16xi32>
        %add3A_2639 = arith.constant 52 : i32
        %add3A_2640 = vector.broadcast %add3A_2639 : i32 to vector<16xi32>
        %add3A_2641 = arith.addi %mul3A_51, %add3A_2640 : vector<16xi32>
        %gather3A_2642 = tpu.vector_load_idx %arg6[%add3A_2641] : memref<16640xf32, #tpu.memory_space<vmem>>[vector<16xi32>], vector<16xf32>,
        %gt3A_2643 = arith.cmpf ogt, %gather3A_2642, %select_n3A_2599 : vector<16xf32>
        %gt3A_2644 = arith.cmpf ogt, %gather3A_2642, %select_n3A_2596 : vector<16xf32>
        %select_n3A_2645 = arith.select %gt3A_2644, %gather3A_2642, %select_n3A_2596 : vector<16xi1>, vector<16xf32>
        %select_n3A_2646 = arith.select %gt3A_2643, %select_n3A_2599, %select_n3A_2645 : vector<16xi1>, vector<16xf32>
        %select_n3A_2647 = arith.select %gt3A_2644, %broadcast_in_dim3A_2626, %select_n3A_2598 : vector<16xi1>, vector<16xi32>
        %select_n3A_2648 = arith.select %gt3A_2643, %select_n3A_2600, %select_n3A_2647 : vector<16xi1>, vector<16xi32>
        %select_n3A_2649 = arith.select %gt3A_2643, %gather3A_2642, %select_n3A_2599 : vector<16xi1>, vector<16xf32>
        %select_n3A_2650 = arith.select %gt3A_2643, %broadcast_in_dim3A_2626, %select_n3A_2600 : vector<16xi1>, vector<16xi32>
        %add3A_2651 = arith.constant 52 : i32
        %add3A_2652 = vector.broadcast %add3A_2651 : i32 to vector<16xi32>
        %add3A_2653 = arith.addi %mul3A_63, %add3A_2652 : vector<16xi32>
        %gather3A_2654 = tpu.vector_load_idx %arg6[%add3A_2653] : memref<16640xf32, #tpu.memory_space<vmem>>[vector<16xi32>], vector<16xf32>,
        %gt3A_2655 = arith.cmpf ogt, %gather3A_2654, %select_n3A_2611 : vector<16xf32>
        %gt3A_2656 = arith.cmpf ogt, %gather3A_2654, %select_n3A_2608 : vector<16xf32>
        %select_n3A_2657 = arith.select %gt3A_2656, %gather3A_2654, %select_n3A_2608 : vector<16xi1>, vector<16xf32>
        %select_n3A_2658 = arith.select %gt3A_2655, %select_n3A_2611, %select_n3A_2657 : vector<16xi1>, vector<16xf32>
        %select_n3A_2659 = arith.select %gt3A_2656, %broadcast_in_dim3A_2626, %select_n3A_2610 : vector<16xi1>, vector<16xi32>
        %select_n3A_2660 = arith.select %gt3A_2655, %select_n3A_2612, %select_n3A_2659 : vector<16xi1>, vector<16xi32>
        %select_n3A_2661 = arith.select %gt3A_2655, %gather3A_2654, %select_n3A_2611 : vector<16xi1>, vector<16xf32>
        %select_n3A_2662 = arith.select %gt3A_2655, %broadcast_in_dim3A_2626, %select_n3A_2612 : vector<16xi1>, vector<16xi32>
        %add3A_2663 = arith.constant 52 : i32
        %add3A_2664 = vector.broadcast %add3A_2663 : i32 to vector<16xi32>
        %add3A_2665 = arith.addi %mul3A_75, %add3A_2664 : vector<16xi32>
        %gather3A_2666 = tpu.vector_load_idx %arg6[%add3A_2665] : memref<16640xf32, #tpu.memory_space<vmem>>[vector<16xi32>], vector<16xf32>,
        %gt3A_2667 = arith.cmpf ogt, %gather3A_2666, %select_n3A_2623 : vector<16xf32>
        %gt3A_2668 = arith.cmpf ogt, %gather3A_2666, %select_n3A_2620 : vector<16xf32>
        %select_n3A_2669 = arith.select %gt3A_2668, %gather3A_2666, %select_n3A_2620 : vector<16xi1>, vector<16xf32>
        %select_n3A_2670 = arith.select %gt3A_2667, %select_n3A_2623, %select_n3A_2669 : vector<16xi1>, vector<16xf32>
        %select_n3A_2671 = arith.select %gt3A_2668, %broadcast_in_dim3A_2626, %select_n3A_2622 : vector<16xi1>, vector<16xi32>
        %select_n3A_2672 = arith.select %gt3A_2667, %select_n3A_2624, %select_n3A_2671 : vector<16xi1>, vector<16xi32>
        %select_n3A_2673 = arith.select %gt3A_2667, %gather3A_2666, %select_n3A_2623 : vector<16xi1>, vector<16xf32>
        %select_n3A_2674 = arith.select %gt3A_2667, %broadcast_in_dim3A_2626, %select_n3A_2624 : vector<16xi1>, vector<16xi32>
        %broadcast_in_dim3A_2675 = arith.constant 53 : i32
        %broadcast_in_dim3A_2676 = vector.broadcast %broadcast_in_dim3A_2675 : i32 to vector<16xi32>
        %add3A_2677 = arith.constant 53 : i32
        %add3A_2678 = vector.broadcast %add3A_2677 : i32 to vector<16xi32>
        %add3A_2679 = arith.addi %mul3A_40, %add3A_2678 : vector<16xi32>
        %gather3A_2680 = tpu.vector_load_idx %arg6[%add3A_2679] : memref<16640xf32, #tpu.memory_space<vmem>>[vector<16xi32>], vector<16xf32>,
        %gt3A_2681 = arith.cmpf ogt, %gather3A_2680, %select_n3A_2637 : vector<16xf32>
        %gt3A_2682 = arith.cmpf ogt, %gather3A_2680, %select_n3A_2634 : vector<16xf32>
        %select_n3A_2683 = arith.select %gt3A_2682, %gather3A_2680, %select_n3A_2634 : vector<16xi1>, vector<16xf32>
        %select_n3A_2684 = arith.select %gt3A_2681, %select_n3A_2637, %select_n3A_2683 : vector<16xi1>, vector<16xf32>
        %select_n3A_2685 = arith.select %gt3A_2682, %broadcast_in_dim3A_2676, %select_n3A_2636 : vector<16xi1>, vector<16xi32>
        %select_n3A_2686 = arith.select %gt3A_2681, %select_n3A_2638, %select_n3A_2685 : vector<16xi1>, vector<16xi32>
        %select_n3A_2687 = arith.select %gt3A_2681, %gather3A_2680, %select_n3A_2637 : vector<16xi1>, vector<16xf32>
        %select_n3A_2688 = arith.select %gt3A_2681, %broadcast_in_dim3A_2676, %select_n3A_2638 : vector<16xi1>, vector<16xi32>
        %add3A_2689 = arith.constant 53 : i32
        %add3A_2690 = vector.broadcast %add3A_2689 : i32 to vector<16xi32>
        %add3A_2691 = arith.addi %mul3A_51, %add3A_2690 : vector<16xi32>
        %gather3A_2692 = tpu.vector_load_idx %arg6[%add3A_2691] : memref<16640xf32, #tpu.memory_space<vmem>>[vector<16xi32>], vector<16xf32>,
        %gt3A_2693 = arith.cmpf ogt, %gather3A_2692, %select_n3A_2649 : vector<16xf32>
        %gt3A_2694 = arith.cmpf ogt, %gather3A_2692, %select_n3A_2646 : vector<16xf32>
        %select_n3A_2695 = arith.select %gt3A_2694, %gather3A_2692, %select_n3A_2646 : vector<16xi1>, vector<16xf32>
        %select_n3A_2696 = arith.select %gt3A_2693, %select_n3A_2649, %select_n3A_2695 : vector<16xi1>, vector<16xf32>
        %select_n3A_2697 = arith.select %gt3A_2694, %broadcast_in_dim3A_2676, %select_n3A_2648 : vector<16xi1>, vector<16xi32>
        %select_n3A_2698 = arith.select %gt3A_2693, %select_n3A_2650, %select_n3A_2697 : vector<16xi1>, vector<16xi32>
        %select_n3A_2699 = arith.select %gt3A_2693, %gather3A_2692, %select_n3A_2649 : vector<16xi1>, vector<16xf32>
        %select_n3A_2700 = arith.select %gt3A_2693, %broadcast_in_dim3A_2676, %select_n3A_2650 : vector<16xi1>, vector<16xi32>
        %add3A_2701 = arith.constant 53 : i32
        %add3A_2702 = vector.broadcast %add3A_2701 : i32 to vector<16xi32>
        %add3A_2703 = arith.addi %mul3A_63, %add3A_2702 : vector<16xi32>
        %gather3A_2704 = tpu.vector_load_idx %arg6[%add3A_2703] : memref<16640xf32, #tpu.memory_space<vmem>>[vector<16xi32>], vector<16xf32>,
        %gt3A_2705 = arith.cmpf ogt, %gather3A_2704, %select_n3A_2661 : vector<16xf32>
        %gt3A_2706 = arith.cmpf ogt, %gather3A_2704, %select_n3A_2658 : vector<16xf32>
        %select_n3A_2707 = arith.select %gt3A_2706, %gather3A_2704, %select_n3A_2658 : vector<16xi1>, vector<16xf32>
        %select_n3A_2708 = arith.select %gt3A_2705, %select_n3A_2661, %select_n3A_2707 : vector<16xi1>, vector<16xf32>
        %select_n3A_2709 = arith.select %gt3A_2706, %broadcast_in_dim3A_2676, %select_n3A_2660 : vector<16xi1>, vector<16xi32>
        %select_n3A_2710 = arith.select %gt3A_2705, %select_n3A_2662, %select_n3A_2709 : vector<16xi1>, vector<16xi32>
        %select_n3A_2711 = arith.select %gt3A_2705, %gather3A_2704, %select_n3A_2661 : vector<16xi1>, vector<16xf32>
        %select_n3A_2712 = arith.select %gt3A_2705, %broadcast_in_dim3A_2676, %select_n3A_2662 : vector<16xi1>, vector<16xi32>
        %add3A_2713 = arith.constant 53 : i32
        %add3A_2714 = vector.broadcast %add3A_2713 : i32 to vector<16xi32>
        %add3A_2715 = arith.addi %mul3A_75, %add3A_2714 : vector<16xi32>
        %gather3A_2716 = tpu.vector_load_idx %arg6[%add3A_2715] : memref<16640xf32, #tpu.memory_space<vmem>>[vector<16xi32>], vector<16xf32>,
        %gt3A_2717 = arith.cmpf ogt, %gather3A_2716, %select_n3A_2673 : vector<16xf32>
        %gt3A_2718 = arith.cmpf ogt, %gather3A_2716, %select_n3A_2670 : vector<16xf32>
        %select_n3A_2719 = arith.select %gt3A_2718, %gather3A_2716, %select_n3A_2670 : vector<16xi1>, vector<16xf32>
        %select_n3A_2720 = arith.select %gt3A_2717, %select_n3A_2673, %select_n3A_2719 : vector<16xi1>, vector<16xf32>
        %select_n3A_2721 = arith.select %gt3A_2718, %broadcast_in_dim3A_2676, %select_n3A_2672 : vector<16xi1>, vector<16xi32>
        %select_n3A_2722 = arith.select %gt3A_2717, %select_n3A_2674, %select_n3A_2721 : vector<16xi1>, vector<16xi32>
        %select_n3A_2723 = arith.select %gt3A_2717, %gather3A_2716, %select_n3A_2673 : vector<16xi1>, vector<16xf32>
        %select_n3A_2724 = arith.select %gt3A_2717, %broadcast_in_dim3A_2676, %select_n3A_2674 : vector<16xi1>, vector<16xi32>
        %broadcast_in_dim3A_2725 = arith.constant 54 : i32
        %broadcast_in_dim3A_2726 = vector.broadcast %broadcast_in_dim3A_2725 : i32 to vector<16xi32>
        %add3A_2727 = arith.constant 54 : i32
        %add3A_2728 = vector.broadcast %add3A_2727 : i32 to vector<16xi32>
        %add3A_2729 = arith.addi %mul3A_40, %add3A_2728 : vector<16xi32>
        %gather3A_2730 = tpu.vector_load_idx %arg6[%add3A_2729] : memref<16640xf32, #tpu.memory_space<vmem>>[vector<16xi32>], vector<16xf32>,
        %gt3A_2731 = arith.cmpf ogt, %gather3A_2730, %select_n3A_2687 : vector<16xf32>
        %gt3A_2732 = arith.cmpf ogt, %gather3A_2730, %select_n3A_2684 : vector<16xf32>
        %select_n3A_2733 = arith.select %gt3A_2732, %gather3A_2730, %select_n3A_2684 : vector<16xi1>, vector<16xf32>
        %select_n3A_2734 = arith.select %gt3A_2731, %select_n3A_2687, %select_n3A_2733 : vector<16xi1>, vector<16xf32>
        %select_n3A_2735 = arith.select %gt3A_2732, %broadcast_in_dim3A_2726, %select_n3A_2686 : vector<16xi1>, vector<16xi32>
        %select_n3A_2736 = arith.select %gt3A_2731, %select_n3A_2688, %select_n3A_2735 : vector<16xi1>, vector<16xi32>
        %select_n3A_2737 = arith.select %gt3A_2731, %gather3A_2730, %select_n3A_2687 : vector<16xi1>, vector<16xf32>
        %select_n3A_2738 = arith.select %gt3A_2731, %broadcast_in_dim3A_2726, %select_n3A_2688 : vector<16xi1>, vector<16xi32>
        %add3A_2739 = arith.constant 54 : i32
        %add3A_2740 = vector.broadcast %add3A_2739 : i32 to vector<16xi32>
        %add3A_2741 = arith.addi %mul3A_51, %add3A_2740 : vector<16xi32>
        %gather3A_2742 = tpu.vector_load_idx %arg6[%add3A_2741] : memref<16640xf32, #tpu.memory_space<vmem>>[vector<16xi32>], vector<16xf32>,
        %gt3A_2743 = arith.cmpf ogt, %gather3A_2742, %select_n3A_2699 : vector<16xf32>
        %gt3A_2744 = arith.cmpf ogt, %gather3A_2742, %select_n3A_2696 : vector<16xf32>
        %select_n3A_2745 = arith.select %gt3A_2744, %gather3A_2742, %select_n3A_2696 : vector<16xi1>, vector<16xf32>
        %select_n3A_2746 = arith.select %gt3A_2743, %select_n3A_2699, %select_n3A_2745 : vector<16xi1>, vector<16xf32>
        %select_n3A_2747 = arith.select %gt3A_2744, %broadcast_in_dim3A_2726, %select_n3A_2698 : vector<16xi1>, vector<16xi32>
        %select_n3A_2748 = arith.select %gt3A_2743, %select_n3A_2700, %select_n3A_2747 : vector<16xi1>, vector<16xi32>
        %select_n3A_2749 = arith.select %gt3A_2743, %gather3A_2742, %select_n3A_2699 : vector<16xi1>, vector<16xf32>
        %select_n3A_2750 = arith.select %gt3A_2743, %broadcast_in_dim3A_2726, %select_n3A_2700 : vector<16xi1>, vector<16xi32>
        %add3A_2751 = arith.constant 54 : i32
        %add3A_2752 = vector.broadcast %add3A_2751 : i32 to vector<16xi32>
        %add3A_2753 = arith.addi %mul3A_63, %add3A_2752 : vector<16xi32>
        %gather3A_2754 = tpu.vector_load_idx %arg6[%add3A_2753] : memref<16640xf32, #tpu.memory_space<vmem>>[vector<16xi32>], vector<16xf32>,
        %gt3A_2755 = arith.cmpf ogt, %gather3A_2754, %select_n3A_2711 : vector<16xf32>
        %gt3A_2756 = arith.cmpf ogt, %gather3A_2754, %select_n3A_2708 : vector<16xf32>
        %select_n3A_2757 = arith.select %gt3A_2756, %gather3A_2754, %select_n3A_2708 : vector<16xi1>, vector<16xf32>
        %select_n3A_2758 = arith.select %gt3A_2755, %select_n3A_2711, %select_n3A_2757 : vector<16xi1>, vector<16xf32>
        %select_n3A_2759 = arith.select %gt3A_2756, %broadcast_in_dim3A_2726, %select_n3A_2710 : vector<16xi1>, vector<16xi32>
        %select_n3A_2760 = arith.select %gt3A_2755, %select_n3A_2712, %select_n3A_2759 : vector<16xi1>, vector<16xi32>
        %select_n3A_2761 = arith.select %gt3A_2755, %gather3A_2754, %select_n3A_2711 : vector<16xi1>, vector<16xf32>
        %select_n3A_2762 = arith.select %gt3A_2755, %broadcast_in_dim3A_2726, %select_n3A_2712 : vector<16xi1>, vector<16xi32>
        %add3A_2763 = arith.constant 54 : i32
        %add3A_2764 = vector.broadcast %add3A_2763 : i32 to vector<16xi32>
        %add3A_2765 = arith.addi %mul3A_75, %add3A_2764 : vector<16xi32>
        %gather3A_2766 = tpu.vector_load_idx %arg6[%add3A_2765] : memref<16640xf32, #tpu.memory_space<vmem>>[vector<16xi32>], vector<16xf32>,
        %gt3A_2767 = arith.cmpf ogt, %gather3A_2766, %select_n3A_2723 : vector<16xf32>
        %gt3A_2768 = arith.cmpf ogt, %gather3A_2766, %select_n3A_2720 : vector<16xf32>
        %select_n3A_2769 = arith.select %gt3A_2768, %gather3A_2766, %select_n3A_2720 : vector<16xi1>, vector<16xf32>
        %select_n3A_2770 = arith.select %gt3A_2767, %select_n3A_2723, %select_n3A_2769 : vector<16xi1>, vector<16xf32>
        %select_n3A_2771 = arith.select %gt3A_2768, %broadcast_in_dim3A_2726, %select_n3A_2722 : vector<16xi1>, vector<16xi32>
        %select_n3A_2772 = arith.select %gt3A_2767, %select_n3A_2724, %select_n3A_2771 : vector<16xi1>, vector<16xi32>
        %select_n3A_2773 = arith.select %gt3A_2767, %gather3A_2766, %select_n3A_2723 : vector<16xi1>, vector<16xf32>
        %select_n3A_2774 = arith.select %gt3A_2767, %broadcast_in_dim3A_2726, %select_n3A_2724 : vector<16xi1>, vector<16xi32>
        %broadcast_in_dim3A_2775 = arith.constant 55 : i32
        %broadcast_in_dim3A_2776 = vector.broadcast %broadcast_in_dim3A_2775 : i32 to vector<16xi32>
        %add3A_2777 = arith.constant 55 : i32
        %add3A_2778 = vector.broadcast %add3A_2777 : i32 to vector<16xi32>
        %add3A_2779 = arith.addi %mul3A_40, %add3A_2778 : vector<16xi32>
        %gather3A_2780 = tpu.vector_load_idx %arg6[%add3A_2779] : memref<16640xf32, #tpu.memory_space<vmem>>[vector<16xi32>], vector<16xf32>,
        %gt3A_2781 = arith.cmpf ogt, %gather3A_2780, %select_n3A_2737 : vector<16xf32>
        %gt3A_2782 = arith.cmpf ogt, %gather3A_2780, %select_n3A_2734 : vector<16xf32>
        %select_n3A_2783 = arith.select %gt3A_2782, %gather3A_2780, %select_n3A_2734 : vector<16xi1>, vector<16xf32>
        %select_n3A_2784 = arith.select %gt3A_2781, %select_n3A_2737, %select_n3A_2783 : vector<16xi1>, vector<16xf32>
        %select_n3A_2785 = arith.select %gt3A_2782, %broadcast_in_dim3A_2776, %select_n3A_2736 : vector<16xi1>, vector<16xi32>
        %select_n3A_2786 = arith.select %gt3A_2781, %select_n3A_2738, %select_n3A_2785 : vector<16xi1>, vector<16xi32>
        %select_n3A_2787 = arith.select %gt3A_2781, %gather3A_2780, %select_n3A_2737 : vector<16xi1>, vector<16xf32>
        %select_n3A_2788 = arith.select %gt3A_2781, %broadcast_in_dim3A_2776, %select_n3A_2738 : vector<16xi1>, vector<16xi32>
        %add3A_2789 = arith.constant 55 : i32
        %add3A_2790 = vector.broadcast %add3A_2789 : i32 to vector<16xi32>
        %add3A_2791 = arith.addi %mul3A_51, %add3A_2790 : vector<16xi32>
        %gather3A_2792 = tpu.vector_load_idx %arg6[%add3A_2791] : memref<16640xf32, #tpu.memory_space<vmem>>[vector<16xi32>], vector<16xf32>,
        %gt3A_2793 = arith.cmpf ogt, %gather3A_2792, %select_n3A_2749 : vector<16xf32>
        %gt3A_2794 = arith.cmpf ogt, %gather3A_2792, %select_n3A_2746 : vector<16xf32>
        %select_n3A_2795 = arith.select %gt3A_2794, %gather3A_2792, %select_n3A_2746 : vector<16xi1>, vector<16xf32>
        %select_n3A_2796 = arith.select %gt3A_2793, %select_n3A_2749, %select_n3A_2795 : vector<16xi1>, vector<16xf32>
        %select_n3A_2797 = arith.select %gt3A_2794, %broadcast_in_dim3A_2776, %select_n3A_2748 : vector<16xi1>, vector<16xi32>
        %select_n3A_2798 = arith.select %gt3A_2793, %select_n3A_2750, %select_n3A_2797 : vector<16xi1>, vector<16xi32>
        %select_n3A_2799 = arith.select %gt3A_2793, %gather3A_2792, %select_n3A_2749 : vector<16xi1>, vector<16xf32>
        %select_n3A_2800 = arith.select %gt3A_2793, %broadcast_in_dim3A_2776, %select_n3A_2750 : vector<16xi1>, vector<16xi32>
        %add3A_2801 = arith.constant 55 : i32
        %add3A_2802 = vector.broadcast %add3A_2801 : i32 to vector<16xi32>
        %add3A_2803 = arith.addi %mul3A_63, %add3A_2802 : vector<16xi32>
        %gather3A_2804 = tpu.vector_load_idx %arg6[%add3A_2803] : memref<16640xf32, #tpu.memory_space<vmem>>[vector<16xi32>], vector<16xf32>,
        %gt3A_2805 = arith.cmpf ogt, %gather3A_2804, %select_n3A_2761 : vector<16xf32>
        %gt3A_2806 = arith.cmpf ogt, %gather3A_2804, %select_n3A_2758 : vector<16xf32>
        %select_n3A_2807 = arith.select %gt3A_2806, %gather3A_2804, %select_n3A_2758 : vector<16xi1>, vector<16xf32>
        %select_n3A_2808 = arith.select %gt3A_2805, %select_n3A_2761, %select_n3A_2807 : vector<16xi1>, vector<16xf32>
        %select_n3A_2809 = arith.select %gt3A_2806, %broadcast_in_dim3A_2776, %select_n3A_2760 : vector<16xi1>, vector<16xi32>
        %select_n3A_2810 = arith.select %gt3A_2805, %select_n3A_2762, %select_n3A_2809 : vector<16xi1>, vector<16xi32>
        %select_n3A_2811 = arith.select %gt3A_2805, %gather3A_2804, %select_n3A_2761 : vector<16xi1>, vector<16xf32>
        %select_n3A_2812 = arith.select %gt3A_2805, %broadcast_in_dim3A_2776, %select_n3A_2762 : vector<16xi1>, vector<16xi32>
        %add3A_2813 = arith.constant 55 : i32
        %add3A_2814 = vector.broadcast %add3A_2813 : i32 to vector<16xi32>
        %add3A_2815 = arith.addi %mul3A_75, %add3A_2814 : vector<16xi32>
        %gather3A_2816 = tpu.vector_load_idx %arg6[%add3A_2815] : memref<16640xf32, #tpu.memory_space<vmem>>[vector<16xi32>], vector<16xf32>,
        %gt3A_2817 = arith.cmpf ogt, %gather3A_2816, %select_n3A_2773 : vector<16xf32>
        %gt3A_2818 = arith.cmpf ogt, %gather3A_2816, %select_n3A_2770 : vector<16xf32>
        %select_n3A_2819 = arith.select %gt3A_2818, %gather3A_2816, %select_n3A_2770 : vector<16xi1>, vector<16xf32>
        %select_n3A_2820 = arith.select %gt3A_2817, %select_n3A_2773, %select_n3A_2819 : vector<16xi1>, vector<16xf32>
        %select_n3A_2821 = arith.select %gt3A_2818, %broadcast_in_dim3A_2776, %select_n3A_2772 : vector<16xi1>, vector<16xi32>
        %select_n3A_2822 = arith.select %gt3A_2817, %select_n3A_2774, %select_n3A_2821 : vector<16xi1>, vector<16xi32>
        %select_n3A_2823 = arith.select %gt3A_2817, %gather3A_2816, %select_n3A_2773 : vector<16xi1>, vector<16xf32>
        %select_n3A_2824 = arith.select %gt3A_2817, %broadcast_in_dim3A_2776, %select_n3A_2774 : vector<16xi1>, vector<16xi32>
        %broadcast_in_dim3A_2825 = arith.constant 56 : i32
        %broadcast_in_dim3A_2826 = vector.broadcast %broadcast_in_dim3A_2825 : i32 to vector<16xi32>
        %add3A_2827 = arith.constant 56 : i32
        %add3A_2828 = vector.broadcast %add3A_2827 : i32 to vector<16xi32>
        %add3A_2829 = arith.addi %mul3A_40, %add3A_2828 : vector<16xi32>
        %gather3A_2830 = tpu.vector_load_idx %arg6[%add3A_2829] : memref<16640xf32, #tpu.memory_space<vmem>>[vector<16xi32>], vector<16xf32>,
        %gt3A_2831 = arith.cmpf ogt, %gather3A_2830, %select_n3A_2787 : vector<16xf32>
        %gt3A_2832 = arith.cmpf ogt, %gather3A_2830, %select_n3A_2784 : vector<16xf32>
        %select_n3A_2833 = arith.select %gt3A_2832, %gather3A_2830, %select_n3A_2784 : vector<16xi1>, vector<16xf32>
        %select_n3A_2834 = arith.select %gt3A_2831, %select_n3A_2787, %select_n3A_2833 : vector<16xi1>, vector<16xf32>
        %select_n3A_2835 = arith.select %gt3A_2832, %broadcast_in_dim3A_2826, %select_n3A_2786 : vector<16xi1>, vector<16xi32>
        %select_n3A_2836 = arith.select %gt3A_2831, %select_n3A_2788, %select_n3A_2835 : vector<16xi1>, vector<16xi32>
        %select_n3A_2837 = arith.select %gt3A_2831, %gather3A_2830, %select_n3A_2787 : vector<16xi1>, vector<16xf32>
        %select_n3A_2838 = arith.select %gt3A_2831, %broadcast_in_dim3A_2826, %select_n3A_2788 : vector<16xi1>, vector<16xi32>
        %add3A_2839 = arith.constant 56 : i32
        %add3A_2840 = vector.broadcast %add3A_2839 : i32 to vector<16xi32>
        %add3A_2841 = arith.addi %mul3A_51, %add3A_2840 : vector<16xi32>
        %gather3A_2842 = tpu.vector_load_idx %arg6[%add3A_2841] : memref<16640xf32, #tpu.memory_space<vmem>>[vector<16xi32>], vector<16xf32>,
        %gt3A_2843 = arith.cmpf ogt, %gather3A_2842, %select_n3A_2799 : vector<16xf32>
        %gt3A_2844 = arith.cmpf ogt, %gather3A_2842, %select_n3A_2796 : vector<16xf32>
        %select_n3A_2845 = arith.select %gt3A_2844, %gather3A_2842, %select_n3A_2796 : vector<16xi1>, vector<16xf32>
        %select_n3A_2846 = arith.select %gt3A_2843, %select_n3A_2799, %select_n3A_2845 : vector<16xi1>, vector<16xf32>
        %select_n3A_2847 = arith.select %gt3A_2844, %broadcast_in_dim3A_2826, %select_n3A_2798 : vector<16xi1>, vector<16xi32>
        %select_n3A_2848 = arith.select %gt3A_2843, %select_n3A_2800, %select_n3A_2847 : vector<16xi1>, vector<16xi32>
        %select_n3A_2849 = arith.select %gt3A_2843, %gather3A_2842, %select_n3A_2799 : vector<16xi1>, vector<16xf32>
        %select_n3A_2850 = arith.select %gt3A_2843, %broadcast_in_dim3A_2826, %select_n3A_2800 : vector<16xi1>, vector<16xi32>
        %add3A_2851 = arith.constant 56 : i32
        %add3A_2852 = vector.broadcast %add3A_2851 : i32 to vector<16xi32>
        %add3A_2853 = arith.addi %mul3A_63, %add3A_2852 : vector<16xi32>
        %gather3A_2854 = tpu.vector_load_idx %arg6[%add3A_2853] : memref<16640xf32, #tpu.memory_space<vmem>>[vector<16xi32>], vector<16xf32>,
        %gt3A_2855 = arith.cmpf ogt, %gather3A_2854, %select_n3A_2811 : vector<16xf32>
        %gt3A_2856 = arith.cmpf ogt, %gather3A_2854, %select_n3A_2808 : vector<16xf32>
        %select_n3A_2857 = arith.select %gt3A_2856, %gather3A_2854, %select_n3A_2808 : vector<16xi1>, vector<16xf32>
        %select_n3A_2858 = arith.select %gt3A_2855, %select_n3A_2811, %select_n3A_2857 : vector<16xi1>, vector<16xf32>
        %select_n3A_2859 = arith.select %gt3A_2856, %broadcast_in_dim3A_2826, %select_n3A_2810 : vector<16xi1>, vector<16xi32>
        %select_n3A_2860 = arith.select %gt3A_2855, %select_n3A_2812, %select_n3A_2859 : vector<16xi1>, vector<16xi32>
        %select_n3A_2861 = arith.select %gt3A_2855, %gather3A_2854, %select_n3A_2811 : vector<16xi1>, vector<16xf32>
        %select_n3A_2862 = arith.select %gt3A_2855, %broadcast_in_dim3A_2826, %select_n3A_2812 : vector<16xi1>, vector<16xi32>
        %add3A_2863 = arith.constant 56 : i32
        %add3A_2864 = vector.broadcast %add3A_2863 : i32 to vector<16xi32>
        %add3A_2865 = arith.addi %mul3A_75, %add3A_2864 : vector<16xi32>
        %gather3A_2866 = tpu.vector_load_idx %arg6[%add3A_2865] : memref<16640xf32, #tpu.memory_space<vmem>>[vector<16xi32>], vector<16xf32>,
        %gt3A_2867 = arith.cmpf ogt, %gather3A_2866, %select_n3A_2823 : vector<16xf32>
        %gt3A_2868 = arith.cmpf ogt, %gather3A_2866, %select_n3A_2820 : vector<16xf32>
        %select_n3A_2869 = arith.select %gt3A_2868, %gather3A_2866, %select_n3A_2820 : vector<16xi1>, vector<16xf32>
        %select_n3A_2870 = arith.select %gt3A_2867, %select_n3A_2823, %select_n3A_2869 : vector<16xi1>, vector<16xf32>
        %select_n3A_2871 = arith.select %gt3A_2868, %broadcast_in_dim3A_2826, %select_n3A_2822 : vector<16xi1>, vector<16xi32>
        %select_n3A_2872 = arith.select %gt3A_2867, %select_n3A_2824, %select_n3A_2871 : vector<16xi1>, vector<16xi32>
        %select_n3A_2873 = arith.select %gt3A_2867, %gather3A_2866, %select_n3A_2823 : vector<16xi1>, vector<16xf32>
        %select_n3A_2874 = arith.select %gt3A_2867, %broadcast_in_dim3A_2826, %select_n3A_2824 : vector<16xi1>, vector<16xi32>
        %broadcast_in_dim3A_2875 = arith.constant 57 : i32
        %broadcast_in_dim3A_2876 = vector.broadcast %broadcast_in_dim3A_2875 : i32 to vector<16xi32>
        %add3A_2877 = arith.constant 57 : i32
        %add3A_2878 = vector.broadcast %add3A_2877 : i32 to vector<16xi32>
        %add3A_2879 = arith.addi %mul3A_40, %add3A_2878 : vector<16xi32>
        %gather3A_2880 = tpu.vector_load_idx %arg6[%add3A_2879] : memref<16640xf32, #tpu.memory_space<vmem>>[vector<16xi32>], vector<16xf32>,
        %gt3A_2881 = arith.cmpf ogt, %gather3A_2880, %select_n3A_2837 : vector<16xf32>
        %gt3A_2882 = arith.cmpf ogt, %gather3A_2880, %select_n3A_2834 : vector<16xf32>
        %select_n3A_2883 = arith.select %gt3A_2882, %gather3A_2880, %select_n3A_2834 : vector<16xi1>, vector<16xf32>
        %select_n3A_2884 = arith.select %gt3A_2881, %select_n3A_2837, %select_n3A_2883 : vector<16xi1>, vector<16xf32>
        %select_n3A_2885 = arith.select %gt3A_2882, %broadcast_in_dim3A_2876, %select_n3A_2836 : vector<16xi1>, vector<16xi32>
        %select_n3A_2886 = arith.select %gt3A_2881, %select_n3A_2838, %select_n3A_2885 : vector<16xi1>, vector<16xi32>
        %select_n3A_2887 = arith.select %gt3A_2881, %gather3A_2880, %select_n3A_2837 : vector<16xi1>, vector<16xf32>
        %select_n3A_2888 = arith.select %gt3A_2881, %broadcast_in_dim3A_2876, %select_n3A_2838 : vector<16xi1>, vector<16xi32>
        %add3A_2889 = arith.constant 57 : i32
        %add3A_2890 = vector.broadcast %add3A_2889 : i32 to vector<16xi32>
        %add3A_2891 = arith.addi %mul3A_51, %add3A_2890 : vector<16xi32>
        %gather3A_2892 = tpu.vector_load_idx %arg6[%add3A_2891] : memref<16640xf32, #tpu.memory_space<vmem>>[vector<16xi32>], vector<16xf32>,
        %gt3A_2893 = arith.cmpf ogt, %gather3A_2892, %select_n3A_2849 : vector<16xf32>
        %gt3A_2894 = arith.cmpf ogt, %gather3A_2892, %select_n3A_2846 : vector<16xf32>
        %select_n3A_2895 = arith.select %gt3A_2894, %gather3A_2892, %select_n3A_2846 : vector<16xi1>, vector<16xf32>
        %select_n3A_2896 = arith.select %gt3A_2893, %select_n3A_2849, %select_n3A_2895 : vector<16xi1>, vector<16xf32>
        %select_n3A_2897 = arith.select %gt3A_2894, %broadcast_in_dim3A_2876, %select_n3A_2848 : vector<16xi1>, vector<16xi32>
        %select_n3A_2898 = arith.select %gt3A_2893, %select_n3A_2850, %select_n3A_2897 : vector<16xi1>, vector<16xi32>
        %select_n3A_2899 = arith.select %gt3A_2893, %gather3A_2892, %select_n3A_2849 : vector<16xi1>, vector<16xf32>
        %select_n3A_2900 = arith.select %gt3A_2893, %broadcast_in_dim3A_2876, %select_n3A_2850 : vector<16xi1>, vector<16xi32>
        %add3A_2901 = arith.constant 57 : i32
        %add3A_2902 = vector.broadcast %add3A_2901 : i32 to vector<16xi32>
        %add3A_2903 = arith.addi %mul3A_63, %add3A_2902 : vector<16xi32>
        %gather3A_2904 = tpu.vector_load_idx %arg6[%add3A_2903] : memref<16640xf32, #tpu.memory_space<vmem>>[vector<16xi32>], vector<16xf32>,
        %gt3A_2905 = arith.cmpf ogt, %gather3A_2904, %select_n3A_2861 : vector<16xf32>
        %gt3A_2906 = arith.cmpf ogt, %gather3A_2904, %select_n3A_2858 : vector<16xf32>
        %select_n3A_2907 = arith.select %gt3A_2906, %gather3A_2904, %select_n3A_2858 : vector<16xi1>, vector<16xf32>
        %select_n3A_2908 = arith.select %gt3A_2905, %select_n3A_2861, %select_n3A_2907 : vector<16xi1>, vector<16xf32>
        %select_n3A_2909 = arith.select %gt3A_2906, %broadcast_in_dim3A_2876, %select_n3A_2860 : vector<16xi1>, vector<16xi32>
        %select_n3A_2910 = arith.select %gt3A_2905, %select_n3A_2862, %select_n3A_2909 : vector<16xi1>, vector<16xi32>
        %select_n3A_2911 = arith.select %gt3A_2905, %gather3A_2904, %select_n3A_2861 : vector<16xi1>, vector<16xf32>
        %select_n3A_2912 = arith.select %gt3A_2905, %broadcast_in_dim3A_2876, %select_n3A_2862 : vector<16xi1>, vector<16xi32>
        %add3A_2913 = arith.constant 57 : i32
        %add3A_2914 = vector.broadcast %add3A_2913 : i32 to vector<16xi32>
        %add3A_2915 = arith.addi %mul3A_75, %add3A_2914 : vector<16xi32>
        %gather3A_2916 = tpu.vector_load_idx %arg6[%add3A_2915] : memref<16640xf32, #tpu.memory_space<vmem>>[vector<16xi32>], vector<16xf32>,
        %gt3A_2917 = arith.cmpf ogt, %gather3A_2916, %select_n3A_2873 : vector<16xf32>
        %gt3A_2918 = arith.cmpf ogt, %gather3A_2916, %select_n3A_2870 : vector<16xf32>
        %select_n3A_2919 = arith.select %gt3A_2918, %gather3A_2916, %select_n3A_2870 : vector<16xi1>, vector<16xf32>
        %select_n3A_2920 = arith.select %gt3A_2917, %select_n3A_2873, %select_n3A_2919 : vector<16xi1>, vector<16xf32>
        %select_n3A_2921 = arith.select %gt3A_2918, %broadcast_in_dim3A_2876, %select_n3A_2872 : vector<16xi1>, vector<16xi32>
        %select_n3A_2922 = arith.select %gt3A_2917, %select_n3A_2874, %select_n3A_2921 : vector<16xi1>, vector<16xi32>
        %select_n3A_2923 = arith.select %gt3A_2917, %gather3A_2916, %select_n3A_2873 : vector<16xi1>, vector<16xf32>
        %select_n3A_2924 = arith.select %gt3A_2917, %broadcast_in_dim3A_2876, %select_n3A_2874 : vector<16xi1>, vector<16xi32>
        %broadcast_in_dim3A_2925 = arith.constant 58 : i32
        %broadcast_in_dim3A_2926 = vector.broadcast %broadcast_in_dim3A_2925 : i32 to vector<16xi32>
        %add3A_2927 = arith.constant 58 : i32
        %add3A_2928 = vector.broadcast %add3A_2927 : i32 to vector<16xi32>
        %add3A_2929 = arith.addi %mul3A_40, %add3A_2928 : vector<16xi32>
        %gather3A_2930 = tpu.vector_load_idx %arg6[%add3A_2929] : memref<16640xf32, #tpu.memory_space<vmem>>[vector<16xi32>], vector<16xf32>,
        %gt3A_2931 = arith.cmpf ogt, %gather3A_2930, %select_n3A_2887 : vector<16xf32>
        %gt3A_2932 = arith.cmpf ogt, %gather3A_2930, %select_n3A_2884 : vector<16xf32>
        %select_n3A_2933 = arith.select %gt3A_2932, %gather3A_2930, %select_n3A_2884 : vector<16xi1>, vector<16xf32>
        %select_n3A_2934 = arith.select %gt3A_2931, %select_n3A_2887, %select_n3A_2933 : vector<16xi1>, vector<16xf32>
        %select_n3A_2935 = arith.select %gt3A_2932, %broadcast_in_dim3A_2926, %select_n3A_2886 : vector<16xi1>, vector<16xi32>
        %select_n3A_2936 = arith.select %gt3A_2931, %select_n3A_2888, %select_n3A_2935 : vector<16xi1>, vector<16xi32>
        %select_n3A_2937 = arith.select %gt3A_2931, %gather3A_2930, %select_n3A_2887 : vector<16xi1>, vector<16xf32>
        %select_n3A_2938 = arith.select %gt3A_2931, %broadcast_in_dim3A_2926, %select_n3A_2888 : vector<16xi1>, vector<16xi32>
        %add3A_2939 = arith.constant 58 : i32
        %add3A_2940 = vector.broadcast %add3A_2939 : i32 to vector<16xi32>
        %add3A_2941 = arith.addi %mul3A_51, %add3A_2940 : vector<16xi32>
        %gather3A_2942 = tpu.vector_load_idx %arg6[%add3A_2941] : memref<16640xf32, #tpu.memory_space<vmem>>[vector<16xi32>], vector<16xf32>,
        %gt3A_2943 = arith.cmpf ogt, %gather3A_2942, %select_n3A_2899 : vector<16xf32>
        %gt3A_2944 = arith.cmpf ogt, %gather3A_2942, %select_n3A_2896 : vector<16xf32>
        %select_n3A_2945 = arith.select %gt3A_2944, %gather3A_2942, %select_n3A_2896 : vector<16xi1>, vector<16xf32>
        %select_n3A_2946 = arith.select %gt3A_2943, %select_n3A_2899, %select_n3A_2945 : vector<16xi1>, vector<16xf32>
        %select_n3A_2947 = arith.select %gt3A_2944, %broadcast_in_dim3A_2926, %select_n3A_2898 : vector<16xi1>, vector<16xi32>
        %select_n3A_2948 = arith.select %gt3A_2943, %select_n3A_2900, %select_n3A_2947 : vector<16xi1>, vector<16xi32>
        %select_n3A_2949 = arith.select %gt3A_2943, %gather3A_2942, %select_n3A_2899 : vector<16xi1>, vector<16xf32>
        %select_n3A_2950 = arith.select %gt3A_2943, %broadcast_in_dim3A_2926, %select_n3A_2900 : vector<16xi1>, vector<16xi32>
        %add3A_2951 = arith.constant 58 : i32
        %add3A_2952 = vector.broadcast %add3A_2951 : i32 to vector<16xi32>
        %add3A_2953 = arith.addi %mul3A_63, %add3A_2952 : vector<16xi32>
        %gather3A_2954 = tpu.vector_load_idx %arg6[%add3A_2953] : memref<16640xf32, #tpu.memory_space<vmem>>[vector<16xi32>], vector<16xf32>,
        %gt3A_2955 = arith.cmpf ogt, %gather3A_2954, %select_n3A_2911 : vector<16xf32>
        %gt3A_2956 = arith.cmpf ogt, %gather3A_2954, %select_n3A_2908 : vector<16xf32>
        %select_n3A_2957 = arith.select %gt3A_2956, %gather3A_2954, %select_n3A_2908 : vector<16xi1>, vector<16xf32>
        %select_n3A_2958 = arith.select %gt3A_2955, %select_n3A_2911, %select_n3A_2957 : vector<16xi1>, vector<16xf32>
        %select_n3A_2959 = arith.select %gt3A_2956, %broadcast_in_dim3A_2926, %select_n3A_2910 : vector<16xi1>, vector<16xi32>
        %select_n3A_2960 = arith.select %gt3A_2955, %select_n3A_2912, %select_n3A_2959 : vector<16xi1>, vector<16xi32>
        %select_n3A_2961 = arith.select %gt3A_2955, %gather3A_2954, %select_n3A_2911 : vector<16xi1>, vector<16xf32>
        %select_n3A_2962 = arith.select %gt3A_2955, %broadcast_in_dim3A_2926, %select_n3A_2912 : vector<16xi1>, vector<16xi32>
        %add3A_2963 = arith.constant 58 : i32
        %add3A_2964 = vector.broadcast %add3A_2963 : i32 to vector<16xi32>
        %add3A_2965 = arith.addi %mul3A_75, %add3A_2964 : vector<16xi32>
        %gather3A_2966 = tpu.vector_load_idx %arg6[%add3A_2965] : memref<16640xf32, #tpu.memory_space<vmem>>[vector<16xi32>], vector<16xf32>,
        %gt3A_2967 = arith.cmpf ogt, %gather3A_2966, %select_n3A_2923 : vector<16xf32>
        %gt3A_2968 = arith.cmpf ogt, %gather3A_2966, %select_n3A_2920 : vector<16xf32>
        %select_n3A_2969 = arith.select %gt3A_2968, %gather3A_2966, %select_n3A_2920 : vector<16xi1>, vector<16xf32>
        %select_n3A_2970 = arith.select %gt3A_2967, %select_n3A_2923, %select_n3A_2969 : vector<16xi1>, vector<16xf32>
        %select_n3A_2971 = arith.select %gt3A_2968, %broadcast_in_dim3A_2926, %select_n3A_2922 : vector<16xi1>, vector<16xi32>
        %select_n3A_2972 = arith.select %gt3A_2967, %select_n3A_2924, %select_n3A_2971 : vector<16xi1>, vector<16xi32>
        %select_n3A_2973 = arith.select %gt3A_2967, %gather3A_2966, %select_n3A_2923 : vector<16xi1>, vector<16xf32>
        %select_n3A_2974 = arith.select %gt3A_2967, %broadcast_in_dim3A_2926, %select_n3A_2924 : vector<16xi1>, vector<16xi32>
        %broadcast_in_dim3A_2975 = arith.constant 59 : i32
        %broadcast_in_dim3A_2976 = vector.broadcast %broadcast_in_dim3A_2975 : i32 to vector<16xi32>
        %add3A_2977 = arith.constant 59 : i32
        %add3A_2978 = vector.broadcast %add3A_2977 : i32 to vector<16xi32>
        %add3A_2979 = arith.addi %mul3A_40, %add3A_2978 : vector<16xi32>
        %gather3A_2980 = tpu.vector_load_idx %arg6[%add3A_2979] : memref<16640xf32, #tpu.memory_space<vmem>>[vector<16xi32>], vector<16xf32>,
        %gt3A_2981 = arith.cmpf ogt, %gather3A_2980, %select_n3A_2937 : vector<16xf32>
        %gt3A_2982 = arith.cmpf ogt, %gather3A_2980, %select_n3A_2934 : vector<16xf32>
        %select_n3A_2983 = arith.select %gt3A_2982, %gather3A_2980, %select_n3A_2934 : vector<16xi1>, vector<16xf32>
        %select_n3A_2984 = arith.select %gt3A_2981, %select_n3A_2937, %select_n3A_2983 : vector<16xi1>, vector<16xf32>
        %select_n3A_2985 = arith.select %gt3A_2982, %broadcast_in_dim3A_2976, %select_n3A_2936 : vector<16xi1>, vector<16xi32>
        %select_n3A_2986 = arith.select %gt3A_2981, %select_n3A_2938, %select_n3A_2985 : vector<16xi1>, vector<16xi32>
        %select_n3A_2987 = arith.select %gt3A_2981, %gather3A_2980, %select_n3A_2937 : vector<16xi1>, vector<16xf32>
        %select_n3A_2988 = arith.select %gt3A_2981, %broadcast_in_dim3A_2976, %select_n3A_2938 : vector<16xi1>, vector<16xi32>
        %add3A_2989 = arith.constant 59 : i32
        %add3A_2990 = vector.broadcast %add3A_2989 : i32 to vector<16xi32>
        %add3A_2991 = arith.addi %mul3A_51, %add3A_2990 : vector<16xi32>
        %gather3A_2992 = tpu.vector_load_idx %arg6[%add3A_2991] : memref<16640xf32, #tpu.memory_space<vmem>>[vector<16xi32>], vector<16xf32>,
        %gt3A_2993 = arith.cmpf ogt, %gather3A_2992, %select_n3A_2949 : vector<16xf32>
        %gt3A_2994 = arith.cmpf ogt, %gather3A_2992, %select_n3A_2946 : vector<16xf32>
        %select_n3A_2995 = arith.select %gt3A_2994, %gather3A_2992, %select_n3A_2946 : vector<16xi1>, vector<16xf32>
        %select_n3A_2996 = arith.select %gt3A_2993, %select_n3A_2949, %select_n3A_2995 : vector<16xi1>, vector<16xf32>
        %select_n3A_2997 = arith.select %gt3A_2994, %broadcast_in_dim3A_2976, %select_n3A_2948 : vector<16xi1>, vector<16xi32>
        %select_n3A_2998 = arith.select %gt3A_2993, %select_n3A_2950, %select_n3A_2997 : vector<16xi1>, vector<16xi32>
        %select_n3A_2999 = arith.select %gt3A_2993, %gather3A_2992, %select_n3A_2949 : vector<16xi1>, vector<16xf32>
        %select_n3A_3000 = arith.select %gt3A_2993, %broadcast_in_dim3A_2976, %select_n3A_2950 : vector<16xi1>, vector<16xi32>
        %add3A_3001 = arith.constant 59 : i32
        %add3A_3002 = vector.broadcast %add3A_3001 : i32 to vector<16xi32>
        %add3A_3003 = arith.addi %mul3A_63, %add3A_3002 : vector<16xi32>
        %gather3A_3004 = tpu.vector_load_idx %arg6[%add3A_3003] : memref<16640xf32, #tpu.memory_space<vmem>>[vector<16xi32>], vector<16xf32>,
        %gt3A_3005 = arith.cmpf ogt, %gather3A_3004, %select_n3A_2961 : vector<16xf32>
        %gt3A_3006 = arith.cmpf ogt, %gather3A_3004, %select_n3A_2958 : vector<16xf32>
        %select_n3A_3007 = arith.select %gt3A_3006, %gather3A_3004, %select_n3A_2958 : vector<16xi1>, vector<16xf32>
        %select_n3A_3008 = arith.select %gt3A_3005, %select_n3A_2961, %select_n3A_3007 : vector<16xi1>, vector<16xf32>
        %select_n3A_3009 = arith.select %gt3A_3006, %broadcast_in_dim3A_2976, %select_n3A_2960 : vector<16xi1>, vector<16xi32>
        %select_n3A_3010 = arith.select %gt3A_3005, %select_n3A_2962, %select_n3A_3009 : vector<16xi1>, vector<16xi32>
        %select_n3A_3011 = arith.select %gt3A_3005, %gather3A_3004, %select_n3A_2961 : vector<16xi1>, vector<16xf32>
        %select_n3A_3012 = arith.select %gt3A_3005, %broadcast_in_dim3A_2976, %select_n3A_2962 : vector<16xi1>, vector<16xi32>
        %add3A_3013 = arith.constant 59 : i32
        %add3A_3014 = vector.broadcast %add3A_3013 : i32 to vector<16xi32>
        %add3A_3015 = arith.addi %mul3A_75, %add3A_3014 : vector<16xi32>
        %gather3A_3016 = tpu.vector_load_idx %arg6[%add3A_3015] : memref<16640xf32, #tpu.memory_space<vmem>>[vector<16xi32>], vector<16xf32>,
        %gt3A_3017 = arith.cmpf ogt, %gather3A_3016, %select_n3A_2973 : vector<16xf32>
        %gt3A_3018 = arith.cmpf ogt, %gather3A_3016, %select_n3A_2970 : vector<16xf32>
        %select_n3A_3019 = arith.select %gt3A_3018, %gather3A_3016, %select_n3A_2970 : vector<16xi1>, vector<16xf32>
        %select_n3A_3020 = arith.select %gt3A_3017, %select_n3A_2973, %select_n3A_3019 : vector<16xi1>, vector<16xf32>
        %select_n3A_3021 = arith.select %gt3A_3018, %broadcast_in_dim3A_2976, %select_n3A_2972 : vector<16xi1>, vector<16xi32>
        %select_n3A_3022 = arith.select %gt3A_3017, %select_n3A_2974, %select_n3A_3021 : vector<16xi1>, vector<16xi32>
        %select_n3A_3023 = arith.select %gt3A_3017, %gather3A_3016, %select_n3A_2973 : vector<16xi1>, vector<16xf32>
        %select_n3A_3024 = arith.select %gt3A_3017, %broadcast_in_dim3A_2976, %select_n3A_2974 : vector<16xi1>, vector<16xi32>
        %broadcast_in_dim3A_3025 = arith.constant 60 : i32
        %broadcast_in_dim3A_3026 = vector.broadcast %broadcast_in_dim3A_3025 : i32 to vector<16xi32>
        %add3A_3027 = arith.constant 60 : i32
        %add3A_3028 = vector.broadcast %add3A_3027 : i32 to vector<16xi32>
        %add3A_3029 = arith.addi %mul3A_40, %add3A_3028 : vector<16xi32>
        %gather3A_3030 = tpu.vector_load_idx %arg6[%add3A_3029] : memref<16640xf32, #tpu.memory_space<vmem>>[vector<16xi32>], vector<16xf32>,
        %gt3A_3031 = arith.cmpf ogt, %gather3A_3030, %select_n3A_2987 : vector<16xf32>
        %gt3A_3032 = arith.cmpf ogt, %gather3A_3030, %select_n3A_2984 : vector<16xf32>
        %select_n3A_3033 = arith.select %gt3A_3032, %gather3A_3030, %select_n3A_2984 : vector<16xi1>, vector<16xf32>
        %select_n3A_3034 = arith.select %gt3A_3031, %select_n3A_2987, %select_n3A_3033 : vector<16xi1>, vector<16xf32>
        %select_n3A_3035 = arith.select %gt3A_3032, %broadcast_in_dim3A_3026, %select_n3A_2986 : vector<16xi1>, vector<16xi32>
        %select_n3A_3036 = arith.select %gt3A_3031, %select_n3A_2988, %select_n3A_3035 : vector<16xi1>, vector<16xi32>
        %select_n3A_3037 = arith.select %gt3A_3031, %gather3A_3030, %select_n3A_2987 : vector<16xi1>, vector<16xf32>
        %select_n3A_3038 = arith.select %gt3A_3031, %broadcast_in_dim3A_3026, %select_n3A_2988 : vector<16xi1>, vector<16xi32>
        %add3A_3039 = arith.constant 60 : i32
        %add3A_3040 = vector.broadcast %add3A_3039 : i32 to vector<16xi32>
        %add3A_3041 = arith.addi %mul3A_51, %add3A_3040 : vector<16xi32>
        %gather3A_3042 = tpu.vector_load_idx %arg6[%add3A_3041] : memref<16640xf32, #tpu.memory_space<vmem>>[vector<16xi32>], vector<16xf32>,
        %gt3A_3043 = arith.cmpf ogt, %gather3A_3042, %select_n3A_2999 : vector<16xf32>
        %gt3A_3044 = arith.cmpf ogt, %gather3A_3042, %select_n3A_2996 : vector<16xf32>
        %select_n3A_3045 = arith.select %gt3A_3044, %gather3A_3042, %select_n3A_2996 : vector<16xi1>, vector<16xf32>
        %select_n3A_3046 = arith.select %gt3A_3043, %select_n3A_2999, %select_n3A_3045 : vector<16xi1>, vector<16xf32>
        %select_n3A_3047 = arith.select %gt3A_3044, %broadcast_in_dim3A_3026, %select_n3A_2998 : vector<16xi1>, vector<16xi32>
        %select_n3A_3048 = arith.select %gt3A_3043, %select_n3A_3000, %select_n3A_3047 : vector<16xi1>, vector<16xi32>
        %select_n3A_3049 = arith.select %gt3A_3043, %gather3A_3042, %select_n3A_2999 : vector<16xi1>, vector<16xf32>
        %select_n3A_3050 = arith.select %gt3A_3043, %broadcast_in_dim3A_3026, %select_n3A_3000 : vector<16xi1>, vector<16xi32>
        %add3A_3051 = arith.constant 60 : i32
        %add3A_3052 = vector.broadcast %add3A_3051 : i32 to vector<16xi32>
        %add3A_3053 = arith.addi %mul3A_63, %add3A_3052 : vector<16xi32>
        %gather3A_3054 = tpu.vector_load_idx %arg6[%add3A_3053] : memref<16640xf32, #tpu.memory_space<vmem>>[vector<16xi32>], vector<16xf32>,
        %gt3A_3055 = arith.cmpf ogt, %gather3A_3054, %select_n3A_3011 : vector<16xf32>
        %gt3A_3056 = arith.cmpf ogt, %gather3A_3054, %select_n3A_3008 : vector<16xf32>
        %select_n3A_3057 = arith.select %gt3A_3056, %gather3A_3054, %select_n3A_3008 : vector<16xi1>, vector<16xf32>
        %select_n3A_3058 = arith.select %gt3A_3055, %select_n3A_3011, %select_n3A_3057 : vector<16xi1>, vector<16xf32>
        %select_n3A_3059 = arith.select %gt3A_3056, %broadcast_in_dim3A_3026, %select_n3A_3010 : vector<16xi1>, vector<16xi32>
        %select_n3A_3060 = arith.select %gt3A_3055, %select_n3A_3012, %select_n3A_3059 : vector<16xi1>, vector<16xi32>
        %select_n3A_3061 = arith.select %gt3A_3055, %gather3A_3054, %select_n3A_3011 : vector<16xi1>, vector<16xf32>
        %select_n3A_3062 = arith.select %gt3A_3055, %broadcast_in_dim3A_3026, %select_n3A_3012 : vector<16xi1>, vector<16xi32>
        %add3A_3063 = arith.constant 60 : i32
        %add3A_3064 = vector.broadcast %add3A_3063 : i32 to vector<16xi32>
        %add3A_3065 = arith.addi %mul3A_75, %add3A_3064 : vector<16xi32>
        %gather3A_3066 = tpu.vector_load_idx %arg6[%add3A_3065] : memref<16640xf32, #tpu.memory_space<vmem>>[vector<16xi32>], vector<16xf32>,
        %gt3A_3067 = arith.cmpf ogt, %gather3A_3066, %select_n3A_3023 : vector<16xf32>
        %gt3A_3068 = arith.cmpf ogt, %gather3A_3066, %select_n3A_3020 : vector<16xf32>
        %select_n3A_3069 = arith.select %gt3A_3068, %gather3A_3066, %select_n3A_3020 : vector<16xi1>, vector<16xf32>
        %select_n3A_3070 = arith.select %gt3A_3067, %select_n3A_3023, %select_n3A_3069 : vector<16xi1>, vector<16xf32>
        %select_n3A_3071 = arith.select %gt3A_3068, %broadcast_in_dim3A_3026, %select_n3A_3022 : vector<16xi1>, vector<16xi32>
        %select_n3A_3072 = arith.select %gt3A_3067, %select_n3A_3024, %select_n3A_3071 : vector<16xi1>, vector<16xi32>
        %select_n3A_3073 = arith.select %gt3A_3067, %gather3A_3066, %select_n3A_3023 : vector<16xi1>, vector<16xf32>
        %select_n3A_3074 = arith.select %gt3A_3067, %broadcast_in_dim3A_3026, %select_n3A_3024 : vector<16xi1>, vector<16xi32>
        %broadcast_in_dim3A_3075 = arith.constant 61 : i32
        %broadcast_in_dim3A_3076 = vector.broadcast %broadcast_in_dim3A_3075 : i32 to vector<16xi32>
        %add3A_3077 = arith.constant 61 : i32
        %add3A_3078 = vector.broadcast %add3A_3077 : i32 to vector<16xi32>
        %add3A_3079 = arith.addi %mul3A_40, %add3A_3078 : vector<16xi32>
        %gather3A_3080 = tpu.vector_load_idx %arg6[%add3A_3079] : memref<16640xf32, #tpu.memory_space<vmem>>[vector<16xi32>], vector<16xf32>,
        %gt3A_3081 = arith.cmpf ogt, %gather3A_3080, %select_n3A_3037 : vector<16xf32>
        %gt3A_3082 = arith.cmpf ogt, %gather3A_3080, %select_n3A_3034 : vector<16xf32>
        %select_n3A_3083 = arith.select %gt3A_3082, %gather3A_3080, %select_n3A_3034 : vector<16xi1>, vector<16xf32>
        %select_n3A_3084 = arith.select %gt3A_3081, %select_n3A_3037, %select_n3A_3083 : vector<16xi1>, vector<16xf32>
        %select_n3A_3085 = arith.select %gt3A_3082, %broadcast_in_dim3A_3076, %select_n3A_3036 : vector<16xi1>, vector<16xi32>
        %select_n3A_3086 = arith.select %gt3A_3081, %select_n3A_3038, %select_n3A_3085 : vector<16xi1>, vector<16xi32>
        %select_n3A_3087 = arith.select %gt3A_3081, %gather3A_3080, %select_n3A_3037 : vector<16xi1>, vector<16xf32>
        %select_n3A_3088 = arith.select %gt3A_3081, %broadcast_in_dim3A_3076, %select_n3A_3038 : vector<16xi1>, vector<16xi32>
        %add3A_3089 = arith.constant 61 : i32
        %add3A_3090 = vector.broadcast %add3A_3089 : i32 to vector<16xi32>
        %add3A_3091 = arith.addi %mul3A_51, %add3A_3090 : vector<16xi32>
        %gather3A_3092 = tpu.vector_load_idx %arg6[%add3A_3091] : memref<16640xf32, #tpu.memory_space<vmem>>[vector<16xi32>], vector<16xf32>,
        %gt3A_3093 = arith.cmpf ogt, %gather3A_3092, %select_n3A_3049 : vector<16xf32>
        %gt3A_3094 = arith.cmpf ogt, %gather3A_3092, %select_n3A_3046 : vector<16xf32>
        %select_n3A_3095 = arith.select %gt3A_3094, %gather3A_3092, %select_n3A_3046 : vector<16xi1>, vector<16xf32>
        %select_n3A_3096 = arith.select %gt3A_3093, %select_n3A_3049, %select_n3A_3095 : vector<16xi1>, vector<16xf32>
        %select_n3A_3097 = arith.select %gt3A_3094, %broadcast_in_dim3A_3076, %select_n3A_3048 : vector<16xi1>, vector<16xi32>
        %select_n3A_3098 = arith.select %gt3A_3093, %select_n3A_3050, %select_n3A_3097 : vector<16xi1>, vector<16xi32>
        %select_n3A_3099 = arith.select %gt3A_3093, %gather3A_3092, %select_n3A_3049 : vector<16xi1>, vector<16xf32>
        %select_n3A_3100 = arith.select %gt3A_3093, %broadcast_in_dim3A_3076, %select_n3A_3050 : vector<16xi1>, vector<16xi32>
        %add3A_3101 = arith.constant 61 : i32
        %add3A_3102 = vector.broadcast %add3A_3101 : i32 to vector<16xi32>
        %add3A_3103 = arith.addi %mul3A_63, %add3A_3102 : vector<16xi32>
        %gather3A_3104 = tpu.vector_load_idx %arg6[%add3A_3103] : memref<16640xf32, #tpu.memory_space<vmem>>[vector<16xi32>], vector<16xf32>,
        %gt3A_3105 = arith.cmpf ogt, %gather3A_3104, %select_n3A_3061 : vector<16xf32>
        %gt3A_3106 = arith.cmpf ogt, %gather3A_3104, %select_n3A_3058 : vector<16xf32>
        %select_n3A_3107 = arith.select %gt3A_3106, %gather3A_3104, %select_n3A_3058 : vector<16xi1>, vector<16xf32>
        %select_n3A_3108 = arith.select %gt3A_3105, %select_n3A_3061, %select_n3A_3107 : vector<16xi1>, vector<16xf32>
        %select_n3A_3109 = arith.select %gt3A_3106, %broadcast_in_dim3A_3076, %select_n3A_3060 : vector<16xi1>, vector<16xi32>
        %select_n3A_3110 = arith.select %gt3A_3105, %select_n3A_3062, %select_n3A_3109 : vector<16xi1>, vector<16xi32>
        %select_n3A_3111 = arith.select %gt3A_3105, %gather3A_3104, %select_n3A_3061 : vector<16xi1>, vector<16xf32>
        %select_n3A_3112 = arith.select %gt3A_3105, %broadcast_in_dim3A_3076, %select_n3A_3062 : vector<16xi1>, vector<16xi32>
        %add3A_3113 = arith.constant 61 : i32
        %add3A_3114 = vector.broadcast %add3A_3113 : i32 to vector<16xi32>
        %add3A_3115 = arith.addi %mul3A_75, %add3A_3114 : vector<16xi32>
        %gather3A_3116 = tpu.vector_load_idx %arg6[%add3A_3115] : memref<16640xf32, #tpu.memory_space<vmem>>[vector<16xi32>], vector<16xf32>,
        %gt3A_3117 = arith.cmpf ogt, %gather3A_3116, %select_n3A_3073 : vector<16xf32>
        %gt3A_3118 = arith.cmpf ogt, %gather3A_3116, %select_n3A_3070 : vector<16xf32>
        %select_n3A_3119 = arith.select %gt3A_3118, %gather3A_3116, %select_n3A_3070 : vector<16xi1>, vector<16xf32>
        %select_n3A_3120 = arith.select %gt3A_3117, %select_n3A_3073, %select_n3A_3119 : vector<16xi1>, vector<16xf32>
        %select_n3A_3121 = arith.select %gt3A_3118, %broadcast_in_dim3A_3076, %select_n3A_3072 : vector<16xi1>, vector<16xi32>
        %select_n3A_3122 = arith.select %gt3A_3117, %select_n3A_3074, %select_n3A_3121 : vector<16xi1>, vector<16xi32>
        %select_n3A_3123 = arith.select %gt3A_3117, %gather3A_3116, %select_n3A_3073 : vector<16xi1>, vector<16xf32>
        %select_n3A_3124 = arith.select %gt3A_3117, %broadcast_in_dim3A_3076, %select_n3A_3074 : vector<16xi1>, vector<16xi32>
        %broadcast_in_dim3A_3125 = arith.constant 62 : i32
        %broadcast_in_dim3A_3126 = vector.broadcast %broadcast_in_dim3A_3125 : i32 to vector<16xi32>
        %add3A_3127 = arith.constant 62 : i32
        %add3A_3128 = vector.broadcast %add3A_3127 : i32 to vector<16xi32>
        %add3A_3129 = arith.addi %mul3A_40, %add3A_3128 : vector<16xi32>
        %gather3A_3130 = tpu.vector_load_idx %arg6[%add3A_3129] : memref<16640xf32, #tpu.memory_space<vmem>>[vector<16xi32>], vector<16xf32>,
        %gt3A_3131 = arith.cmpf ogt, %gather3A_3130, %select_n3A_3087 : vector<16xf32>
        %gt3A_3132 = arith.cmpf ogt, %gather3A_3130, %select_n3A_3084 : vector<16xf32>
        %select_n3A_3133 = arith.select %gt3A_3132, %gather3A_3130, %select_n3A_3084 : vector<16xi1>, vector<16xf32>
        %select_n3A_3134 = arith.select %gt3A_3131, %select_n3A_3087, %select_n3A_3133 : vector<16xi1>, vector<16xf32>
        %select_n3A_3135 = arith.select %gt3A_3132, %broadcast_in_dim3A_3126, %select_n3A_3086 : vector<16xi1>, vector<16xi32>
        %select_n3A_3136 = arith.select %gt3A_3131, %select_n3A_3088, %select_n3A_3135 : vector<16xi1>, vector<16xi32>
        %select_n3A_3137 = arith.select %gt3A_3131, %gather3A_3130, %select_n3A_3087 : vector<16xi1>, vector<16xf32>
        %select_n3A_3138 = arith.select %gt3A_3131, %broadcast_in_dim3A_3126, %select_n3A_3088 : vector<16xi1>, vector<16xi32>
        %add3A_3139 = arith.constant 62 : i32
        %add3A_3140 = vector.broadcast %add3A_3139 : i32 to vector<16xi32>
        %add3A_3141 = arith.addi %mul3A_51, %add3A_3140 : vector<16xi32>
        %gather3A_3142 = tpu.vector_load_idx %arg6[%add3A_3141] : memref<16640xf32, #tpu.memory_space<vmem>>[vector<16xi32>], vector<16xf32>,
        %gt3A_3143 = arith.cmpf ogt, %gather3A_3142, %select_n3A_3099 : vector<16xf32>
        %gt3A_3144 = arith.cmpf ogt, %gather3A_3142, %select_n3A_3096 : vector<16xf32>
        %select_n3A_3145 = arith.select %gt3A_3144, %gather3A_3142, %select_n3A_3096 : vector<16xi1>, vector<16xf32>
        %select_n3A_3146 = arith.select %gt3A_3143, %select_n3A_3099, %select_n3A_3145 : vector<16xi1>, vector<16xf32>
        %select_n3A_3147 = arith.select %gt3A_3144, %broadcast_in_dim3A_3126, %select_n3A_3098 : vector<16xi1>, vector<16xi32>
        %select_n3A_3148 = arith.select %gt3A_3143, %select_n3A_3100, %select_n3A_3147 : vector<16xi1>, vector<16xi32>
        %select_n3A_3149 = arith.select %gt3A_3143, %gather3A_3142, %select_n3A_3099 : vector<16xi1>, vector<16xf32>
        %select_n3A_3150 = arith.select %gt3A_3143, %broadcast_in_dim3A_3126, %select_n3A_3100 : vector<16xi1>, vector<16xi32>
        %add3A_3151 = arith.constant 62 : i32
        %add3A_3152 = vector.broadcast %add3A_3151 : i32 to vector<16xi32>
        %add3A_3153 = arith.addi %mul3A_63, %add3A_3152 : vector<16xi32>
        %gather3A_3154 = tpu.vector_load_idx %arg6[%add3A_3153] : memref<16640xf32, #tpu.memory_space<vmem>>[vector<16xi32>], vector<16xf32>,
        %gt3A_3155 = arith.cmpf ogt, %gather3A_3154, %select_n3A_3111 : vector<16xf32>
        %gt3A_3156 = arith.cmpf ogt, %gather3A_3154, %select_n3A_3108 : vector<16xf32>
        %select_n3A_3157 = arith.select %gt3A_3156, %gather3A_3154, %select_n3A_3108 : vector<16xi1>, vector<16xf32>
        %select_n3A_3158 = arith.select %gt3A_3155, %select_n3A_3111, %select_n3A_3157 : vector<16xi1>, vector<16xf32>
        %select_n3A_3159 = arith.select %gt3A_3156, %broadcast_in_dim3A_3126, %select_n3A_3110 : vector<16xi1>, vector<16xi32>
        %select_n3A_3160 = arith.select %gt3A_3155, %select_n3A_3112, %select_n3A_3159 : vector<16xi1>, vector<16xi32>
        %select_n3A_3161 = arith.select %gt3A_3155, %gather3A_3154, %select_n3A_3111 : vector<16xi1>, vector<16xf32>
        %select_n3A_3162 = arith.select %gt3A_3155, %broadcast_in_dim3A_3126, %select_n3A_3112 : vector<16xi1>, vector<16xi32>
        %add3A_3163 = arith.constant 62 : i32
        %add3A_3164 = vector.broadcast %add3A_3163 : i32 to vector<16xi32>
        %add3A_3165 = arith.addi %mul3A_75, %add3A_3164 : vector<16xi32>
        %gather3A_3166 = tpu.vector_load_idx %arg6[%add3A_3165] : memref<16640xf32, #tpu.memory_space<vmem>>[vector<16xi32>], vector<16xf32>,
        %gt3A_3167 = arith.cmpf ogt, %gather3A_3166, %select_n3A_3123 : vector<16xf32>
        %gt3A_3168 = arith.cmpf ogt, %gather3A_3166, %select_n3A_3120 : vector<16xf32>
        %select_n3A_3169 = arith.select %gt3A_3168, %gather3A_3166, %select_n3A_3120 : vector<16xi1>, vector<16xf32>
        %select_n3A_3170 = arith.select %gt3A_3167, %select_n3A_3123, %select_n3A_3169 : vector<16xi1>, vector<16xf32>
        %select_n3A_3171 = arith.select %gt3A_3168, %broadcast_in_dim3A_3126, %select_n3A_3122 : vector<16xi1>, vector<16xi32>
        %select_n3A_3172 = arith.select %gt3A_3167, %select_n3A_3124, %select_n3A_3171 : vector<16xi1>, vector<16xi32>
        %select_n3A_3173 = arith.select %gt3A_3167, %gather3A_3166, %select_n3A_3123 : vector<16xi1>, vector<16xf32>
        %select_n3A_3174 = arith.select %gt3A_3167, %broadcast_in_dim3A_3126, %select_n3A_3124 : vector<16xi1>, vector<16xi32>
        %broadcast_in_dim3A_3175 = arith.constant 63 : i32
        %broadcast_in_dim3A_3176 = vector.broadcast %broadcast_in_dim3A_3175 : i32 to vector<16xi32>
        %add3A_3177 = arith.constant 63 : i32
        %add3A_3178 = vector.broadcast %add3A_3177 : i32 to vector<16xi32>
        %add3A_3179 = arith.addi %mul3A_40, %add3A_3178 : vector<16xi32>
        %gather3A_3180 = tpu.vector_load_idx %arg6[%add3A_3179] : memref<16640xf32, #tpu.memory_space<vmem>>[vector<16xi32>], vector<16xf32>,
        %gt3A_3181 = arith.cmpf ogt, %gather3A_3180, %select_n3A_3137 : vector<16xf32>
        %gt3A_3182 = arith.cmpf ogt, %gather3A_3180, %select_n3A_3134 : vector<16xf32>
        %select_n3A_3183 = arith.select %gt3A_3182, %gather3A_3180, %select_n3A_3134 : vector<16xi1>, vector<16xf32>
        %select_n3A_3184 = arith.select %gt3A_3181, %select_n3A_3137, %select_n3A_3183 : vector<16xi1>, vector<16xf32>
        %select_n3A_3185 = arith.select %gt3A_3182, %broadcast_in_dim3A_3176, %select_n3A_3136 : vector<16xi1>, vector<16xi32>
        %select_n3A_3186 = arith.select %gt3A_3181, %select_n3A_3138, %select_n3A_3185 : vector<16xi1>, vector<16xi32>
        %select_n3A_3187 = arith.select %gt3A_3181, %gather3A_3180, %select_n3A_3137 : vector<16xi1>, vector<16xf32>
        %select_n3A_3188 = arith.select %gt3A_3181, %broadcast_in_dim3A_3176, %select_n3A_3138 : vector<16xi1>, vector<16xi32>
        %add3A_3189 = arith.constant 63 : i32
        %add3A_3190 = vector.broadcast %add3A_3189 : i32 to vector<16xi32>
        %add3A_3191 = arith.addi %mul3A_51, %add3A_3190 : vector<16xi32>
        %gather3A_3192 = tpu.vector_load_idx %arg6[%add3A_3191] : memref<16640xf32, #tpu.memory_space<vmem>>[vector<16xi32>], vector<16xf32>,
        %gt3A_3193 = arith.cmpf ogt, %gather3A_3192, %select_n3A_3149 : vector<16xf32>
        %gt3A_3194 = arith.cmpf ogt, %gather3A_3192, %select_n3A_3146 : vector<16xf32>
        %select_n3A_3195 = arith.select %gt3A_3194, %gather3A_3192, %select_n3A_3146 : vector<16xi1>, vector<16xf32>
        %select_n3A_3196 = arith.select %gt3A_3193, %select_n3A_3149, %select_n3A_3195 : vector<16xi1>, vector<16xf32>
        %select_n3A_3197 = arith.select %gt3A_3194, %broadcast_in_dim3A_3176, %select_n3A_3148 : vector<16xi1>, vector<16xi32>
        %select_n3A_3198 = arith.select %gt3A_3193, %select_n3A_3150, %select_n3A_3197 : vector<16xi1>, vector<16xi32>
        %select_n3A_3199 = arith.select %gt3A_3193, %gather3A_3192, %select_n3A_3149 : vector<16xi1>, vector<16xf32>
        %select_n3A_3200 = arith.select %gt3A_3193, %broadcast_in_dim3A_3176, %select_n3A_3150 : vector<16xi1>, vector<16xi32>
        %add3A_3201 = arith.constant 63 : i32
        %add3A_3202 = vector.broadcast %add3A_3201 : i32 to vector<16xi32>
        %add3A_3203 = arith.addi %mul3A_63, %add3A_3202 : vector<16xi32>
        %gather3A_3204 = tpu.vector_load_idx %arg6[%add3A_3203] : memref<16640xf32, #tpu.memory_space<vmem>>[vector<16xi32>], vector<16xf32>,
        %gt3A_3205 = arith.cmpf ogt, %gather3A_3204, %select_n3A_3161 : vector<16xf32>
        %gt3A_3206 = arith.cmpf ogt, %gather3A_3204, %select_n3A_3158 : vector<16xf32>
        %select_n3A_3207 = arith.select %gt3A_3206, %gather3A_3204, %select_n3A_3158 : vector<16xi1>, vector<16xf32>
        %select_n3A_3208 = arith.select %gt3A_3205, %select_n3A_3161, %select_n3A_3207 : vector<16xi1>, vector<16xf32>
        %select_n3A_3209 = arith.select %gt3A_3206, %broadcast_in_dim3A_3176, %select_n3A_3160 : vector<16xi1>, vector<16xi32>
        %select_n3A_3210 = arith.select %gt3A_3205, %select_n3A_3162, %select_n3A_3209 : vector<16xi1>, vector<16xi32>
        %select_n3A_3211 = arith.select %gt3A_3205, %gather3A_3204, %select_n3A_3161 : vector<16xi1>, vector<16xf32>
        %select_n3A_3212 = arith.select %gt3A_3205, %broadcast_in_dim3A_3176, %select_n3A_3162 : vector<16xi1>, vector<16xi32>
        %add3A_3213 = arith.constant 63 : i32
        %add3A_3214 = vector.broadcast %add3A_3213 : i32 to vector<16xi32>
        %add3A_3215 = arith.addi %mul3A_75, %add3A_3214 : vector<16xi32>
        %gather3A_3216 = tpu.vector_load_idx %arg6[%add3A_3215] : memref<16640xf32, #tpu.memory_space<vmem>>[vector<16xi32>], vector<16xf32>,
        %gt3A_3217 = arith.cmpf ogt, %gather3A_3216, %select_n3A_3173 : vector<16xf32>
        %gt3A_3218 = arith.cmpf ogt, %gather3A_3216, %select_n3A_3170 : vector<16xf32>
        %select_n3A_3219 = arith.select %gt3A_3218, %gather3A_3216, %select_n3A_3170 : vector<16xi1>, vector<16xf32>
        %select_n3A_3220 = arith.select %gt3A_3217, %select_n3A_3173, %select_n3A_3219 : vector<16xi1>, vector<16xf32>
        %select_n3A_3221 = arith.select %gt3A_3218, %broadcast_in_dim3A_3176, %select_n3A_3172 : vector<16xi1>, vector<16xi32>
        %select_n3A_3222 = arith.select %gt3A_3217, %select_n3A_3174, %select_n3A_3221 : vector<16xi1>, vector<16xi32>
        %select_n3A_3223 = arith.select %gt3A_3217, %gather3A_3216, %select_n3A_3173 : vector<16xi1>, vector<16xf32>
        %select_n3A_3224 = arith.select %gt3A_3217, %broadcast_in_dim3A_3176, %select_n3A_3174 : vector<16xi1>, vector<16xi32>
        %sub3A = arith.subf %select_n3A_3184, %select_n3A_3187 : vector<16xf32>
        %exp3A = math.exp %sub3A : vector<16xf32>
        %add3A_3225 = arith.constant 1.000000e+00 : f32
        %add3A_3226 = vector.broadcast %add3A_3225 : f32 to vector<16xf32>
        %add3A_3227 = arith.addf %add3A_3226, %exp3A : vector<16xf32>
        %div3A = arith.constant 1.000000e+00 : f32
        %div3A_3228 = vector.broadcast %div3A : f32 to vector<16xf32>
        %div3A_3229 = arith.divf %div3A_3228, %add3A_3227 : vector<16xf32>
        %div3A_3230 = arith.divf %exp3A, %add3A_3227 : vector<16xf32>
        tpu.vector_store_idx %arg7[%add3A_37, %broadcast_in_dim3A_3], %div3A_3229 : memref<256x2xf32, #tpu.memory_space<vmem>>[vector<16xi32>, vector<16xi32>], vector<16xf32>,
        tpu.vector_store_idx %arg7[%add3A_37, %broadcast_in_dim3A_5], %div3A_3230 : memref<256x2xf32, #tpu.memory_space<vmem>>[vector<16xi32>, vector<16xi32>], vector<16xf32>,
        tpu.vector_store_idx %arg8[%add3A_37, %broadcast_in_dim3A_3], %select_n3A_3188 : memref<256x2xi32, #tpu.memory_space<vmem>>[vector<16xi32>, vector<16xi32>], vector<16xi32>,
        tpu.vector_store_idx %arg8[%add3A_37, %broadcast_in_dim3A_5], %select_n3A_3186 : memref<256x2xi32, #tpu.memory_space<vmem>>[vector<16xi32>, vector<16xi32>], vector<16xi32>,
        %sub3A_3231 = arith.subf %select_n3A_3196, %select_n3A_3199 : vector<16xf32>
        %exp3A_3232 = math.exp %sub3A_3231 : vector<16xf32>
        %add3A_3233 = arith.constant 1.000000e+00 : f32
        %add3A_3234 = vector.broadcast %add3A_3233 : f32 to vector<16xf32>
        %add3A_3235 = arith.addf %add3A_3234, %exp3A_3232 : vector<16xf32>
        %div3A_3236 = arith.constant 1.000000e+00 : f32
        %div3A_3237 = vector.broadcast %div3A_3236 : f32 to vector<16xf32>
        %div3A_3238 = arith.divf %div3A_3237, %add3A_3235 : vector<16xf32>
        %div3A_3239 = arith.divf %exp3A_3232, %add3A_3235 : vector<16xf32>
        tpu.vector_store_idx %arg7[%add3A_48, %broadcast_in_dim3A_3], %div3A_3238 : memref<256x2xf32, #tpu.memory_space<vmem>>[vector<16xi32>, vector<16xi32>], vector<16xf32>,
        tpu.vector_store_idx %arg7[%add3A_48, %broadcast_in_dim3A_5], %div3A_3239 : memref<256x2xf32, #tpu.memory_space<vmem>>[vector<16xi32>, vector<16xi32>], vector<16xf32>,
        tpu.vector_store_idx %arg8[%add3A_48, %broadcast_in_dim3A_3], %select_n3A_3200 : memref<256x2xi32, #tpu.memory_space<vmem>>[vector<16xi32>, vector<16xi32>], vector<16xi32>,
        tpu.vector_store_idx %arg8[%add3A_48, %broadcast_in_dim3A_5], %select_n3A_3198 : memref<256x2xi32, #tpu.memory_space<vmem>>[vector<16xi32>, vector<16xi32>], vector<16xi32>,
        %sub3A_3240 = arith.subf %select_n3A_3208, %select_n3A_3211 : vector<16xf32>
        %exp3A_3241 = math.exp %sub3A_3240 : vector<16xf32>
        %add3A_3242 = arith.constant 1.000000e+00 : f32
        %add3A_3243 = vector.broadcast %add3A_3242 : f32 to vector<16xf32>
        %add3A_3244 = arith.addf %add3A_3243, %exp3A_3241 : vector<16xf32>
        %div3A_3245 = arith.constant 1.000000e+00 : f32
        %div3A_3246 = vector.broadcast %div3A_3245 : f32 to vector<16xf32>
        %div3A_3247 = arith.divf %div3A_3246, %add3A_3244 : vector<16xf32>
        %div3A_3248 = arith.divf %exp3A_3241, %add3A_3244 : vector<16xf32>
        tpu.vector_store_idx %arg7[%add3A_60, %broadcast_in_dim3A_3], %div3A_3247 : memref<256x2xf32, #tpu.memory_space<vmem>>[vector<16xi32>, vector<16xi32>], vector<16xf32>,
        tpu.vector_store_idx %arg7[%add3A_60, %broadcast_in_dim3A_5], %div3A_3248 : memref<256x2xf32, #tpu.memory_space<vmem>>[vector<16xi32>, vector<16xi32>], vector<16xf32>,
        tpu.vector_store_idx %arg8[%add3A_60, %broadcast_in_dim3A_3], %select_n3A_3212 : memref<256x2xi32, #tpu.memory_space<vmem>>[vector<16xi32>, vector<16xi32>], vector<16xi32>,
        tpu.vector_store_idx %arg8[%add3A_60, %broadcast_in_dim3A_5], %select_n3A_3210 : memref<256x2xi32, #tpu.memory_space<vmem>>[vector<16xi32>, vector<16xi32>], vector<16xi32>,
        %sub3A_3249 = arith.subf %select_n3A_3220, %select_n3A_3223 : vector<16xf32>
        %exp3A_3250 = math.exp %sub3A_3249 : vector<16xf32>
        %add3A_3251 = arith.constant 1.000000e+00 : f32
        %add3A_3252 = vector.broadcast %add3A_3251 : f32 to vector<16xf32>
        %add3A_3253 = arith.addf %add3A_3252, %exp3A_3250 : vector<16xf32>
        %div3A_3254 = arith.constant 1.000000e+00 : f32
        %div3A_3255 = vector.broadcast %div3A_3254 : f32 to vector<16xf32>
        %div3A_3256 = arith.divf %div3A_3255, %add3A_3253 : vector<16xf32>
        %div3A_3257 = arith.divf %exp3A_3250, %add3A_3253 : vector<16xf32>
        tpu.vector_store_idx %arg7[%add3A_72, %broadcast_in_dim3A_3], %div3A_3256 : memref<256x2xf32, #tpu.memory_space<vmem>>[vector<16xi32>, vector<16xi32>], vector<16xf32>,
        tpu.vector_store_idx %arg7[%add3A_72, %broadcast_in_dim3A_5], %div3A_3257 : memref<256x2xf32, #tpu.memory_space<vmem>>[vector<16xi32>, vector<16xi32>], vector<16xf32>,
        tpu.vector_store_idx %arg8[%add3A_72, %broadcast_in_dim3A_3], %select_n3A_3224 : memref<256x2xi32, #tpu.memory_space<vmem>>[vector<16xi32>, vector<16xi32>], vector<16xi32>,
        tpu.vector_store_idx %arg8[%add3A_72, %broadcast_in_dim3A_5], %select_n3A_3222 : memref<256x2xi32, #tpu.memory_space<vmem>>[vector<16xi32>, vector<16xi32>], vector<16xi32>,
      }
      %scan3A_26 = arith.constant 4 : i32
      "tpu.region"() ({
        %run_scoped3A = tpu.sem_alloc : memref<!tpu.dma_semaphore, #tpu.memory_space<semaphore_mem>>
        %dma_start3A = arith.constant 0 : i32
        %dma_start3A_27 = tpu.memref_slice %arg3[%add3A_14, %dma_start3A] : memref<32768x2xf32, #tpu.memory_space<hbm>> -> memref<256x2xf32, #tpu.memory_space<hbm>>
        %dma_start3A_28 = arith.constant 0 : i32
        %dma_start3A_29 = tpu.memref_slice %arg3[%add3A_14, %dma_start3A_28] : memref<32768x2xf32, #tpu.memory_space<hbm>> -> memref<256x2xf32, #tpu.memory_space<hbm>>
        tpu.enqueue_dma source(%arg7 : memref<256x2xf32, #tpu.memory_space<vmem>>) target(%dma_start3A_29 : memref<256x2xf32, #tpu.memory_space<hbm>>) target_semaphore(%run_scoped3A : memref<!tpu.dma_semaphore, #tpu.memory_space<semaphore_mem>>)
        %dma_wait3A = arith.constant 0 : i32
        %dma_wait3A_30 = tpu.memref_slice %arg3[%add3A_14, %dma_wait3A] : memref<32768x2xf32, #tpu.memory_space<hbm>> -> memref<256x2xf32, #tpu.memory_space<hbm>>
        %dma_wait3A_31 = arith.constant 0 : i32
        %dma_wait3A_32 = tpu.memref_slice %arg3[%add3A_14, %dma_wait3A_31] : memref<32768x2xf32, #tpu.memory_space<hbm>> -> memref<256x2xf32, #tpu.memory_space<hbm>>
        tpu.wait_dma2 semaphore(%run_scoped3A : memref<!tpu.dma_semaphore, #tpu.memory_space<semaphore_mem>>) src(%arg7 : memref<256x2xf32, #tpu.memory_space<vmem>>) dst(%dma_wait3A_32 : memref<256x2xf32, #tpu.memory_space<hbm>>)
        tpu.yield
      }) : () -> ()
      "tpu.region"() ({
        %run_scoped3A = tpu.sem_alloc : memref<!tpu.dma_semaphore, #tpu.memory_space<semaphore_mem>>
        %dma_start3A = arith.constant 0 : i32
        %dma_start3A_27 = tpu.memref_slice %arg4[%add3A_14, %dma_start3A] : memref<32768x2xi32, #tpu.memory_space<hbm>> -> memref<256x2xi32, #tpu.memory_space<hbm>>
        %dma_start3A_28 = arith.constant 0 : i32
        %dma_start3A_29 = tpu.memref_slice %arg4[%add3A_14, %dma_start3A_28] : memref<32768x2xi32, #tpu.memory_space<hbm>> -> memref<256x2xi32, #tpu.memory_space<hbm>>
        tpu.enqueue_dma source(%arg8 : memref<256x2xi32, #tpu.memory_space<vmem>>) target(%dma_start3A_29 : memref<256x2xi32, #tpu.memory_space<hbm>>) target_semaphore(%run_scoped3A : memref<!tpu.dma_semaphore, #tpu.memory_space<semaphore_mem>>)
        %dma_wait3A = arith.constant 0 : i32
        %dma_wait3A_30 = tpu.memref_slice %arg4[%add3A_14, %dma_wait3A] : memref<32768x2xi32, #tpu.memory_space<hbm>> -> memref<256x2xi32, #tpu.memory_space<hbm>>
        %dma_wait3A_31 = arith.constant 0 : i32
        %dma_wait3A_32 = tpu.memref_slice %arg4[%add3A_14, %dma_wait3A_31] : memref<32768x2xi32, #tpu.memory_space<hbm>> -> memref<256x2xi32, #tpu.memory_space<hbm>>
        tpu.wait_dma2 semaphore(%run_scoped3A : memref<!tpu.dma_semaphore, #tpu.memory_space<semaphore_mem>>) src(%arg8 : memref<256x2xi32, #tpu.memory_space<vmem>>) dst(%dma_wait3A_32 : memref<256x2xi32, #tpu.memory_space<hbm>>)
        tpu.yield
      }) : () -> ()
    }
    %scan3A_10 = arith.constant 4 : i32
    return
  }
}

</mosaic_0001>

<sc_bundles>
// kernel: kernel.3.cloned.1.call-start
scs
__scs_entry_jumppad:
0x0: {  	(pc) =	sbr.rel $0x88, $3  }
0x1: {  	(tag) =	ssettag $0x0;
	lr =	simm.s32 $0x1  }
0x2: {  	[smem:$0x3FA0] =	sst lr;
	_ =	strace $0xD0000000  }
0x3: {  	_ = 	snop  }
0x4: {  	_ = 	snop  }
0x5: {  	_ = 	snop  }
0x6: {  	_ = 	snop  }
0x7: {  	_ = 	snop  }
__scs_overlays_trampoline_lowered:
0x8: {  	[smem:$0x3FAF] =	sst s0  }
0x9: {  	[smem:$0x3FB0] =	sst s1  }
0xa: {  	[smem:$0x3FB1] =	sst s2  }
0xb: {  	[smem:$0x3FB2] =	sst s3  }
0xc: {  	[smem:$0x3FB3] =	sst s4  }
0xd: {  	[smem:$0x3FB4] =	sst s5  }
0xe: {  	[smem:$0x3FB5] =	sst s6  }
0xf: {  	[smem:$0x3FB6] =	sst s7  }
0x10: {  	[smem:$0x3FB7] =	sst s8  }
0x11: {  	[smem:$0x3FB8] =	sst s9;
	s0 =	simm.s32 @!p0 $0x0  }
0x12: {  	s1 =	sld [smem:$0x3F9E];
	s0 =	simm.s32 @p0 $0x1  }
0x13: {  	[smem:$0x3FB9] =	sst s0;
	s0 =	simm.s32 @!p1 $0x0  }
0x14: {  	s2 =	sld [smem:$0x3F9D];
	s0 =	simm.s32 @p1 $0x1  }
0x15: {  	[smem:$0x3FBA] =	sst s0;
	s0 =	simm.s32 @!p2 $0x0  }
0x16: {  	s3 =	sld [smem:$0x3FDB];
	s0 =	simm.s32 @p2 $0x1  }
0x17: {  	s4 =	simm.s32 $0x1BF5;
	[smem:$0x3FBC] =	sst s0  }
0x18: {  	s0 =	sld [smem:$0x3F9F];
	_ =	swait.ge [sflag:s4], $0x0  }
0x19: {  	s7 =	sld [smem:$0x3FA0]  }
0x1a: {  	s8 =	sadd.s32 $0xFFFFE003, lr  }
0x1b: {  	s9 =	sadd.s32 $0xFFFFFEF7, lr;
	s5 =	simm.s32 $0xFFFFFFFF;
	p2 =	slt.u32 s8, $0xFFFFF086  }
0x1c: {  	p1 =	slt.u32 s9, $0xF7A;
	s5 =	simm.s32 @!p2 $0x0  }
0x1d: {  	s5 =	simm.s32 @p1 $0x1;
	p0 =	seq.s32 s7, s2  }
0x1e: {  	s7 =	smul.u32 @!p0 $0xF7A, s2;
	p2 =	seq.s32 @!p0 s5, $0x0  }
0x1f: {  	s9 =	smul.u32 $0xF7A, s1;
	s8 =	simm.s32 @!p0 $0x1BF5;
	p2 =	por !p2, p0  }
0x20: {  	[sflag:s8] =	ssyncset.s32 @!p0 $0xFFFFF086;
	s6 =	sadd.s32 @!p0 s3, s7;
	s7 =	simm.s32 @!p0 $0x108  }
0x21: {  	s3 =	sadd.s32 s3, s9;
	s6 =	sadd.s32 @!p0 $0x88, s6;
	s7 =	simm.s32 @p2 $0x1082  }
0x22: {  	[simem:s7], [sflag:s8] =	dma.local @!p0 [hbm:s6], $0xF7A  }
0x23: {  	s9 =	sor.u32 $0xD0000000, s2;
	s6 =	simm.s32 $0x108;
	_ =	swait.ge @!p0 [sflag:s8], $0x0  }
0x24: {  	s3 =	sadd.s32 $0x88, s3;
	s6 =	simm.s32 @!p1 $0x1082;
	[sflag:s4] =	ssyncset.s32 $0xFFFFF086  }
0x25: {  	[simem:s6], [sflag:s4] =	dma.local [hbm:s3], $0xF7A  }
0x26: {  	[smem:$0x3FA0] =	sst s1;
	(tag) =	ssettag s2;
	_ =	strace s9  }
0x27: {  	s1 =	sld [smem:$0x3FB0]  }
0x28: {  	s2 =	sld [smem:$0x3FB1]  }
0x29: {  	s4 =	sld [smem:$0x3FB3]  }
0x2a: {  	p0 =	seq.s32 s5, $0x0;
	s5 =	sld [smem:$0x3FB4]  }
0x2b: {  	s6 =	sld [smem:$0x3FB5]  }
0x2c: {  	s7 =	sld [smem:$0x3FB6]  }
0x2d: {  	s3 =	simm.s32 $0x108;
	s8 =	sld [smem:$0x3FB7]  }
0x2e: {  	s3 =	simm.s32 @!p0 $0x1082;
	s9 =	sld [smem:$0x3FB8]  }
0x2f: {  	lr =	sadd.s32 s0, s3;
	s0 =	sld [smem:$0x3FAF]  }
0x30: {  	s3 =	sld [smem:$0x3FB2]  }
0x31: {  	[smem:$0x3FBB] =	sst s10  }
0x32: {  	s10 =	sld [smem:$0x3FB9];
	_ =	sdelay $0x3  }
0x33: {  	p0 =	seq.s32 s10, $0x1;
	s10 =	sld [smem:$0x3FBB];
	_ =	sdelay $0x3  }
0x34: {  	[smem:$0x3FBB] =	sst s10  }
0x35: {  	s10 =	sld [smem:$0x3FBA];
	_ =	sdelay $0x3  }
0x36: {  	p1 =	seq.s32 s10, $0x1;
	s10 =	sld [smem:$0x3FBB];
	_ =	sdelay $0x3  }
0x37: {  	[smem:$0x3FBB] =	sst s10  }
0x38: {  	s10 =	sld [smem:$0x3FBC]  }
0x39: {  	_ = 	snop;
	(pc) =	sbr.ind lr, $3  }
0x3a: {  	_ = 	snop  }
0x3b: {  	_ = 	snop  }
0x3c: {  	p2 =	seq.s32 s10, $0x1;
	s10 =	sld [smem:$0x3FBB]  }
0x3d: {  	_ =	shalt  }
0x3e: {  	_ =	shalt  }
0x3f: {  	_ =	shalt  }
0x40: {  	_ =	shalt  }
0x41: {  	_ =	shalt  }
0x42: {  	_ =	shalt  }
0x43: {  	_ =	shalt  }
0x44: {  	_ =	shalt  }
0x45: {  	_ =	shalt  }
0x46: {  	_ =	shalt  }
0x47: {  	_ =	shalt  }
0x48: {  	_ =	shalt  }
0x49: {  	_ =	shalt  }
0x4a: {  	_ =	shalt  }
0x4b: {  	_ =	shalt  }
0x4c: {  	_ =	shalt  }
0x4d: {  	_ =	shalt  }
0x4e: {  	_ =	shalt  }
0x4f: {  	_ =	shalt  }
0x50: {  	_ =	shalt  }
0x51: {  	_ =	shalt  }
0x52: {  	_ =	shalt  }
0x53: {  	_ =	shalt  }
0x54: {  	_ =	shalt  }
0x55: {  	_ =	shalt  }
0x56: {  	_ =	shalt  }
0x57: {  	_ =	shalt  }
0x58: {  	_ =	shalt  }
0x59: {  	_ =	shalt  }
0x5a: {  	_ =	shalt  }
0x5b: {  	_ =	shalt  }
0x5c: {  	_ =	shalt  }
0x5d: {  	_ =	shalt  }
0x5e: {  	_ =	shalt  }
0x5f: {  	_ =	shalt  }
0x60: {  	_ =	shalt  }
0x61: {  	_ =	shalt  }
0x62: {  	_ =	shalt  }
0x63: {  	_ =	shalt  }
0x64: {  	_ =	shalt  }
0x65: {  	_ =	shalt  }
0x66: {  	_ =	shalt  }
0x67: {  	_ =	shalt  }
0x68: {  	_ =	shalt  }
0x69: {  	_ =	shalt  }
0x6a: {  	_ =	shalt  }
0x6b: {  	_ =	shalt  }
0x6c: {  	_ =	shalt  }
0x6d: {  	_ =	shalt  }
0x6e: {  	_ =	shalt  }
0x6f: {  	_ =	shalt  }
0x70: {  	_ =	shalt  }
0x71: {  	_ =	shalt  }
0x72: {  	_ =	shalt  }
0x73: {  	_ =	shalt  }
0x74: {  	_ =	shalt  }
0x75: {  	_ =	shalt  }
0x76: {  	_ =	shalt  }
0x77: {  	_ =	shalt  }
0x78: {  	_ =	shalt  }
0x79: {  	_ =	shalt  }
0x7a: {  	_ =	shalt  }
0x7b: {  	_ =	shalt  }
0x7c: {  	_ =	shalt  }
0x7d: {  	_ =	shalt  }
0x7e: {  	_ =	shalt  }
0x7f: {  	_ =	shalt  }
0x80: {  	_ =	shalt  }
0x81: {  	_ =	shalt  }
0x82: {  	_ =	shalt  }
0x83: {  	_ =	shalt  }
0x84: {  	_ =	shalt  }
0x85: {  	_ =	shalt  }
0x86: {  	_ =	shalt  }
0x87: {  	_ =	shalt  }
.Lfunc_end0:
.L_simem_size_0:
called_computation_lowered:
.L_overlay_start_0:
0x88: {  	s2 =	sld [smem:$0x3FD9]  }
0x89: {  	s3 =	sld [smem:$0x3FFE];
	_ =	sdelay $0x1  }
0x8a: {  	s1 =	srdreg.scid  }
0x8b: {  	s0 =	sand.u32 $0x1, s1  }
0x8c: {  	s16 =	sshll.u32 s0, $0xA;
	s2 =	sadd.s32 s3, s2  }
0x8d: {  	s2 =	sadd.s32 s2, s16  }
0x8e: {  	[smem:$0x3FC7] =	sst s2  }
0x8f: {  	_ = 	snop  }
0x90: {  	(tm) =	ssettm $0x1  }
0x91: {  	s17 =	sld [smem:$0x3FFB];
	_ =	sdelay $0x3  }
0x92: {  	_ =	strace s17  }
0x93: {  	s2 =	sld [smem:$0x3FFC];
	_ =	sdelay $0x3  }
0x94: {  	_ =	strace s2  }
0x95: {  	s2 =	sld [smem:$0x3FFD];
	_ =	sdelay $0x3  }
0x96: {  	_ =	strace s2  }
0x97: {  	_ =	strace $0x8FFFFFFF  }
0x98: {  	s18 =	sld [smem:$0x3FDB];
	_ =	sdelay $0x1  }
0x99: {  	s19 =	simm.s32 $_scs_section_size  }
0x9a: {  	s4 =	simm.s32 $_size__tile_overlayer_lowered;
	s5 =	simm.s32 $_tile_overlayer_lowered  }
0x9b: {  	s22 =	simm.s32 $0x1BFF;
	s21 =	sshll.u32 s5, $0x1;
	s2 =	sadd.s32 s19, s18  }
0x9c: {  	s6 =	simm.s32 $0x0;
	s20 =	sshll.u32 s4, $0x1;
	s4 =	sadd.s32 s21, s2  }
0x9d: {  	[timem:s6], [sflag:s22] =	dma.local [hbm:s4], s20  }
0x9e: {  	_ =	swait.ge [sflag:s22], s20  }
0x9f: {  	s3 =	ssub.s32 $0x0, s20;
	[sflag:s22] =	ssyncset.done $0x0  }
0xa0: {  	[sflag:s22] =	ssyncadd.s32 s3;
	_ =	sdelay $0x1  }
0xa1: {  	s23 =	simm.s32 $0x1B8B  }
0xa2: {  	_ =	swait.ge [sflag:s23], $0x1  }
0xa3: {  	[sflag:s23] =	ssyncset.done $0x0  }
0xa4: {  	s25 =	simm.s32 $0x1B8E;
	s24 =	sld [smem:$0x3FFE];
	[sflag:s23] =	ssyncadd.s32 $0xFFFFFFFF  }
0xa5: {  	s26 =	simm.s32 $execute0_lowered;
	[smem:$0x3FD2] =	sst s25  }
0xa6: {  	s4 =	sshll.u32 s26, $0x1;
	_ =	strace $0x80000046;
	[dreg:$0x1] =	wrdreg $0xFFFFFFFF  }
0xa7: {  	s28 =	simm.s32 $_size_execute0_lowered;
	s2 =	sadd.s32 s2, s4;
	[dreg:$0x0] =	wrdreg $0x0  }
0xa8: {  	s4 =	sshll.u32 s28, $0x1;
	[dreg:$0x2] =	wrdreg s2  }
0xa9: {  	[dreg:$0x3] =	wrdreg s4  }
0xaa: {  	[dreg:$0x4] =	wrdreg $0xC0  }
0xab: {  	_ =	task [dreg:s6], $0x5FFFF  }
0xac: {  	[dreg:$0x1] =	wrdreg $0xFFFFFFFF  }
0xad: {  	[dreg:$0x0] =	wrdreg $0x60  }
0xae: {  	[dreg:$0x2] =	wrdreg s24  }
0xaf: {  	[dreg:$0x3] =	wrdreg $0x9  }
0xb0: {  	_ =	task.clear_ibuf [dreg:s6], $0x4FFFF;
	_ =	strace $0x90000046  }
0xb1: {  	s29 =	simm.s32 $0x9;
	_ =	strace $0x80000048  }
0xb2: {  	_ =	swait.ge [sflag:s29], $0x1  }
0xb3: {  	[sflag:s29] =	ssyncadd.s32 $0xFFFFFFFF  }
0xb4: {  	_ =	strace $0x90000048  }
0xb5: {  	_ =	sfence  }
0xb6: {  	s30 =	sld [smem:$0x0];
	_ =	sdelay $0x2  }
0xb7: {  	s31 =	sshll.u32 s1, $0xD;
	s1 =	sshrl.u32 s1, $0x2  }
0xb8: {  	s3 =	sand.u32 $0x4000, s31;
	s1 =	sadd.s32 s1, s30  }
0xb9: {  	s0 =	sor.u32 s3, s0;
	s1 =	sshll.u32 s1, $0x11  }
0xba: {  	s0 =	sor.u32 s1, s0  }
0xbb: {  	s0 =	sadd.s32 $0x8F2B, s0  }
0xbc: {  	[sflag:s0] =	ssyncadd.remote.s32 $0x1  }
0xbd: {  	_ =	sfence.sel $0xFFFF  }
0xbe: {  	[dreg:$0x0] =	wrdreg $0xFFFFFFFF;
	(pc) =	sbr.abs _section_cstart, $3  }
0xbf: {  	[dreg:$0x1] =	wrdreg $0xFFFFFFFF  }
0xc0: {  	_ =	task.clear_ibuf [dreg:s6], $0x2FFFF;
	_ =	strace $0x9FFFFFFF  }
0xc1: {  	(tm) =	ssettm $0x7FFFFFFF  }
tec
execute0_lowered:
.L_overlay_start_1:
0x0: {  	(tag) =	ssettag $0x1  }
0x1: {  	s5 =	rddreg [dreg:$0x0]  }
0x2: {  	s0 =	rddreg [dreg:$0x1]  }
0x3: {  	s1 =	simm.s32 $0x0;
	s2 =	srdreg.scid;
	s10 =	simm.s32 $0xC100  }
0x4: {  	s11 =	simm.s32 $0x14100;
	s12 =	simm.s32 $0x0;
	[smem:$0x7FF] =	sst s1  }
0x5: {  	s3 =	sadd.s32 $0x1200, s5;
	s6 =	sand.u32 $0x1, s2;
	s4 =	sadd.s32 $0x81200, s5  }
0x6: {  	s2 =	stileid.u32;
	s5 =	sadd.s32 $0x101200, s5;
	s7 =	ssub.s32 $0x2, s6  }
0x7: {  	s9 =	sshll.u32 s2, $0xF;
	s6 =	sshll.u32 s6, $0xE;
	s8 =	sshrl.u32 s7, $0x1  }
0x8: {  	_ =	strace $0x80000047;
	s6 =	sor.u32 s6, s9;
	s7 =	ssub.s32 s7, s8  }
0x9: {  	v0 =	vlaneseq.u32;
	v1 =	vimm.s32 $0x0;
	s9 =	simm.s32 $0x8000;
	s8 =	simm.s32 $0x1;
	s7 =	smax.u32 s7, $0x1  }
.LBB2_1:
0xa: {  	s13 =	simm.s32 $0x0  }
.LBB2_2:
0xb: {  	s14 =	sshll.u32 s13, $0xC  }
0xc: {  	s14 =	sadd.s32 s6, s14  }
0xd: {  	s15 =	simm.s32 $0x0;
	s16 =	sadd.s32 s3, s14  }
0xe: {  	[tilespmem:s15], [sflag:$0x1] =	stream.linear.gather [hbm4b:s16+s15], $0x8000, $0x38;
	[tilespmem:$0x1C100] =	vst v63  }
0xf: {  	_ =	swait.ge [sflag:s8], $0x8000  }
0x10: {  	[sflag:s8] =	ssyncset.done $0x0  }
0x11: {  	s17 =	simm.s32 $0x0;
	[sflag:s8] =	ssyncadd.s32 $0xFFFF8000  }
0x12: {  	v2 =	vld [tilespmem:s17+$0x0]  }
0x13: {  	v3 =	vld [tilespmem:s17+$0x10]  }
0x14: {  	v4 =	vld [tilespmem:s17+$0x20]  }
0x15: {  	v5 =	vld [tilespmem:s17+$0x30]  }
0x16: {  	v6 =	vld [tilespmem:s17+$0x80]  }
0x17: {  	v7 =	vld [tilespmem:s17+$0x90]  }
0x18: {  	v8 =	vld [tilespmem:s17+$0xA0]  }
0x19: {  	v9 =	vld [tilespmem:s17+$0xB0]  }
0x1a: {  	v10 =	vld [tilespmem:s17+$0x100]  }
0x1b: {  	v11 =	vld [tilespmem:s17+$0x110]  }
0x1c: {  	v12 =	vld [tilespmem:s17+$0x120]  }
0x1d: {  	v13 =	vld [tilespmem:s17+$0x130]  }
0x1e: {  	v14 =	vld [tilespmem:s17+$0x180]  }
0x1f: {  	v15 =	vld [tilespmem:s17+$0x190]  }
0x20: {  	v16 =	vld [tilespmem:s17+$0x1A0]  }
0x21: {  	v17 =	vld [tilespmem:s17+$0x1B0]  }
0x22: {  	v18 =	vld [tilespmem:s17+$0x200]  }
0x23: {  	v19 =	vld [tilespmem:s17+$0x210]  }
0x24: {  	v20 =	vld [tilespmem:s17+$0x220]  }
0x25: {  	v21 =	vld [tilespmem:s17+$0x230]  }
0x26: {  	v22 =	vld [tilespmem:s17+$0x280]  }
0x27: {  	v23 =	vld [tilespmem:s17+$0x290]  }
0x28: {  	v24 =	vld [tilespmem:s17+$0x2A0]  }
0x29: {  	v25 =	vld [tilespmem:s17+$0x2B0]  }
0x2a: {  	v26 =	vld [tilespmem:s17+$0x300]  }
0x2b: {  	v27 =	vld [tilespmem:s17+$0x310]  }
0x2c: {  	v28 =	vld [tilespmem:s17+$0x3B0]  }
0x2d: {  	v29 =	vld [tilespmem:s17+$0x320]  }
0x2e: {  	v30 =	vld [tilespmem:s17+$0x330]  }
0x2f: {  	v31 =	vld [tilespmem:s17+$0x380]  }
0x30: {  	s16 =	simm.s32 $0x8104;
	v32 =	vld [tilespmem:s17+$0x390]  }
0x31: {  	v33 =	vld [tilespmem:s17+$0x3A0];
	[tilespmem:s16+$0xF3] =	vst v28  }
0x32: {  	[tilespmem:s16+$0xFFFFFEFC] =	vst v2  }
0x33: {  	[tilespmem:s16+$0xFFFFFF0C] =	vst v3  }
0x34: {  	[tilespmem:s16+$0xFFFFFF1C] =	vst v4  }
0x35: {  	[tilespmem:s16+$0xFFFFFF2C] =	vst v5  }
0x36: {  	[tilespmem:s16+$0xFFFFFF3D] =	vst v6  }
0x37: {  	[tilespmem:s16+$0xFFFFFF4D] =	vst v7  }
0x38: {  	[tilespmem:s16+$0xFFFFFF5D] =	vst v8  }
0x39: {  	[tilespmem:s16+$0xFFFFFF6D] =	vst v9  }
0x3a: {  	[tilespmem:s16+$0xFFFFFF7E] =	vst v10  }
0x3b: {  	[tilespmem:s16+$0xFFFFFF8E] =	vst v11  }
0x3c: {  	[tilespmem:s16+$0xFFFFFF9E] =	vst v12  }
0x3d: {  	[tilespmem:s16+$0xFFFFFFAE] =	vst v13  }
0x3e: {  	[tilespmem:s16+$0xFFFFFFBF] =	vst v14  }
0x3f: {  	[tilespmem:s16+$0xFFFFFFCF] =	vst v15  }
0x40: {  	[tilespmem:s16+$0xFFFFFFDF] =	vst v16  }
0x41: {  	[tilespmem:s16+$0xFFFFFFEF] =	vst v17  }
0x42: {  	[tilespmem:s16+$0x0] =	vst v18  }
0x43: {  	[tilespmem:s16+$0x10] =	vst v19  }
0x44: {  	[tilespmem:s16+$0x20] =	vst v20  }
0x45: {  	[tilespmem:s16+$0x30] =	vst v21  }
0x46: {  	[tilespmem:s16+$0x41] =	vst v22  }
0x47: {  	[tilespmem:s16+$0x51] =	vst v23  }
0x48: {  	[tilespmem:s16+$0x61] =	vst v24  }
0x49: {  	[tilespmem:s16+$0x71] =	vst v25  }
0x4a: {  	[tilespmem:s16+$0x82] =	vst v26  }
0x4b: {  	[tilespmem:s16+$0x92] =	vst v27  }
0x4c: {  	[tilespmem:s16+$0xA2] =	vst v29  }
0x4d: {  	[tilespmem:s16+$0xB2] =	vst v30  }
0x4e: {  	[tilespmem:s16+$0xC3] =	vst v31  }
0x4f: {  	[tilespmem:s16+$0xD3] =	vst v32  }
0x50: {  	s18 =	simm.s32 $0x400;
	[tilespmem:s16+$0xE3] =	vst v33  }
0x51: {  	v2 =	vld [tilespmem:s18+$0x0]  }
0x52: {  	v3 =	vld [tilespmem:s18+$0x10]  }
0x53: {  	v4 =	vld [tilespmem:s18+$0x20]  }
0x54: {  	v5 =	vld [tilespmem:s18+$0x30]  }
0x55: {  	v6 =	vld [tilespmem:s18+$0x80]  }
0x56: {  	v7 =	vld [tilespmem:s18+$0x90]  }
0x57: {  	v8 =	vld [tilespmem:s18+$0xA0]  }
0x58: {  	v9 =	vld [tilespmem:s18+$0xB0]  }
0x59: {  	v10 =	vld [tilespmem:s18+$0x100]  }
0x5a: {  	v11 =	vld [tilespmem:s18+$0x110]  }
0x5b: {  	v12 =	vld [tilespmem:s18+$0x120]  }
0x5c: {  	v13 =	vld [tilespmem:s18+$0x130]  }
0x5d: {  	v14 =	vld [tilespmem:s18+$0x180]  }
0x5e: {  	v15 =	vld [tilespmem:s18+$0x190]  }
0x5f: {  	v16 =	vld [tilespmem:s18+$0x1A0]  }
0x60: {  	v17 =	vld [tilespmem:s18+$0x1B0]  }
0x61: {  	v18 =	vld [tilespmem:s18+$0x200]  }
0x62: {  	v19 =	vld [tilespmem:s18+$0x210]  }
0x63: {  	v20 =	vld [tilespmem:s18+$0x220]  }
0x64: {  	v21 =	vld [tilespmem:s18+$0x230]  }
0x65: {  	v22 =	vld [tilespmem:s18+$0x280]  }
0x66: {  	v23 =	vld [tilespmem:s18+$0x290]  }
0x67: {  	v24 =	vld [tilespmem:s18+$0x2A0]  }
0x68: {  	v25 =	vld [tilespmem:s18+$0x2B0]  }
0x69: {  	v26 =	vld [tilespmem:s18+$0x300]  }
0x6a: {  	s17 =	simm.s32 $0x2000;
	v27 =	vld [tilespmem:s18+$0x310]  }
.LBB2_3:
0x6b: {  	p0 =	sne.s32 s17, $0x1F000;
	v28 =	vld [tilespmem:s18+$0x3B0]  }
0x6c: {  	v29 =	vld [tilespmem:s18+$0x320]  }
0x6d: {  	v30 =	vld [tilespmem:s18+$0x330]  }
0x6e: {  	v31 =	vld [tilespmem:s18+$0x380]  }
0x6f: {  	s16 =	sadd.s32 $0x208, s16;
	v32 =	vld [tilespmem:s18+$0x390]  }
0x70: {  	v33 =	vld [tilespmem:s18+$0x3A0];
	[tilespmem:s16+$0xF3] =	vst v28  }
0x71: {  	[tilespmem:s16+$0xFFFFFEFC] =	vst v2  }
0x72: {  	[tilespmem:s16+$0xFFFFFF0C] =	vst v3  }
0x73: {  	[tilespmem:s16+$0xFFFFFF1C] =	vst v4  }
0x74: {  	[tilespmem:s16+$0xFFFFFF2C] =	vst v5  }
0x75: {  	[tilespmem:s16+$0xFFFFFF3D] =	vst v6  }
0x76: {  	[tilespmem:s16+$0xFFFFFF4D] =	vst v7  }
0x77: {  	[tilespmem:s16+$0xFFFFFF5D] =	vst v8  }
0x78: {  	[tilespmem:s16+$0xFFFFFF6D] =	vst v9  }
0x79: {  	[tilespmem:s16+$0xFFFFFF7E] =	vst v10  }
0x7a: {  	[tilespmem:s16+$0xFFFFFF8E] =	vst v11  }
0x7b: {  	[tilespmem:s16+$0xFFFFFF9E] =	vst v12  }
0x7c: {  	[tilespmem:s16+$0xFFFFFFAE] =	vst v13  }
0x7d: {  	[tilespmem:s16+$0xFFFFFFBF] =	vst v14  }
0x7e: {  	[tilespmem:s16+$0xFFFFFFCF] =	vst v15  }
0x7f: {  	[tilespmem:s16+$0xFFFFFFDF] =	vst v16  }
0x80: {  	[tilespmem:s16+$0xFFFFFFEF] =	vst v17  }
0x81: {  	[tilespmem:s16+$0x0] =	vst v18  }
0x82: {  	[tilespmem:s16+$0x10] =	vst v19  }
0x83: {  	[tilespmem:s16+$0x20] =	vst v20  }
0x84: {  	[tilespmem:s16+$0x30] =	vst v21  }
0x85: {  	[tilespmem:s16+$0x41] =	vst v22  }
0x86: {  	[tilespmem:s16+$0x51] =	vst v23  }
0x87: {  	[tilespmem:s16+$0x61] =	vst v24  }
0x88: {  	[tilespmem:s16+$0x71] =	vst v25  }
0x89: {  	[tilespmem:s16+$0x82] =	vst v26  }
0x8a: {  	[tilespmem:s16+$0x92] =	vst v27  }
0x8b: {  	[tilespmem:s16+$0xA2] =	vst v29  }
0x8c: {  	[tilespmem:s16+$0xB2] =	vst v30  }
0x8d: {  	[tilespmem:s16+$0xC3] =	vst v31  }
0x8e: {  	[tilespmem:s16+$0xD3] =	vst v32  }
0x8f: {  	s18 =	sshra.s32 s17, $0x2;
	[tilespmem:s16+$0xE3] =	vst v33  }
0x90: {  	v2 =	vld [tilespmem:s18+$0x0]  }
0x91: {  	v3 =	vld [tilespmem:s18+$0x10]  }
0x92: {  	v4 =	vld [tilespmem:s18+$0x20]  }
0x93: {  	v5 =	vld [tilespmem:s18+$0x30]  }
0x94: {  	v6 =	vld [tilespmem:s18+$0x80]  }
0x95: {  	v7 =	vld [tilespmem:s18+$0x90]  }
0x96: {  	v8 =	vld [tilespmem:s18+$0xA0]  }
0x97: {  	v9 =	vld [tilespmem:s18+$0xB0]  }
0x98: {  	v10 =	vld [tilespmem:s18+$0x100]  }
0x99: {  	v11 =	vld [tilespmem:s18+$0x110]  }
0x9a: {  	v12 =	vld [tilespmem:s18+$0x120]  }
0x9b: {  	v13 =	vld [tilespmem:s18+$0x130]  }
0x9c: {  	v14 =	vld [tilespmem:s18+$0x180]  }
0x9d: {  	v15 =	vld [tilespmem:s18+$0x190]  }
0x9e: {  	v16 =	vld [tilespmem:s18+$0x1A0]  }
0x9f: {  	v17 =	vld [tilespmem:s18+$0x1B0]  }
0xa0: {  	v18 =	vld [tilespmem:s18+$0x200]  }
0xa1: {  	v19 =	vld [tilespmem:s18+$0x210]  }
0xa2: {  	v20 =	vld [tilespmem:s18+$0x220]  }
0xa3: {  	v21 =	vld [tilespmem:s18+$0x230]  }
0xa4: {  	v22 =	vld [tilespmem:s18+$0x280]  }
.Ltmp0:
0xa5: {  	v23 =	vld [tilespmem:s18+$0x290];
	(pc) =	sbr.rel @p0 .LBB2_3-.Ltmp0, $4  }
0xa6: {  	v24 =	vld [tilespmem:s18+$0x2A0]  }
0xa7: {  	v25 =	vld [tilespmem:s18+$0x2B0]  }
0xa8: {  	v26 =	vld [tilespmem:s18+$0x300]  }
0xa9: {  	s17 =	sadd.s32 $0x1000, s17;
	v27 =	vld [tilespmem:s18+$0x310]  }
0xaa: {  	v28 =	vld [tilespmem:s18+$0x3B0]  }
0xab: {  	v29 =	vld [tilespmem:s18+$0x320]  }
0xac: {  	v30 =	vld [tilespmem:s18+$0x330]  }
0xad: {  	v31 =	vld [tilespmem:s18+$0x380]  }
0xae: {  	v32 =	vld [tilespmem:s18+$0x390];
	s16 =	sadd.s32 $0x208, s16  }
0xaf: {  	v33 =	vld [tilespmem:s18+$0x3A0];
	[tilespmem:s16+$0xFFFFFEFC] =	vst v2  }
0xb0: {  	[tilespmem:s16+$0xFFFFFF0C] =	vst v3  }
0xb1: {  	[tilespmem:s16+$0xFFFFFF1C] =	vst v4  }
0xb2: {  	[tilespmem:s16+$0xFFFFFF2C] =	vst v5  }
0xb3: {  	[tilespmem:s16+$0xFFFFFF3D] =	vst v6  }
0xb4: {  	[tilespmem:s16+$0xFFFFFF4D] =	vst v7  }
0xb5: {  	[tilespmem:s16+$0xFFFFFF5D] =	vst v8  }
0xb6: {  	[tilespmem:s16+$0xFFFFFF6D] =	vst v9  }
0xb7: {  	[tilespmem:s16+$0xFFFFFF7E] =	vst v10  }
0xb8: {  	[tilespmem:s16+$0xFFFFFF8E] =	vst v11  }
0xb9: {  	[tilespmem:s16+$0xFFFFFF9E] =	vst v12  }
0xba: {  	[tilespmem:s16+$0xFFFFFFAE] =	vst v13  }
0xbb: {  	[tilespmem:s16+$0xFFFFFFBF] =	vst v14  }
0xbc: {  	[tilespmem:s16+$0xFFFFFFCF] =	vst v15  }
0xbd: {  	[tilespmem:s16+$0xFFFFFFDF] =	vst v16  }
0xbe: {  	[tilespmem:s16+$0xFFFFFFEF] =	vst v17  }
0xbf: {  	[tilespmem:s16+$0x0] =	vst v18  }
0xc0: {  	[tilespmem:s16+$0x10] =	vst v19  }
0xc1: {  	[tilespmem:s16+$0x20] =	vst v20  }
0xc2: {  	[tilespmem:s16+$0x30] =	vst v21  }
0xc3: {  	[tilespmem:s16+$0x41] =	vst v22  }
0xc4: {  	[tilespmem:s16+$0x51] =	vst v23  }
0xc5: {  	[tilespmem:s16+$0x61] =	vst v24  }
0xc6: {  	[tilespmem:s16+$0x71] =	vst v25  }
0xc7: {  	[tilespmem:s16+$0x82] =	vst v26  }
0xc8: {  	[tilespmem:s16+$0x92] =	vst v27  }
0xc9: {  	[tilespmem:s16+$0xF3] =	vst v28  }
0xca: {  	[tilespmem:s16+$0xA2] =	vst v29  }
0xcb: {  	[tilespmem:s16+$0xB2] =	vst v30  }
0xcc: {  	[tilespmem:s16+$0xC3] =	vst v31  }
0xcd: {  	[tilespmem:s16+$0xD3] =	vst v32  }
0xce: {  	[tilespmem:s16+$0xE3] =	vst v33  }
.LBB2_5:
0xcf: {  	v5 =	vor.u32 s15, v0  }
0xd0: {  	s16 =	sadd.s32 $0x10, s15;
	v9 =	vmul.u32 $0x41, v5  }
0xd1: {  	s30 =	sadd.s32 $0x20, s15;
	v4 =	vor.u32 s16, v0  }
0xd2: {  	v3 =	vor.u32 s30, v0;
	v8 =	vmul.u32 $0x41, v4;
	v2 =	vadd.s32 $0x1, v9  }
0xd3: {  	v7 =	vmul.u32 $0x41, v3;
	_ =	sdelay $0x1  }
0xd4: {  	v11 =	vadd.s32 $0x1, v8  }
0xd5: {  	v53 =	vadd.s32 $0x3, v8;
	v10 =	vld.idx.msk [tilespmem:v9+s9+$0x0], $0xffff  }
0xd6: {  	v5 =	vshll.u32 v5, $0x7;
	v34 =	vadd.s32 $0x4, v8;
	v12 =	vld.idx.msk [tilespmem:v2+s9+$0x0], $0xffff  }
0xd7: {  	v4 =	vshll.u32 v4, $0x7;
	v3 =	vshll.u32 v3, $0x7;
	v36 =	vadd.s32 $0x4, v7;
	v13 =	vld.idx.msk [tilespmem:v8+s9+$0x0], $0xffff  }
0xd8: {  	v19 =	vadd.s32 $0x2, v9;
	v30 =	vadd.s32 $0x3, v9;
	v14 =	vadd.s32 $0x1, v7;
	v15 =	vld.idx.msk [tilespmem:v7+s9+$0x0], $0xffff  }
0xd9: {  	s31 =	sadd.s32 $0x30, s15;
	v63 =	vadd.s32 $0x4, v9;
	v41 =	vadd.s32 $0x5, v9;
	v23 =	vadd.s32 $0x2, v8;
	v11 =	vld.idx.msk [tilespmem:v11+s9+$0x0], $0xffff  }
0xda: {  	v26 =	vadd.s32 $0x2, v7;
	v56 =	vadd.s32 $0x3, v7;
	v2 =	vor.u32 s31, v0;
	v58 =	vld.idx.msk [tilespmem:v53+s9+$0x0], $0xffff  }
0xdb: {  	v43 =	vadd.s32 $0x5, v8;
	v45 =	vadd.s32 $0x5, v7;
	v6 =	vmul.u32 $0x41, v2;
	v38 =	vld.idx.msk [tilespmem:v34+s9+$0x0], $0xffff  }
0xdc: {  	v40 =	vld.idx.msk [tilespmem:v36+s9+$0x0], $0xffff;
	v53 =	vadd.s32 $0x6, v7;
	v34 =	vadd.s32 $0x8, v9;
	v36 =	vadd.s32 $0x8, v8  }
0xdd: {  	v14 =	vld.idx.msk [tilespmem:v14+s9+$0x0], $0xffff;
	v2 =	vshll.u32 v2, $0x7;
	v17 =	vadd.s32 $0x1, v6;
	v28 =	vadd.s32 $0x2, v6  }
0xde: {  	v35 =	vld.idx.msk [tilespmem:v63+s9+$0x0], $0xffff;
	v60 =	vadd.s32 $0x3, v6;
	v39 =	vadd.s32 $0x4, v6;
	v63 =	vadd.s32 $0x7, v6  }
0xdf: {  	vm0 =	vgt.f32 v12, v10;
	vm1 =	vlt.f32 v12, $-Inf;
	vm2 =	vgt.f32 v12, $-Inf  }
0xe0: {  	vm3 =	vmneg vm0;
	vm1 =	vmor vm2, vm1;
	vm13 =	vgt.f32 v11, v13  }
0xe1: {  	vm14 =	vlt.f32 v11, $-Inf;
	vm4 =	vgt.f32 v11, $-Inf;
	v20 =	vsel vm0, $0x1, v1  }
0xe2: {  	vm8 =	vgt.f32 v14, v15;
	vm9 =	vlt.f32 v14, $-Inf;
	vm10 =	vgt.f32 v14, $-Inf  }
0xe3: {  	v19 =	vld.idx.msk [tilespmem:v19+s9+$0x0], $0xffff;
	v16 =	vnsel vm1, $0xFF800000, v12;
	vm1 =	vmand vm3, vm1;
	vm15 =	vmneg vm13  }
0xe4: {  	v23 =	vld.idx.msk [tilespmem:v23+s9+$0x0], $0xffff;
	vm2 =	vmor vm4, vm14;
	vm5 =	vmneg vm8;
	v24 =	vsel vm13, $0x1, v1  }
0xe5: {  	v49 =	vsel vm8, $0x1, v1;
	v16 =	vsel vm3, v16, v10;
	v18 =	vsel vm1, $0x1, v1  }
0xe6: {  	v10 =	vsel vm3, v10, v12;
	v47 =	vnsel vm2, $0xFF800000, v11;
	vm2 =	vmand vm15, vm2  }
0xe7: {  	v11 =	vsel vm15, v13, v11;
	v12 =	vsel vm15, v47, v13;
	v21 =	vsel vm2, $0x1, v1  }
0xe8: {  	vm2 =	vmor vm10, vm9;
	vm15 =	vgt.f32 v19, v16;
	vm4 =	vgt.f32 v19, v10  }
0xe9: {  	v26 =	vld.idx.msk [tilespmem:v26+s9+$0x0], $0xffff;
	vm6 =	vgt.f32 v23, v11;
	v47 =	vadd.s32 $0x5, v6;
	v48 =	vnsel vm2, $0xFF800000, v14  }
0xea: {  	v17 =	vld.idx.msk [tilespmem:v17+s9+$0x0], $0xffff;
	vm2 =	vmand vm5, vm2;
	v14 =	vsel vm5, v15, v14;
	v16 =	vsel vm15, v19, v16  }
0xeb: {  	v22 =	vld.idx.msk [tilespmem:v6+s9+$0x0], $0xffff;
	v18 =	vsel vm15, $0x2, v18;
	v51 =	vsel vm4, $0x2, v20;
	v54 =	vsel vm6, $0x2, v24  }
0xec: {  	v13 =	vsel vm5, v48, v15;
	v25 =	vsel vm2, $0x1, v1;
	v16 =	vsel vm4, v10, v16  }
0xed: {  	v18 =	vsel vm4, v20, v18;
	v10 =	vsel vm4, v19, v10;
	vm5 =	vgt.f32 v23, v12  }
0xee: {  	vm8 =	vgt.f32 v26, v14;
	v12 =	vsel vm5, v23, v12;
	v21 =	vsel vm5, $0x2, v21  }
0xef: {  	v55 =	vld.idx.msk [tilespmem:v30+s9+$0x0], $0xffff;
	vm7 =	vgt.f32 v26, v13;
	v15 =	vsel vm8, $0x2, v49;
	vm11 =	vlt.f32 v17, $-Inf  }
0xf0: {  	vm12 =	vgt.f32 v17, $-Inf;
	vm13 =	vgt.f32 v17, v22;
	v12 =	vsel vm6, v11, v12  }
0xf1: {  	v21 =	vsel vm6, v24, v21;
	v11 =	vsel vm6, v23, v11;
	v13 =	vsel vm7, v26, v13  }
0xf2: {  	v25 =	vsel vm7, $0x2, v25;
	vm1 =	vmor vm12, vm11;
	vm14 =	vmneg vm13  }
0xf3: {  	v62 =	vld.idx.msk [tilespmem:v56+s9+$0x0], $0xffff;
	v50 =	vsel vm13, $0x1, v1;
	v13 =	vsel vm8, v14, v13;
	v25 =	vsel vm8, v49, v25  }
0xf4: {  	v52 =	vld.idx.msk [tilespmem:v28+s9+$0x0], $0xffff;
	v14 =	vsel vm8, v26, v14;
	vm11 =	vgt.f32 v55, v16;
	vm12 =	vgt.f32 v55, v10  }
0xf5: {  	vm13 =	vgt.f32 v58, v12;
	v49 =	vadd.s32 $0x6, v9;
	v27 =	vnsel vm1, $0xFF800000, v17  }
0xf6: {  	vm1 =	vmand vm14, vm1;
	v17 =	vsel vm14, v22, v17;
	v16 =	vsel vm11, v55, v16  }
0xf7: {  	v18 =	vsel vm11, $0x3, v18;
	v19 =	vsel vm12, $0x3, v51;
	v12 =	vsel vm13, v58, v12  }
0xf8: {  	v21 =	vsel vm13, $0x3, v21;
	vm15 =	vgt.f32 v62, v13;
	vm4 =	vgt.f32 v62, v14  }
0xf9: {  	v27 =	vsel vm14, v27, v22;
	v29 =	vsel vm1, $0x1, v1;
	vm10 =	vgt.f32 v52, v17  }
0xfa: {  	v16 =	vsel vm12, v10, v16;
	v18 =	vsel vm12, v51, v18;
	v10 =	vsel vm12, v55, v10  }
0xfb: {  	vm14 =	vgt.f32 v58, v11;
	v13 =	vsel vm15, v62, v13;
	v25 =	vsel vm15, $0x3, v25  }
0xfc: {  	v51 =	vadd.s32 $0x6, v8;
	v55 =	vadd.s32 $0x6, v6;
	vm9 =	vgt.f32 v52, v27  }
0xfd: {  	v61 =	vsel vm10, $0x2, v50;
	v12 =	vsel vm14, v11, v12;
	v21 =	vsel vm14, v54, v21  }
0xfe: {  	v11 =	vsel vm14, v58, v11;
	v23 =	vsel vm14, $0x3, v54;
	v13 =	vsel vm4, v14, v13  }
0xff: {  	v25 =	vsel vm4, v15, v25;
	v14 =	vsel vm4, v62, v14;
	v15 =	vsel vm4, $0x3, v15  }
0x100: {  	vm7 =	vgt.f32 v35, v16;
	vm8 =	vgt.f32 v35, v10;
	v57 =	vsel vm9, v52, v27  }
0x101: {  	v59 =	vsel vm9, $0x2, v29;
	v16 =	vsel vm7, v35, v16;
	v18 =	vsel vm7, $0x4, v18  }
0x102: {  	v33 =	vld.idx.msk [tilespmem:v60+s9+$0x0], $0xffff;
	vm9 =	vgt.f32 v38, v12;
	vm11 =	vgt.f32 v40, v13;
	vm12 =	vgt.f32 v40, v14  }
0x103: {  	v26 =	vsel vm10, v17, v57;
	v28 =	vsel vm10, v50, v59;
	v17 =	vsel vm10, v52, v17  }
0x104: {  	v16 =	vsel vm8, v10, v16;
	v18 =	vsel vm8, v19, v18;
	v10 =	vsel vm8, v35, v10  }
0x105: {  	v19 =	vsel vm8, $0x4, v19;
	vm10 =	vgt.f32 v38, v11;
	v12 =	vsel vm9, v38, v12  }
0x106: {  	v44 =	vld.idx.msk [tilespmem:v41+s9+$0x0], $0xffff;
	v21 =	vsel vm9, $0x4, v21;
	v13 =	vsel vm11, v40, v13;
	v25 =	vsel vm11, $0x4, v25  }
0x107: {  	v57 =	vadd.s32 $0x7, v9;
	v59 =	vadd.s32 $0x7, v8;
	vm5 =	vgt.f32 v33, v26  }
0x108: {  	v46 =	vld.idx.msk [tilespmem:v43+s9+$0x0], $0xffff;
	vm6 =	vgt.f32 v33, v17;
	v12 =	vsel vm10, v11, v12;
	v21 =	vsel vm10, v23, v21  }
0x109: {  	v48 =	vld.idx.msk [tilespmem:v45+s9+$0x0], $0xffff;
	v11 =	vsel vm10, v38, v11;
	v23 =	vsel vm10, $0x4, v23;
	v13 =	vsel vm12, v14, v13  }
0x10a: {  	v25 =	vsel vm12, v15, v25;
	v14 =	vsel vm12, v40, v14;
	v15 =	vsel vm12, $0x4, v15  }
0x10b: {  	vm15 =	vgt.f32 v44, v16;
	vm4 =	vgt.f32 v44, v10;
	v38 =	vadd.s32 $0x8, v7  }
0x10c: {  	v40 =	vadd.s32 $0x8, v6;
	v37 =	vsel vm5, v33, v26;
	v28 =	vsel vm5, $0x3, v28  }
0x10d: {  	v20 =	vsel vm6, $0x3, v61;
	v16 =	vsel vm15, v44, v16;
	v18 =	vsel vm15, $0x5, v18  }
0x10e: {  	v42 =	vld.idx.msk [tilespmem:v39+s9+$0x0], $0xffff;
	vm5 =	vgt.f32 v46, v12;
	vm7 =	vgt.f32 v48, v13;
	vm8 =	vgt.f32 v48, v14  }
0x10f: {  	v22 =	vsel vm6, v17, v37;
	v28 =	vsel vm6, v61, v28;
	v17 =	vsel vm6, v33, v17  }
0x110: {  	v16 =	vsel vm4, v10, v16;
	v18 =	vsel vm4, v19, v18;
	v10 =	vsel vm4, v44, v10  }
0x111: {  	v19 =	vsel vm4, $0x5, v19;
	vm6 =	vgt.f32 v46, v11;
	v12 =	vsel vm5, v46, v12  }
0x112: {  	v21 =	vsel vm5, $0x5, v21;
	v13 =	vsel vm7, v48, v13;
	v25 =	vsel vm7, $0x5, v25  }
0x113: {  	v52 =	vld.idx.msk [tilespmem:v49+s9+$0x0], $0xffff;
	v61 =	vadd.s32 $0x7, v7;
	v44 =	vadd.s32 $0x9, v8;
	vm13 =	vgt.f32 v42, v22  }
0x114: {  	v56 =	vld.idx.msk [tilespmem:v53+s9+$0x0], $0xffff;
	vm14 =	vgt.f32 v42, v17;
	v12 =	vsel vm6, v11, v12;
	v21 =	vsel vm6, v23, v21  }
0x115: {  	v11 =	vsel vm6, v46, v11;
	v23 =	vsel vm6, $0x5, v23;
	v13 =	vsel vm8, v14, v13  }
0x116: {  	v25 =	vsel vm8, v15, v25;
	v14 =	vsel vm8, v48, v14;
	v15 =	vsel vm8, $0x5, v15  }
0x117: {  	v50 =	vld.idx.msk [tilespmem:v47+s9+$0x0], $0xffff;
	v46 =	vadd.s32 $0x9, v7;
	v48 =	vadd.s32 $0x9, v6;
	v22 =	vsel vm13, v42, v22  }
0x118: {  	v28 =	vsel vm13, $0x4, v28;
	vm11 =	vgt.f32 v52, v16;
	vm12 =	vgt.f32 v52, v10  }
0x119: {  	v54 =	vld.idx.msk [tilespmem:v51+s9+$0x0], $0xffff;
	vm15 =	vgt.f32 v56, v13;
	vm4 =	vgt.f32 v56, v14;
	v22 =	vsel vm14, v17, v22  }
0x11a: {  	v28 =	vsel vm14, v20, v28;
	v17 =	vsel vm14, v42, v17;
	v20 =	vsel vm14, $0x4, v20  }
0x11b: {  	v16 =	vsel vm11, v52, v16;
	v18 =	vsel vm11, $0x6, v18;
	v13 =	vsel vm15, v56, v13  }
0x11c: {  	v25 =	vsel vm15, $0x6, v25;
	v42 =	vadd.s32 $0x9, v9;
	vm9 =	vgt.f32 v50, v22  }
0x11d: {  	vm10 =	vgt.f32 v50, v17;
	v16 =	vsel vm12, v10, v16;
	v18 =	vsel vm12, v19, v18  }
0x11e: {  	v10 =	vsel vm12, v52, v10;
	vm13 =	vgt.f32 v54, v12;
	v19 =	vsel vm12, $0x6, v19  }
0x11f: {  	vm14 =	vgt.f32 v54, v11;
	v13 =	vsel vm4, v14, v13;
	v25 =	vsel vm4, v15, v25  }
0x120: {  	v58 =	vld.idx.msk [tilespmem:v55+s9+$0x0], $0xffff;
	v14 =	vsel vm4, v56, v14;
	v15 =	vsel vm4, $0x6, v15;
	v52 =	vadd.s32 $0xA, v8  }
0x121: {  	v60 =	vld.idx.msk [tilespmem:v57+s9+$0x0], $0xffff;
	v56 =	vadd.s32 $0xA, v6;
	v22 =	vsel vm9, v50, v22;
	v28 =	vsel vm9, $0x5, v28  }
0x122: {  	v62 =	vld.idx.msk [tilespmem:v59+s9+$0x0], $0xffff;
	v12 =	vsel vm13, v54, v12;
	v21 =	vsel vm13, $0x6, v21;
	v22 =	vsel vm10, v17, v22  }
0x123: {  	v28 =	vsel vm10, v20, v28;
	v17 =	vsel vm10, v50, v17;
	v20 =	vsel vm10, $0x5, v20  }
0x124: {  	v12 =	vsel vm14, v11, v12;
	v21 =	vsel vm14, v23, v21;
	v11 =	vsel vm14, v54, v11  }
0x125: {  	v23 =	vsel vm14, $0x6, v23;
	v50 =	vadd.s32 $0xA, v9;
	v54 =	vadd.s32 $0xA, v7  }
0x126: {  	vm5 =	vgt.f32 v58, v22;
	vm6 =	vgt.f32 v58, v17;
	vm7 =	vgt.f32 v60, v16  }
0x127: {  	vm8 =	vgt.f32 v60, v10;
	vm9 =	vgt.f32 v62, v12;
	vm10 =	vgt.f32 v62, v11  }
0x128: {  	v22 =	vsel vm5, v58, v22;
	v28 =	vsel vm5, $0x6, v28;
	v16 =	vsel vm7, v60, v16  }
0x129: {  	v35 =	vld.idx.msk [tilespmem:v63+s9+$0x0], $0xffff;
	v18 =	vsel vm7, $0x7, v18;
	v12 =	vsel vm9, v62, v12;
	v21 =	vsel vm9, $0x7, v21  }
0x12a: {  	v33 =	vld.idx.msk [tilespmem:v61+s9+$0x0], $0xffff;
	v22 =	vsel vm6, v17, v22;
	v28 =	vsel vm6, v20, v28;
	v17 =	vsel vm6, v58, v17  }
0x12b: {  	v37 =	vld.idx.msk [tilespmem:v34+s9+$0x0], $0xffff;
	v20 =	vsel vm6, $0x6, v20;
	v16 =	vsel vm8, v10, v16;
	v18 =	vsel vm8, v19, v18  }
0x12c: {  	v39 =	vld.idx.msk [tilespmem:v36+s9+$0x0], $0xffff;
	v10 =	vsel vm8, v60, v10;
	v19 =	vsel vm8, $0x7, v19;
	v12 =	vsel vm10, v11, v12  }
0x12d: {  	v21 =	vsel vm10, v23, v21;
	v11 =	vsel vm10, v62, v11;
	v23 =	vsel vm10, $0x7, v23  }
0x12e: {  	v58 =	vadd.s32 $0xB, v9;
	v60 =	vadd.s32 $0xB, v8;
	v62 =	vadd.s32 $0xB, v7  }
0x12f: {  	vm11 =	vgt.f32 v33, v13;
	vm12 =	vgt.f32 v33, v14;
	vm13 =	vgt.f32 v35, v22  }
0x130: {  	vm14 =	vgt.f32 v35, v17;
	vm15 =	vgt.f32 v37, v16;
	vm4 =	vgt.f32 v37, v10  }
0x131: {  	vm5 =	vgt.f32 v39, v12;
	vm6 =	vgt.f32 v39, v11;
	v13 =	vsel vm11, v33, v13  }
0x132: {  	v25 =	vsel vm11, $0x7, v25;
	v22 =	vsel vm13, v35, v22;
	v28 =	vsel vm13, $0x7, v28  }
0x133: {  	v16 =	vsel vm15, v37, v16;
	v18 =	vsel vm15, $0x8, v18;
	v12 =	vsel vm5, v39, v12  }
0x134: {  	v21 =	vsel vm5, $0x8, v21;
	v13 =	vsel vm12, v14, v13;
	v25 =	vsel vm12, v15, v25  }
0x135: {  	v41 =	vld.idx.msk [tilespmem:v38+s9+$0x0], $0xffff;
	v14 =	vsel vm12, v33, v14;
	v15 =	vsel vm12, $0x7, v15;
	v22 =	vsel vm14, v17, v22  }
0x136: {  	v43 =	vld.idx.msk [tilespmem:v40+s9+$0x0], $0xffff;
	v28 =	vsel vm14, v20, v28;
	v17 =	vsel vm14, v35, v17;
	v20 =	vsel vm14, $0x7, v20  }
0x137: {  	v45 =	vld.idx.msk [tilespmem:v42+s9+$0x0], $0xffff;
	v16 =	vsel vm4, v10, v16;
	v18 =	vsel vm4, v19, v18;
	v10 =	vsel vm4, v37, v10  }
0x138: {  	v47 =	vld.idx.msk [tilespmem:v44+s9+$0x0], $0xffff;
	v19 =	vsel vm4, $0x8, v19;
	v12 =	vsel vm6, v11, v12;
	v21 =	vsel vm6, v23, v21  }
0x139: {  	v11 =	vsel vm6, v39, v11;
	v23 =	vsel vm6, $0x8, v23;
	v33 =	vadd.s32 $0xB, v6  }
0x13a: {  	v35 =	vadd.s32 $0xC, v9;
	v37 =	vadd.s32 $0xC, v8;
	v39 =	vadd.s32 $0xC, v7  }
0x13b: {  	vm7 =	vgt.f32 v41, v13;
	vm8 =	vgt.f32 v41, v14;
	vm9 =	vgt.f32 v43, v22  }
0x13c: {  	vm10 =	vgt.f32 v43, v17;
	vm11 =	vgt.f32 v45, v16;
	vm12 =	vgt.f32 v45, v10  }
0x13d: {  	vm13 =	vgt.f32 v47, v12;
	vm14 =	vgt.f32 v47, v11;
	v13 =	vsel vm7, v41, v13  }
0x13e: {  	v25 =	vsel vm7, $0x8, v25;
	v22 =	vsel vm9, v43, v22;
	v28 =	vsel vm9, $0x8, v28  }
0x13f: {  	v16 =	vsel vm11, v45, v16;
	v18 =	vsel vm11, $0x9, v18;
	v12 =	vsel vm13, v47, v12  }
0x140: {  	v21 =	vsel vm13, $0x9, v21;
	v13 =	vsel vm8, v14, v13;
	v25 =	vsel vm8, v15, v25  }
0x141: {  	v49 =	vld.idx.msk [tilespmem:v46+s9+$0x0], $0xffff;
	v14 =	vsel vm8, v41, v14;
	v15 =	vsel vm8, $0x8, v15;
	v22 =	vsel vm10, v17, v22  }
0x142: {  	v51 =	vld.idx.msk [tilespmem:v48+s9+$0x0], $0xffff;
	v28 =	vsel vm10, v20, v28;
	v17 =	vsel vm10, v43, v17;
	v20 =	vsel vm10, $0x8, v20  }
0x143: {  	v53 =	vld.idx.msk [tilespmem:v50+s9+$0x0], $0xffff;
	v16 =	vsel vm12, v10, v16;
	v18 =	vsel vm12, v19, v18;
	v10 =	vsel vm12, v45, v10  }
0x144: {  	v55 =	vld.idx.msk [tilespmem:v52+s9+$0x0], $0xffff;
	v19 =	vsel vm12, $0x9, v19;
	v12 =	vsel vm14, v11, v12;
	v21 =	vsel vm14, v23, v21  }
0x145: {  	v11 =	vsel vm14, v47, v11;
	v23 =	vsel vm14, $0x9, v23;
	v41 =	vadd.s32 $0xC, v6  }
0x146: {  	v43 =	vadd.s32 $0xD, v9;
	v45 =	vadd.s32 $0xD, v8;
	v47 =	vadd.s32 $0xD, v7  }
0x147: {  	vm15 =	vgt.f32 v49, v13;
	vm4 =	vgt.f32 v49, v14;
	vm5 =	vgt.f32 v51, v22  }
0x148: {  	vm6 =	vgt.f32 v51, v17;
	vm7 =	vgt.f32 v53, v16;
	vm8 =	vgt.f32 v53, v10  }
0x149: {  	vm9 =	vgt.f32 v55, v12;
	vm10 =	vgt.f32 v55, v11;
	v13 =	vsel vm15, v49, v13  }
0x14a: {  	v25 =	vsel vm15, $0x9, v25;
	v22 =	vsel vm5, v51, v22;
	v28 =	vsel vm5, $0x9, v28  }
0x14b: {  	v16 =	vsel vm7, v53, v16;
	v18 =	vsel vm7, $0xA, v18;
	v12 =	vsel vm9, v55, v12  }
0x14c: {  	v21 =	vsel vm9, $0xA, v21;
	v13 =	vsel vm4, v14, v13;
	v25 =	vsel vm4, v15, v25  }
0x14d: {  	v59 =	vld.idx.msk [tilespmem:v56+s9+$0x0], $0xffff;
	v14 =	vsel vm4, v49, v14;
	v15 =	vsel vm4, $0x9, v15;
	v22 =	vsel vm6, v17, v22  }
0x14e: {  	v57 =	vld.idx.msk [tilespmem:v54+s9+$0x0], $0xffff;
	v28 =	vsel vm6, v20, v28;
	v17 =	vsel vm6, v51, v17;
	v20 =	vsel vm6, $0x9, v20  }
0x14f: {  	v61 =	vld.idx.msk [tilespmem:v58+s9+$0x0], $0xffff;
	v16 =	vsel vm8, v10, v16;
	v18 =	vsel vm8, v19, v18;
	v10 =	vsel vm8, v53, v10  }
0x150: {  	v63 =	vld.idx.msk [tilespmem:v60+s9+$0x0], $0xffff;
	v19 =	vsel vm8, $0xA, v19;
	v12 =	vsel vm10, v11, v12;
	v21 =	vsel vm10, v23, v21  }
0x151: {  	v11 =	vsel vm10, v55, v11;
	v23 =	vsel vm10, $0xA, v23;
	v49 =	vadd.s32 $0xD, v6  }
0x152: {  	v51 =	vadd.s32 $0xE, v9;
	v53 =	vadd.s32 $0xE, v8;
	v55 =	vadd.s32 $0xE, v7  }
0x153: {  	vm11 =	vgt.f32 v57, v13;
	vm12 =	vgt.f32 v57, v14;
	vm13 =	vgt.f32 v59, v22  }
0x154: {  	vm14 =	vgt.f32 v59, v17;
	vm15 =	vgt.f32 v61, v16;
	vm4 =	vgt.f32 v61, v10  }
0x155: {  	vm5 =	vgt.f32 v63, v12;
	vm6 =	vgt.f32 v63, v11;
	v13 =	vsel vm11, v57, v13  }
0x156: {  	v25 =	vsel vm11, $0xA, v25;
	v22 =	vsel vm13, v59, v22;
	v28 =	vsel vm13, $0xA, v28  }
0x157: {  	v16 =	vsel vm15, v61, v16;
	v18 =	vsel vm15, $0xB, v18;
	v12 =	vsel vm5, v63, v12  }
0x158: {  	v21 =	vsel vm5, $0xB, v21;
	v13 =	vsel vm12, v14, v13;
	v25 =	vsel vm12, v15, v25  }
0x159: {  	v34 =	vld.idx.msk [tilespmem:v62+s9+$0x0], $0xffff;
	v14 =	vsel vm12, v57, v14;
	v15 =	vsel vm12, $0xA, v15;
	v22 =	vsel vm14, v17, v22  }
0x15a: {  	v36 =	vld.idx.msk [tilespmem:v33+s9+$0x0], $0xffff;
	v28 =	vsel vm14, v20, v28;
	v17 =	vsel vm14, v59, v17;
	v20 =	vsel vm14, $0xA, v20  }
0x15b: {  	v38 =	vld.idx.msk [tilespmem:v35+s9+$0x0], $0xffff;
	v16 =	vsel vm4, v10, v16;
	v18 =	vsel vm4, v19, v18;
	v10 =	vsel vm4, v61, v10  }
0x15c: {  	v40 =	vld.idx.msk [tilespmem:v37+s9+$0x0], $0xffff;
	v19 =	vsel vm4, $0xB, v19;
	v12 =	vsel vm6, v11, v12;
	v21 =	vsel vm6, v23, v21  }
0x15d: {  	v11 =	vsel vm6, v63, v11;
	v23 =	vsel vm6, $0xB, v23;
	v57 =	vadd.s32 $0xE, v6  }
0x15e: {  	v59 =	vadd.s32 $0xF, v9;
	v61 =	vadd.s32 $0xF, v8;
	v63 =	vadd.s32 $0xF, v7  }
0x15f: {  	vm7 =	vgt.f32 v34, v13;
	vm8 =	vgt.f32 v34, v14;
	vm9 =	vgt.f32 v36, v22  }
0x160: {  	vm10 =	vgt.f32 v36, v17;
	vm11 =	vgt.f32 v38, v16;
	vm12 =	vgt.f32 v38, v10  }
0x161: {  	vm13 =	vgt.f32 v40, v12;
	vm14 =	vgt.f32 v40, v11;
	v13 =	vsel vm7, v34, v13  }
0x162: {  	v25 =	vsel vm7, $0xB, v25;
	v22 =	vsel vm9, v36, v22;
	v28 =	vsel vm9, $0xB, v28  }
0x163: {  	v16 =	vsel vm11, v38, v16;
	v18 =	vsel vm11, $0xC, v18;
	v12 =	vsel vm13, v40, v12  }
0x164: {  	v21 =	vsel vm13, $0xC, v21;
	v13 =	vsel vm8, v14, v13;
	v25 =	vsel vm8, v15, v25  }
0x165: {  	v42 =	vld.idx.msk [tilespmem:v39+s9+$0x0], $0xffff;
	v14 =	vsel vm8, v34, v14;
	v15 =	vsel vm8, $0xB, v15;
	v22 =	vsel vm10, v17, v22  }
0x166: {  	v44 =	vld.idx.msk [tilespmem:v41+s9+$0x0], $0xffff;
	v28 =	vsel vm10, v20, v28;
	v17 =	vsel vm10, v36, v17;
	v20 =	vsel vm10, $0xB, v20  }
0x167: {  	v46 =	vld.idx.msk [tilespmem:v43+s9+$0x0], $0xffff;
	v16 =	vsel vm12, v10, v16;
	v18 =	vsel vm12, v19, v18;
	v10 =	vsel vm12, v38, v10  }
0x168: {  	v48 =	vld.idx.msk [tilespmem:v45+s9+$0x0], $0xffff;
	v19 =	vsel vm12, $0xC, v19;
	v12 =	vsel vm14, v11, v12;
	v21 =	vsel vm14, v23, v21  }
0x169: {  	v11 =	vsel vm14, v40, v11;
	v23 =	vsel vm14, $0xC, v23;
	v34 =	vadd.s32 $0xF, v6  }
0x16a: {  	v36 =	vadd.s32 $0x10, v9;
	v38 =	vadd.s32 $0x10, v8;
	v40 =	vadd.s32 $0x10, v7  }
0x16b: {  	vm15 =	vgt.f32 v42, v13;
	vm4 =	vgt.f32 v42, v14;
	vm5 =	vgt.f32 v44, v22  }
0x16c: {  	vm6 =	vgt.f32 v44, v17;
	vm7 =	vgt.f32 v46, v16;
	vm8 =	vgt.f32 v46, v10  }
0x16d: {  	vm9 =	vgt.f32 v48, v12;
	vm10 =	vgt.f32 v48, v11;
	v13 =	vsel vm15, v42, v13  }
0x16e: {  	v25 =	vsel vm15, $0xC, v25;
	v22 =	vsel vm5, v44, v22;
	v28 =	vsel vm5, $0xC, v28  }
0x16f: {  	v16 =	vsel vm7, v46, v16;
	v18 =	vsel vm7, $0xD, v18;
	v12 =	vsel vm9, v48, v12  }
0x170: {  	v21 =	vsel vm9, $0xD, v21;
	v13 =	vsel vm4, v14, v13;
	v25 =	vsel vm4, v15, v25  }
0x171: {  	v50 =	vld.idx.msk [tilespmem:v47+s9+$0x0], $0xffff;
	v14 =	vsel vm4, v42, v14;
	v15 =	vsel vm4, $0xC, v15;
	v22 =	vsel vm6, v17, v22  }
0x172: {  	v52 =	vld.idx.msk [tilespmem:v49+s9+$0x0], $0xffff;
	v28 =	vsel vm6, v20, v28;
	v17 =	vsel vm6, v44, v17;
	v20 =	vsel vm6, $0xC, v20  }
0x173: {  	v54 =	vld.idx.msk [tilespmem:v51+s9+$0x0], $0xffff;
	v16 =	vsel vm8, v10, v16;
	v18 =	vsel vm8, v19, v18;
	v10 =	vsel vm8, v46, v10  }
0x174: {  	v56 =	vld.idx.msk [tilespmem:v53+s9+$0x0], $0xffff;
	v19 =	vsel vm8, $0xD, v19;
	v12 =	vsel vm10, v11, v12;
	v21 =	vsel vm10, v23, v21  }
0x175: {  	v11 =	vsel vm10, v48, v11;
	v23 =	vsel vm10, $0xD, v23;
	v42 =	vadd.s32 $0x10, v6  }
0x176: {  	v44 =	vadd.s32 $0x11, v9;
	v46 =	vadd.s32 $0x11, v8;
	v48 =	vadd.s32 $0x11, v7  }
0x177: {  	vm11 =	vgt.f32 v50, v13;
	vm12 =	vgt.f32 v50, v14;
	vm13 =	vgt.f32 v52, v22  }
0x178: {  	vm14 =	vgt.f32 v52, v17;
	vm15 =	vgt.f32 v54, v16;
	vm4 =	vgt.f32 v54, v10  }
0x179: {  	vm5 =	vgt.f32 v56, v12;
	vm6 =	vgt.f32 v56, v11;
	v13 =	vsel vm11, v50, v13  }
0x17a: {  	v25 =	vsel vm11, $0xD, v25;
	v22 =	vsel vm13, v52, v22;
	v28 =	vsel vm13, $0xD, v28  }
0x17b: {  	v16 =	vsel vm15, v54, v16;
	v18 =	vsel vm15, $0xE, v18;
	v12 =	vsel vm5, v56, v12  }
0x17c: {  	v21 =	vsel vm5, $0xE, v21;
	v13 =	vsel vm12, v14, v13;
	v25 =	vsel vm12, v15, v25  }
0x17d: {  	v58 =	vld.idx.msk [tilespmem:v55+s9+$0x0], $0xffff;
	v14 =	vsel vm12, v50, v14;
	v15 =	vsel vm12, $0xD, v15;
	v22 =	vsel vm14, v17, v22  }
0x17e: {  	v60 =	vld.idx.msk [tilespmem:v57+s9+$0x0], $0xffff;
	v28 =	vsel vm14, v20, v28;
	v17 =	vsel vm14, v52, v17;
	v20 =	vsel vm14, $0xD, v20  }
0x17f: {  	v62 =	vld.idx.msk [tilespmem:v59+s9+$0x0], $0xffff;
	v16 =	vsel vm4, v10, v16;
	v18 =	vsel vm4, v19, v18;
	v10 =	vsel vm4, v54, v10  }
0x180: {  	v33 =	vld.idx.msk [tilespmem:v61+s9+$0x0], $0xffff;
	v19 =	vsel vm4, $0xE, v19;
	v12 =	vsel vm6, v11, v12;
	v21 =	vsel vm6, v23, v21  }
0x181: {  	v11 =	vsel vm6, v56, v11;
	v23 =	vsel vm6, $0xE, v23;
	v50 =	vadd.s32 $0x11, v6  }
0x182: {  	v52 =	vadd.s32 $0x12, v9;
	v54 =	vadd.s32 $0x12, v8;
	v56 =	vadd.s32 $0x12, v7  }
0x183: {  	vm7 =	vgt.f32 v58, v13;
	vm8 =	vgt.f32 v58, v14;
	vm9 =	vgt.f32 v60, v22  }
0x184: {  	vm10 =	vgt.f32 v60, v17;
	vm11 =	vgt.f32 v62, v16;
	vm12 =	vgt.f32 v62, v10  }
0x185: {  	vm13 =	vgt.f32 v33, v12;
	vm14 =	vgt.f32 v33, v11;
	v13 =	vsel vm7, v58, v13  }
0x186: {  	v25 =	vsel vm7, $0xE, v25;
	v22 =	vsel vm9, v60, v22;
	v28 =	vsel vm9, $0xE, v28  }
0x187: {  	v16 =	vsel vm11, v62, v16;
	v18 =	vsel vm11, $0xF, v18;
	v12 =	vsel vm13, v33, v12  }
0x188: {  	v21 =	vsel vm13, $0xF, v21;
	v13 =	vsel vm8, v14, v13;
	v25 =	vsel vm8, v15, v25  }
0x189: {  	v35 =	vld.idx.msk [tilespmem:v63+s9+$0x0], $0xffff;
	v14 =	vsel vm8, v58, v14;
	v15 =	vsel vm8, $0xE, v15;
	v22 =	vsel vm10, v17, v22  }
0x18a: {  	v37 =	vld.idx.msk [tilespmem:v34+s9+$0x0], $0xffff;
	v28 =	vsel vm10, v20, v28;
	v17 =	vsel vm10, v60, v17;
	v20 =	vsel vm10, $0xE, v20  }
0x18b: {  	v39 =	vld.idx.msk [tilespmem:v36+s9+$0x0], $0xffff;
	v16 =	vsel vm12, v10, v16;
	v18 =	vsel vm12, v19, v18;
	v10 =	vsel vm12, v62, v10  }
0x18c: {  	v41 =	vld.idx.msk [tilespmem:v38+s9+$0x0], $0xffff;
	v19 =	vsel vm12, $0xF, v19;
	v12 =	vsel vm14, v11, v12;
	v21 =	vsel vm14, v23, v21  }
0x18d: {  	v11 =	vsel vm14, v33, v11;
	v23 =	vsel vm14, $0xF, v23;
	v58 =	vadd.s32 $0x12, v6  }
0x18e: {  	v60 =	vadd.s32 $0x13, v9;
	v62 =	vadd.s32 $0x13, v8;
	v33 =	vadd.s32 $0x13, v7  }
0x18f: {  	vm15 =	vgt.f32 v35, v13;
	vm4 =	vgt.f32 v35, v14;
	vm5 =	vgt.f32 v37, v22  }
0x190: {  	vm6 =	vgt.f32 v37, v17;
	vm7 =	vgt.f32 v39, v16;
	vm8 =	vgt.f32 v39, v10  }
0x191: {  	vm9 =	vgt.f32 v41, v12;
	vm10 =	vgt.f32 v41, v11;
	v13 =	vsel vm15, v35, v13  }
0x192: {  	v25 =	vsel vm15, $0xF, v25;
	v22 =	vsel vm5, v37, v22;
	v28 =	vsel vm5, $0xF, v28  }
0x193: {  	v16 =	vsel vm7, v39, v16;
	v18 =	vsel vm7, $0x10, v18;
	v12 =	vsel vm9, v41, v12  }
0x194: {  	v21 =	vsel vm9, $0x10, v21;
	v13 =	vsel vm4, v14, v13;
	v25 =	vsel vm4, v15, v25  }
0x195: {  	v43 =	vld.idx.msk [tilespmem:v40+s9+$0x0], $0xffff;
	v14 =	vsel vm4, v35, v14;
	v15 =	vsel vm4, $0xF, v15;
	v22 =	vsel vm6, v17, v22  }
0x196: {  	v45 =	vld.idx.msk [tilespmem:v42+s9+$0x0], $0xffff;
	v28 =	vsel vm6, v20, v28;
	v17 =	vsel vm6, v37, v17;
	v20 =	vsel vm6, $0xF, v20  }
0x197: {  	v47 =	vld.idx.msk [tilespmem:v44+s9+$0x0], $0xffff;
	v16 =	vsel vm8, v10, v16;
	v18 =	vsel vm8, v19, v18;
	v10 =	vsel vm8, v39, v10  }
0x198: {  	v49 =	vld.idx.msk [tilespmem:v46+s9+$0x0], $0xffff;
	v19 =	vsel vm8, $0x10, v19;
	v12 =	vsel vm10, v11, v12;
	v21 =	vsel vm10, v23, v21  }
0x199: {  	v11 =	vsel vm10, v41, v11;
	v23 =	vsel vm10, $0x10, v23;
	v35 =	vadd.s32 $0x13, v6  }
0x19a: {  	v37 =	vadd.s32 $0x14, v9;
	v39 =	vadd.s32 $0x14, v8;
	v41 =	vadd.s32 $0x14, v7  }
0x19b: {  	vm11 =	vgt.f32 v43, v13;
	vm12 =	vgt.f32 v43, v14;
	vm13 =	vgt.f32 v45, v22  }
0x19c: {  	vm14 =	vgt.f32 v45, v17;
	vm15 =	vgt.f32 v47, v16;
	vm4 =	vgt.f32 v47, v10  }
0x19d: {  	vm5 =	vgt.f32 v49, v12;
	vm6 =	vgt.f32 v49, v11;
	v13 =	vsel vm11, v43, v13  }
0x19e: {  	v25 =	vsel vm11, $0x10, v25;
	v22 =	vsel vm13, v45, v22;
	v28 =	vsel vm13, $0x10, v28  }
0x19f: {  	v16 =	vsel vm15, v47, v16;
	v18 =	vsel vm15, $0x11, v18;
	v12 =	vsel vm5, v49, v12  }
0x1a0: {  	v21 =	vsel vm5, $0x11, v21;
	v13 =	vsel vm12, v14, v13;
	v25 =	vsel vm12, v15, v25  }
0x1a1: {  	v51 =	vld.idx.msk [tilespmem:v48+s9+$0x0], $0xffff;
	v14 =	vsel vm12, v43, v14;
	v15 =	vsel vm12, $0x10, v15;
	v22 =	vsel vm14, v17, v22  }
0x1a2: {  	v53 =	vld.idx.msk [tilespmem:v50+s9+$0x0], $0xffff;
	v28 =	vsel vm14, v20, v28;
	v17 =	vsel vm14, v45, v17;
	v20 =	vsel vm14, $0x10, v20  }
0x1a3: {  	v55 =	vld.idx.msk [tilespmem:v52+s9+$0x0], $0xffff;
	v16 =	vsel vm4, v10, v16;
	v18 =	vsel vm4, v19, v18;
	v10 =	vsel vm4, v47, v10  }
0x1a4: {  	v57 =	vld.idx.msk [tilespmem:v54+s9+$0x0], $0xffff;
	v19 =	vsel vm4, $0x11, v19;
	v12 =	vsel vm6, v11, v12;
	v21 =	vsel vm6, v23, v21  }
0x1a5: {  	v11 =	vsel vm6, v49, v11;
	v23 =	vsel vm6, $0x11, v23;
	v43 =	vadd.s32 $0x14, v6  }
0x1a6: {  	v45 =	vadd.s32 $0x15, v9;
	v47 =	vadd.s32 $0x15, v8;
	v49 =	vadd.s32 $0x15, v7  }
0x1a7: {  	vm7 =	vgt.f32 v51, v13;
	vm8 =	vgt.f32 v51, v14;
	vm9 =	vgt.f32 v53, v22  }
0x1a8: {  	vm10 =	vgt.f32 v53, v17;
	vm11 =	vgt.f32 v55, v16;
	vm12 =	vgt.f32 v55, v10  }
0x1a9: {  	vm13 =	vgt.f32 v57, v12;
	vm14 =	vgt.f32 v57, v11;
	v13 =	vsel vm7, v51, v13  }
0x1aa: {  	v25 =	vsel vm7, $0x11, v25;
	v22 =	vsel vm9, v53, v22;
	v28 =	vsel vm9, $0x11, v28  }
0x1ab: {  	v16 =	vsel vm11, v55, v16;
	v18 =	vsel vm11, $0x12, v18;
	v12 =	vsel vm13, v57, v12  }
0x1ac: {  	v21 =	vsel vm13, $0x12, v21;
	v13 =	vsel vm8, v14, v13;
	v25 =	vsel vm8, v15, v25  }
0x1ad: {  	v59 =	vld.idx.msk [tilespmem:v56+s9+$0x0], $0xffff;
	v14 =	vsel vm8, v51, v14;
	v15 =	vsel vm8, $0x11, v15;
	v22 =	vsel vm10, v17, v22  }
0x1ae: {  	v61 =	vld.idx.msk [tilespmem:v58+s9+$0x0], $0xffff;
	v28 =	vsel vm10, v20, v28;
	v17 =	vsel vm10, v53, v17;
	v20 =	vsel vm10, $0x11, v20  }
0x1af: {  	v63 =	vld.idx.msk [tilespmem:v60+s9+$0x0], $0xffff;
	v16 =	vsel vm12, v10, v16;
	v18 =	vsel vm12, v19, v18;
	v10 =	vsel vm12, v55, v10  }
0x1b0: {  	v34 =	vld.idx.msk [tilespmem:v62+s9+$0x0], $0xffff;
	v19 =	vsel vm12, $0x12, v19;
	v12 =	vsel vm14, v11, v12;
	v21 =	vsel vm14, v23, v21  }
0x1b1: {  	v11 =	vsel vm14, v57, v11;
	v23 =	vsel vm14, $0x12, v23;
	v51 =	vadd.s32 $0x15, v6  }
0x1b2: {  	v53 =	vadd.s32 $0x16, v9;
	v55 =	vadd.s32 $0x16, v8;
	v57 =	vadd.s32 $0x16, v7  }
0x1b3: {  	vm15 =	vgt.f32 v59, v13;
	vm4 =	vgt.f32 v59, v14;
	vm5 =	vgt.f32 v61, v22  }
0x1b4: {  	vm6 =	vgt.f32 v61, v17;
	vm7 =	vgt.f32 v63, v16;
	vm8 =	vgt.f32 v63, v10  }
0x1b5: {  	vm9 =	vgt.f32 v34, v12;
	vm10 =	vgt.f32 v34, v11;
	v13 =	vsel vm15, v59, v13  }
0x1b6: {  	v25 =	vsel vm15, $0x12, v25;
	v22 =	vsel vm5, v61, v22;
	v28 =	vsel vm5, $0x12, v28  }
0x1b7: {  	v16 =	vsel vm7, v63, v16;
	v18 =	vsel vm7, $0x13, v18;
	v12 =	vsel vm9, v34, v12  }
0x1b8: {  	v21 =	vsel vm9, $0x13, v21;
	v13 =	vsel vm4, v14, v13;
	v25 =	vsel vm4, v15, v25  }
0x1b9: {  	v36 =	vld.idx.msk [tilespmem:v33+s9+$0x0], $0xffff;
	v14 =	vsel vm4, v59, v14;
	v15 =	vsel vm4, $0x12, v15;
	v22 =	vsel vm6, v17, v22  }
0x1ba: {  	v38 =	vld.idx.msk [tilespmem:v35+s9+$0x0], $0xffff;
	v28 =	vsel vm6, v20, v28;
	v17 =	vsel vm6, v61, v17;
	v20 =	vsel vm6, $0x12, v20  }
0x1bb: {  	v40 =	vld.idx.msk [tilespmem:v37+s9+$0x0], $0xffff;
	v16 =	vsel vm8, v10, v16;
	v18 =	vsel vm8, v19, v18;
	v10 =	vsel vm8, v63, v10  }
0x1bc: {  	v42 =	vld.idx.msk [tilespmem:v39+s9+$0x0], $0xffff;
	v19 =	vsel vm8, $0x13, v19;
	v12 =	vsel vm10, v11, v12;
	v21 =	vsel vm10, v23, v21  }
0x1bd: {  	v11 =	vsel vm10, v34, v11;
	v23 =	vsel vm10, $0x13, v23;
	v59 =	vadd.s32 $0x16, v6  }
0x1be: {  	v61 =	vadd.s32 $0x17, v9;
	v63 =	vadd.s32 $0x17, v8;
	v34 =	vadd.s32 $0x17, v7  }
0x1bf: {  	vm11 =	vgt.f32 v36, v13;
	vm12 =	vgt.f32 v36, v14;
	vm13 =	vgt.f32 v38, v22  }
0x1c0: {  	vm14 =	vgt.f32 v38, v17;
	vm15 =	vgt.f32 v40, v16;
	vm4 =	vgt.f32 v40, v10  }
0x1c1: {  	vm5 =	vgt.f32 v42, v12;
	vm6 =	vgt.f32 v42, v11;
	v13 =	vsel vm11, v36, v13  }
0x1c2: {  	v25 =	vsel vm11, $0x13, v25;
	v22 =	vsel vm13, v38, v22;
	v28 =	vsel vm13, $0x13, v28  }
0x1c3: {  	v16 =	vsel vm15, v40, v16;
	v18 =	vsel vm15, $0x14, v18;
	v12 =	vsel vm5, v42, v12  }
0x1c4: {  	v21 =	vsel vm5, $0x14, v21;
	v13 =	vsel vm12, v14, v13;
	v25 =	vsel vm12, v15, v25  }
0x1c5: {  	v44 =	vld.idx.msk [tilespmem:v41+s9+$0x0], $0xffff;
	v14 =	vsel vm12, v36, v14;
	v15 =	vsel vm12, $0x13, v15;
	v22 =	vsel vm14, v17, v22  }
0x1c6: {  	v46 =	vld.idx.msk [tilespmem:v43+s9+$0x0], $0xffff;
	v28 =	vsel vm14, v20, v28;
	v17 =	vsel vm14, v38, v17;
	v20 =	vsel vm14, $0x13, v20  }
0x1c7: {  	v48 =	vld.idx.msk [tilespmem:v45+s9+$0x0], $0xffff;
	v16 =	vsel vm4, v10, v16;
	v18 =	vsel vm4, v19, v18;
	v10 =	vsel vm4, v40, v10  }
0x1c8: {  	v50 =	vld.idx.msk [tilespmem:v47+s9+$0x0], $0xffff;
	v19 =	vsel vm4, $0x14, v19;
	v12 =	vsel vm6, v11, v12;
	v21 =	vsel vm6, v23, v21  }
0x1c9: {  	v11 =	vsel vm6, v42, v11;
	v23 =	vsel vm6, $0x14, v23;
	v36 =	vadd.s32 $0x17, v6  }
0x1ca: {  	v38 =	vadd.s32 $0x18, v9;
	v40 =	vadd.s32 $0x18, v8;
	v42 =	vadd.s32 $0x18, v7  }
0x1cb: {  	vm7 =	vgt.f32 v44, v13;
	vm8 =	vgt.f32 v44, v14;
	vm9 =	vgt.f32 v46, v22  }
0x1cc: {  	vm10 =	vgt.f32 v46, v17;
	vm11 =	vgt.f32 v48, v16;
	vm12 =	vgt.f32 v48, v10  }
0x1cd: {  	vm13 =	vgt.f32 v50, v12;
	vm14 =	vgt.f32 v50, v11;
	v13 =	vsel vm7, v44, v13  }
0x1ce: {  	v25 =	vsel vm7, $0x14, v25;
	v22 =	vsel vm9, v46, v22;
	v28 =	vsel vm9, $0x14, v28  }
0x1cf: {  	v16 =	vsel vm11, v48, v16;
	v18 =	vsel vm11, $0x15, v18;
	v12 =	vsel vm13, v50, v12  }
0x1d0: {  	v21 =	vsel vm13, $0x15, v21;
	v13 =	vsel vm8, v14, v13;
	v25 =	vsel vm8, v15, v25  }
0x1d1: {  	v52 =	vld.idx.msk [tilespmem:v49+s9+$0x0], $0xffff;
	v14 =	vsel vm8, v44, v14;
	v15 =	vsel vm8, $0x14, v15;
	v22 =	vsel vm10, v17, v22  }
0x1d2: {  	v54 =	vld.idx.msk [tilespmem:v51+s9+$0x0], $0xffff;
	v28 =	vsel vm10, v20, v28;
	v17 =	vsel vm10, v46, v17;
	v20 =	vsel vm10, $0x14, v20  }
0x1d3: {  	v56 =	vld.idx.msk [tilespmem:v53+s9+$0x0], $0xffff;
	v16 =	vsel vm12, v10, v16;
	v18 =	vsel vm12, v19, v18;
	v10 =	vsel vm12, v48, v10  }
0x1d4: {  	v58 =	vld.idx.msk [tilespmem:v55+s9+$0x0], $0xffff;
	v19 =	vsel vm12, $0x15, v19;
	v12 =	vsel vm14, v11, v12;
	v21 =	vsel vm14, v23, v21  }
0x1d5: {  	v11 =	vsel vm14, v50, v11;
	v23 =	vsel vm14, $0x15, v23;
	v44 =	vadd.s32 $0x18, v6  }
0x1d6: {  	v46 =	vadd.s32 $0x19, v9;
	v48 =	vadd.s32 $0x19, v8;
	v50 =	vadd.s32 $0x19, v7  }
0x1d7: {  	vm15 =	vgt.f32 v52, v13;
	vm4 =	vgt.f32 v52, v14;
	vm5 =	vgt.f32 v54, v22  }
0x1d8: {  	vm6 =	vgt.f32 v54, v17;
	vm7 =	vgt.f32 v56, v16;
	vm8 =	vgt.f32 v56, v10  }
0x1d9: {  	vm9 =	vgt.f32 v58, v12;
	vm10 =	vgt.f32 v58, v11;
	v13 =	vsel vm15, v52, v13  }
0x1da: {  	v25 =	vsel vm15, $0x15, v25;
	v22 =	vsel vm5, v54, v22;
	v28 =	vsel vm5, $0x15, v28  }
0x1db: {  	v16 =	vsel vm7, v56, v16;
	v18 =	vsel vm7, $0x16, v18;
	v12 =	vsel vm9, v58, v12  }
0x1dc: {  	v21 =	vsel vm9, $0x16, v21;
	v13 =	vsel vm4, v14, v13;
	v25 =	vsel vm4, v15, v25  }
0x1dd: {  	v60 =	vld.idx.msk [tilespmem:v57+s9+$0x0], $0xffff;
	v14 =	vsel vm4, v52, v14;
	v15 =	vsel vm4, $0x15, v15;
	v22 =	vsel vm6, v17, v22  }
0x1de: {  	v62 =	vld.idx.msk [tilespmem:v59+s9+$0x0], $0xffff;
	v28 =	vsel vm6, v20, v28;
	v17 =	vsel vm6, v54, v17;
	v20 =	vsel vm6, $0x15, v20  }
0x1df: {  	v33 =	vld.idx.msk [tilespmem:v61+s9+$0x0], $0xffff;
	v16 =	vsel vm8, v10, v16;
	v18 =	vsel vm8, v19, v18;
	v10 =	vsel vm8, v56, v10  }
0x1e0: {  	v35 =	vld.idx.msk [tilespmem:v63+s9+$0x0], $0xffff;
	v19 =	vsel vm8, $0x16, v19;
	v12 =	vsel vm10, v11, v12;
	v21 =	vsel vm10, v23, v21  }
0x1e1: {  	v11 =	vsel vm10, v58, v11;
	v23 =	vsel vm10, $0x16, v23;
	v52 =	vadd.s32 $0x19, v6  }
0x1e2: {  	v54 =	vadd.s32 $0x1A, v9;
	v56 =	vadd.s32 $0x1A, v8;
	v58 =	vadd.s32 $0x1A, v7  }
0x1e3: {  	vm11 =	vgt.f32 v60, v13;
	vm12 =	vgt.f32 v60, v14;
	vm13 =	vgt.f32 v62, v22  }
0x1e4: {  	vm14 =	vgt.f32 v62, v17;
	vm15 =	vgt.f32 v33, v16;
	vm4 =	vgt.f32 v33, v10  }
0x1e5: {  	vm5 =	vgt.f32 v35, v12;
	vm6 =	vgt.f32 v35, v11;
	v13 =	vsel vm11, v60, v13  }
0x1e6: {  	v25 =	vsel vm11, $0x16, v25;
	v22 =	vsel vm13, v62, v22;
	v28 =	vsel vm13, $0x16, v28  }
0x1e7: {  	v16 =	vsel vm15, v33, v16;
	v18 =	vsel vm15, $0x17, v18;
	v12 =	vsel vm5, v35, v12  }
0x1e8: {  	v21 =	vsel vm5, $0x17, v21;
	v13 =	vsel vm12, v14, v13;
	v25 =	vsel vm12, v15, v25  }
0x1e9: {  	v37 =	vld.idx.msk [tilespmem:v34+s9+$0x0], $0xffff;
	v14 =	vsel vm12, v60, v14;
	v15 =	vsel vm12, $0x16, v15;
	v22 =	vsel vm14, v17, v22  }
0x1ea: {  	v39 =	vld.idx.msk [tilespmem:v36+s9+$0x0], $0xffff;
	v28 =	vsel vm14, v20, v28;
	v17 =	vsel vm14, v62, v17;
	v20 =	vsel vm14, $0x16, v20  }
0x1eb: {  	v41 =	vld.idx.msk [tilespmem:v38+s9+$0x0], $0xffff;
	v16 =	vsel vm4, v10, v16;
	v18 =	vsel vm4, v19, v18;
	v10 =	vsel vm4, v33, v10  }
0x1ec: {  	v43 =	vld.idx.msk [tilespmem:v40+s9+$0x0], $0xffff;
	v19 =	vsel vm4, $0x17, v19;
	v12 =	vsel vm6, v11, v12;
	v21 =	vsel vm6, v23, v21  }
0x1ed: {  	v11 =	vsel vm6, v35, v11;
	v23 =	vsel vm6, $0x17, v23;
	v60 =	vadd.s32 $0x1A, v6  }
0x1ee: {  	v62 =	vadd.s32 $0x1B, v9;
	v33 =	vadd.s32 $0x1B, v8;
	v35 =	vadd.s32 $0x1B, v7  }
0x1ef: {  	vm7 =	vgt.f32 v37, v13;
	vm8 =	vgt.f32 v37, v14;
	vm9 =	vgt.f32 v39, v22  }
0x1f0: {  	vm10 =	vgt.f32 v39, v17;
	vm11 =	vgt.f32 v41, v16;
	vm12 =	vgt.f32 v41, v10  }
0x1f1: {  	vm13 =	vgt.f32 v43, v12;
	vm14 =	vgt.f32 v43, v11;
	v13 =	vsel vm7, v37, v13  }
0x1f2: {  	v25 =	vsel vm7, $0x17, v25;
	v22 =	vsel vm9, v39, v22;
	v28 =	vsel vm9, $0x17, v28  }
0x1f3: {  	v16 =	vsel vm11, v41, v16;
	v18 =	vsel vm11, $0x18, v18;
	v12 =	vsel vm13, v43, v12  }
0x1f4: {  	v21 =	vsel vm13, $0x18, v21;
	v13 =	vsel vm8, v14, v13;
	v25 =	vsel vm8, v15, v25  }
0x1f5: {  	v45 =	vld.idx.msk [tilespmem:v42+s9+$0x0], $0xffff;
	v14 =	vsel vm8, v37, v14;
	v15 =	vsel vm8, $0x17, v15;
	v22 =	vsel vm10, v17, v22  }
0x1f6: {  	v47 =	vld.idx.msk [tilespmem:v44+s9+$0x0], $0xffff;
	v28 =	vsel vm10, v20, v28;
	v17 =	vsel vm10, v39, v17;
	v20 =	vsel vm10, $0x17, v20  }
0x1f7: {  	v49 =	vld.idx.msk [tilespmem:v46+s9+$0x0], $0xffff;
	v16 =	vsel vm12, v10, v16;
	v18 =	vsel vm12, v19, v18;
	v10 =	vsel vm12, v41, v10  }
0x1f8: {  	v51 =	vld.idx.msk [tilespmem:v48+s9+$0x0], $0xffff;
	v19 =	vsel vm12, $0x18, v19;
	v12 =	vsel vm14, v11, v12;
	v21 =	vsel vm14, v23, v21  }
0x1f9: {  	v11 =	vsel vm14, v43, v11;
	v23 =	vsel vm14, $0x18, v23;
	v37 =	vadd.s32 $0x1B, v6  }
0x1fa: {  	v39 =	vadd.s32 $0x1C, v9;
	v41 =	vadd.s32 $0x1C, v8;
	v43 =	vadd.s32 $0x1C, v7  }
0x1fb: {  	vm15 =	vgt.f32 v45, v13;
	vm4 =	vgt.f32 v45, v14;
	vm5 =	vgt.f32 v47, v22  }
0x1fc: {  	vm6 =	vgt.f32 v47, v17;
	vm7 =	vgt.f32 v49, v16;
	vm8 =	vgt.f32 v49, v10  }
0x1fd: {  	vm9 =	vgt.f32 v51, v12;
	vm10 =	vgt.f32 v51, v11;
	v13 =	vsel vm15, v45, v13  }
0x1fe: {  	v25 =	vsel vm15, $0x18, v25;
	v22 =	vsel vm5, v47, v22;
	v28 =	vsel vm5, $0x18, v28  }
0x1ff: {  	v16 =	vsel vm7, v49, v16;
	v18 =	vsel vm7, $0x19, v18;
	v12 =	vsel vm9, v51, v12  }
0x200: {  	v21 =	vsel vm9, $0x19, v21;
	v13 =	vsel vm4, v14, v13;
	v25 =	vsel vm4, v15, v25  }
0x201: {  	v53 =	vld.idx.msk [tilespmem:v50+s9+$0x0], $0xffff;
	v14 =	vsel vm4, v45, v14;
	v15 =	vsel vm4, $0x18, v15;
	v22 =	vsel vm6, v17, v22  }
0x202: {  	v55 =	vld.idx.msk [tilespmem:v52+s9+$0x0], $0xffff;
	v28 =	vsel vm6, v20, v28;
	v17 =	vsel vm6, v47, v17;
	v20 =	vsel vm6, $0x18, v20  }
0x203: {  	v57 =	vld.idx.msk [tilespmem:v54+s9+$0x0], $0xffff;
	v16 =	vsel vm8, v10, v16;
	v18 =	vsel vm8, v19, v18;
	v10 =	vsel vm8, v49, v10  }
0x204: {  	v59 =	vld.idx.msk [tilespmem:v56+s9+$0x0], $0xffff;
	v19 =	vsel vm8, $0x19, v19;
	v12 =	vsel vm10, v11, v12;
	v21 =	vsel vm10, v23, v21  }
0x205: {  	v11 =	vsel vm10, v51, v11;
	v23 =	vsel vm10, $0x19, v23;
	v45 =	vadd.s32 $0x1C, v6  }
0x206: {  	v47 =	vadd.s32 $0x1D, v9;
	v49 =	vadd.s32 $0x1D, v8;
	v51 =	vadd.s32 $0x1D, v7  }
0x207: {  	vm11 =	vgt.f32 v53, v13;
	vm12 =	vgt.f32 v53, v14;
	vm13 =	vgt.f32 v55, v22  }
0x208: {  	vm14 =	vgt.f32 v55, v17;
	vm15 =	vgt.f32 v57, v16;
	vm4 =	vgt.f32 v57, v10  }
0x209: {  	vm5 =	vgt.f32 v59, v12;
	vm6 =	vgt.f32 v59, v11;
	v13 =	vsel vm11, v53, v13  }
0x20a: {  	v25 =	vsel vm11, $0x19, v25;
	v22 =	vsel vm13, v55, v22;
	v28 =	vsel vm13, $0x19, v28  }
0x20b: {  	v16 =	vsel vm15, v57, v16;
	v18 =	vsel vm15, $0x1A, v18;
	v12 =	vsel vm5, v59, v12  }
0x20c: {  	v21 =	vsel vm5, $0x1A, v21;
	v13 =	vsel vm12, v14, v13;
	v25 =	vsel vm12, v15, v25  }
0x20d: {  	v61 =	vld.idx.msk [tilespmem:v58+s9+$0x0], $0xffff;
	v14 =	vsel vm12, v53, v14;
	v15 =	vsel vm12, $0x19, v15;
	v22 =	vsel vm14, v17, v22  }
0x20e: {  	v63 =	vld.idx.msk [tilespmem:v60+s9+$0x0], $0xffff;
	v28 =	vsel vm14, v20, v28;
	v17 =	vsel vm14, v55, v17;
	v20 =	vsel vm14, $0x19, v20  }
0x20f: {  	v34 =	vld.idx.msk [tilespmem:v62+s9+$0x0], $0xffff;
	v16 =	vsel vm4, v10, v16;
	v18 =	vsel vm4, v19, v18;
	v10 =	vsel vm4, v57, v10  }
0x210: {  	v36 =	vld.idx.msk [tilespmem:v33+s9+$0x0], $0xffff;
	v19 =	vsel vm4, $0x1A, v19;
	v12 =	vsel vm6, v11, v12;
	v21 =	vsel vm6, v23, v21  }
0x211: {  	v11 =	vsel vm6, v59, v11;
	v23 =	vsel vm6, $0x1A, v23;
	v53 =	vadd.s32 $0x1D, v6  }
0x212: {  	v55 =	vadd.s32 $0x1E, v9;
	v57 =	vadd.s32 $0x1E, v8;
	v59 =	vadd.s32 $0x1E, v7  }
0x213: {  	vm7 =	vgt.f32 v61, v13;
	vm8 =	vgt.f32 v61, v14;
	vm9 =	vgt.f32 v63, v22  }
0x214: {  	vm10 =	vgt.f32 v63, v17;
	vm11 =	vgt.f32 v34, v16;
	vm12 =	vgt.f32 v34, v10  }
0x215: {  	vm13 =	vgt.f32 v36, v12;
	vm14 =	vgt.f32 v36, v11;
	v13 =	vsel vm7, v61, v13  }
0x216: {  	v25 =	vsel vm7, $0x1A, v25;
	v22 =	vsel vm9, v63, v22;
	v28 =	vsel vm9, $0x1A, v28  }
0x217: {  	v16 =	vsel vm11, v34, v16;
	v18 =	vsel vm11, $0x1B, v18;
	v12 =	vsel vm13, v36, v12  }
0x218: {  	v21 =	vsel vm13, $0x1B, v21;
	v13 =	vsel vm8, v14, v13;
	v25 =	vsel vm8, v15, v25  }
0x219: {  	v38 =	vld.idx.msk [tilespmem:v35+s9+$0x0], $0xffff;
	v14 =	vsel vm8, v61, v14;
	v15 =	vsel vm8, $0x1A, v15;
	v22 =	vsel vm10, v17, v22  }
0x21a: {  	v40 =	vld.idx.msk [tilespmem:v37+s9+$0x0], $0xffff;
	v28 =	vsel vm10, v20, v28;
	v17 =	vsel vm10, v63, v17;
	v20 =	vsel vm10, $0x1A, v20  }
0x21b: {  	v42 =	vld.idx.msk [tilespmem:v39+s9+$0x0], $0xffff;
	v16 =	vsel vm12, v10, v16;
	v18 =	vsel vm12, v19, v18;
	v10 =	vsel vm12, v34, v10  }
0x21c: {  	v44 =	vld.idx.msk [tilespmem:v41+s9+$0x0], $0xffff;
	v19 =	vsel vm12, $0x1B, v19;
	v12 =	vsel vm14, v11, v12;
	v21 =	vsel vm14, v23, v21  }
0x21d: {  	v11 =	vsel vm14, v36, v11;
	v23 =	vsel vm14, $0x1B, v23;
	v61 =	vadd.s32 $0x1E, v6  }
0x21e: {  	v63 =	vadd.s32 $0x1F, v9;
	v34 =	vadd.s32 $0x1F, v8;
	v36 =	vadd.s32 $0x1F, v7  }
0x21f: {  	vm15 =	vgt.f32 v38, v13;
	vm4 =	vgt.f32 v38, v14;
	vm5 =	vgt.f32 v40, v22  }
0x220: {  	vm6 =	vgt.f32 v40, v17;
	vm7 =	vgt.f32 v42, v16;
	vm8 =	vgt.f32 v42, v10  }
0x221: {  	vm9 =	vgt.f32 v44, v12;
	vm10 =	vgt.f32 v44, v11;
	v13 =	vsel vm15, v38, v13  }
0x222: {  	v25 =	vsel vm15, $0x1B, v25;
	v22 =	vsel vm5, v40, v22;
	v28 =	vsel vm5, $0x1B, v28  }
0x223: {  	v16 =	vsel vm7, v42, v16;
	v18 =	vsel vm7, $0x1C, v18;
	v12 =	vsel vm9, v44, v12  }
0x224: {  	v21 =	vsel vm9, $0x1C, v21;
	v13 =	vsel vm4, v14, v13;
	v25 =	vsel vm4, v15, v25  }
0x225: {  	v46 =	vld.idx.msk [tilespmem:v43+s9+$0x0], $0xffff;
	v14 =	vsel vm4, v38, v14;
	v15 =	vsel vm4, $0x1B, v15;
	v22 =	vsel vm6, v17, v22  }
0x226: {  	v48 =	vld.idx.msk [tilespmem:v45+s9+$0x0], $0xffff;
	v28 =	vsel vm6, v20, v28;
	v17 =	vsel vm6, v40, v17;
	v20 =	vsel vm6, $0x1B, v20  }
0x227: {  	v50 =	vld.idx.msk [tilespmem:v47+s9+$0x0], $0xffff;
	v16 =	vsel vm8, v10, v16;
	v18 =	vsel vm8, v19, v18;
	v10 =	vsel vm8, v42, v10  }
0x228: {  	v52 =	vld.idx.msk [tilespmem:v49+s9+$0x0], $0xffff;
	v19 =	vsel vm8, $0x1C, v19;
	v12 =	vsel vm10, v11, v12;
	v21 =	vsel vm10, v23, v21  }
0x229: {  	v11 =	vsel vm10, v44, v11;
	v23 =	vsel vm10, $0x1C, v23;
	v38 =	vadd.s32 $0x1F, v6  }
0x22a: {  	v40 =	vadd.s32 $0x20, v9;
	v42 =	vadd.s32 $0x20, v8;
	v44 =	vadd.s32 $0x20, v7  }
0x22b: {  	vm11 =	vgt.f32 v46, v13;
	vm12 =	vgt.f32 v46, v14;
	vm13 =	vgt.f32 v48, v22  }
0x22c: {  	vm14 =	vgt.f32 v48, v17;
	vm15 =	vgt.f32 v50, v16;
	vm4 =	vgt.f32 v50, v10  }
0x22d: {  	vm5 =	vgt.f32 v52, v12;
	vm6 =	vgt.f32 v52, v11;
	v13 =	vsel vm11, v46, v13  }
0x22e: {  	v25 =	vsel vm11, $0x1C, v25;
	v22 =	vsel vm13, v48, v22;
	v28 =	vsel vm13, $0x1C, v28  }
0x22f: {  	v16 =	vsel vm15, v50, v16;
	v18 =	vsel vm15, $0x1D, v18;
	v12 =	vsel vm5, v52, v12  }
0x230: {  	v21 =	vsel vm5, $0x1D, v21;
	v13 =	vsel vm12, v14, v13;
	v25 =	vsel vm12, v15, v25  }
0x231: {  	v54 =	vld.idx.msk [tilespmem:v51+s9+$0x0], $0xffff;
	v14 =	vsel vm12, v46, v14;
	v15 =	vsel vm12, $0x1C, v15;
	v22 =	vsel vm14, v17, v22  }
0x232: {  	v56 =	vld.idx.msk [tilespmem:v53+s9+$0x0], $0xffff;
	v28 =	vsel vm14, v20, v28;
	v17 =	vsel vm14, v48, v17;
	v20 =	vsel vm14, $0x1C, v20  }
0x233: {  	v58 =	vld.idx.msk [tilespmem:v55+s9+$0x0], $0xffff;
	v16 =	vsel vm4, v10, v16;
	v18 =	vsel vm4, v19, v18;
	v10 =	vsel vm4, v50, v10  }
0x234: {  	v60 =	vld.idx.msk [tilespmem:v57+s9+$0x0], $0xffff;
	v19 =	vsel vm4, $0x1D, v19;
	v12 =	vsel vm6, v11, v12;
	v21 =	vsel vm6, v23, v21  }
0x235: {  	v11 =	vsel vm6, v52, v11;
	v23 =	vsel vm6, $0x1D, v23;
	v46 =	vadd.s32 $0x20, v6  }
0x236: {  	v48 =	vadd.s32 $0x21, v9;
	v50 =	vadd.s32 $0x21, v8;
	v52 =	vadd.s32 $0x21, v7  }
0x237: {  	vm7 =	vgt.f32 v54, v13;
	vm8 =	vgt.f32 v54, v14;
	vm9 =	vgt.f32 v56, v22  }
0x238: {  	vm10 =	vgt.f32 v56, v17;
	vm11 =	vgt.f32 v58, v16;
	vm12 =	vgt.f32 v58, v10  }
0x239: {  	vm13 =	vgt.f32 v60, v12;
	vm14 =	vgt.f32 v60, v11;
	v13 =	vsel vm7, v54, v13  }
0x23a: {  	v25 =	vsel vm7, $0x1D, v25;
	v22 =	vsel vm9, v56, v22;
	v28 =	vsel vm9, $0x1D, v28  }
0x23b: {  	v16 =	vsel vm11, v58, v16;
	v18 =	vsel vm11, $0x1E, v18;
	v12 =	vsel vm13, v60, v12  }
0x23c: {  	v21 =	vsel vm13, $0x1E, v21;
	v13 =	vsel vm8, v14, v13;
	v25 =	vsel vm8, v15, v25  }
0x23d: {  	v62 =	vld.idx.msk [tilespmem:v59+s9+$0x0], $0xffff;
	v14 =	vsel vm8, v54, v14;
	v15 =	vsel vm8, $0x1D, v15;
	v22 =	vsel vm10, v17, v22  }
0x23e: {  	v33 =	vld.idx.msk [tilespmem:v61+s9+$0x0], $0xffff;
	v28 =	vsel vm10, v20, v28;
	v17 =	vsel vm10, v56, v17;
	v20 =	vsel vm10, $0x1D, v20  }
0x23f: {  	v35 =	vld.idx.msk [tilespmem:v63+s9+$0x0], $0xffff;
	v16 =	vsel vm12, v10, v16;
	v18 =	vsel vm12, v19, v18;
	v10 =	vsel vm12, v58, v10  }
0x240: {  	v37 =	vld.idx.msk [tilespmem:v34+s9+$0x0], $0xffff;
	v19 =	vsel vm12, $0x1E, v19;
	v12 =	vsel vm14, v11, v12;
	v21 =	vsel vm14, v23, v21  }
0x241: {  	v11 =	vsel vm14, v60, v11;
	v23 =	vsel vm14, $0x1E, v23;
	v54 =	vadd.s32 $0x21, v6  }
0x242: {  	v56 =	vadd.s32 $0x22, v9;
	v58 =	vadd.s32 $0x22, v8;
	v60 =	vadd.s32 $0x22, v7  }
0x243: {  	vm15 =	vgt.f32 v62, v13;
	vm4 =	vgt.f32 v62, v14;
	vm5 =	vgt.f32 v33, v22  }
0x244: {  	vm6 =	vgt.f32 v33, v17;
	vm7 =	vgt.f32 v35, v16;
	vm8 =	vgt.f32 v35, v10  }
0x245: {  	vm9 =	vgt.f32 v37, v12;
	vm10 =	vgt.f32 v37, v11;
	v13 =	vsel vm15, v62, v13  }
0x246: {  	v25 =	vsel vm15, $0x1E, v25;
	v22 =	vsel vm5, v33, v22;
	v28 =	vsel vm5, $0x1E, v28  }
0x247: {  	v16 =	vsel vm7, v35, v16;
	v18 =	vsel vm7, $0x1F, v18;
	v12 =	vsel vm9, v37, v12  }
0x248: {  	v21 =	vsel vm9, $0x1F, v21;
	v13 =	vsel vm4, v14, v13;
	v25 =	vsel vm4, v15, v25  }
0x249: {  	v39 =	vld.idx.msk [tilespmem:v36+s9+$0x0], $0xffff;
	v14 =	vsel vm4, v62, v14;
	v15 =	vsel vm4, $0x1E, v15;
	v22 =	vsel vm6, v17, v22  }
0x24a: {  	v41 =	vld.idx.msk [tilespmem:v38+s9+$0x0], $0xffff;
	v28 =	vsel vm6, v20, v28;
	v17 =	vsel vm6, v33, v17;
	v20 =	vsel vm6, $0x1E, v20  }
0x24b: {  	v43 =	vld.idx.msk [tilespmem:v40+s9+$0x0], $0xffff;
	v16 =	vsel vm8, v10, v16;
	v18 =	vsel vm8, v19, v18;
	v10 =	vsel vm8, v35, v10  }
0x24c: {  	v45 =	vld.idx.msk [tilespmem:v42+s9+$0x0], $0xffff;
	v19 =	vsel vm8, $0x1F, v19;
	v12 =	vsel vm10, v11, v12;
	v21 =	vsel vm10, v23, v21  }
0x24d: {  	v11 =	vsel vm10, v37, v11;
	v23 =	vsel vm10, $0x1F, v23;
	v62 =	vadd.s32 $0x22, v6  }
0x24e: {  	v33 =	vadd.s32 $0x23, v9;
	v35 =	vadd.s32 $0x23, v8;
	v37 =	vadd.s32 $0x23, v7  }
0x24f: {  	vm11 =	vgt.f32 v39, v13;
	vm12 =	vgt.f32 v39, v14;
	vm13 =	vgt.f32 v41, v22  }
0x250: {  	vm14 =	vgt.f32 v41, v17;
	vm15 =	vgt.f32 v43, v16;
	vm4 =	vgt.f32 v43, v10  }
0x251: {  	vm5 =	vgt.f32 v45, v12;
	vm6 =	vgt.f32 v45, v11;
	v13 =	vsel vm11, v39, v13  }
0x252: {  	v25 =	vsel vm11, $0x1F, v25;
	v22 =	vsel vm13, v41, v22;
	v28 =	vsel vm13, $0x1F, v28  }
0x253: {  	v16 =	vsel vm15, v43, v16;
	v18 =	vsel vm15, $0x20, v18;
	v12 =	vsel vm5, v45, v12  }
0x254: {  	v21 =	vsel vm5, $0x20, v21;
	v13 =	vsel vm12, v14, v13;
	v25 =	vsel vm12, v15, v25  }
0x255: {  	v47 =	vld.idx.msk [tilespmem:v44+s9+$0x0], $0xffff;
	v14 =	vsel vm12, v39, v14;
	v15 =	vsel vm12, $0x1F, v15;
	v22 =	vsel vm14, v17, v22  }
0x256: {  	v49 =	vld.idx.msk [tilespmem:v46+s9+$0x0], $0xffff;
	v28 =	vsel vm14, v20, v28;
	v17 =	vsel vm14, v41, v17;
	v20 =	vsel vm14, $0x1F, v20  }
0x257: {  	v51 =	vld.idx.msk [tilespmem:v48+s9+$0x0], $0xffff;
	v16 =	vsel vm4, v10, v16;
	v18 =	vsel vm4, v19, v18;
	v10 =	vsel vm4, v43, v10  }
0x258: {  	v53 =	vld.idx.msk [tilespmem:v50+s9+$0x0], $0xffff;
	v19 =	vsel vm4, $0x20, v19;
	v12 =	vsel vm6, v11, v12;
	v21 =	vsel vm6, v23, v21  }
0x259: {  	v11 =	vsel vm6, v45, v11;
	v23 =	vsel vm6, $0x20, v23;
	v39 =	vadd.s32 $0x23, v6  }
0x25a: {  	v41 =	vadd.s32 $0x24, v9;
	v43 =	vadd.s32 $0x24, v8;
	v45 =	vadd.s32 $0x24, v7  }
0x25b: {  	vm7 =	vgt.f32 v47, v13;
	vm8 =	vgt.f32 v47, v14;
	vm9 =	vgt.f32 v49, v22  }
0x25c: {  	vm10 =	vgt.f32 v49, v17;
	vm11 =	vgt.f32 v51, v16;
	vm12 =	vgt.f32 v51, v10  }
0x25d: {  	vm13 =	vgt.f32 v53, v12;
	vm14 =	vgt.f32 v53, v11;
	v13 =	vsel vm7, v47, v13  }
0x25e: {  	v25 =	vsel vm7, $0x20, v25;
	v22 =	vsel vm9, v49, v22;
	v28 =	vsel vm9, $0x20, v28  }
0x25f: {  	v16 =	vsel vm11, v51, v16;
	v18 =	vsel vm11, $0x21, v18;
	v12 =	vsel vm13, v53, v12  }
0x260: {  	v21 =	vsel vm13, $0x21, v21;
	v13 =	vsel vm8, v14, v13;
	v25 =	vsel vm8, v15, v25  }
0x261: {  	v55 =	vld.idx.msk [tilespmem:v52+s9+$0x0], $0xffff;
	v14 =	vsel vm8, v47, v14;
	v15 =	vsel vm8, $0x20, v15;
	v22 =	vsel vm10, v17, v22  }
0x262: {  	v57 =	vld.idx.msk [tilespmem:v54+s9+$0x0], $0xffff;
	v28 =	vsel vm10, v20, v28;
	v17 =	vsel vm10, v49, v17;
	v20 =	vsel vm10, $0x20, v20  }
0x263: {  	v59 =	vld.idx.msk [tilespmem:v56+s9+$0x0], $0xffff;
	v16 =	vsel vm12, v10, v16;
	v18 =	vsel vm12, v19, v18;
	v10 =	vsel vm12, v51, v10  }
0x264: {  	v61 =	vld.idx.msk [tilespmem:v58+s9+$0x0], $0xffff;
	v19 =	vsel vm12, $0x21, v19;
	v12 =	vsel vm14, v11, v12;
	v21 =	vsel vm14, v23, v21  }
0x265: {  	v11 =	vsel vm14, v53, v11;
	v23 =	vsel vm14, $0x21, v23;
	v47 =	vadd.s32 $0x24, v6  }
0x266: {  	v49 =	vadd.s32 $0x25, v9;
	v51 =	vadd.s32 $0x25, v8;
	v53 =	vadd.s32 $0x25, v7  }
0x267: {  	vm15 =	vgt.f32 v55, v13;
	vm4 =	vgt.f32 v55, v14;
	vm5 =	vgt.f32 v57, v22  }
0x268: {  	vm6 =	vgt.f32 v57, v17;
	vm7 =	vgt.f32 v59, v16;
	vm8 =	vgt.f32 v59, v10  }
0x269: {  	vm9 =	vgt.f32 v61, v12;
	vm10 =	vgt.f32 v61, v11;
	v13 =	vsel vm15, v55, v13  }
0x26a: {  	v25 =	vsel vm15, $0x21, v25;
	v22 =	vsel vm5, v57, v22;
	v28 =	vsel vm5, $0x21, v28  }
0x26b: {  	v16 =	vsel vm7, v59, v16;
	v18 =	vsel vm7, $0x22, v18;
	v12 =	vsel vm9, v61, v12  }
0x26c: {  	v21 =	vsel vm9, $0x22, v21;
	v13 =	vsel vm4, v14, v13;
	v25 =	vsel vm4, v15, v25  }
0x26d: {  	v63 =	vld.idx.msk [tilespmem:v60+s9+$0x0], $0xffff;
	v14 =	vsel vm4, v55, v14;
	v15 =	vsel vm4, $0x21, v15;
	v22 =	vsel vm6, v17, v22  }
0x26e: {  	v34 =	vld.idx.msk [tilespmem:v62+s9+$0x0], $0xffff;
	v28 =	vsel vm6, v20, v28;
	v17 =	vsel vm6, v57, v17;
	v20 =	vsel vm6, $0x21, v20  }
0x26f: {  	v36 =	vld.idx.msk [tilespmem:v33+s9+$0x0], $0xffff;
	v16 =	vsel vm8, v10, v16;
	v18 =	vsel vm8, v19, v18;
	v10 =	vsel vm8, v59, v10  }
0x270: {  	v38 =	vld.idx.msk [tilespmem:v35+s9+$0x0], $0xffff;
	v19 =	vsel vm8, $0x22, v19;
	v12 =	vsel vm10, v11, v12;
	v21 =	vsel vm10, v23, v21  }
0x271: {  	v11 =	vsel vm10, v61, v11;
	v23 =	vsel vm10, $0x22, v23;
	v55 =	vadd.s32 $0x25, v6  }
0x272: {  	v57 =	vadd.s32 $0x26, v9;
	v59 =	vadd.s32 $0x26, v8;
	v61 =	vadd.s32 $0x26, v7  }
0x273: {  	vm11 =	vgt.f32 v63, v13;
	vm12 =	vgt.f32 v63, v14;
	vm13 =	vgt.f32 v34, v22  }
0x274: {  	vm14 =	vgt.f32 v34, v17;
	vm15 =	vgt.f32 v36, v16;
	vm4 =	vgt.f32 v36, v10  }
0x275: {  	vm5 =	vgt.f32 v38, v12;
	vm6 =	vgt.f32 v38, v11;
	v13 =	vsel vm11, v63, v13  }
0x276: {  	v25 =	vsel vm11, $0x22, v25;
	v22 =	vsel vm13, v34, v22;
	v28 =	vsel vm13, $0x22, v28  }
0x277: {  	v16 =	vsel vm15, v36, v16;
	v18 =	vsel vm15, $0x23, v18;
	v12 =	vsel vm5, v38, v12  }
0x278: {  	v21 =	vsel vm5, $0x23, v21;
	v13 =	vsel vm12, v14, v13;
	v25 =	vsel vm12, v15, v25  }
0x279: {  	v40 =	vld.idx.msk [tilespmem:v37+s9+$0x0], $0xffff;
	v14 =	vsel vm12, v63, v14;
	v15 =	vsel vm12, $0x22, v15;
	v22 =	vsel vm14, v17, v22  }
0x27a: {  	v42 =	vld.idx.msk [tilespmem:v39+s9+$0x0], $0xffff;
	v28 =	vsel vm14, v20, v28;
	v17 =	vsel vm14, v34, v17;
	v20 =	vsel vm14, $0x22, v20  }
0x27b: {  	v44 =	vld.idx.msk [tilespmem:v41+s9+$0x0], $0xffff;
	v16 =	vsel vm4, v10, v16;
	v18 =	vsel vm4, v19, v18;
	v10 =	vsel vm4, v36, v10  }
0x27c: {  	v46 =	vld.idx.msk [tilespmem:v43+s9+$0x0], $0xffff;
	v19 =	vsel vm4, $0x23, v19;
	v12 =	vsel vm6, v11, v12;
	v21 =	vsel vm6, v23, v21  }
0x27d: {  	v11 =	vsel vm6, v38, v11;
	v23 =	vsel vm6, $0x23, v23;
	v63 =	vadd.s32 $0x26, v6  }
0x27e: {  	v34 =	vadd.s32 $0x27, v9;
	v36 =	vadd.s32 $0x27, v8;
	v38 =	vadd.s32 $0x27, v7  }
0x27f: {  	vm7 =	vgt.f32 v40, v13;
	vm8 =	vgt.f32 v40, v14;
	vm9 =	vgt.f32 v42, v22  }
0x280: {  	vm10 =	vgt.f32 v42, v17;
	vm11 =	vgt.f32 v44, v16;
	vm12 =	vgt.f32 v44, v10  }
0x281: {  	vm13 =	vgt.f32 v46, v12;
	vm14 =	vgt.f32 v46, v11;
	v13 =	vsel vm7, v40, v13  }
0x282: {  	v25 =	vsel vm7, $0x23, v25;
	v22 =	vsel vm9, v42, v22;
	v28 =	vsel vm9, $0x23, v28  }
0x283: {  	v16 =	vsel vm11, v44, v16;
	v18 =	vsel vm11, $0x24, v18;
	v12 =	vsel vm13, v46, v12  }
0x284: {  	v21 =	vsel vm13, $0x24, v21;
	v13 =	vsel vm8, v14, v13;
	v25 =	vsel vm8, v15, v25  }
0x285: {  	v48 =	vld.idx.msk [tilespmem:v45+s9+$0x0], $0xffff;
	v14 =	vsel vm8, v40, v14;
	v15 =	vsel vm8, $0x23, v15;
	v22 =	vsel vm10, v17, v22  }
0x286: {  	v50 =	vld.idx.msk [tilespmem:v47+s9+$0x0], $0xffff;
	v28 =	vsel vm10, v20, v28;
	v17 =	vsel vm10, v42, v17;
	v20 =	vsel vm10, $0x23, v20  }
0x287: {  	v52 =	vld.idx.msk [tilespmem:v49+s9+$0x0], $0xffff;
	v16 =	vsel vm12, v10, v16;
	v18 =	vsel vm12, v19, v18;
	v10 =	vsel vm12, v44, v10  }
0x288: {  	v54 =	vld.idx.msk [tilespmem:v51+s9+$0x0], $0xffff;
	v19 =	vsel vm12, $0x24, v19;
	v12 =	vsel vm14, v11, v12;
	v21 =	vsel vm14, v23, v21  }
0x289: {  	v11 =	vsel vm14, v46, v11;
	v23 =	vsel vm14, $0x24, v23;
	v40 =	vadd.s32 $0x27, v6  }
0x28a: {  	v42 =	vadd.s32 $0x28, v9;
	v44 =	vadd.s32 $0x28, v8;
	v46 =	vadd.s32 $0x28, v7  }
0x28b: {  	vm15 =	vgt.f32 v48, v13;
	vm4 =	vgt.f32 v48, v14;
	vm5 =	vgt.f32 v50, v22  }
0x28c: {  	vm6 =	vgt.f32 v50, v17;
	vm7 =	vgt.f32 v52, v16;
	vm8 =	vgt.f32 v52, v10  }
0x28d: {  	vm9 =	vgt.f32 v54, v12;
	vm10 =	vgt.f32 v54, v11;
	v13 =	vsel vm15, v48, v13  }
0x28e: {  	v25 =	vsel vm15, $0x24, v25;
	v22 =	vsel vm5, v50, v22;
	v28 =	vsel vm5, $0x24, v28  }
0x28f: {  	v16 =	vsel vm7, v52, v16;
	v18 =	vsel vm7, $0x25, v18;
	v12 =	vsel vm9, v54, v12  }
0x290: {  	v21 =	vsel vm9, $0x25, v21;
	v13 =	vsel vm4, v14, v13;
	v25 =	vsel vm4, v15, v25  }
0x291: {  	v56 =	vld.idx.msk [tilespmem:v53+s9+$0x0], $0xffff;
	v14 =	vsel vm4, v48, v14;
	v15 =	vsel vm4, $0x24, v15;
	v22 =	vsel vm6, v17, v22  }
0x292: {  	v58 =	vld.idx.msk [tilespmem:v55+s9+$0x0], $0xffff;
	v28 =	vsel vm6, v20, v28;
	v17 =	vsel vm6, v50, v17;
	v20 =	vsel vm6, $0x24, v20  }
0x293: {  	v60 =	vld.idx.msk [tilespmem:v57+s9+$0x0], $0xffff;
	v16 =	vsel vm8, v10, v16;
	v18 =	vsel vm8, v19, v18;
	v10 =	vsel vm8, v52, v10  }
0x294: {  	v62 =	vld.idx.msk [tilespmem:v59+s9+$0x0], $0xffff;
	v19 =	vsel vm8, $0x25, v19;
	v12 =	vsel vm10, v11, v12;
	v21 =	vsel vm10, v23, v21  }
0x295: {  	v11 =	vsel vm10, v54, v11;
	v23 =	vsel vm10, $0x25, v23;
	v48 =	vadd.s32 $0x28, v6  }
0x296: {  	v50 =	vadd.s32 $0x29, v9;
	v52 =	vadd.s32 $0x29, v8;
	v54 =	vadd.s32 $0x29, v7  }
0x297: {  	vm11 =	vgt.f32 v56, v13;
	vm12 =	vgt.f32 v56, v14;
	vm13 =	vgt.f32 v58, v22  }
0x298: {  	vm14 =	vgt.f32 v58, v17;
	vm15 =	vgt.f32 v60, v16;
	vm4 =	vgt.f32 v60, v10  }
0x299: {  	vm5 =	vgt.f32 v62, v12;
	vm6 =	vgt.f32 v62, v11;
	v13 =	vsel vm11, v56, v13  }
0x29a: {  	v25 =	vsel vm11, $0x25, v25;
	v22 =	vsel vm13, v58, v22;
	v28 =	vsel vm13, $0x25, v28  }
0x29b: {  	v16 =	vsel vm15, v60, v16;
	v18 =	vsel vm15, $0x26, v18;
	v12 =	vsel vm5, v62, v12  }
0x29c: {  	v21 =	vsel vm5, $0x26, v21;
	v13 =	vsel vm12, v14, v13;
	v25 =	vsel vm12, v15, v25  }
0x29d: {  	v33 =	vld.idx.msk [tilespmem:v61+s9+$0x0], $0xffff;
	v14 =	vsel vm12, v56, v14;
	v15 =	vsel vm12, $0x25, v15;
	v22 =	vsel vm14, v17, v22  }
0x29e: {  	v35 =	vld.idx.msk [tilespmem:v63+s9+$0x0], $0xffff;
	v28 =	vsel vm14, v20, v28;
	v17 =	vsel vm14, v58, v17;
	v20 =	vsel vm14, $0x25, v20  }
0x29f: {  	v37 =	vld.idx.msk [tilespmem:v34+s9+$0x0], $0xffff;
	v16 =	vsel vm4, v10, v16;
	v18 =	vsel vm4, v19, v18;
	v10 =	vsel vm4, v60, v10  }
0x2a0: {  	v39 =	vld.idx.msk [tilespmem:v36+s9+$0x0], $0xffff;
	v19 =	vsel vm4, $0x26, v19;
	v12 =	vsel vm6, v11, v12;
	v21 =	vsel vm6, v23, v21  }
0x2a1: {  	v11 =	vsel vm6, v62, v11;
	v23 =	vsel vm6, $0x26, v23;
	v56 =	vadd.s32 $0x29, v6  }
0x2a2: {  	v58 =	vadd.s32 $0x2A, v9;
	v60 =	vadd.s32 $0x2A, v8;
	v62 =	vadd.s32 $0x2A, v7  }
0x2a3: {  	vm7 =	vgt.f32 v33, v13;
	vm8 =	vgt.f32 v33, v14;
	vm9 =	vgt.f32 v35, v22  }
0x2a4: {  	vm10 =	vgt.f32 v35, v17;
	vm11 =	vgt.f32 v37, v16;
	vm12 =	vgt.f32 v37, v10  }
0x2a5: {  	vm13 =	vgt.f32 v39, v12;
	vm14 =	vgt.f32 v39, v11;
	v13 =	vsel vm7, v33, v13  }
0x2a6: {  	v25 =	vsel vm7, $0x26, v25;
	v22 =	vsel vm9, v35, v22;
	v28 =	vsel vm9, $0x26, v28  }
0x2a7: {  	v16 =	vsel vm11, v37, v16;
	v18 =	vsel vm11, $0x27, v18;
	v12 =	vsel vm13, v39, v12  }
0x2a8: {  	v21 =	vsel vm13, $0x27, v21;
	v13 =	vsel vm8, v14, v13;
	v25 =	vsel vm8, v15, v25  }
0x2a9: {  	v41 =	vld.idx.msk [tilespmem:v38+s9+$0x0], $0xffff;
	v14 =	vsel vm8, v33, v14;
	v15 =	vsel vm8, $0x26, v15;
	v22 =	vsel vm10, v17, v22  }
0x2aa: {  	v43 =	vld.idx.msk [tilespmem:v40+s9+$0x0], $0xffff;
	v28 =	vsel vm10, v20, v28;
	v17 =	vsel vm10, v35, v17;
	v20 =	vsel vm10, $0x26, v20  }
0x2ab: {  	v45 =	vld.idx.msk [tilespmem:v42+s9+$0x0], $0xffff;
	v16 =	vsel vm12, v10, v16;
	v18 =	vsel vm12, v19, v18;
	v10 =	vsel vm12, v37, v10  }
0x2ac: {  	v47 =	vld.idx.msk [tilespmem:v44+s9+$0x0], $0xffff;
	v19 =	vsel vm12, $0x27, v19;
	v12 =	vsel vm14, v11, v12;
	v21 =	vsel vm14, v23, v21  }
0x2ad: {  	v11 =	vsel vm14, v39, v11;
	v23 =	vsel vm14, $0x27, v23;
	v33 =	vadd.s32 $0x2A, v6  }
0x2ae: {  	v35 =	vadd.s32 $0x2B, v9;
	v37 =	vadd.s32 $0x2B, v8;
	v39 =	vadd.s32 $0x2B, v7  }
0x2af: {  	vm15 =	vgt.f32 v41, v13;
	vm4 =	vgt.f32 v41, v14;
	vm5 =	vgt.f32 v43, v22  }
0x2b0: {  	vm6 =	vgt.f32 v43, v17;
	vm7 =	vgt.f32 v45, v16;
	vm8 =	vgt.f32 v45, v10  }
0x2b1: {  	vm9 =	vgt.f32 v47, v12;
	vm10 =	vgt.f32 v47, v11;
	v13 =	vsel vm15, v41, v13  }
0x2b2: {  	v25 =	vsel vm15, $0x27, v25;
	v22 =	vsel vm5, v43, v22;
	v28 =	vsel vm5, $0x27, v28  }
0x2b3: {  	v16 =	vsel vm7, v45, v16;
	v18 =	vsel vm7, $0x28, v18;
	v12 =	vsel vm9, v47, v12  }
0x2b4: {  	v21 =	vsel vm9, $0x28, v21;
	v13 =	vsel vm4, v14, v13;
	v25 =	vsel vm4, v15, v25  }
0x2b5: {  	v49 =	vld.idx.msk [tilespmem:v46+s9+$0x0], $0xffff;
	v14 =	vsel vm4, v41, v14;
	v15 =	vsel vm4, $0x27, v15;
	v22 =	vsel vm6, v17, v22  }
0x2b6: {  	v51 =	vld.idx.msk [tilespmem:v48+s9+$0x0], $0xffff;
	v28 =	vsel vm6, v20, v28;
	v17 =	vsel vm6, v43, v17;
	v20 =	vsel vm6, $0x27, v20  }
0x2b7: {  	v53 =	vld.idx.msk [tilespmem:v50+s9+$0x0], $0xffff;
	v16 =	vsel vm8, v10, v16;
	v18 =	vsel vm8, v19, v18;
	v10 =	vsel vm8, v45, v10  }
0x2b8: {  	v55 =	vld.idx.msk [tilespmem:v52+s9+$0x0], $0xffff;
	v19 =	vsel vm8, $0x28, v19;
	v12 =	vsel vm10, v11, v12;
	v21 =	vsel vm10, v23, v21  }
0x2b9: {  	v11 =	vsel vm10, v47, v11;
	v23 =	vsel vm10, $0x28, v23;
	v41 =	vadd.s32 $0x2B, v6  }
0x2ba: {  	v43 =	vadd.s32 $0x2C, v9;
	v45 =	vadd.s32 $0x2C, v8;
	v47 =	vadd.s32 $0x2C, v7  }
0x2bb: {  	vm11 =	vgt.f32 v49, v13;
	vm12 =	vgt.f32 v49, v14;
	vm13 =	vgt.f32 v51, v22  }
0x2bc: {  	vm14 =	vgt.f32 v51, v17;
	vm15 =	vgt.f32 v53, v16;
	vm4 =	vgt.f32 v53, v10  }
0x2bd: {  	vm5 =	vgt.f32 v55, v12;
	vm6 =	vgt.f32 v55, v11;
	v13 =	vsel vm11, v49, v13  }
0x2be: {  	v25 =	vsel vm11, $0x28, v25;
	v22 =	vsel vm13, v51, v22;
	v28 =	vsel vm13, $0x28, v28  }
0x2bf: {  	v16 =	vsel vm15, v53, v16;
	v18 =	vsel vm15, $0x29, v18;
	v12 =	vsel vm5, v55, v12  }
0x2c0: {  	v21 =	vsel vm5, $0x29, v21;
	v13 =	vsel vm12, v14, v13;
	v25 =	vsel vm12, v15, v25  }
0x2c1: {  	v57 =	vld.idx.msk [tilespmem:v54+s9+$0x0], $0xffff;
	v14 =	vsel vm12, v49, v14;
	v15 =	vsel vm12, $0x28, v15;
	v22 =	vsel vm14, v17, v22  }
0x2c2: {  	v59 =	vld.idx.msk [tilespmem:v56+s9+$0x0], $0xffff;
	v28 =	vsel vm14, v20, v28;
	v17 =	vsel vm14, v51, v17;
	v20 =	vsel vm14, $0x28, v20  }
0x2c3: {  	v61 =	vld.idx.msk [tilespmem:v58+s9+$0x0], $0xffff;
	v16 =	vsel vm4, v10, v16;
	v18 =	vsel vm4, v19, v18;
	v10 =	vsel vm4, v53, v10  }
0x2c4: {  	v63 =	vld.idx.msk [tilespmem:v60+s9+$0x0], $0xffff;
	v19 =	vsel vm4, $0x29, v19;
	v12 =	vsel vm6, v11, v12;
	v21 =	vsel vm6, v23, v21  }
0x2c5: {  	v11 =	vsel vm6, v55, v11;
	v23 =	vsel vm6, $0x29, v23;
	v49 =	vadd.s32 $0x2C, v6  }
0x2c6: {  	v51 =	vadd.s32 $0x2D, v9;
	v53 =	vadd.s32 $0x2D, v8;
	v55 =	vadd.s32 $0x2D, v7  }
0x2c7: {  	vm7 =	vgt.f32 v57, v13;
	vm8 =	vgt.f32 v57, v14;
	vm9 =	vgt.f32 v59, v22  }
0x2c8: {  	vm10 =	vgt.f32 v59, v17;
	vm11 =	vgt.f32 v61, v16;
	vm12 =	vgt.f32 v61, v10  }
0x2c9: {  	vm13 =	vgt.f32 v63, v12;
	vm14 =	vgt.f32 v63, v11;
	v13 =	vsel vm7, v57, v13  }
0x2ca: {  	v25 =	vsel vm7, $0x29, v25;
	v22 =	vsel vm9, v59, v22;
	v28 =	vsel vm9, $0x29, v28  }
0x2cb: {  	v16 =	vsel vm11, v61, v16;
	v18 =	vsel vm11, $0x2A, v18;
	v12 =	vsel vm13, v63, v12  }
0x2cc: {  	v21 =	vsel vm13, $0x2A, v21;
	v13 =	vsel vm8, v14, v13;
	v25 =	vsel vm8, v15, v25  }
0x2cd: {  	v34 =	vld.idx.msk [tilespmem:v62+s9+$0x0], $0xffff;
	v14 =	vsel vm8, v57, v14;
	v15 =	vsel vm8, $0x29, v15;
	v22 =	vsel vm10, v17, v22  }
0x2ce: {  	v36 =	vld.idx.msk [tilespmem:v33+s9+$0x0], $0xffff;
	v28 =	vsel vm10, v20, v28;
	v17 =	vsel vm10, v59, v17;
	v20 =	vsel vm10, $0x29, v20  }
0x2cf: {  	v38 =	vld.idx.msk [tilespmem:v35+s9+$0x0], $0xffff;
	v16 =	vsel vm12, v10, v16;
	v18 =	vsel vm12, v19, v18;
	v10 =	vsel vm12, v61, v10  }
0x2d0: {  	v40 =	vld.idx.msk [tilespmem:v37+s9+$0x0], $0xffff;
	v19 =	vsel vm12, $0x2A, v19;
	v12 =	vsel vm14, v11, v12;
	v21 =	vsel vm14, v23, v21  }
0x2d1: {  	v11 =	vsel vm14, v63, v11;
	v23 =	vsel vm14, $0x2A, v23;
	v57 =	vadd.s32 $0x2D, v6  }
0x2d2: {  	v59 =	vadd.s32 $0x2E, v9;
	v61 =	vadd.s32 $0x2E, v8;
	v63 =	vadd.s32 $0x2E, v7  }
0x2d3: {  	vm15 =	vgt.f32 v34, v13;
	vm4 =	vgt.f32 v34, v14;
	vm5 =	vgt.f32 v36, v22  }
0x2d4: {  	vm6 =	vgt.f32 v36, v17;
	vm7 =	vgt.f32 v38, v16;
	vm8 =	vgt.f32 v38, v10  }
0x2d5: {  	vm9 =	vgt.f32 v40, v12;
	vm10 =	vgt.f32 v40, v11;
	v13 =	vsel vm15, v34, v13  }
0x2d6: {  	v25 =	vsel vm15, $0x2A, v25;
	v22 =	vsel vm5, v36, v22;
	v28 =	vsel vm5, $0x2A, v28  }
0x2d7: {  	v16 =	vsel vm7, v38, v16;
	v18 =	vsel vm7, $0x2B, v18;
	v12 =	vsel vm9, v40, v12  }
0x2d8: {  	v21 =	vsel vm9, $0x2B, v21;
	v13 =	vsel vm4, v14, v13;
	v25 =	vsel vm4, v15, v25  }
0x2d9: {  	v42 =	vld.idx.msk [tilespmem:v39+s9+$0x0], $0xffff;
	v14 =	vsel vm4, v34, v14;
	v15 =	vsel vm4, $0x2A, v15;
	v22 =	vsel vm6, v17, v22  }
0x2da: {  	v44 =	vld.idx.msk [tilespmem:v41+s9+$0x0], $0xffff;
	v28 =	vsel vm6, v20, v28;
	v17 =	vsel vm6, v36, v17;
	v20 =	vsel vm6, $0x2A, v20  }
0x2db: {  	v46 =	vld.idx.msk [tilespmem:v43+s9+$0x0], $0xffff;
	v16 =	vsel vm8, v10, v16;
	v18 =	vsel vm8, v19, v18;
	v10 =	vsel vm8, v38, v10  }
0x2dc: {  	v48 =	vld.idx.msk [tilespmem:v45+s9+$0x0], $0xffff;
	v19 =	vsel vm8, $0x2B, v19;
	v12 =	vsel vm10, v11, v12;
	v21 =	vsel vm10, v23, v21  }
0x2dd: {  	v11 =	vsel vm10, v40, v11;
	v23 =	vsel vm10, $0x2B, v23;
	v34 =	vadd.s32 $0x2E, v6  }
0x2de: {  	v36 =	vadd.s32 $0x2F, v9;
	v38 =	vadd.s32 $0x2F, v8;
	v40 =	vadd.s32 $0x2F, v7  }
0x2df: {  	vm11 =	vgt.f32 v42, v13;
	vm12 =	vgt.f32 v42, v14;
	vm13 =	vgt.f32 v44, v22  }
0x2e0: {  	vm14 =	vgt.f32 v44, v17;
	vm15 =	vgt.f32 v46, v16;
	vm4 =	vgt.f32 v46, v10  }
0x2e1: {  	vm5 =	vgt.f32 v48, v12;
	vm6 =	vgt.f32 v48, v11;
	v13 =	vsel vm11, v42, v13  }
0x2e2: {  	v25 =	vsel vm11, $0x2B, v25;
	v22 =	vsel vm13, v44, v22;
	v28 =	vsel vm13, $0x2B, v28  }
0x2e3: {  	v16 =	vsel vm15, v46, v16;
	v18 =	vsel vm15, $0x2C, v18;
	v12 =	vsel vm5, v48, v12  }
0x2e4: {  	v21 =	vsel vm5, $0x2C, v21;
	v13 =	vsel vm12, v14, v13;
	v25 =	vsel vm12, v15, v25  }
0x2e5: {  	v50 =	vld.idx.msk [tilespmem:v47+s9+$0x0], $0xffff;
	v14 =	vsel vm12, v42, v14;
	v15 =	vsel vm12, $0x2B, v15;
	v22 =	vsel vm14, v17, v22  }
0x2e6: {  	v52 =	vld.idx.msk [tilespmem:v49+s9+$0x0], $0xffff;
	v28 =	vsel vm14, v20, v28;
	v17 =	vsel vm14, v44, v17;
	v20 =	vsel vm14, $0x2B, v20  }
0x2e7: {  	v54 =	vld.idx.msk [tilespmem:v51+s9+$0x0], $0xffff;
	v16 =	vsel vm4, v10, v16;
	v18 =	vsel vm4, v19, v18;
	v10 =	vsel vm4, v46, v10  }
0x2e8: {  	v56 =	vld.idx.msk [tilespmem:v53+s9+$0x0], $0xffff;
	v19 =	vsel vm4, $0x2C, v19;
	v12 =	vsel vm6, v11, v12;
	v21 =	vsel vm6, v23, v21  }
0x2e9: {  	v11 =	vsel vm6, v48, v11;
	v23 =	vsel vm6, $0x2C, v23;
	v42 =	vadd.s32 $0x2F, v6  }
0x2ea: {  	v44 =	vadd.s32 $0x30, v9;
	v46 =	vadd.s32 $0x30, v8;
	v48 =	vadd.s32 $0x30, v7  }
0x2eb: {  	vm7 =	vgt.f32 v50, v13;
	vm8 =	vgt.f32 v50, v14;
	vm9 =	vgt.f32 v52, v22  }
0x2ec: {  	vm10 =	vgt.f32 v52, v17;
	vm11 =	vgt.f32 v54, v16;
	vm12 =	vgt.f32 v54, v10  }
0x2ed: {  	vm13 =	vgt.f32 v56, v12;
	vm14 =	vgt.f32 v56, v11;
	v13 =	vsel vm7, v50, v13  }
0x2ee: {  	v25 =	vsel vm7, $0x2C, v25;
	v22 =	vsel vm9, v52, v22;
	v28 =	vsel vm9, $0x2C, v28  }
0x2ef: {  	v16 =	vsel vm11, v54, v16;
	v18 =	vsel vm11, $0x2D, v18;
	v12 =	vsel vm13, v56, v12  }
0x2f0: {  	v21 =	vsel vm13, $0x2D, v21;
	v13 =	vsel vm8, v14, v13;
	v25 =	vsel vm8, v15, v25  }
0x2f1: {  	v58 =	vld.idx.msk [tilespmem:v55+s9+$0x0], $0xffff;
	v14 =	vsel vm8, v50, v14;
	v15 =	vsel vm8, $0x2C, v15;
	v22 =	vsel vm10, v17, v22  }
0x2f2: {  	v60 =	vld.idx.msk [tilespmem:v57+s9+$0x0], $0xffff;
	v28 =	vsel vm10, v20, v28;
	v17 =	vsel vm10, v52, v17;
	v20 =	vsel vm10, $0x2C, v20  }
0x2f3: {  	v62 =	vld.idx.msk [tilespmem:v59+s9+$0x0], $0xffff;
	v16 =	vsel vm12, v10, v16;
	v18 =	vsel vm12, v19, v18;
	v10 =	vsel vm12, v54, v10  }
0x2f4: {  	v33 =	vld.idx.msk [tilespmem:v61+s9+$0x0], $0xffff;
	v19 =	vsel vm12, $0x2D, v19;
	v12 =	vsel vm14, v11, v12;
	v21 =	vsel vm14, v23, v21  }
0x2f5: {  	v11 =	vsel vm14, v56, v11;
	v23 =	vsel vm14, $0x2D, v23;
	v50 =	vadd.s32 $0x30, v6  }
0x2f6: {  	v52 =	vadd.s32 $0x31, v9;
	v54 =	vadd.s32 $0x31, v8;
	v56 =	vadd.s32 $0x31, v7  }
0x2f7: {  	vm15 =	vgt.f32 v58, v13;
	vm4 =	vgt.f32 v58, v14;
	vm5 =	vgt.f32 v60, v22  }
0x2f8: {  	vm6 =	vgt.f32 v60, v17;
	vm7 =	vgt.f32 v62, v16;
	vm8 =	vgt.f32 v62, v10  }
0x2f9: {  	vm9 =	vgt.f32 v33, v12;
	vm10 =	vgt.f32 v33, v11;
	v13 =	vsel vm15, v58, v13  }
0x2fa: {  	v25 =	vsel vm15, $0x2D, v25;
	v22 =	vsel vm5, v60, v22;
	v28 =	vsel vm5, $0x2D, v28  }
0x2fb: {  	v16 =	vsel vm7, v62, v16;
	v18 =	vsel vm7, $0x2E, v18;
	v12 =	vsel vm9, v33, v12  }
0x2fc: {  	v21 =	vsel vm9, $0x2E, v21;
	v13 =	vsel vm4, v14, v13;
	v25 =	vsel vm4, v15, v25  }
0x2fd: {  	v35 =	vld.idx.msk [tilespmem:v63+s9+$0x0], $0xffff;
	v14 =	vsel vm4, v58, v14;
	v15 =	vsel vm4, $0x2D, v15;
	v22 =	vsel vm6, v17, v22  }
0x2fe: {  	v37 =	vld.idx.msk [tilespmem:v34+s9+$0x0], $0xffff;
	v28 =	vsel vm6, v20, v28;
	v17 =	vsel vm6, v60, v17;
	v20 =	vsel vm6, $0x2D, v20  }
0x2ff: {  	v39 =	vld.idx.msk [tilespmem:v36+s9+$0x0], $0xffff;
	v16 =	vsel vm8, v10, v16;
	v18 =	vsel vm8, v19, v18;
	v10 =	vsel vm8, v62, v10  }
0x300: {  	v41 =	vld.idx.msk [tilespmem:v38+s9+$0x0], $0xffff;
	v19 =	vsel vm8, $0x2E, v19;
	v12 =	vsel vm10, v11, v12;
	v21 =	vsel vm10, v23, v21  }
0x301: {  	v11 =	vsel vm10, v33, v11;
	v23 =	vsel vm10, $0x2E, v23;
	v58 =	vadd.s32 $0x31, v6  }
0x302: {  	v60 =	vadd.s32 $0x32, v9;
	v62 =	vadd.s32 $0x32, v8;
	v33 =	vadd.s32 $0x32, v7  }
0x303: {  	vm11 =	vgt.f32 v35, v13;
	vm12 =	vgt.f32 v35, v14;
	vm13 =	vgt.f32 v37, v22  }
0x304: {  	vm14 =	vgt.f32 v37, v17;
	vm15 =	vgt.f32 v39, v16;
	vm4 =	vgt.f32 v39, v10  }
0x305: {  	vm5 =	vgt.f32 v41, v12;
	vm6 =	vgt.f32 v41, v11;
	v13 =	vsel vm11, v35, v13  }
0x306: {  	v25 =	vsel vm11, $0x2E, v25;
	v22 =	vsel vm13, v37, v22;
	v28 =	vsel vm13, $0x2E, v28  }
0x307: {  	v16 =	vsel vm15, v39, v16;
	v18 =	vsel vm15, $0x2F, v18;
	v12 =	vsel vm5, v41, v12  }
0x308: {  	v21 =	vsel vm5, $0x2F, v21;
	v13 =	vsel vm12, v14, v13;
	v25 =	vsel vm12, v15, v25  }
0x309: {  	v43 =	vld.idx.msk [tilespmem:v40+s9+$0x0], $0xffff;
	v14 =	vsel vm12, v35, v14;
	v15 =	vsel vm12, $0x2E, v15;
	v22 =	vsel vm14, v17, v22  }
0x30a: {  	v45 =	vld.idx.msk [tilespmem:v42+s9+$0x0], $0xffff;
	v28 =	vsel vm14, v20, v28;
	v17 =	vsel vm14, v37, v17;
	v20 =	vsel vm14, $0x2E, v20  }
0x30b: {  	v47 =	vld.idx.msk [tilespmem:v44+s9+$0x0], $0xffff;
	v16 =	vsel vm4, v10, v16;
	v18 =	vsel vm4, v19, v18;
	v10 =	vsel vm4, v39, v10  }
0x30c: {  	v49 =	vld.idx.msk [tilespmem:v46+s9+$0x0], $0xffff;
	v19 =	vsel vm4, $0x2F, v19;
	v12 =	vsel vm6, v11, v12;
	v21 =	vsel vm6, v23, v21  }
0x30d: {  	v11 =	vsel vm6, v41, v11;
	v23 =	vsel vm6, $0x2F, v23;
	v35 =	vadd.s32 $0x32, v6  }
0x30e: {  	v37 =	vadd.s32 $0x33, v9;
	v39 =	vadd.s32 $0x33, v8;
	v41 =	vadd.s32 $0x33, v7  }
0x30f: {  	vm7 =	vgt.f32 v43, v13;
	vm8 =	vgt.f32 v43, v14;
	vm9 =	vgt.f32 v45, v22  }
0x310: {  	vm10 =	vgt.f32 v45, v17;
	vm11 =	vgt.f32 v47, v16;
	vm12 =	vgt.f32 v47, v10  }
0x311: {  	vm13 =	vgt.f32 v49, v12;
	vm14 =	vgt.f32 v49, v11;
	v13 =	vsel vm7, v43, v13  }
0x312: {  	v25 =	vsel vm7, $0x2F, v25;
	v22 =	vsel vm9, v45, v22;
	v28 =	vsel vm9, $0x2F, v28  }
0x313: {  	v16 =	vsel vm11, v47, v16;
	v18 =	vsel vm11, $0x30, v18;
	v12 =	vsel vm13, v49, v12  }
0x314: {  	v21 =	vsel vm13, $0x30, v21;
	v13 =	vsel vm8, v14, v13;
	v25 =	vsel vm8, v15, v25  }
0x315: {  	v51 =	vld.idx.msk [tilespmem:v48+s9+$0x0], $0xffff;
	v14 =	vsel vm8, v43, v14;
	v15 =	vsel vm8, $0x2F, v15;
	v22 =	vsel vm10, v17, v22  }
0x316: {  	v53 =	vld.idx.msk [tilespmem:v50+s9+$0x0], $0xffff;
	v28 =	vsel vm10, v20, v28;
	v17 =	vsel vm10, v45, v17;
	v20 =	vsel vm10, $0x2F, v20  }
0x317: {  	v55 =	vld.idx.msk [tilespmem:v52+s9+$0x0], $0xffff;
	v16 =	vsel vm12, v10, v16;
	v18 =	vsel vm12, v19, v18;
	v10 =	vsel vm12, v47, v10  }
0x318: {  	v57 =	vld.idx.msk [tilespmem:v54+s9+$0x0], $0xffff;
	v19 =	vsel vm12, $0x30, v19;
	v12 =	vsel vm14, v11, v12;
	v21 =	vsel vm14, v23, v21  }
0x319: {  	v11 =	vsel vm14, v49, v11;
	v23 =	vsel vm14, $0x30, v23;
	v43 =	vadd.s32 $0x33, v6  }
0x31a: {  	v45 =	vadd.s32 $0x34, v9;
	v47 =	vadd.s32 $0x34, v8;
	v49 =	vadd.s32 $0x34, v7  }
0x31b: {  	vm15 =	vgt.f32 v51, v13;
	vm4 =	vgt.f32 v51, v14;
	vm5 =	vgt.f32 v53, v22  }
0x31c: {  	vm6 =	vgt.f32 v53, v17;
	vm7 =	vgt.f32 v55, v16;
	vm8 =	vgt.f32 v55, v10  }
0x31d: {  	vm9 =	vgt.f32 v57, v12;
	vm10 =	vgt.f32 v57, v11;
	v13 =	vsel vm15, v51, v13  }
0x31e: {  	v25 =	vsel vm15, $0x30, v25;
	v22 =	vsel vm5, v53, v22;
	v28 =	vsel vm5, $0x30, v28  }
0x31f: {  	v16 =	vsel vm7, v55, v16;
	v18 =	vsel vm7, $0x31, v18;
	v12 =	vsel vm9, v57, v12  }
0x320: {  	v21 =	vsel vm9, $0x31, v21;
	v13 =	vsel vm4, v14, v13;
	v25 =	vsel vm4, v15, v25  }
0x321: {  	v59 =	vld.idx.msk [tilespmem:v56+s9+$0x0], $0xffff;
	v14 =	vsel vm4, v51, v14;
	v15 =	vsel vm4, $0x30, v15;
	v22 =	vsel vm6, v17, v22  }
0x322: {  	v61 =	vld.idx.msk [tilespmem:v58+s9+$0x0], $0xffff;
	v28 =	vsel vm6, v20, v28;
	v17 =	vsel vm6, v53, v17;
	v20 =	vsel vm6, $0x30, v20  }
0x323: {  	v63 =	vld.idx.msk [tilespmem:v60+s9+$0x0], $0xffff;
	v16 =	vsel vm8, v10, v16;
	v18 =	vsel vm8, v19, v18;
	v10 =	vsel vm8, v55, v10  }
0x324: {  	v34 =	vld.idx.msk [tilespmem:v62+s9+$0x0], $0xffff;
	v19 =	vsel vm8, $0x31, v19;
	v12 =	vsel vm10, v11, v12;
	v21 =	vsel vm10, v23, v21  }
0x325: {  	v11 =	vsel vm10, v57, v11;
	v23 =	vsel vm10, $0x31, v23;
	v51 =	vadd.s32 $0x34, v6  }
0x326: {  	v53 =	vadd.s32 $0x35, v9;
	v55 =	vadd.s32 $0x35, v8;
	v57 =	vadd.s32 $0x35, v7  }
0x327: {  	vm11 =	vgt.f32 v59, v13;
	vm12 =	vgt.f32 v59, v14;
	vm13 =	vgt.f32 v61, v22  }
0x328: {  	vm14 =	vgt.f32 v61, v17;
	vm15 =	vgt.f32 v63, v16;
	vm4 =	vgt.f32 v63, v10  }
0x329: {  	vm5 =	vgt.f32 v34, v12;
	vm6 =	vgt.f32 v34, v11;
	v13 =	vsel vm11, v59, v13  }
0x32a: {  	v25 =	vsel vm11, $0x31, v25;
	v22 =	vsel vm13, v61, v22;
	v28 =	vsel vm13, $0x31, v28  }
0x32b: {  	v16 =	vsel vm15, v63, v16;
	v18 =	vsel vm15, $0x32, v18;
	v12 =	vsel vm5, v34, v12  }
0x32c: {  	v21 =	vsel vm5, $0x32, v21;
	v13 =	vsel vm12, v14, v13;
	v25 =	vsel vm12, v15, v25  }
0x32d: {  	v36 =	vld.idx.msk [tilespmem:v33+s9+$0x0], $0xffff;
	v14 =	vsel vm12, v59, v14;
	v15 =	vsel vm12, $0x31, v15;
	v22 =	vsel vm14, v17, v22  }
0x32e: {  	v38 =	vld.idx.msk [tilespmem:v35+s9+$0x0], $0xffff;
	v28 =	vsel vm14, v20, v28;
	v17 =	vsel vm14, v61, v17;
	v20 =	vsel vm14, $0x31, v20  }
0x32f: {  	v40 =	vld.idx.msk [tilespmem:v37+s9+$0x0], $0xffff;
	v16 =	vsel vm4, v10, v16;
	v18 =	vsel vm4, v19, v18;
	v10 =	vsel vm4, v63, v10  }
0x330: {  	v42 =	vld.idx.msk [tilespmem:v39+s9+$0x0], $0xffff;
	v19 =	vsel vm4, $0x32, v19;
	v12 =	vsel vm6, v11, v12;
	v21 =	vsel vm6, v23, v21  }
0x331: {  	v11 =	vsel vm6, v34, v11;
	v23 =	vsel vm6, $0x32, v23;
	v59 =	vadd.s32 $0x35, v6  }
0x332: {  	v61 =	vadd.s32 $0x36, v9;
	v63 =	vadd.s32 $0x36, v8;
	v34 =	vadd.s32 $0x36, v7  }
0x333: {  	vm7 =	vgt.f32 v36, v13;
	vm8 =	vgt.f32 v36, v14;
	vm9 =	vgt.f32 v38, v22  }
0x334: {  	vm10 =	vgt.f32 v38, v17;
	vm11 =	vgt.f32 v40, v16;
	vm12 =	vgt.f32 v40, v10  }
0x335: {  	vm13 =	vgt.f32 v42, v12;
	vm14 =	vgt.f32 v42, v11;
	v13 =	vsel vm7, v36, v13  }
0x336: {  	v25 =	vsel vm7, $0x32, v25;
	v22 =	vsel vm9, v38, v22;
	v28 =	vsel vm9, $0x32, v28  }
0x337: {  	v16 =	vsel vm11, v40, v16;
	v18 =	vsel vm11, $0x33, v18;
	v12 =	vsel vm13, v42, v12  }
0x338: {  	v21 =	vsel vm13, $0x33, v21;
	v60 =	vld.idx.msk [tilespmem:v57+s9+$0x0], $0xffff;
	v57 =	vadd.s32 $0x39, v8;
	v13 =	vsel vm8, v14, v13  }
0x339: {  	v44 =	vld.idx.msk [tilespmem:v41+s9+$0x0], $0xffff;
	v25 =	vsel vm8, v15, v25;
	v14 =	vsel vm8, v36, v14;
	v15 =	vsel vm8, $0x32, v15  }
0x33a: {  	v46 =	vld.idx.msk [tilespmem:v43+s9+$0x0], $0xffff;
	v22 =	vsel vm10, v17, v22;
	v28 =	vsel vm10, v20, v28;
	v17 =	vsel vm10, v38, v17  }
0x33b: {  	v48 =	vld.idx.msk [tilespmem:v45+s9+$0x0], $0xffff;
	v20 =	vsel vm10, $0x32, v20;
	v16 =	vsel vm12, v10, v16;
	v18 =	vsel vm12, v19, v18  }
0x33c: {  	v50 =	vld.idx.msk [tilespmem:v47+s9+$0x0], $0xffff;
	v10 =	vsel vm12, v40, v10;
	v19 =	vsel vm12, $0x33, v19;
	v12 =	vsel vm14, v11, v12  }
0x33d: {  	v21 =	vsel vm14, v23, v21;
	v11 =	vsel vm14, v42, v11;
	v23 =	vsel vm14, $0x33, v23  }
0x33e: {  	v36 =	vadd.s32 $0x36, v6;
	v38 =	vadd.s32 $0x37, v9;
	v40 =	vadd.s32 $0x37, v8  }
0x33f: {  	v42 =	vadd.s32 $0x37, v7;
	vm15 =	vgt.f32 v44, v13;
	vm4 =	vgt.f32 v44, v14  }
0x340: {  	vm5 =	vgt.f32 v46, v22;
	vm6 =	vgt.f32 v46, v17;
	vm7 =	vgt.f32 v48, v16  }
0x341: {  	vm8 =	vgt.f32 v48, v10;
	vm9 =	vgt.f32 v50, v12;
	vm10 =	vgt.f32 v50, v11  }
0x342: {  	v13 =	vsel vm15, v44, v13;
	v25 =	vsel vm15, $0x33, v25;
	v22 =	vsel vm5, v46, v22  }
0x343: {  	v28 =	vsel vm5, $0x33, v28;
	v16 =	vsel vm7, v48, v16;
	v18 =	vsel vm7, $0x34, v18  }
0x344: {  	v12 =	vsel vm9, v50, v12;
	v21 =	vsel vm9, $0x34, v21;
	v33 =	vld.idx.msk [tilespmem:v61+s9+$0x0], $0xffff;
	v61 =	vadd.s32 $0x3A, v9  }
0x345: {  	v37 =	vld.idx.msk [tilespmem:v34+s9+$0x0], $0xffff;
	v34 =	vadd.s32 $0x39, v7;
	v13 =	vsel vm4, v14, v13;
	v25 =	vsel vm4, v15, v25  }
0x346: {  	v52 =	vld.idx.msk [tilespmem:v49+s9+$0x0], $0xffff;
	v14 =	vsel vm4, v44, v14;
	v15 =	vsel vm4, $0x33, v15;
	v22 =	vsel vm6, v17, v22  }
0x347: {  	v54 =	vld.idx.msk [tilespmem:v51+s9+$0x0], $0xffff;
	v28 =	vsel vm6, v20, v28;
	v17 =	vsel vm6, v46, v17;
	v20 =	vsel vm6, $0x33, v20  }
0x348: {  	v56 =	vld.idx.msk [tilespmem:v53+s9+$0x0], $0xffff;
	v16 =	vsel vm8, v10, v16;
	v18 =	vsel vm8, v19, v18;
	v10 =	vsel vm8, v48, v10  }
0x349: {  	v58 =	vld.idx.msk [tilespmem:v55+s9+$0x0], $0xffff;
	v19 =	vsel vm8, $0x34, v19;
	v12 =	vsel vm10, v11, v12;
	v21 =	vsel vm10, v23, v21  }
0x34a: {  	v11 =	vsel vm10, v50, v11;
	v23 =	vsel vm10, $0x34, v23;
	v44 =	vadd.s32 $0x37, v6  }
0x34b: {  	v46 =	vadd.s32 $0x38, v9;
	v48 =	vadd.s32 $0x38, v8;
	v50 =	vadd.s32 $0x38, v7  }
0x34c: {  	vm11 =	vgt.f32 v52, v13;
	vm12 =	vgt.f32 v52, v14;
	vm13 =	vgt.f32 v54, v22  }
0x34d: {  	vm14 =	vgt.f32 v54, v17;
	vm15 =	vgt.f32 v56, v16;
	vm4 =	vgt.f32 v56, v10  }
0x34e: {  	vm5 =	vgt.f32 v58, v12;
	vm6 =	vgt.f32 v58, v11;
	v13 =	vsel vm11, v52, v13  }
0x34f: {  	v25 =	vsel vm11, $0x34, v25;
	v22 =	vsel vm13, v54, v22;
	v28 =	vsel vm13, $0x34, v28  }
0x350: {  	v16 =	vsel vm15, v56, v16;
	v18 =	vsel vm15, $0x35, v18;
	v12 =	vsel vm5, v58, v12  }
0x351: {  	v21 =	vsel vm5, $0x35, v21;
	v41 =	vld.idx.msk [tilespmem:v38+s9+$0x0], $0xffff;
	v38 =	vadd.s32 $0x3C, v9;
	v13 =	vsel vm12, v14, v13  }
0x352: {  	v25 =	vsel vm12, v15, v25;
	v14 =	vsel vm12, v52, v14;
	v15 =	vsel vm12, $0x34, v15  }
0x353: {  	v62 =	vld.idx.msk [tilespmem:v59+s9+$0x0], $0xffff;
	v22 =	vsel vm14, v17, v22;
	v28 =	vsel vm14, v20, v28;
	v17 =	vsel vm14, v54, v17  }
0x354: {  	v35 =	vld.idx.msk [tilespmem:v63+s9+$0x0], $0xffff;
	v20 =	vsel vm14, $0x34, v20;
	v16 =	vsel vm4, v10, v16;
	v18 =	vsel vm4, v19, v18  }
0x355: {  	v10 =	vsel vm4, v56, v10;
	v19 =	vsel vm4, $0x35, v19;
	v12 =	vsel vm6, v11, v12  }
0x356: {  	v21 =	vsel vm6, v23, v21;
	v11 =	vsel vm6, v58, v11;
	v23 =	vsel vm6, $0x35, v23  }
0x357: {  	v52 =	vadd.s32 $0x38, v6;
	v54 =	vadd.s32 $0x39, v9;
	vm7 =	vgt.f32 v60, v13  }
0x358: {  	vm8 =	vgt.f32 v60, v14;
	vm9 =	vgt.f32 v62, v22;
	vm10 =	vgt.f32 v62, v17  }
0x359: {  	vm11 =	vgt.f32 v33, v16;
	vm12 =	vgt.f32 v33, v10;
	vm13 =	vgt.f32 v35, v12  }
0x35a: {  	vm14 =	vgt.f32 v35, v11;
	v13 =	vsel vm7, v60, v13;
	v25 =	vsel vm7, $0x35, v25  }
0x35b: {  	v22 =	vsel vm9, v62, v22;
	v28 =	vsel vm9, $0x35, v28;
	v16 =	vsel vm11, v33, v16;
	v47 =	vld.idx.msk [tilespmem:v44+s9+$0x0], $0xffff  }
0x35c: {  	v18 =	vsel vm11, $0x36, v18;
	v12 =	vsel vm13, v35, v12;
	v21 =	vsel vm13, $0x36, v21;
	v49 =	vld.idx.msk [tilespmem:v46+s9+$0x0], $0xffff  }
0x35d: {  	v51 =	vld.idx.msk [tilespmem:v48+s9+$0x0], $0xffff;
	v44 =	vadd.s32 $0x3D, v9;
	v46 =	vimm.s32 $0x0;
	v48 =	vadd.s32 $0x3A, v8  }
0x35e: {  	v53 =	vld.idx.msk [tilespmem:v50+s9+$0x0], $0xffff;
	v50 =	vimm.s32 $0x0;
	v13 =	vsel vm8, v14, v13;
	v25 =	vsel vm8, v15, v25  }
0x35f: {  	v14 =	vsel vm8, v60, v14;
	v15 =	vsel vm8, $0x35, v15;
	v22 =	vsel vm10, v17, v22  }
0x360: {  	v39 =	vld.idx.msk [tilespmem:v36+s9+$0x0], $0xffff;
	v28 =	vsel vm10, v20, v28;
	v17 =	vsel vm10, v62, v17;
	v20 =	vsel vm10, $0x35, v20  }
0x361: {  	v43 =	vld.idx.msk [tilespmem:v40+s9+$0x0], $0xffff;
	v16 =	vsel vm12, v10, v16;
	v18 =	vsel vm12, v19, v18;
	v10 =	vsel vm12, v33, v10  }
0x362: {  	v19 =	vsel vm12, $0x36, v19;
	v12 =	vsel vm14, v11, v12;
	v21 =	vsel vm14, v23, v21  }
0x363: {  	v11 =	vsel vm14, v35, v11;
	v23 =	vsel vm14, $0x36, v23;
	v33 =	vadd.s32 $0x3B, v9  }
0x364: {  	v35 =	vld.idx.msk [tilespmem:v61+s9+$0x0], $0xffff;
	v61 =	vimm.s32 $0x0;
	vm15 =	vgt.f32 v37, v13;
	vm4 =	vgt.f32 v37, v14  }
0x365: {  	vm5 =	vgt.f32 v39, v22;
	vm6 =	vgt.f32 v39, v17;
	vm7 =	vgt.f32 v41, v16  }
0x366: {  	vm8 =	vgt.f32 v41, v10;
	vm9 =	vgt.f32 v43, v12;
	vm10 =	vgt.f32 v43, v11  }
0x367: {  	v13 =	vsel vm15, v37, v13;
	v25 =	vsel vm15, $0x36, v25;
	v22 =	vsel vm5, v39, v22  }
0x368: {  	v28 =	vsel vm5, $0x36, v28;
	v16 =	vsel vm7, v41, v16;
	v18 =	vsel vm7, $0x37, v18  }
0x369: {  	v12 =	vsel vm9, v43, v12;
	v21 =	vsel vm9, $0x37, v21;
	v60 =	vld.idx.msk [tilespmem:v54+s9+$0x0], $0xffff;
	v54 =	vimm.s32 $0x0  }
0x36a: {  	v45 =	vld.idx.msk [tilespmem:v42+s9+$0x0], $0xffff;
	v13 =	vsel vm4, v14, v13;
	v25 =	vsel vm4, v15, v25;
	v14 =	vsel vm4, v37, v14  }
0x36b: {  	v15 =	vsel vm4, $0x36, v15;
	v22 =	vsel vm6, v17, v22;
	v28 =	vsel vm6, v20, v28  }
0x36c: {  	v17 =	vsel vm6, v39, v17;
	v20 =	vsel vm6, $0x36, v20;
	v16 =	vsel vm8, v10, v16  }
0x36d: {  	v18 =	vsel vm8, v19, v18;
	v10 =	vsel vm8, v41, v10;
	v19 =	vsel vm8, $0x37, v19  }
0x36e: {  	v12 =	vsel vm10, v11, v12;
	v21 =	vsel vm10, v23, v21;
	v11 =	vsel vm10, v43, v11  }
0x36f: {  	v23 =	vsel vm10, $0x37, v23;
	v43 =	vld.idx.msk [tilespmem:v34+s9+$0x0], $0xffff;
	v34 =	vimm.s32 $0x0;
	vm11 =	vgt.f32 v45, v13  }
0x370: {  	vm12 =	vgt.f32 v45, v14;
	vm13 =	vgt.f32 v47, v22;
	vm14 =	vgt.f32 v47, v17  }
0x371: {  	vm15 =	vgt.f32 v49, v16;
	vm4 =	vgt.f32 v49, v10;
	vm5 =	vgt.f32 v51, v12  }
0x372: {  	vm6 =	vgt.f32 v51, v11;
	v13 =	vsel vm11, v45, v13;
	v25 =	vsel vm11, $0x37, v25  }
0x373: {  	v22 =	vsel vm13, v47, v22;
	v28 =	vsel vm13, $0x37, v28;
	v16 =	vsel vm15, v49, v16  }
0x374: {  	v18 =	vsel vm15, $0x38, v18;
	v26 =	vsel vm4, v49, v10;
	v12 =	vsel vm5, v51, v12  }
0x375: {  	v63 =	vld.idx.msk [tilespmem:v57+s9+$0x0], $0xffff;
	v56 =	vsel vm5, $0x38, v21;
	v24 =	vsel vm6, v51, v11;
	v51 =	vimm.s32 $0x0  }
0x376: {  	v13 =	vsel vm12, v14, v13;
	v25 =	vsel vm12, v15, v25;
	v14 =	vsel vm12, v45, v14  }
0x377: {  	v29 =	vld.idx.msk [tilespmem:v52+s9+$0x0], $0xffff;
	v15 =	vsel vm12, $0x37, v15;
	v22 =	vsel vm14, v17, v22;
	v28 =	vsel vm14, v20, v28  }
0x378: {  	v17 =	vsel vm14, v47, v17;
	v20 =	vsel vm14, $0x37, v20;
	v16 =	vsel vm4, v10, v16  }
0x379: {  	v18 =	vsel vm4, v19, v18;
	v19 =	vsel vm4, $0x38, v19;
	v55 =	vsel vm6, v11, v12  }
0x37a: {  	v31 =	vsel vm6, v23, v56;
	v23 =	vsel vm6, $0x38, v23;
	vm14 =	vgt.f32 v63, v24  }
0x37b: {  	v56 =	vimm.s32 $0x0;
	vm7 =	vgt.f32 v53, v13;
	vm8 =	vgt.f32 v53, v14  }
0x37c: {  	vm9 =	vgt.f32 v29, v22;
	vm10 =	vgt.f32 v29, v17;
	vm11 =	vgt.f32 v60, v26  }
0x37d: {  	vm12 =	vgt.f32 v60, v16;
	vm13 =	vgt.f32 v63, v55;
	v58 =	vsel vm7, v53, v13  }
0x37e: {  	v59 =	vsel vm7, $0x38, v25;
	v27 =	vsel vm8, v53, v14;
	v10 =	vsel vm8, $0x38, v15  }
0x37f: {  	v62 =	vsel vm9, v29, v22;
	v28 =	vsel vm9, $0x38, v28;
	v11 =	vsel vm10, $0x38, v20  }
0x380: {  	v36 =	vsel vm12, v60, v16;
	v37 =	vsel vm12, $0x39, v18;
	v40 =	vsel vm11, v60, v26  }
0x381: {  	v41 =	vsel vm13, v63, v55;
	v13 =	vsel vm11, $0x39, v19;
	v45 =	vsel vm13, $0x39, v31  }
0x382: {  	v22 =	vld.idx.msk [tilespmem:v33+s9+$0x0], $0xffff;
	v33 =	vadd.s32 $0x3E, v9;
	v9 =	vadd.s32 $0x3F, v9;
	v55 =	vadd.s32 $0x3B, v8  }
0x383: {  	v18 =	vld.idx.msk [tilespmem:v38+s9+$0x0], $0xffff;
	v60 =	vadd.s32 $0x3C, v8;
	v38 =	vadd.s32 $0x3A, v7;
	v32 =	vsel vm8, v14, v58  }
0x384: {  	v25 =	vsel vm8, v15, v59;
	v21 =	vsel vm10, v17, v62;
	v14 =	vsel vm10, v20, v28  }
0x385: {  	v17 =	vsel vm10, v29, v17;
	v39 =	vsel vm11, v26, v36;
	v12 =	vsel vm11, v19, v37  }
0x386: {  	v42 =	vsel vm14, v24, v41;
	v24 =	vsel vm14, v63, v24;
	vm11 =	vgt.f32 v35, v40  }
0x387: {  	v16 =	vsel vm14, v23, v45;
	v58 =	vadd.s32 $0x39, v6;
	v59 =	vimm.s32 $0x0  }
0x388: {  	v63 =	vimm.s32 $0x0;
	v37 =	vadd.s32 $0x3D, v8;
	v41 =	vimm.s32 $0x0  }
0x389: {  	vm15 =	vgt.f32 v35, v39;
	v20 =	vsel vm11, v35, v40;
	vm6 =	vgt.f32 v43, v32  }
0x38a: {  	v15 =	vsel vm15, $0xFFFFFFFF, v46;
	v47 =	vsel vm15, v35, v39;
	v53 =	vsel vm6, v43, v32  }
0x38b: {  	v35 =	vimm.s32 $0x0;
	v39 =	vimm.s32 $0x0;
	v46 =	vimm.s32 $0x0  }
0x38c: {  	v29 =	vld.idx.msk [tilespmem:v48+s9+$0x0], $0xffff;
	[tilespmem:$0x1FE00] =	vst v15;
	v49 =	vsel vm11, v40, v47;
	v15 =	vsel vm14, $0x39, v23;
	vm14 =	vgt.f32 v43, v27  }
0x38d: {  	v40 =	vimm.s32 $0x0;
	v47 =	vadd.s32 $0x3B, v7;
	vm4 =	vgt.f32 v22, v49  }
0x38e: {  	vm5 =	vgt.f32 v22, v20;
	v57 =	vld.idx.msk [tilespmem:v33+s9+$0x0], $0xffff;
	v30 =	vsel vm14, v27, v53;
	v26 =	vsel vm14, v43, v27  }
0x38f: {  	v62 =	vld.idx.msk [tilespmem:v9+s9+$0x0], $0xffff;
	v9 =	vsel vm6, $0x39, v25;
	v33 =	vimm.s32 $0x0;
	v43 =	vimm.s32 $0x0  }
0x390: {  	v28 =	vld.idx.msk [tilespmem:v44+s9+$0x0], $0xffff;
	v53 =	vimm.s32 $0x0;
	v23 =	vsel vm4, $0xFFFFFFFF, v50;
	v52 =	vsel vm4, v22, v49  }
0x391: {  	vm9 =	vgt.f32 v29, v24;
	vm10 =	vgt.f32 v29, v42;
	v36 =	vld.idx.msk [tilespmem:v58+s9+$0x0], $0xffff;
	v49 =	vimm.s32 $0x0  }
0x392: {  	v44 =	vld.idx.msk [tilespmem:v37+s9+$0x0], $0xffff;
	v50 =	vadd.s32 $0x3C, v7;
	v58 =	vadd.s32 $0x3A, v6;
	v37 =	vimm.s32 $0x0  }
0x393: {  	[tilespmem:$0x1FE40] =	vst v23;
	v23 =	vsel vm5, $0xFFFFFFFF, v51;
	v25 =	vsel vm9, $0xFFFFFFFF, v63;
	v19 =	vsel vm10, v29, v42  }
0x394: {  	v45 =	vld.idx.msk [tilespmem:v38+s9+$0x0], $0xffff;
	v42 =	vadd.s32 $0x3E, v8;
	v8 =	vadd.s32 $0x3F, v8;
	v51 =	vimm.s32 $0x0  }
0x395: {  	v63 =	vadd.s32 $0x3B, v6;
	[tilespmem:$0x1FE50] =	vst v23;
	v23 =	vsel vm5, v20, v52;
	v20 =	vsel vm5, v22, v20  }
0x396: {  	[tilespmem:$0x1FE30] =	vst v25;
	v25 =	vsel vm10, $0xFFFFFFFF, v33;
	v19 =	vsel vm9, v24, v19;
	v24 =	vsel vm9, v29, v24  }
0x397: {  	v52 =	vimm.s32 $0x0;
	vm7 =	vgt.f32 v18, v23;
	vm1 =	vgt.f32 v18, v20  }
0x398: {  	v33 =	vimm.s32 $0x0;
	v22 =	vsel vm7, $0xFFFFFFFF, v54;
	v31 =	vsel vm1, $0xFFFFFFFF, v56  }
0x399: {  	v23 =	vsel vm7, v18, v23;
	v18 =	vsel vm1, v18, v20;
	vm10 =	vgt.f32 v45, v30  }
0x39a: {  	v56 =	vimm.s32 $0x0;
	v23 =	vsel vm1, v20, v23;
	vm1 =	vgt.f32 v28, v18  }
0x39b: {  	[tilespmem:$0x1FE90] =	vst v22;
	v22 =	vld.idx.msk [tilespmem:v55+s9+$0x0], $0xffff;
	vm3 =	vgt.f32 v36, v17;
	v54 =	vsel vm10, v45, v30;
	v55 =	vadd.s32 $0x3D, v7  }
0x39c: {  	v30 =	vadd.s32 $0x3F, v7;
	vm8 =	vgt.f32 v28, v23;
	v32 =	vsel vm1, $0xFFFFFFFF, v61  }
0x39d: {  	v48 =	vld.idx.msk [tilespmem:v42+s9+$0x0], $0xffff;
	v61 =	vimm.s32 $0x0;
	v42 =	vimm.s32 $0x0;
	v20 =	vsel vm8, $0xFFFFFFFF, v59  }
0x39e: {  	v23 =	vsel vm8, v28, v23;
	vm8 =	vgt.f32 v36, v21;
	v59 =	vadd.s32 $0x3E, v7  }
0x39f: {  	v23 =	vsel vm1, v18, v23;
	v18 =	vsel vm1, v28, v18;
	v21 =	vsel vm8, v36, v21  }
0x3a0: {  	[tilespmem:$0x1FEE0] =	vst v20;
	v20 =	vld.idx.msk [tilespmem:v60+s9+$0x0], $0xffff;
	v60 =	vimm.s32 $0x0;
	v14 =	vsel vm8, $0x39, v14;
	vm12 =	vgt.f32 v57, v23  }
0x3a1: {  	vm13 =	vgt.f32 v57, v18;
	v21 =	vsel vm3, v17, v21;
	v17 =	vsel vm3, v36, v17  }
0x3a2: {  	v36 =	vadd.s32 $0x3C, v6;
	v14 =	vsel vm3, v11, v14;
	v11 =	vsel vm3, $0x39, v11  }
0x3a3: {  	[tilespmem:$0x1FE10] =	vst v25;
	v25 =	vsel vm12, $0xFFFFFFFF, v34;
	v23 =	vsel vm12, v57, v23;
	vm4 =	vgt.f32 v22, v19  }
0x3a4: {  	vm5 =	vgt.f32 v22, v24;
	[tilespmem:$0x1FF10] =	vst v25;
	v25 =	vsel vm13, $0xFFFFFFFF, v35;
	v23 =	vsel vm13, v18, v23  }
0x3a5: {  	v18 =	vsel vm13, v57, v18;
	v19 =	vsel vm4, v22, v19;
	v22 =	vsel vm5, v22, v24  }
0x3a6: {  	v57 =	vimm.s32 $0x0;
	vm15 =	vgt.f32 v62, v23;
	vm0 =	vgt.f32 v62, v18  }
0x3a7: {  	[tilespmem:$0x1FEA0] =	vst v31;
	v19 =	vsel vm5, v24, v19;
	v31 =	vsel vm15, $0xFFFFFFFF, v39;
	v29 =	vsel vm0, $0xFFFFFFFF, v40  }
0x3a8: {  	v23 =	vsel vm15, v62, v23;
	vm6 =	vgt.f32 v20, v19;
	vm7 =	vgt.f32 v20, v22  }
0x3a9: {  	v40 =	vimm.s32 $0x0;
	[tilespmem:$0x1FF40] =	vst v29;
	v29 =	vsel vm4, $0xFFFFFFFF, v41;
	v23 =	vsel vm0, v18, v23  }
0x3aa: {  	[tilespmem:$0x1FF30] =	vst v31;
	v18 =	vsel vm0, v62, v18;
	v31 =	vsel vm5, $0xFFFFFFFF, v43;
	v28 =	vsel vm6, $0xFFFFFFFF, v46  }
0x3ab: {  	v19 =	vsel vm6, v20, v19;
	v20 =	vsel vm7, v20, v22;
	vm6 =	vgt.f32 v45, v26  }
0x3ac: {  	v62 =	vimm.s32 $0x0;
	v41 =	vadd.s32 $0x3D, v6;
	v43 =	vadd.s32 $0x3E, v6  }
0x3ad: {  	v6 =	vadd.s32 $0x3F, v6;
	v18 =	vsub.f32 v23, v18;
	v19 =	vsel vm7, v22, v19  }
0x3ae: {  	[tilespmem:$0x1FE60] =	vst v29;
	v29 =	vsel vm7, $0xFFFFFFFF, v49;
	vm12 =	vgt.f32 v44, v20;
	vm9 =	vgt.f32 v44, v19  }
0x3af: {  	v23 =	vld.idx.msk [tilespmem:v55+s9+$0x0], $0xffff;
	v18 =	vmul.f32 $1.442695020e+00, v18;
	v22 =	vsel vm9, $0xFFFFFFFF, v51;
	v19 =	vsel vm9, v44, v19  }
0x3b0: {  	v55 =	vld [tilespmem:$0x1FE00];
	v51 =	vimm.s32 $0x0;
	[tilespmem:$0x1FF00] =	vst v22;
	v22 =	vsel vm10, $0xFFFFFFFF, v52;
	v19 =	vsel vm12, v20, v19  }
0x3b1: {  	v8 =	vld.idx.msk [tilespmem:v8+s9+$0x0], $0xffff;
	v20 =	vsel vm12, v44, v20;
	v44 =	vimm.s32 $0x0;
	v52 =	vsel vm14, v10, v9  }
0x3b2: {  	[tilespmem:$0x1FF20] =	vst v25;
	v24 =	vld.idx.msk [tilespmem:v47+s9+$0x0], $0xffff;
	v10 =	vsel vm14, $0x39, v10;
	(erf) = vpow2.f32 v18;
	vm13 =	vgt.f32 v48, v19  }
0x3b3: {  	[tilespmem:$0x1FE20] =	vst v22;
	v22 =	vsel vm12, $0xFFFFFFFF, v53;
	vm15 =	vgt.f32 v48, v20;
	v25 =	vsel vm13, $0xFFFFFFFF, v56  }
0x3b4: {  	[tilespmem:$0x1FF50] =	vst v22;
	v19 =	vsel vm13, v48, v19;
	v22 =	vsel vm6, v26, v54;
	v26 =	vsel vm6, v45, v26  }
0x3b5: {  	v54 =	vimm.s32 $0x0;
	vm14 =	vnez.u8 v55;
	v55 =	vor.u32 $0x1, v2  }
0x3b6: {  	v18 =	vld.idx.msk [tilespmem:v50+s9+$0x0], $0xffff;
	[tilespmem:$0x1FF60] =	vst v25;
	v25 =	vsel vm15, $0xFFFFFFFF, v57;
	v19 =	vsel vm15, v20, v19;
	v20 =	vsel vm15, v48, v20  }
0x3b7: {  	v56 =	vld [tilespmem:$0x1FE10];
	vm5 =	vgt.f32 v24, v22;
	v12 =	vsel vm14, $0x3A, v12;
	vm4 =	vgt.f32 v8, v19  }
0x3b8: {  	[tilespmem:$0x1FEC0] =	vst v29;
	v57 =	vld [tilespmem:$0x1FE20];
	vm7 =	vgt.f32 v8, v20;
	v22 =	vsel vm5, v24, v22;
	v12 =	vsel vm11, v13, v12  }
0x3b9: {  	[tilespmem:$0x1FF70] =	vst v25;
	v25 =	vld.idx.msk [tilespmem:v58+s9+$0x0], $0xffff;
	v13 =	vsel vm11, $0x3A, v13;
	v29 =	vsel vm4, $0xFFFFFFFF, v60;
	v19 =	vsel vm4, v8, v19  }
0x3ba: {  	v8 =	vsel vm7, v8, v20;
	[tilespmem:$0x1FF90] =	vst v29;
	v29 =	vsel vm5, $0xFFFFFFFF, v61;
	v19 =	vsel vm7, v20, v19  }
0x3bb: {  	v35 =	vld.idx.msk [tilespmem:v63+s9+$0x0], $0xffff;
	[tilespmem:$0x1FE80] =	vst v29;
	v29 =	vsel vm7, $0xFFFFFFFF, v62;
	vm7 =	vgt.f32 v24, v26;
	v8 =	vsub.f32 v19, v8  }
0x3bc: {  	v63 =	vld [tilespmem:$0x1FE50];
	[tilespmem:$0x1FE70] =	vst v31;
	vm11 =	vnez.u8 v56;
	v22 =	vsel vm7, v26, v22;
	v31 =	vsel vm7, v24, v26  }
0x3bd: {  	v16 =	vsel vm11, $0x3A, v16;
	vm11 =	vnez.u8 v57;
	vm9 =	vgt.f32 v18, v22  }
0x3be: {  	v8 =	vmul.f32 $1.442695020e+00, v8;
	vm5 =	vgt.f32 v18, v31;
	vm15 =	vgt.f32 v25, v21  }
0x3bf: {  	vm2 =	vgt.f32 v25, v17;
	v26 =	vsel vm9, $0xFFFFFFFF, v33;
	v22 =	vsel vm9, v18, v22  }
0x3c0: {  	v7 =	vpop (erf);
	v18 =	vsel vm5, v18, v31;
	v21 =	vsel vm15, v25, v21;
	v14 =	vsel vm15, $0x3A, v14  }
0x3c1: {  	[tilespmem:$0x1FEF0] =	vst v32;
	vm15 =	vnez.u8 v63;
	v32 =	vadd.f32 $1.000000000e+00, v7;
	v22 =	vsel vm5, v31, v22  }
0x3c2: {  	v34 =	vld.idx.msk [tilespmem:v59+s9+$0x0], $0xffff;
	vm12 =	vgt.f32 v23, v18;
	v21 =	vsel vm2, v17, v21;
	v17 =	vsel vm2, v25, v17  }
0x3c3: {  	v27 =	vld [tilespmem:$0x1FEA0];
	v14 =	vsel vm2, v11, v14;
	v11 =	vsel vm2, $0x3A, v11;
	vm10 =	vgt.f32 v23, v22  }
0x3c4: {  	v24 =	vsel vm12, $0xFFFFFFFF, v40;
	vm1 =	vgt.f32 v35, v17;
	(erf) = vrcp.f32 v32  }
0x3c5: {  	v38 =	vsel vm10, v23, v22;
	(erf) = vpow2.f32 v8;
	v8 =	vsel vm10, $0xFFFFFFFF, v37  }
0x3c6: {  	v39 =	vld.idx.msk [tilespmem:v30+s9+$0x0], $0xffff;
	v40 =	vor.u32 $0x1, v4;
	v32 =	vor.u32 $0x1, v5;
	[tilespmem:$0x1FF80] =	vst v8;
	v8 =	vsel vm12, v18, v38  }
0x3c7: {  	v20 =	vld.idx.msk [tilespmem:v36+s9+$0x0], $0xffff;
	v18 =	vsel vm12, v23, v18;
	vm12 =	vgt.f32 v35, v21;
	vm13 =	vgt.f32 v34, v8  }
0x3c8: {  	v21 =	vsel vm12, v35, v21;
	v14 =	vsel vm12, $0x3B, v14;
	vm12 =	vnez.u8 v27  }
0x3c9: {  	v31 =	vld [tilespmem:$0x1FEE0];
	[tilespmem:$0x1FFB0] =	vst v24;
	v24 =	vsel vm13, $0xFFFFFFFF, v42;
	v8 =	vsel vm13, v34, v8;
	vm13 =	vgt.f32 v34, v18  }
0x3ca: {  	v21 =	vsel vm1, v17, v21;
	v17 =	vsel vm1, v35, v17;
	v14 =	vsel vm1, v11, v14  }
0x3cb: {  	v11 =	vsel vm1, $0x3B, v11;
	v8 =	vsel vm13, v18, v8;
	v18 =	vsel vm13, v34, v18  }
0x3cc: {  	v36 =	vld [tilespmem:$0x1FF10];
	vm9 =	vgt.f32 v20, v21;
	vm4 =	vgt.f32 v39, v8;
	vm10 =	vgt.f32 v39, v18  }
0x3cd: {  	v23 =	vld.idx.msk [tilespmem:v41+s9+$0x0], $0xffff;
	v48 =	vsel vm9, v20, v21;
	v14 =	vsel vm9, $0x3C, v14;
	v8 =	vsel vm4, v39, v8  }
0x3ce: {  	vm9 =	vnez.u8 v31;
	v8 =	vsel vm10, v18, v8;
	v18 =	vsel vm10, v39, v18;
	v45 =	vpop (erf)  }
0x3cf: {  	v25 =	vsel vm4, $0xFFFFFFFF, v44;
	vm4 =	vgt.f32 v20, v17;
	v8 =	vsub.f32 v8, v18;
	v46 =	vpop (erf)  }
0x3d0: {  	v50 =	vsel vm4, v17, v48;
	v17 =	vsel vm4, v20, v17;
	v47 =	vadd.f32 $1.000000000e+00, v46  }
0x3d1: {  	v49 =	vld.idx.msk [tilespmem:v43+s9+$0x0], $0xffff;
	v14 =	vsel vm4, v11, v14;
	v11 =	vsel vm4, $0x3C, v11;
	v8 =	vmul.f32 $1.442695020e+00, v8  }
0x3d2: {  	v21 =	vld [tilespmem:$0x1FE60];
	vm4 =	vnez.u8 v36;
	vm8 =	vgt.f32 v23, v50;
	(erf) = vrcp.f32 v47  }
0x3d3: {  	v58 =	vld [tilespmem:$0x1FE30];
	v53 =	vsel vm8, v23, v50;
	v7 =	vmul.f32 v45, v7;
	(erf) = vpow2.f32 v8  }
0x3d4: {  	v6 =	vld.idx.msk [tilespmem:v6+s9+$0x0], $0xffff;
	v47 =	vor.u32 $0x1, v3;
	v8 =	vsel vm8, $0xFFFFFFFF, v51;
	vm8 =	vgt.f32 v23, v17  }
0x3d5: {  	[tilespmem:$0x1FFD0] =	vst v8;
	v9 =	vsel vm8, v17, v53;
	v17 =	vsel vm8, v23, v17;
	v8 =	vsel vm11, $0x3A, v52  }
0x3d6: {  	v62 =	vld [tilespmem:$0x1FE40];
	vm0 =	vgt.f32 v49, v9;
	vm14 =	vgt.f32 v49, v17;
	v8 =	vsel vm6, v10, v8  }
0x3d7: {  	v10 =	vsel vm6, $0x3A, v10;
	vm6 =	vnez.u8 v21;
	v9 =	vsel vm0, v49, v9  }
0x3d8: {  	[tilespmem:$0x1FFC0] =	vst v24;
	v24 =	vld [tilespmem:$0x1FE80];
	v18 =	vsel vm0, $0xFFFFFFFF, v54;
	vm0 =	vnez.u8 v58;
	v9 =	vsel vm14, v17, v9  }
0x3d9: {  	[tilespmem:$0x1FFA0] =	vst v29;
	v29 =	vld [tilespmem:$0x1FEC0];
	v17 =	vsel vm14, v49, v17;
	v16 =	vsel vm0, v15, v16;
	vm3 =	vgt.f32 v6, v9  }
0x3da: {  	v23 =	vld [tilespmem:$0x1FE70];
	v15 =	vsel vm0, $0x3A, v15;
	vm11 =	vgt.f32 v6, v17;
	v9 =	vsel vm3, v6, v9  }
0x3db: {  	[tilespmem:$0x1FED0] =	vst v26;
	v26 =	vld [tilespmem:$0x1FE90];
	vm0 =	vnez.u8 v62;
	v6 =	vsel vm11, v6, v17;
	v9 =	vsel vm11, v17, v9;
	v59 =	vpop (erf)  }
0x3dc: {  	v30 =	vld [tilespmem:$0x1FED0];
	v12 =	vsel vm0, $0x3B, v12;
	v16 =	vsel vm6, $0x3B, v16;
	v6 =	vsub.f32 v9, v6;
	v60 =	vpop (erf)  }
0x3dd: {  	v42 =	vld [tilespmem:$0x1FF40];
	vm6 =	vnez.u8 v24;
	v12 =	vsel vm15, v13, v12;
	v61 =	vadd.f32 $1.000000000e+00, v60  }
0x3de: {  	v34 =	vld [tilespmem:$0x1FEF0];
	v13 =	vsel vm15, $0x3B, v13;
	v8 =	vsel vm6, $0x3B, v8;
	v6 =	vmul.f32 $1.442695020e+00, v6  }
0x3df: {  	v43 =	vld [tilespmem:$0x1FF50];
	vm15 =	vnez.u8 v23;
	v8 =	vsel vm7, v10, v8;
	(erf) = vrcp.f32 v61  }
0x3e0: {  	v39 =	vld [tilespmem:$0x1FF20];
	v10 =	vsel vm7, $0x3B, v10;
	vm7 =	vnez.u8 v26;
	(erf) = vpow2.f32 v6  }
0x3e1: {  	v44 =	vld [tilespmem:$0x1FF60];
	vm6 =	vnez.u8 v29;
	v12 =	vsel vm7, $0x3C, v12;
	vm7 =	vnez.u8 v30  }
0x3e2: {  	[tilespmem:$0x1FEB0] =	vst v28;
	v48 =	vld [tilespmem:$0x1FF80];
	v12 =	vsel vm12, v13, v12;
	v13 =	vsel vm12, $0x3C, v13;
	v8 =	vsel vm7, $0x3C, v8  }
0x3e3: {  	v28 =	vld [tilespmem:$0x1FEB0];
	[tilespmem:v5+s10+$0x0] =	vst.idx.msk $0xffff, v45;
	vm12 =	vnez.u8 v34;
	vm7 =	vnez.u8 v42;
	v45 =	vmul.f32 v59, v46  }
0x3e4: {  	v49 =	vld [tilespmem:$0x1FF90];
	v8 =	vsel vm5, v10, v8;
	v10 =	vsel vm5, $0x3C, v10;
	v12 =	vsel vm9, $0x3D, v12  }
0x3e5: {  	v35 =	vld [tilespmem:$0x1FF00];
	vm5 =	vnez.u8 v39;
	vm9 =	vnez.u8 v43;
	v12 =	vsel vm12, v13, v12  }
0x3e6: {  	v41 =	vld [tilespmem:$0x1FF30];
	v13 =	vsel vm12, $0x3D, v13;
	vm12 =	vnez.u8 v44;
	v12 =	vsel vm4, $0x3E, v12  }
0x3e7: {  	vm4 =	vnez.u8 v48;
	v6 =	vsel vm15, v15, v16;
	v15 =	vsel vm15, $0x3B, v15  }
0x3e8: {  	v46 =	vld [tilespmem:$0x1FF70];
	vm15 =	vnez.u8 v28;
	v12 =	vsel vm5, v13, v12;
	v13 =	vsel vm5, $0x3E, v13;
	v33 =	vpop (erf)  }
0x3e9: {  	v50 =	vld [tilespmem:$0x1FFA0];
	v8 =	vsel vm4, $0x3D, v8;
	vm5 =	vnez.u8 v49;
	v6 =	vsel vm15, $0x3C, v6;
	v37 =	vpop (erf)  }
0x3ea: {  	[tilespmem:v32+s10+$0x0] =	vst.idx.msk $0xffff, v7;
	v51 =	vld [tilespmem:$0x1FFB0];
	vm15 =	vnez.u8 v35;
	v7 =	vsel vm7, $0x3F, v13;
	v38 =	vadd.f32 $1.000000000e+00, v37  }
0x3eb: {  	[tilespmem:$0x1FFE0] =	vst v25;
	v52 =	vld [tilespmem:$0x1FFC0];
	v6 =	vsel vm6, v15, v6;
	v15 =	vsel vm6, $0x3C, v15;
	vm6 =	vnez.u8 v41  }
0x3ec: {  	[tilespmem:$0x1FFF0] =	vst v18;
	v6 =	vsel vm15, $0x3D, v6;
	v12 =	vsel vm6, $0x3F, v12;
	(erf) = vrcp.f32 v38  }
0x3ed: {  	v56 =	vld [tilespmem:$0x1FFD0];
	[tilespmem:v5+s11+$0x0] =	vst.idx.msk $0xffff, v7;
	vm15 =	vnez.u8 v46;
	v6 =	vsel vm9, v15, v6;
	v12 =	vsel vm7, v13, v12  }
0x3ee: {  	v57 =	vld [tilespmem:$0x1FFE0];
	vm6 =	vnez.u8 v50;
	v15 =	vsel vm9, $0x3D, v15;
	v5 =	vsel vm12, $0x3E, v6;
	[tilespmem:v32+s11+$0x0] =	vst.idx.msk $0xffff, v12  }
0x3ef: {  	vm7 =	vnez.u8 v51;
	v7 =	vsel vm15, $0x3E, v15;
	v5 =	vsel vm15, v15, v5;
	[tilespmem:v4+s10+$0x0] =	vst.idx.msk $0xffff, v59  }
0x3f0: {  	v61 =	vld [tilespmem:$0x1FFF0];
	vm9 =	vnez.u8 v52;
	v6 =	vsel vm6, $0x3F, v7;
	v5 =	vsel vm5, $0x3F, v5;
	[tilespmem:v40+s10+$0x0] =	vst.idx.msk $0xffff, v45  }
0x3f1: {  	v8 =	vsel vm7, v10, v8;
	v10 =	vsel vm7, $0x3D, v10;
	v5 =	vsel vm6, v7, v5;
	[tilespmem:v4+s11+$0x0] =	vst.idx.msk $0xffff, v6  }
0x3f2: {  	vm12 =	vnez.u8 v56;
	v4 =	vsel vm9, $0x3E, v8;
	[tilespmem:v40+s11+$0x0] =	vst.idx.msk $0xffff, v5;
	v53 =	vmul.f32 v33, v60  }
0x3f3: {  	v54 =	vsel vm13, $0x3E, v10;
	v4 =	vsel vm13, v10, v4;
	vm13 =	vnez.u8 v57;
	[tilespmem:v3+s10+$0x0] =	vst.idx.msk $0xffff, v33  }
0x3f4: {  	v58 =	vsel vm10, $0x3F, v54;
	v8 =	vsel vm12, $0x3D, v14;
	v4 =	vsel vm13, $0x3F, v4;
	[tilespmem:v47+s10+$0x0] =	vst.idx.msk $0xffff, v53  }
0x3f5: {  	p0 =	sne.s32 s15, $0xC0;
	vm15 =	vnez.u8 v61;
	v59 =	vsel vm8, v11, v8;
	v4 =	vsel vm10, v54, v4;
	[tilespmem:v3+s11+$0x0] =	vst.idx.msk $0xffff, v58;
	v3 =	vpop (erf)  }
.Ltmp1:
0x3f6: {  	v60 =	vsel vm8, $0x3D, v11;
	v5 =	vsel vm15, $0x3E, v59;
	[tilespmem:v47+s11+$0x0] =	vst.idx.msk $0xffff, v4;
	v62 =	vmul.f32 v3, v37;
	(pc) =	sbr.rel @p0 .LBB2_5-.Ltmp1, $4  }
0x3f7: {  	v6 =	vsel vm14, $0x3E, v60;
	v5 =	vsel vm14, v60, v5;
	[tilespmem:v2+s10+$0x0] =	vst.idx.msk $0xffff, v3  }
0x3f8: {  	v63 =	vsel vm11, $0x3F, v6;
	v3 =	vsel vm3, $0x3F, v5;
	[tilespmem:v55+s10+$0x0] =	vst.idx.msk $0xffff, v62  }
0x3f9: {  	v3 =	vsel vm11, v6, v3;
	[tilespmem:v2+s11+$0x0] =	vst.idx.msk $0xffff, v63  }
0x3fa: {  	s15 =	sadd.s32 $0x40, s15;
	[tilespmem:v55+s11+$0x0] =	vst.idx.msk $0xffff, v3  }
0x3fb: {  	s15 =	sadd.s32 s4, s14  }
0x3fc: {  	[hbm4b:s15+s1] =	stream.linear.scatter [tilespmem:s10], [sflag:$0x1], $0x8000, $0x38;
	[tilespmem:$0x1C100] =	vst v63  }
0x3fd: {  	s13 =	sadd.s32 $0x1, s13;
	_ =	swait.ge [sflag:s8], $0x8000  }
0x3fe: {  	p0 =	sne.s32 s13, $0x4;
	[sflag:s8] =	ssyncset.done $0x0  }
.Ltmp2:
0x3ff: {  	s31 =	sadd.s32 s5, s14;
	[sflag:s8] =	ssyncadd.s32 $0xFFFF8000;
	(pc) =	sbr.rel @p0 .LBB2_2-.Ltmp2, $4  }
0x400: {  	[hbm4b:s31+s1] =	stream.linear.scatter [tilespmem:s11], [sflag:$0x1], $0x8000, $0x38;
	[tilespmem:$0x1C100] =	vst v63  }
0x401: {  	_ =	swait.ge [sflag:s8], $0x8000  }
0x402: {  	[sflag:s8] =	ssyncset.done $0x0  }
0x403: {  	[sflag:s8] =	ssyncadd.s32 $0xFFFF8000  }
0x404: {  	s12 =	sadd.s32 $0x1, s12  }
0x405: {  	p0 =	sne.s32 s12, s7  }
.Ltmp3:
0x406: {  	_ = 	snop;
	(pc) =	sbr.rel @p0 .LBB2_1-.Ltmp3, $1  }
0x407: {  	_ =	sdelay $0x3  }
0x408: {  	_ =	sfence.sel $0x180000  }
0x409: {  	[bflag:$0x0] =	sbarrier.arrive $0xFFFF  }
0x40a: {  	p0 =	sne.s32 s2, $0x0;
	_ =	strace $0x90000047  }
0x40b: {  	s0 =	sadd.s32 @!p0 $0x100000, s0;
	[bflag:$0x2] =	sbarrier.arrive $0xFFFF  }
0x40c: {  	[sflag:s0] =	ssyncadd.tile.s32 @!p0 $0x1;
	_ =	shalt  }
.Lfunc_end2:
_tile_overlayer_lowered:
.L_overlay_start_2:
0x40d: {  	(tag) =	ssettag $0x2  }
0x40e: {  	s0 =	rddreg [dreg:$0x0];
	s2 =	stileid.u32  }
0x40f: {  	s1 =	rddreg [dreg:$0x1];
	p0 =	sne.s32 s2, $0x0  }
0x410: {  	s3 =	rddreg [dreg:$0x2];
	[bflag:$0x3] =	sbarrier.arrive $0xFFFF;
	s2 =	simm.s32 @!p0 $0x1C01  }
0x411: {  	[timem:s3], [sflag:s2] =	dma.local @!p0 [hbm:s0], s1  }
0x412: {  	s0 =	simm.s32 @!p0 $0x1  }
0x413: {  	_ =	swait.ge @!p0 [sflag:s0], s1  }
0x414: {  	s1 =	ssub.s32 @!p0 $0x0, s1;
	[sflag:s0] =	ssyncset.done @!p0 $0x0  }
0x415: {  	[sflag:s0] =	ssyncadd.s32 @!p0 s1  }
0x416: {  	[bflag:$0x3] =	sbarrier.arrive $0xFFFF  }
0x417: {  	_ =	shalt  }

</sc_bundles>
